<compile_context>
chip_gen: v7x
topology: tpu7x:2x2x1
jax: 0.10.2.dev20260603
libtpu: 0.0.44.dev20260713+nightly
codegen_flags: <defaults>
</compile_context>

<pallas_src>
import functools
import math

import jax
import jax.numpy as jnp
from jax import lax
from jax.experimental import pallas as pl
from jax.experimental.pallas import tpu as pltpu
from jax.experimental.pallas import tpu_sc as plsc

N_NODES = 10000
HID = 128
H = 4
DH = 32
OUT = 40
E = 320000

NC = 2
NS = 16
EPT = E // NS
EB = 80
NB = EPT // EB
ROWS_PER_TILE = N_NODES // NS

_f32 = jnp.float32



def _linear_body(x_ref, w_ref, b_ref, o_ref, *, act):
    r = jnp.dot(x_ref[...], w_ref[...], preferred_element_type=_f32) + b_ref[...]
    if act == "relu":
        r = jnp.maximum(r, 0.0)
    o_ref[...] = r


def _tc_linear(x, w, b, act=None, mb=2000):
    m, k = x.shape
    n = w.shape[1]
    grid = (m // mb,)
    return pl.pallas_call(
        functools.partial(_linear_body, act=act),
        grid=grid,
        in_specs=[
            pl.BlockSpec((mb, k), lambda i: (i, 0)),
            pl.BlockSpec((k, n), lambda i: (0, 0)),
            pl.BlockSpec((1, n), lambda i: (0, 0)),
        ],
        out_specs=pl.BlockSpec((mb, n), lambda i: (i, 0)),
        out_shape=jax.ShapeDtypeStruct((m, n), _f32),
    )(x, w, b.reshape(1, n))


def _proj_body(x_ref, w_ref, b_ref, s01_ref, s23_ref, q01_ref, q23_ref):
    r = jnp.dot(x_ref[...], w_ref[...], preferred_element_type=_f32) + b_ref[...]
    s01_ref[...] = r[:, :HID]
    s23_ref[...] = r[:, HID : 2 * HID]
    q01_ref[...] = r[:, 2 * HID : 2 * HID + 64]
    q23_ref[...] = r[:, 2 * HID + 64 :]


def _tc_proj(x, w, b, mb=2000):
    m, k = x.shape
    n = w.shape[1]
    grid = (m // mb,)
    return pl.pallas_call(
        _proj_body,
        grid=grid,
        in_specs=[
            pl.BlockSpec((mb, k), lambda i: (i, 0)),
            pl.BlockSpec((k, n), lambda i: (0, 0)),
            pl.BlockSpec((1, n), lambda i: (0, 0)),
        ],
        out_specs=[
            pl.BlockSpec((mb, HID), lambda i: (i, 0)),
            pl.BlockSpec((mb, HID), lambda i: (i, 0)),
            pl.BlockSpec((mb, 64), lambda i: (i, 0)),
            pl.BlockSpec((mb, 64), lambda i: (i, 0)),
        ],
        out_shape=[
            jax.ShapeDtypeStruct((m, HID), _f32),
            jax.ShapeDtypeStruct((m, HID), _f32),
            jax.ShapeDtypeStruct((m, 64), _f32),
            jax.ShapeDtypeStruct((m, 64), _f32),
        ],
    )(x, w, b.reshape(1, n))


def _post_body(num_ref, den_ref, h_ref, w_ref, b_ref, skip_ref, o_ref):
    mb = num_ref.shape[1]
    num = jnp.concatenate([num_ref[0], num_ref[1]], axis=-1)
    den = den_ref[0] + den_ref[1]
    den_exp = jnp.concatenate(
        [jnp.broadcast_to(den[:, 4 * h : 4 * h + 1], (mb, DH)) for h in range(H)],
        axis=1,
    )
    agg = num / (den_exp + 1e-16)
    o = jax.nn.gelu(agg)
    o = jnp.dot(o, w_ref[...], preferred_element_type=_f32) + b_ref[...]
    g = jax.nn.sigmoid(skip_ref[0, 0])
    o_ref[...] = g * o + (1.0 - g) * h_ref[...]


def _tc_post(num, den, h, w, b, skip, mb=2000):
    m = h.shape[0]
    grid = (m // mb,)
    return pl.pallas_call(
        _post_body,
        grid=grid,
        in_specs=[
            pl.BlockSpec((NC, mb, 64), lambda i: (0, i, 0)),
            pl.BlockSpec((NC, mb, 4 * H), lambda i: (0, i, 0)),
            pl.BlockSpec((mb, HID), lambda i: (i, 0)),
            pl.BlockSpec((HID, HID), lambda i: (0, 0)),
            pl.BlockSpec((1, HID), lambda i: (0, 0)),
            pl.BlockSpec((1, 1), lambda i: (0, 0)),
        ],
        out_specs=pl.BlockSpec((mb, HID), lambda i: (i, 0)),
        out_shape=jax.ShapeDtypeStruct((m, HID), _f32),
    )(num, den, h, w, b.reshape(1, HID), skip.reshape(1, 1))



def _sc_edge_body(s01, s23, q01, q23, src_hbm, dst_hbm, num_out, den_out,
                  sidx0, sidx1, didx0, didx1, kvb0, kvb1, qb0, qb1, mb, db,
                  num_acc, den_acc, ss0, ss1, sq0, sq1):
    cid = lax.axis_index("c")
    sid = lax.axis_index("s")

    zeros = jnp.zeros((16,), _f32)
    lane = lax.iota(jnp.int32, 16)
    bufs = ((sidx0, didx0, kvb0, qb0, ss0, sq0),
            (sidx1, didx1, kvb1, qb1, ss1, sq1))

    def _zero_row(j, carry):
        for c in range(64 // 16):
            mb[j, pl.ds(16 * c, 16)] = zeros
        db[j, pl.ds(0, 16)] = zeros
        return carry

    lax.fori_loop(0, EB, _zero_row, 0)
    base_row = sid * (ROWS_PER_TILE - 1)

    def _zero_chunk(i, carry):
        pltpu.sync_copy(mb.at[pl.ds(0, EB)], num_acc.at[pl.ds(base_row + i * EB, EB)])
        pltpu.sync_copy(db.at[pl.ds(0, EB)], den_acc.at[pl.ds(base_row + i * EB, EB)])
        return carry

    lax.fori_loop(0, 640 // EB, _zero_chunk, 0)
    plsc.subcore_barrier()

    def _start(b, bi):
        si, di, kv, qv, ss, sq = bufs[bi]
        base_e = sid * EPT + b * EB
        pltpu.sync_copy(src_hbm.at[pl.ds(base_e, EB)], si)
        pltpu.sync_copy(dst_hbm.at[pl.ds(base_e, EB)], di)

        @pl.when(cid == 0)
        def _():
            pltpu.async_copy(s01.at[si], kv, ss)
            pltpu.async_copy(q01.at[di], qv, sq)

        @pl.when(cid == 1)
        def _():
            pltpu.async_copy(s23.at[si], kv, ss)
            pltpu.async_copy(q23.at[di], qv, sq)

    def _wait(bi):
        si, di, kv, qv, ss, sq = bufs[bi]
        pltpu.make_async_copy(s01.at[si], kv, ss).wait()
        pltpu.make_async_copy(q01.at[di], qv, sq).wait()

    def _compute(bi):
        si, di, kv, qv, ss, sq = bufs[bi]

        @plsc.parallel_loop(0, EB, 1, unroll=8)
        def _edge(j):
            dn = zeros
            for hl in range(2):
                k0 = kv[j, pl.ds(DH * hl, 16)]
                k1 = kv[j, pl.ds(DH * hl + 16, 16)]
                t0 = qv[j, pl.ds(DH * hl, 16)]
                t1 = qv[j, pl.ds(DH * hl + 16, 16)]
                s_ = jnp.sum(k0 * t0 + k1 * t1)
                w = jnp.exp(jnp.full((16,), s_, _f32))
                v0 = kv[j, pl.ds(64 + DH * hl, 16)]
                v1 = kv[j, pl.ds(64 + DH * hl + 16, 16)]
                mb[j, pl.ds(DH * hl, 16)] = w * v0
                mb[j, pl.ds(DH * hl + 16, 16)] = w * v1
                dn = jnp.where(lane // 4 == 2 * cid + hl, w, dn)
            db[j, pl.ds(0, 16)] = dn
        pltpu.sync_copy(mb, num_acc.at[di], add=True)
        pltpu.sync_copy(db, den_acc.at[di], add=True)

    _start(0, 0)

    def _pair(gg, carry):
        b0 = 2 * gg
        _start(b0 + 1, 1)
        _wait(0)
        _compute(0)

        @pl.when(b0 + 2 < NB)
        def _():
            _start(b0 + 2, 0)

        _wait(1)
        _compute(1)
        return carry

    lax.fori_loop(0, NB // 2, _pair, 0)
    plsc.subcore_barrier()

    pltpu.sync_copy(num_acc.at[pl.ds(base_row, 640)],
                    num_out.at[cid, pl.ds(base_row, 640)])
    pltpu.sync_copy(den_acc.at[pl.ds(base_row, 640)],
                    den_out.at[cid, pl.ds(base_row, 640)])


@functools.lru_cache(maxsize=1)
def _sc_edge_kernel():
    mesh = plsc.VectorSubcoreMesh(
        core_axis_name="c", subcore_axis_name="s", num_cores=NC, num_subcores=NS
    )
    return pl.kernel(
        _sc_edge_body,
        out_type=[
            jax.ShapeDtypeStruct((NC, N_NODES, 64), _f32),
            jax.ShapeDtypeStruct((NC, N_NODES, 4 * H), _f32),
        ],
        mesh=mesh,
        compiler_params=pltpu.CompilerParams(
            needs_layout_passes=False, use_tc_tiling_on_sc=False
        ),
        scratch_types=[
            pltpu.VMEM((EB,), jnp.int32),
            pltpu.VMEM((EB,), jnp.int32),
            pltpu.VMEM((EB,), jnp.int32),
            pltpu.VMEM((EB,), jnp.int32),
            pltpu.VMEM((EB, HID), _f32),
            pltpu.VMEM((EB, HID), _f32),
            pltpu.VMEM((EB, 64), _f32),
            pltpu.VMEM((EB, 64), _f32),
            pltpu.VMEM((EB, 64), _f32),
            pltpu.VMEM((EB, 4 * H), _f32),
            pltpu.VMEM_SHARED((N_NODES, 64), _f32),
            pltpu.VMEM_SHARED((N_NODES, 4 * H), _f32),
            pltpu.SemaphoreType.DMA,
            pltpu.SemaphoreType.DMA,
            pltpu.SemaphoreType.DMA,
            pltpu.SemaphoreType.DMA,
        ],
    )


def _sc_edge(s01, s23, q01, q23, src, dst):
    return _sc_edge_kernel()(s01, s23, q01, q23, src, dst)



def _fold(w, b, rel_mat):
    wf = jnp.einsum("ihd,hde->ihe", w.reshape(HID, H, DH), rel_mat).reshape(HID, HID)
    bf = jnp.einsum("hd,hde->he", b.reshape(H, DH), rel_mat).reshape(HID)
    return wf, bf


def _layer_tables(conv, t, rel_src):
    a = conv["a_rel"][rel_src] * (conv["prior"][rel_src][:, None, None] / math.sqrt(DH))
    m = conv["m_rel"][rel_src]
    kw, kb = _fold(conv["k_w"][t], conv["k_b"][t], a)
    vw, vb = _fold(conv["v_w"][t], conv["v_b"][t], m)
    qw, qb = conv["q_w"][t], conv["q_b"][t]
    w = jnp.concatenate([kw[:, :64], vw[:, :64], kw[:, 64:], vw[:, 64:],
                         qw[:, :64], qw[:, 64:]], axis=1)
    b = jnp.concatenate([kb[:64], vb[:64], kb[64:], vb[64:], qb[:64], qb[64:]])
    return w, b



def kernel(x_author, x_paper, edge_index_writes, edge_index_rev, params):
    h_a = _tc_linear(x_author, params["lin_in"]["author"]["w"],
                     params["lin_in"]["author"]["b"], act="relu")
    h_p = _tc_linear(x_paper, params["lin_in"]["paper"]["w"],
                     params["lin_in"]["paper"]["b"], act="relu")

    for conv in params["convs"]:
        wa, ba = _layer_tables(conv, "author", "writes")
        wp, bp = _layer_tables(conv, "paper", "rev_writes")
        sa01, sa23, qa01, qa23 = _tc_proj(h_a, wa, ba)
        sp01, sp23, qp01, qp23 = _tc_proj(h_p, wp, bp)
        num_p, den_p = _sc_edge(sa01, sa23, qp01, qp23,
                                edge_index_writes[0], edge_index_writes[1])
        num_a, den_a = _sc_edge(sp01, sp23, qa01, qa23,
                                edge_index_rev[0], edge_index_rev[1])
        h_a = _tc_post(num_a, den_a, h_a, conv["a_w"]["author"],
                       conv["a_b"]["author"], conv["skip"]["author"])
        h_p = _tc_post(num_p, den_p, h_p, conv["a_w"]["paper"],
                       conv["a_b"]["paper"], conv["skip"]["paper"])

    return _tc_linear(h_a, params["lin_out"]["w"], params["lin_out"]["b"])

# --- scband reference (transcript-rebuilt; emitter-appended) ---
"""Pipeline reference for scband-hgt-75617194213411 (READ-ONLY COPY).

The authoritative reference and input builder live on the scoring server;
editing this copy changes nothing except your own understanding.
"""

import jax, jax.numpy as jnp
import numpy as np

N_AUTHOR = 10000
N_PAPER = 10000
D_IN = 128
HID = 128
H = 4
DH = 32
OUT = 40
E = 320000
NODE_TYPES = ("author", "paper")
RELATIONS = (("author", "writes", "paper"), ("paper", "rev_writes", "author"))

def _n_nodes(t):
    return N_AUTHOR if t == "author" else N_PAPER

def _make_params():
    rng = np.random.default_rng(42)
    def mat(*s):
        return jnp.asarray(rng.normal(0.0, 0.05, size=s), jnp.float32)
    params = {"lin_in": {}, "lin_out": {"w": mat(HID, OUT), "b": jnp.zeros((OUT,), jnp.float32)}, "convs": []}
    for t in NODE_TYPES:
        params["lin_in"][t] = {"w": mat(D_IN, HID), "b": jnp.zeros((HID,), jnp.float32)}
    eye = jnp.eye(DH, dtype=jnp.float32)[None, :, :]
    for _ in range(2):
        conv = {"k_w": {}, "k_b": {}, "q_w": {}, "q_b": {}, "v_w": {}, "v_b": {}, "a_w": {}, "a_b": {}, "skip": {}, "a_rel": {}, "m_rel": {}, "prior": {}}
        for t in NODE_TYPES:
            for nm in ("k", "q", "v", "a"):
                conv[nm + "_w"][t] = mat(HID, HID)
                conv[nm + "_b"][t] = jnp.zeros((HID,), jnp.float32)
            conv["skip"][t] = jnp.asarray(1.0, jnp.float32)
        for (_s, r, _d) in RELATIONS:
            conv["a_rel"][r] = eye + mat(H, DH, DH)
            conv["m_rel"][r] = eye + mat(H, DH, DH)
            conv["prior"][r] = jnp.ones((H,), jnp.float32)
        params["convs"].append(conv)
    return params

def _segment_softmax(scores, seg, num):
    m = jax.ops.segment_max(scores, seg, num_segments=num)
    m = jnp.where(jnp.isfinite(m), m, 0.0)
    e = jnp.exp(scores - m[seg])
    s = jax.ops.segment_sum(e, seg, num_segments=num)
    return e / (s[seg] + 1e-16)

def _hgt_conv(x_dict, edge_dict, conv):
    k = {t: (x_dict[t] @ conv["k_w"][t] + conv["k_b"][t]).reshape(-1, H, DH) for t in NODE_TYPES}
    q = {t: (x_dict[t] @ conv["q_w"][t] + conv["q_b"][t]).reshape(-1, H, DH) for t in NODE_TYPES}
    v = {t: (x_dict[t] @ conv["v_w"][t] + conv["v_b"][t]).reshape(-1, H, DH) for t in NODE_TYPES}
    agg = {t: jnp.zeros((_n_nodes(t), H, DH), jnp.float32) for t in NODE_TYPES}
    for (src, r, dst) in RELATIONS:
        ei = edge_dict[r]
        k_rel = jnp.einsum("nhd,hde->nhe", k[src], conv["a_rel"][r])
        v_rel = jnp.einsum("nhd,hde->nhe", v[src], conv["m_rel"][r])
        ks = k_rel[ei[0]]
        qs = q[dst][ei[1]]
        vs = v_rel[ei[0]]
        alpha = (ks * qs).sum(-1) * conv["prior"][r][None, :] / jnp.sqrt(float(DH))
        alpha = _segment_softmax(alpha, ei[1], _n_nodes(dst))
        msg = vs * alpha[:, :, None]
        agg[dst] = agg[dst] + jax.ops.segment_sum(msg, ei[1], num_segments=_n_nodes(dst))
    out = {}
    for t in NODE_TYPES:
        o = jax.nn.gelu(agg[t].reshape(-1, HID))
        o = o @ conv["a_w"][t] + conv["a_b"][t]
        g = jax.nn.sigmoid(conv["skip"][t])
        out[t] = g * o + (1.0 - g) * x_dict[t]
    return out

def _forward(x_author, x_paper, edge_index_writes, edge_index_rev, params):
    x_dict = {}
    for t, x in (("author", x_author), ("paper", x_paper)):
        w = params["lin_in"][t]
        x_dict[t] = jax.nn.relu(x @ w["w"] + w["b"])
    edge_dict = {"writes": edge_index_writes, "rev_writes": edge_index_rev}
    for conv in params["convs"]:
        x_dict = _hgt_conv(x_dict, edge_dict, conv)
    return x_dict["author"] @ params["lin_out"]["w"] + params["lin_out"]["b"]

def setup_inputs(seed: int = 0):
    key = jax.random.key(seed)
    k0, k1, k2, k3, k4, k5 = jax.random.split(key, 6)
    x_author = jax.random.normal(k0, (N_AUTHOR, D_IN), jnp.float32)
    x_paper = jax.random.normal(k1, (N_PAPER, D_IN), jnp.float32)
    edge_index_writes = jnp.stack([
        jax.random.randint(k2, (E,), 0, N_AUTHOR, dtype=jnp.int32),
        jax.random.randint(k3, (E,), 0, N_PAPER, dtype=jnp.int32)])
    edge_index_rev = jnp.stack([
        jax.random.randint(k4, (E,), 0, N_PAPER, dtype=jnp.int32),
        jax.random.randint(k5, (E,), 0, N_AUTHOR, dtype=jnp.int32)])
    params = _make_params()
    return {"x_author": x_author, "x_paper": x_paper, "edge_index_writes": edge_index_writes, "edge_index_rev": edge_index_rev, "params": params}

def reference(x_author, x_paper, edge_index_writes, edge_index_rev, params):
    return _forward(x_author, x_paper, edge_index_writes, edge_index_rev, params)

if __name__ == "__main__":
    import jax
    _d = setup_inputs()
    print(jax.jit(kernel)(*tuple(_d.values())))

</pallas_src>

<mosaic_0001>
#map = affine_map<(d0, d1) -> (0, 0)>
#map1 = affine_map<(d0, d1) -> (0)>
#map2 = affine_map<(d0, d1) -> (0, 0, 0)>
module attributes {stable_mosaic.version = 14 : i64} {
  func.func @_sc_edge_body(%arg0: i32, %arg1: i32, %arg2: memref<10000x128xf32, #tpu.memory_space<hbm>>, %arg3: memref<10000x128xf32, #tpu.memory_space<hbm>>, %arg4: memref<10000x64xf32, #tpu.memory_space<hbm>>, %arg5: memref<10000x64xf32, #tpu.memory_space<hbm>>, %arg6: memref<320000xi32, #tpu.memory_space<hbm>>, %arg7: memref<320000xi32, #tpu.memory_space<hbm>>, %arg8: memref<2x10000x64xf32, #tpu.memory_space<hbm>>, %arg9: memref<2x10000x16xf32, #tpu.memory_space<hbm>>, %arg10: memref<80xi32, #tpu.memory_space<vmem>>, %arg11: memref<80xi32, #tpu.memory_space<vmem>>, %arg12: memref<80xi32, #tpu.memory_space<vmem>>, %arg13: memref<80xi32, #tpu.memory_space<vmem>>, %arg14: memref<80x128xf32, #tpu.memory_space<vmem>>, %arg15: memref<80x128xf32, #tpu.memory_space<vmem>>, %arg16: memref<80x64xf32, #tpu.memory_space<vmem>>, %arg17: memref<80x64xf32, #tpu.memory_space<vmem>>, %arg18: memref<80x64xf32, #tpu.memory_space<vmem>>, %arg19: memref<80x16xf32, #tpu.memory_space<vmem>>, %arg20: memref<10000x64xf32, #tpu.memory_space<vmem_shared>>, %arg21: memref<10000x16xf32, #tpu.memory_space<vmem_shared>>, %arg22: memref<!tpu.dma_semaphore, #tpu.memory_space<semaphore_mem>>, %arg23: memref<!tpu.dma_semaphore, #tpu.memory_space<semaphore_mem>>, %arg24: memref<!tpu.dma_semaphore, #tpu.memory_space<semaphore_mem>>, %arg25: memref<!tpu.dma_semaphore, #tpu.memory_space<semaphore_mem>>) attributes {dimension_semantics = [#tpu.dimension_semantics<core_parallel>, #tpu.dimension_semantics<subcore_parallel>], iteration_bounds = array<i64: 2, 16>, scalar_prefetch = 0 : i64, scratch_operands = 16 : i64, tpu.core_type = #tpu.core_type<sc_vector_subcore>, window_params = [{transform_indices = #map}, {transform_indices = #map}, {transform_indices = #map}, {transform_indices = #map}, {transform_indices = #map1}, {transform_indices = #map1}, {transform_indices = #map2}, {transform_indices = #map2}]} {
    %broadcast_in_dim3A = arith.constant 0.000000e+00 : f32
    %broadcast_in_dim3A_0 = vector.broadcast %broadcast_in_dim3A : f32 to vector<16xf32>
    %iota3A = tpu.iota {dimensions = array<i32: 0>} : vector<16xi32>
    %scan3A = arith.constant 0 : i32
    %scan3A_1 = arith.constant 0 : i32
    %scan3A_2 = arith.constant 80 : i32
    %scan3A_3 = arith.addi %scan3A_1, %scan3A_2 : i32
    %scan3A_4 = arith.constant 1 : i32
    scf.for %scan3A_30 = %scan3A_1 to %scan3A_3 step %scan3A_4  : i32 {
      %swap3A = arith.index_cast %scan3A_30 : i32 to index
      %swap3A_31 = arith.constant 0 : index
      %swap3A_32 = tpu.vector_load %arg18[%swap3A, %swap3A_31] {strides = array<i32>} : memref<80x64xf32, #tpu.memory_space<vmem>>, vector<16xf32>,
      tpu.vector_store %arg18[%swap3A, %swap3A_31], %broadcast_in_dim3A_0 {strides = array<i32>} : memref<80x64xf32, #tpu.memory_space<vmem>>, vector<16xf32>,
      %swap3A_33 = arith.index_cast %scan3A_30 : i32 to index
      %swap3A_34 = arith.constant 16 : index
      %swap3A_35 = tpu.vector_load %arg18[%swap3A_33, %swap3A_34] {strides = array<i32>} : memref<80x64xf32, #tpu.memory_space<vmem>>, vector<16xf32>,
      tpu.vector_store %arg18[%swap3A_33, %swap3A_34], %broadcast_in_dim3A_0 {strides = array<i32>} : memref<80x64xf32, #tpu.memory_space<vmem>>, vector<16xf32>,
      %swap3A_36 = arith.index_cast %scan3A_30 : i32 to index
      %swap3A_37 = arith.constant 32 : index
      %swap3A_38 = tpu.vector_load %arg18[%swap3A_36, %swap3A_37] {strides = array<i32>} : memref<80x64xf32, #tpu.memory_space<vmem>>, vector<16xf32>,
      tpu.vector_store %arg18[%swap3A_36, %swap3A_37], %broadcast_in_dim3A_0 {strides = array<i32>} : memref<80x64xf32, #tpu.memory_space<vmem>>, vector<16xf32>,
      %swap3A_39 = arith.index_cast %scan3A_30 : i32 to index
      %swap3A_40 = arith.constant 48 : index
      %swap3A_41 = tpu.vector_load %arg18[%swap3A_39, %swap3A_40] {strides = array<i32>} : memref<80x64xf32, #tpu.memory_space<vmem>>, vector<16xf32>,
      tpu.vector_store %arg18[%swap3A_39, %swap3A_40], %broadcast_in_dim3A_0 {strides = array<i32>} : memref<80x64xf32, #tpu.memory_space<vmem>>, vector<16xf32>,
      %swap3A_42 = arith.index_cast %scan3A_30 : i32 to index
      %swap3A_43 = arith.constant 0 : index
      %swap3A_44 = tpu.vector_load %arg19[%swap3A_42, %swap3A_43] {strides = array<i32>} : memref<80x16xf32, #tpu.memory_space<vmem>>, vector<16xf32>,
      tpu.vector_store %arg19[%swap3A_42, %swap3A_43], %broadcast_in_dim3A_0 {strides = array<i32>} : memref<80x16xf32, #tpu.memory_space<vmem>>, vector<16xf32>,
    }
    %scan3A_5 = arith.constant 80 : i32
    %mul3A = arith.constant 624 : i32
    %mul3A_6 = arith.muli %arg1, %mul3A : i32
    %scan3A_7 = arith.constant 0 : i32
    %scan3A_8 = arith.constant 0 : i32
    %scan3A_9 = arith.constant 8 : i32
    %scan3A_10 = arith.addi %scan3A_8, %scan3A_9 : i32
    %scan3A_11 = arith.constant 1 : i32
    scf.for %scan3A_30 = %scan3A_8 to %scan3A_10 step %scan3A_11  : i32 {
      %mul3A_31 = arith.constant 80 : i32
      %mul3A_32 = arith.muli %scan3A_30, %mul3A_31 : i32
      %add3A_33 = arith.addi %mul3A_6, %mul3A_32 : i32
      "tpu.region"() ({
        %run_scoped3A = tpu.sem_alloc : memref<!tpu.dma_semaphore, #tpu.memory_space<semaphore_mem>>
        %dma_start3A = arith.constant 0 : i32
        %dma_start3A_37 = arith.constant 0 : i32
        %dma_start3A_38 = tpu.memref_slice %arg18[%dma_start3A, %dma_start3A_37] : memref<80x64xf32, #tpu.memory_space<vmem>> -> memref<80x64xf32, #tpu.memory_space<vmem>>
        %dma_start3A_39 = arith.constant 0 : i32
        %dma_start3A_40 = tpu.memref_slice %arg20[%add3A_33, %dma_start3A_39] : memref<10000x64xf32, #tpu.memory_space<vmem_shared>> -> memref<80x64xf32, #tpu.memory_space<vmem_shared>>
        %dma_start3A_41 = arith.constant 0 : i32
        %dma_start3A_42 = tpu.memref_slice %arg20[%add3A_33, %dma_start3A_41] : memref<10000x64xf32, #tpu.memory_space<vmem_shared>> -> memref<80x64xf32, #tpu.memory_space<vmem_shared>>
        %dma_start3A_43 = arith.constant 0 : i32
        %dma_start3A_44 = arith.constant 0 : i32
        %dma_start3A_45 = tpu.memref_slice %arg18[%dma_start3A_43, %dma_start3A_44] : memref<80x64xf32, #tpu.memory_space<vmem>> -> memref<80x64xf32, #tpu.memory_space<vmem>>
        tpu.enqueue_dma source(%dma_start3A_45 : memref<80x64xf32, #tpu.memory_space<vmem>>) target(%dma_start3A_42 : memref<80x64xf32, #tpu.memory_space<vmem_shared>>) target_semaphore(%run_scoped3A : memref<!tpu.dma_semaphore, #tpu.memory_space<semaphore_mem>>)
        %dma_wait3A = arith.constant 0 : i32
        %dma_wait3A_46 = arith.constant 0 : i32
        %dma_wait3A_47 = tpu.memref_slice %arg18[%dma_wait3A, %dma_wait3A_46] : memref<80x64xf32, #tpu.memory_space<vmem>> -> memref<80x64xf32, #tpu.memory_space<vmem>>
        %dma_wait3A_48 = arith.constant 0 : i32
        %dma_wait3A_49 = tpu.memref_slice %arg20[%add3A_33, %dma_wait3A_48] : memref<10000x64xf32, #tpu.memory_space<vmem_shared>> -> memref<80x64xf32, #tpu.memory_space<vmem_shared>>
        %dma_wait3A_50 = arith.constant 0 : i32
        %dma_wait3A_51 = tpu.memref_slice %arg20[%add3A_33, %dma_wait3A_50] : memref<10000x64xf32, #tpu.memory_space<vmem_shared>> -> memref<80x64xf32, #tpu.memory_space<vmem_shared>>
        %dma_wait3A_52 = arith.constant 0 : i32
        %dma_wait3A_53 = arith.constant 0 : i32
        %dma_wait3A_54 = tpu.memref_slice %arg18[%dma_wait3A_52, %dma_wait3A_53] : memref<80x64xf32, #tpu.memory_space<vmem>> -> memref<80x64xf32, #tpu.memory_space<vmem>>
        tpu.wait_dma2 semaphore(%run_scoped3A : memref<!tpu.dma_semaphore, #tpu.memory_space<semaphore_mem>>) src(%dma_wait3A_54 : memref<80x64xf32, #tpu.memory_space<vmem>>) dst(%dma_wait3A_51 : memref<80x64xf32, #tpu.memory_space<vmem_shared>>)
        tpu.yield
      }) : () -> ()
      %mul3A_34 = arith.constant 80 : i32
      %mul3A_35 = arith.muli %scan3A_30, %mul3A_34 : i32
      %add3A_36 = arith.addi %mul3A_6, %mul3A_35 : i32
      "tpu.region"() ({
        %run_scoped3A = tpu.sem_alloc : memref<!tpu.dma_semaphore, #tpu.memory_space<semaphore_mem>>
        %dma_start3A = arith.constant 0 : i32
        %dma_start3A_37 = arith.constant 0 : i32
        %dma_start3A_38 = tpu.memref_slice %arg19[%dma_start3A, %dma_start3A_37] : memref<80x16xf32, #tpu.memory_space<vmem>> -> memref<80x16xf32, #tpu.memory_space<vmem>>
        %dma_start3A_39 = arith.constant 0 : i32
        %dma_start3A_40 = tpu.memref_slice %arg21[%add3A_36, %dma_start3A_39] : memref<10000x16xf32, #tpu.memory_space<vmem_shared>> -> memref<80x16xf32, #tpu.memory_space<vmem_shared>>
        %dma_start3A_41 = arith.constant 0 : i32
        %dma_start3A_42 = tpu.memref_slice %arg21[%add3A_36, %dma_start3A_41] : memref<10000x16xf32, #tpu.memory_space<vmem_shared>> -> memref<80x16xf32, #tpu.memory_space<vmem_shared>>
        %dma_start3A_43 = arith.constant 0 : i32
        %dma_start3A_44 = arith.constant 0 : i32
        %dma_start3A_45 = tpu.memref_slice %arg19[%dma_start3A_43, %dma_start3A_44] : memref<80x16xf32, #tpu.memory_space<vmem>> -> memref<80x16xf32, #tpu.memory_space<vmem>>
        tpu.enqueue_dma source(%dma_start3A_45 : memref<80x16xf32, #tpu.memory_space<vmem>>) target(%dma_start3A_42 : memref<80x16xf32, #tpu.memory_space<vmem_shared>>) target_semaphore(%run_scoped3A : memref<!tpu.dma_semaphore, #tpu.memory_space<semaphore_mem>>)
        %dma_wait3A = arith.constant 0 : i32
        %dma_wait3A_46 = arith.constant 0 : i32
        %dma_wait3A_47 = tpu.memref_slice %arg19[%dma_wait3A, %dma_wait3A_46] : memref<80x16xf32, #tpu.memory_space<vmem>> -> memref<80x16xf32, #tpu.memory_space<vmem>>
        %dma_wait3A_48 = arith.constant 0 : i32
        %dma_wait3A_49 = tpu.memref_slice %arg21[%add3A_36, %dma_wait3A_48] : memref<10000x16xf32, #tpu.memory_space<vmem_shared>> -> memref<80x16xf32, #tpu.memory_space<vmem_shared>>
        %dma_wait3A_50 = arith.constant 0 : i32
        %dma_wait3A_51 = tpu.memref_slice %arg21[%add3A_36, %dma_wait3A_50] : memref<10000x16xf32, #tpu.memory_space<vmem_shared>> -> memref<80x16xf32, #tpu.memory_space<vmem_shared>>
        %dma_wait3A_52 = arith.constant 0 : i32
        %dma_wait3A_53 = arith.constant 0 : i32
        %dma_wait3A_54 = tpu.memref_slice %arg19[%dma_wait3A_52, %dma_wait3A_53] : memref<80x16xf32, #tpu.memory_space<vmem>> -> memref<80x16xf32, #tpu.memory_space<vmem>>
        tpu.wait_dma2 semaphore(%run_scoped3A : memref<!tpu.dma_semaphore, #tpu.memory_space<semaphore_mem>>) src(%dma_wait3A_54 : memref<80x16xf32, #tpu.memory_space<vmem>>) dst(%dma_wait3A_51 : memref<80x16xf32, #tpu.memory_space<vmem_shared>>)
        tpu.yield
      }) : () -> ()
    }
    %scan3A_12 = arith.constant 8 : i32
    %barrier3A = arith.constant 0 : index
    tpu.barrier barrier_id(%barrier3A)
    %mul3A_13 = arith.constant 20000 : i32
    %mul3A_14 = arith.muli %arg1, %mul3A_13 : i32
    %add3A = arith.constant 0 : i32
    %add3A_15 = arith.addi %mul3A_14, %add3A : i32
    "tpu.region"() ({
      %run_scoped3A = tpu.sem_alloc : memref<!tpu.dma_semaphore, #tpu.memory_space<semaphore_mem>>
      %dma_start3A = tpu.memref_slice %arg6[%add3A_15] : memref<320000xi32, #tpu.memory_space<hbm>> -> memref<80xi32, #tpu.memory_space<hbm>>
      %dma_start3A_30 = tpu.memref_slice %arg6[%add3A_15] : memref<320000xi32, #tpu.memory_space<hbm>> -> memref<80xi32, #tpu.memory_space<hbm>>
      tpu.enqueue_dma source(%dma_start3A_30 : memref<80xi32, #tpu.memory_space<hbm>>) target(%arg10 : memref<80xi32, #tpu.memory_space<vmem>>) target_semaphore(%run_scoped3A : memref<!tpu.dma_semaphore, #tpu.memory_space<semaphore_mem>>)
      %dma_wait3A = tpu.memref_slice %arg6[%add3A_15] : memref<320000xi32, #tpu.memory_space<hbm>> -> memref<80xi32, #tpu.memory_space<hbm>>
      %dma_wait3A_31 = tpu.memref_slice %arg6[%add3A_15] : memref<320000xi32, #tpu.memory_space<hbm>> -> memref<80xi32, #tpu.memory_space<hbm>>
      tpu.wait_dma2 semaphore(%run_scoped3A : memref<!tpu.dma_semaphore, #tpu.memory_space<semaphore_mem>>) src(%dma_wait3A_31 : memref<80xi32, #tpu.memory_space<hbm>>) dst(%arg10 : memref<80xi32, #tpu.memory_space<vmem>>)
      tpu.yield
    }) : () -> ()
    "tpu.region"() ({
      %run_scoped3A = tpu.sem_alloc : memref<!tpu.dma_semaphore, #tpu.memory_space<semaphore_mem>>
      %dma_start3A = tpu.memref_slice %arg7[%add3A_15] : memref<320000xi32, #tpu.memory_space<hbm>> -> memref<80xi32, #tpu.memory_space<hbm>>
      %dma_start3A_30 = tpu.memref_slice %arg7[%add3A_15] : memref<320000xi32, #tpu.memory_space<hbm>> -> memref<80xi32, #tpu.memory_space<hbm>>
      tpu.enqueue_dma source(%dma_start3A_30 : memref<80xi32, #tpu.memory_space<hbm>>) target(%arg12 : memref<80xi32, #tpu.memory_space<vmem>>) target_semaphore(%run_scoped3A : memref<!tpu.dma_semaphore, #tpu.memory_space<semaphore_mem>>)
      %dma_wait3A = tpu.memref_slice %arg7[%add3A_15] : memref<320000xi32, #tpu.memory_space<hbm>> -> memref<80xi32, #tpu.memory_space<hbm>>
      %dma_wait3A_31 = tpu.memref_slice %arg7[%add3A_15] : memref<320000xi32, #tpu.memory_space<hbm>> -> memref<80xi32, #tpu.memory_space<hbm>>
      tpu.wait_dma2 semaphore(%run_scoped3A : memref<!tpu.dma_semaphore, #tpu.memory_space<semaphore_mem>>) src(%dma_wait3A_31 : memref<80xi32, #tpu.memory_space<hbm>>) dst(%arg12 : memref<80xi32, #tpu.memory_space<vmem>>)
      tpu.yield
    }) : () -> ()
    %eq3A = arith.constant 0 : i32
    %eq3A_16 = arith.cmpi eq, %arg0, %eq3A : i32
    %convert_element_type3A = arith.extui %eq3A_16 : i1 to i32
    %cond3A = arith.constant 0 : i32
    %cond3A_17 = arith.cmpi ne, %convert_element_type3A, %cond3A : i32
    scf.if %cond3A_17 {
      %dma_start3A = arith.constant 0 : i32
      %dma_start3A_30 = arith.constant 0 : i32
      %dma_start3A_31 = tpu.memref_slice %arg2[%dma_start3A, %dma_start3A_30] : memref<10000x128xf32, #tpu.memory_space<hbm>> -> memref<10000x128xf32, #tpu.memory_space<hbm>>
      tpu.enqueue_indirect_dma source(%dma_start3A_31 : memref<10000x128xf32, #tpu.memory_space<hbm>>) target(%arg14 : memref<80x128xf32, #tpu.memory_space<vmem>>) offsets(%arg10 : memref<80xi32, #tpu.memory_space<vmem>>) semaphore(%arg22 : memref<!tpu.dma_semaphore, #tpu.memory_space<semaphore_mem>>)
      %dma_start3A_32 = arith.constant 0 : i32
      %dma_start3A_33 = arith.constant 0 : i32
      %dma_start3A_34 = tpu.memref_slice %arg4[%dma_start3A_32, %dma_start3A_33] : memref<10000x64xf32, #tpu.memory_space<hbm>> -> memref<10000x64xf32, #tpu.memory_space<hbm>>
      tpu.enqueue_indirect_dma source(%dma_start3A_34 : memref<10000x64xf32, #tpu.memory_space<hbm>>) target(%arg16 : memref<80x64xf32, #tpu.memory_space<vmem>>) offsets(%arg12 : memref<80xi32, #tpu.memory_space<vmem>>) semaphore(%arg24 : memref<!tpu.dma_semaphore, #tpu.memory_space<semaphore_mem>>)
    } else {
    }
    %eq3A_18 = arith.constant 1 : i32
    %eq3A_19 = arith.cmpi eq, %arg0, %eq3A_18 : i32
    %convert_element_type3A_20 = arith.extui %eq3A_19 : i1 to i32
    %cond3A_21 = arith.constant 0 : i32
    %cond3A_22 = arith.cmpi ne, %convert_element_type3A_20, %cond3A_21 : i32
    scf.if %cond3A_22 {
      %dma_start3A = arith.constant 0 : i32
      %dma_start3A_30 = arith.constant 0 : i32
      %dma_start3A_31 = tpu.memref_slice %arg3[%dma_start3A, %dma_start3A_30] : memref<10000x128xf32, #tpu.memory_space<hbm>> -> memref<10000x128xf32, #tpu.memory_space<hbm>>
      tpu.enqueue_indirect_dma source(%dma_start3A_31 : memref<10000x128xf32, #tpu.memory_space<hbm>>) target(%arg14 : memref<80x128xf32, #tpu.memory_space<vmem>>) offsets(%arg10 : memref<80xi32, #tpu.memory_space<vmem>>) semaphore(%arg22 : memref<!tpu.dma_semaphore, #tpu.memory_space<semaphore_mem>>)
      %dma_start3A_32 = arith.constant 0 : i32
      %dma_start3A_33 = arith.constant 0 : i32
      %dma_start3A_34 = tpu.memref_slice %arg5[%dma_start3A_32, %dma_start3A_33] : memref<10000x64xf32, #tpu.memory_space<hbm>> -> memref<10000x64xf32, #tpu.memory_space<hbm>>
      tpu.enqueue_indirect_dma source(%dma_start3A_34 : memref<10000x64xf32, #tpu.memory_space<hbm>>) target(%arg16 : memref<80x64xf32, #tpu.memory_space<vmem>>) offsets(%arg12 : memref<80xi32, #tpu.memory_space<vmem>>) semaphore(%arg24 : memref<!tpu.dma_semaphore, #tpu.memory_space<semaphore_mem>>)
    } else {
    }
    %scan3A_23 = arith.constant 0 : i32
    %scan3A_24 = arith.constant 0 : i32
    %scan3A_25 = arith.constant 125 : i32
    %scan3A_26 = arith.addi %scan3A_24, %scan3A_25 : i32
    %scan3A_27 = arith.constant 1 : i32
    scf.for %scan3A_30 = %scan3A_24 to %scan3A_26 step %scan3A_27  : i32 {
      %mul3A_31 = arith.constant 2 : i32
      %mul3A_32 = arith.muli %mul3A_31, %scan3A_30 : i32
      %add3A_33 = arith.constant 1 : i32
      %add3A_34 = arith.addi %mul3A_32, %add3A_33 : i32
      %mul3A_35 = arith.constant 20000 : i32
      %mul3A_36 = arith.muli %arg1, %mul3A_35 : i32
      %mul3A_37 = arith.constant 80 : i32
      %mul3A_38 = arith.muli %add3A_34, %mul3A_37 : i32
      %add3A_39 = arith.addi %mul3A_36, %mul3A_38 : i32
      "tpu.region"() ({
        %run_scoped3A = tpu.sem_alloc : memref<!tpu.dma_semaphore, #tpu.memory_space<semaphore_mem>>
        %dma_start3A = tpu.memref_slice %arg6[%add3A_39] : memref<320000xi32, #tpu.memory_space<hbm>> -> memref<80xi32, #tpu.memory_space<hbm>>
        %dma_start3A_72 = tpu.memref_slice %arg6[%add3A_39] : memref<320000xi32, #tpu.memory_space<hbm>> -> memref<80xi32, #tpu.memory_space<hbm>>
        tpu.enqueue_dma source(%dma_start3A_72 : memref<80xi32, #tpu.memory_space<hbm>>) target(%arg11 : memref<80xi32, #tpu.memory_space<vmem>>) target_semaphore(%run_scoped3A : memref<!tpu.dma_semaphore, #tpu.memory_space<semaphore_mem>>)
        %dma_wait3A_73 = tpu.memref_slice %arg6[%add3A_39] : memref<320000xi32, #tpu.memory_space<hbm>> -> memref<80xi32, #tpu.memory_space<hbm>>
        %dma_wait3A_74 = tpu.memref_slice %arg6[%add3A_39] : memref<320000xi32, #tpu.memory_space<hbm>> -> memref<80xi32, #tpu.memory_space<hbm>>
        tpu.wait_dma2 semaphore(%run_scoped3A : memref<!tpu.dma_semaphore, #tpu.memory_space<semaphore_mem>>) src(%dma_wait3A_74 : memref<80xi32, #tpu.memory_space<hbm>>) dst(%arg11 : memref<80xi32, #tpu.memory_space<vmem>>)
        tpu.yield
      }) : () -> ()
      "tpu.region"() ({
        %run_scoped3A = tpu.sem_alloc : memref<!tpu.dma_semaphore, #tpu.memory_space<semaphore_mem>>
        %dma_start3A = tpu.memref_slice %arg7[%add3A_39] : memref<320000xi32, #tpu.memory_space<hbm>> -> memref<80xi32, #tpu.memory_space<hbm>>
        %dma_start3A_72 = tpu.memref_slice %arg7[%add3A_39] : memref<320000xi32, #tpu.memory_space<hbm>> -> memref<80xi32, #tpu.memory_space<hbm>>
        tpu.enqueue_dma source(%dma_start3A_72 : memref<80xi32, #tpu.memory_space<hbm>>) target(%arg13 : memref<80xi32, #tpu.memory_space<vmem>>) target_semaphore(%run_scoped3A : memref<!tpu.dma_semaphore, #tpu.memory_space<semaphore_mem>>)
        %dma_wait3A_73 = tpu.memref_slice %arg7[%add3A_39] : memref<320000xi32, #tpu.memory_space<hbm>> -> memref<80xi32, #tpu.memory_space<hbm>>
        %dma_wait3A_74 = tpu.memref_slice %arg7[%add3A_39] : memref<320000xi32, #tpu.memory_space<hbm>> -> memref<80xi32, #tpu.memory_space<hbm>>
        tpu.wait_dma2 semaphore(%run_scoped3A : memref<!tpu.dma_semaphore, #tpu.memory_space<semaphore_mem>>) src(%dma_wait3A_74 : memref<80xi32, #tpu.memory_space<hbm>>) dst(%arg13 : memref<80xi32, #tpu.memory_space<vmem>>)
        tpu.yield
      }) : () -> ()
      %eq3A_40 = arith.constant 0 : i32
      %eq3A_41 = arith.cmpi eq, %arg0, %eq3A_40 : i32
      %convert_element_type3A_42 = arith.extui %eq3A_41 : i1 to i32
      %cond3A_43 = arith.constant 0 : i32
      %cond3A_44 = arith.cmpi ne, %convert_element_type3A_42, %cond3A_43 : i32
      scf.if %cond3A_44 {
        %dma_start3A = arith.constant 0 : i32
        %dma_start3A_72 = arith.constant 0 : i32
        %dma_start3A_73 = tpu.memref_slice %arg2[%dma_start3A, %dma_start3A_72] : memref<10000x128xf32, #tpu.memory_space<hbm>> -> memref<10000x128xf32, #tpu.memory_space<hbm>>
        tpu.enqueue_indirect_dma source(%dma_start3A_73 : memref<10000x128xf32, #tpu.memory_space<hbm>>) target(%arg15 : memref<80x128xf32, #tpu.memory_space<vmem>>) offsets(%arg11 : memref<80xi32, #tpu.memory_space<vmem>>) semaphore(%arg23 : memref<!tpu.dma_semaphore, #tpu.memory_space<semaphore_mem>>)
        %dma_start3A_74 = arith.constant 0 : i32
        %dma_start3A_75 = arith.constant 0 : i32
        %dma_start3A_76 = tpu.memref_slice %arg4[%dma_start3A_74, %dma_start3A_75] : memref<10000x64xf32, #tpu.memory_space<hbm>> -> memref<10000x64xf32, #tpu.memory_space<hbm>>
        tpu.enqueue_indirect_dma source(%dma_start3A_76 : memref<10000x64xf32, #tpu.memory_space<hbm>>) target(%arg17 : memref<80x64xf32, #tpu.memory_space<vmem>>) offsets(%arg13 : memref<80xi32, #tpu.memory_space<vmem>>) semaphore(%arg25 : memref<!tpu.dma_semaphore, #tpu.memory_space<semaphore_mem>>)
      } else {
      }
      %eq3A_45 = arith.constant 1 : i32
      %eq3A_46 = arith.cmpi eq, %arg0, %eq3A_45 : i32
      %convert_element_type3A_47 = arith.extui %eq3A_46 : i1 to i32
      %cond3A_48 = arith.constant 0 : i32
      %cond3A_49 = arith.cmpi ne, %convert_element_type3A_47, %cond3A_48 : i32
      scf.if %cond3A_49 {
        %dma_start3A = arith.constant 0 : i32
        %dma_start3A_72 = arith.constant 0 : i32
        %dma_start3A_73 = tpu.memref_slice %arg3[%dma_start3A, %dma_start3A_72] : memref<10000x128xf32, #tpu.memory_space<hbm>> -> memref<10000x128xf32, #tpu.memory_space<hbm>>
        tpu.enqueue_indirect_dma source(%dma_start3A_73 : memref<10000x128xf32, #tpu.memory_space<hbm>>) target(%arg15 : memref<80x128xf32, #tpu.memory_space<vmem>>) offsets(%arg11 : memref<80xi32, #tpu.memory_space<vmem>>) semaphore(%arg23 : memref<!tpu.dma_semaphore, #tpu.memory_space<semaphore_mem>>)
        %dma_start3A_74 = arith.constant 0 : i32
        %dma_start3A_75 = arith.constant 0 : i32
        %dma_start3A_76 = tpu.memref_slice %arg5[%dma_start3A_74, %dma_start3A_75] : memref<10000x64xf32, #tpu.memory_space<hbm>> -> memref<10000x64xf32, #tpu.memory_space<hbm>>
        tpu.enqueue_indirect_dma source(%dma_start3A_76 : memref<10000x64xf32, #tpu.memory_space<hbm>>) target(%arg17 : memref<80x64xf32, #tpu.memory_space<vmem>>) offsets(%arg13 : memref<80xi32, #tpu.memory_space<vmem>>) semaphore(%arg25 : memref<!tpu.dma_semaphore, #tpu.memory_space<semaphore_mem>>)
      } else {
      }
      %dma_wait3A = arith.constant 0 : i32
      %dma_wait3A_50 = arith.constant 0 : i32
      %dma_wait3A_51 = tpu.memref_slice %arg2[%dma_wait3A, %dma_wait3A_50] : memref<10000x128xf32, #tpu.memory_space<hbm>> -> memref<10000x128xf32, #tpu.memory_space<hbm>>
      tpu.wait_indirect_dma semaphore(%arg22 : memref<!tpu.dma_semaphore, #tpu.memory_space<semaphore_mem>>) src(%dma_wait3A_51 : memref<10000x128xf32, #tpu.memory_space<hbm>>) dst(%arg14 : memref<80x128xf32, #tpu.memory_space<vmem>>)
      %dma_wait3A_52 = arith.constant 0 : i32
      %dma_wait3A_53 = arith.constant 0 : i32
      %dma_wait3A_54 = tpu.memref_slice %arg4[%dma_wait3A_52, %dma_wait3A_53] : memref<10000x64xf32, #tpu.memory_space<hbm>> -> memref<10000x64xf32, #tpu.memory_space<hbm>>
      tpu.wait_indirect_dma semaphore(%arg24 : memref<!tpu.dma_semaphore, #tpu.memory_space<semaphore_mem>>) src(%dma_wait3A_54 : memref<10000x64xf32, #tpu.memory_space<hbm>>) dst(%arg16 : memref<80x64xf32, #tpu.memory_space<vmem>>)
      %parallel_loop3A = arith.constant 0 : i32
      %parallel_loop3A_55 = arith.constant 80 : i32
      %parallel_loop3A_56 = arith.constant 1 : i32
      scf.for %parallel_loop3A_72 = %parallel_loop3A to %parallel_loop3A_55 step %parallel_loop3A_56  : i32 {
        %parallel_loop3A_73 = arith.index_cast %parallel_loop3A_72 : i32 to index
        %parallel_loop3A_74 = arith.constant 0 : index
        %parallel_loop3A_75 = tpu.vector_load %arg14[%parallel_loop3A_73, %parallel_loop3A_74] {strides = array<i32>} : memref<80x128xf32, #tpu.memory_space<vmem>>, vector<16xf32>,
        %parallel_loop3A_76 = arith.index_cast %parallel_loop3A_72 : i32 to index
        %parallel_loop3A_77 = arith.constant 16 : index
        %parallel_loop3A_78 = tpu.vector_load %arg14[%parallel_loop3A_76, %parallel_loop3A_77] {strides = array<i32>} : memref<80x128xf32, #tpu.memory_space<vmem>>, vector<16xf32>,
        %parallel_loop3A_79 = arith.index_cast %parallel_loop3A_72 : i32 to index
        %parallel_loop3A_80 = arith.constant 0 : index
        %parallel_loop3A_81 = tpu.vector_load %arg16[%parallel_loop3A_79, %parallel_loop3A_80] {strides = array<i32>} : memref<80x64xf32, #tpu.memory_space<vmem>>, vector<16xf32>,
        %parallel_loop3A_82 = arith.index_cast %parallel_loop3A_72 : i32 to index
        %parallel_loop3A_83 = arith.constant 16 : index
        %parallel_loop3A_84 = tpu.vector_load %arg16[%parallel_loop3A_82, %parallel_loop3A_83] {strides = array<i32>} : memref<80x64xf32, #tpu.memory_space<vmem>>, vector<16xf32>,
        %parallel_loop3A_85 = arith.mulf %parallel_loop3A_75, %parallel_loop3A_81 : vector<16xf32>
        %parallel_loop3A_86 = arith.mulf %parallel_loop3A_78, %parallel_loop3A_84 : vector<16xf32>
        %parallel_loop3A_87 = arith.addf %parallel_loop3A_85, %parallel_loop3A_86 : vector<16xf32>
        %parallel_loop3A_88 = arith.constant true
        %parallel_loop3A_89 = vector.broadcast %parallel_loop3A_88 : i1 to vector<16xi1>
        %parallel_loop3A_90 = tpu.scan <sum>, %parallel_loop3A_87 masked %parallel_loop3A_89 : vector<16xf32>, vector<16xi1> -> vector<16xf32>
        %parallel_loop3A_91 = vector.extract %parallel_loop3A_90[15] : f32 from vector<16xf32>
        %parallel_loop3A_92 = vector.broadcast %parallel_loop3A_91 : f32 to vector<16xf32>
        %parallel_loop3A_93 = math.exp %parallel_loop3A_92 : vector<16xf32>
        %parallel_loop3A_94 = arith.index_cast %parallel_loop3A_72 : i32 to index
        %parallel_loop3A_95 = arith.constant 64 : index
        %parallel_loop3A_96 = tpu.vector_load %arg14[%parallel_loop3A_94, %parallel_loop3A_95] {strides = array<i32>} : memref<80x128xf32, #tpu.memory_space<vmem>>, vector<16xf32>,
        %parallel_loop3A_97 = arith.index_cast %parallel_loop3A_72 : i32 to index
        %parallel_loop3A_98 = arith.constant 80 : index
        %parallel_loop3A_99 = tpu.vector_load %arg14[%parallel_loop3A_97, %parallel_loop3A_98] {strides = array<i32>} : memref<80x128xf32, #tpu.memory_space<vmem>>, vector<16xf32>,
        %parallel_loop3A_100 = arith.mulf %parallel_loop3A_93, %parallel_loop3A_96 : vector<16xf32>
        %parallel_loop3A_101 = arith.index_cast %parallel_loop3A_72 : i32 to index
        %parallel_loop3A_102 = arith.constant 0 : index
        %parallel_loop3A_103 = tpu.vector_load %arg18[%parallel_loop3A_101, %parallel_loop3A_102] {strides = array<i32>} : memref<80x64xf32, #tpu.memory_space<vmem>>, vector<16xf32>,
        tpu.vector_store %arg18[%parallel_loop3A_101, %parallel_loop3A_102], %parallel_loop3A_100 {strides = array<i32>} : memref<80x64xf32, #tpu.memory_space<vmem>>, vector<16xf32>,
        %parallel_loop3A_104 = arith.mulf %parallel_loop3A_93, %parallel_loop3A_99 : vector<16xf32>
        %parallel_loop3A_105 = arith.index_cast %parallel_loop3A_72 : i32 to index
        %parallel_loop3A_106 = arith.constant 16 : index
        %parallel_loop3A_107 = tpu.vector_load %arg18[%parallel_loop3A_105, %parallel_loop3A_106] {strides = array<i32>} : memref<80x64xf32, #tpu.memory_space<vmem>>, vector<16xf32>,
        tpu.vector_store %arg18[%parallel_loop3A_105, %parallel_loop3A_106], %parallel_loop3A_104 {strides = array<i32>} : memref<80x64xf32, #tpu.memory_space<vmem>>, vector<16xf32>,
        %parallel_loop3A_108 = arith.constant 4 : i32
        %parallel_loop3A_109 = vector.broadcast %parallel_loop3A_108 : i32 to vector<16xi32>
        %parallel_loop3A_110 = arith.divsi %iota3A, %parallel_loop3A_109 : vector<16xi32>
        %parallel_loop3A_111 = arith.constant 0 : i32
        %parallel_loop3A_112 = vector.broadcast %parallel_loop3A_111 : i32 to vector<16xi32>
        %parallel_loop3A_113 = arith.cmpi sgt, %iota3A, %parallel_loop3A_112 : vector<16xi32>
        %parallel_loop3A_114 = arith.extui %parallel_loop3A_113 : vector<16xi1> to vector<16xi32>
        %parallel_loop3A_115 = arith.constant 0 : i32
        %parallel_loop3A_116 = vector.broadcast %parallel_loop3A_115 : i32 to vector<16xi32>
        %parallel_loop3A_117 = arith.cmpi slt, %iota3A, %parallel_loop3A_116 : vector<16xi32>
        %parallel_loop3A_118 = arith.extui %parallel_loop3A_117 : vector<16xi1> to vector<16xi32>
        %parallel_loop3A_119 = arith.subi %parallel_loop3A_114, %parallel_loop3A_118 : vector<16xi32>
        %parallel_loop3A_120 = arith.constant 0 : i32
        %parallel_loop3A_121 = arith.cmpi sgt, %parallel_loop3A_108, %parallel_loop3A_120 : i32
        %parallel_loop3A_122 = arith.extui %parallel_loop3A_121 : i1 to i32
        %parallel_loop3A_123 = arith.constant 0 : i32
        %parallel_loop3A_124 = arith.cmpi slt, %parallel_loop3A_108, %parallel_loop3A_123 : i32
        %parallel_loop3A_125 = arith.extui %parallel_loop3A_124 : i1 to i32
        %parallel_loop3A_126 = arith.subi %parallel_loop3A_122, %parallel_loop3A_125 : i32
        %parallel_loop3A_127 = vector.broadcast %parallel_loop3A_126 : i32 to vector<16xi32>
        %parallel_loop3A_128 = arith.cmpi ne, %parallel_loop3A_119, %parallel_loop3A_127 : vector<16xi32>
        %parallel_loop3A_129 = vector.broadcast %parallel_loop3A_108 : i32 to vector<16xi32>
        %parallel_loop3A_130 = arith.remsi %iota3A, %parallel_loop3A_129 : vector<16xi32>
        %parallel_loop3A_131 = arith.constant 0 : i32
        %parallel_loop3A_132 = vector.broadcast %parallel_loop3A_131 : i32 to vector<16xi32>
        %parallel_loop3A_133 = arith.cmpi ne, %parallel_loop3A_130, %parallel_loop3A_132 : vector<16xi32>
        %parallel_loop3A_134 = arith.andi %parallel_loop3A_128, %parallel_loop3A_133 : vector<16xi1>
        %parallel_loop3A_135 = arith.constant 1 : i32
        %parallel_loop3A_136 = vector.broadcast %parallel_loop3A_135 : i32 to vector<16xi32>
        %parallel_loop3A_137 = arith.subi %parallel_loop3A_110, %parallel_loop3A_136 : vector<16xi32>
        %parallel_loop3A_138 = arith.select %parallel_loop3A_134, %parallel_loop3A_137, %parallel_loop3A_110 : vector<16xi1>, vector<16xi32>
        %parallel_loop3A_139 = arith.constant 2 : i32
        %parallel_loop3A_140 = arith.muli %parallel_loop3A_139, %arg0 : i32
        %parallel_loop3A_141 = arith.constant 0 : i32
        %parallel_loop3A_142 = arith.addi %parallel_loop3A_140, %parallel_loop3A_141 : i32
        %parallel_loop3A_143 = vector.broadcast %parallel_loop3A_142 : i32 to vector<16xi32>
        %parallel_loop3A_144 = arith.cmpi eq, %parallel_loop3A_138, %parallel_loop3A_143 : vector<16xi32>
        %parallel_loop3A_145 = arith.select %parallel_loop3A_144, %parallel_loop3A_93, %broadcast_in_dim3A_0 : vector<16xi1>, vector<16xf32>
        %parallel_loop3A_146 = arith.index_cast %parallel_loop3A_72 : i32 to index
        %parallel_loop3A_147 = arith.constant 32 : index
        %parallel_loop3A_148 = tpu.vector_load %arg14[%parallel_loop3A_146, %parallel_loop3A_147] {strides = array<i32>} : memref<80x128xf32, #tpu.memory_space<vmem>>, vector<16xf32>,
        %parallel_loop3A_149 = arith.index_cast %parallel_loop3A_72 : i32 to index
        %parallel_loop3A_150 = arith.constant 48 : index
        %parallel_loop3A_151 = tpu.vector_load %arg14[%parallel_loop3A_149, %parallel_loop3A_150] {strides = array<i32>} : memref<80x128xf32, #tpu.memory_space<vmem>>, vector<16xf32>,
        %parallel_loop3A_152 = arith.index_cast %parallel_loop3A_72 : i32 to index
        %parallel_loop3A_153 = arith.constant 32 : index
        %parallel_loop3A_154 = tpu.vector_load %arg16[%parallel_loop3A_152, %parallel_loop3A_153] {strides = array<i32>} : memref<80x64xf32, #tpu.memory_space<vmem>>, vector<16xf32>,
        %parallel_loop3A_155 = arith.index_cast %parallel_loop3A_72 : i32 to index
        %parallel_loop3A_156 = arith.constant 48 : index
        %parallel_loop3A_157 = tpu.vector_load %arg16[%parallel_loop3A_155, %parallel_loop3A_156] {strides = array<i32>} : memref<80x64xf32, #tpu.memory_space<vmem>>, vector<16xf32>,
        %parallel_loop3A_158 = arith.mulf %parallel_loop3A_148, %parallel_loop3A_154 : vector<16xf32>
        %parallel_loop3A_159 = arith.mulf %parallel_loop3A_151, %parallel_loop3A_157 : vector<16xf32>
        %parallel_loop3A_160 = arith.addf %parallel_loop3A_158, %parallel_loop3A_159 : vector<16xf32>
        %parallel_loop3A_161 = arith.constant true
        %parallel_loop3A_162 = vector.broadcast %parallel_loop3A_161 : i1 to vector<16xi1>
        %parallel_loop3A_163 = tpu.scan <sum>, %parallel_loop3A_160 masked %parallel_loop3A_162 : vector<16xf32>, vector<16xi1> -> vector<16xf32>
        %parallel_loop3A_164 = vector.extract %parallel_loop3A_163[15] : f32 from vector<16xf32>
        %parallel_loop3A_165 = vector.broadcast %parallel_loop3A_164 : f32 to vector<16xf32>
        %parallel_loop3A_166 = math.exp %parallel_loop3A_165 : vector<16xf32>
        %parallel_loop3A_167 = arith.index_cast %parallel_loop3A_72 : i32 to index
        %parallel_loop3A_168 = arith.constant 96 : index
        %parallel_loop3A_169 = tpu.vector_load %arg14[%parallel_loop3A_167, %parallel_loop3A_168] {strides = array<i32>} : memref<80x128xf32, #tpu.memory_space<vmem>>, vector<16xf32>,
        %parallel_loop3A_170 = arith.index_cast %parallel_loop3A_72 : i32 to index
        %parallel_loop3A_171 = arith.constant 112 : index
        %parallel_loop3A_172 = tpu.vector_load %arg14[%parallel_loop3A_170, %parallel_loop3A_171] {strides = array<i32>} : memref<80x128xf32, #tpu.memory_space<vmem>>, vector<16xf32>,
        %parallel_loop3A_173 = arith.mulf %parallel_loop3A_166, %parallel_loop3A_169 : vector<16xf32>
        %parallel_loop3A_174 = arith.index_cast %parallel_loop3A_72 : i32 to index
        %parallel_loop3A_175 = arith.constant 32 : index
        %parallel_loop3A_176 = tpu.vector_load %arg18[%parallel_loop3A_174, %parallel_loop3A_175] {strides = array<i32>} : memref<80x64xf32, #tpu.memory_space<vmem>>, vector<16xf32>,
        tpu.vector_store %arg18[%parallel_loop3A_174, %parallel_loop3A_175], %parallel_loop3A_173 {strides = array<i32>} : memref<80x64xf32, #tpu.memory_space<vmem>>, vector<16xf32>,
        %parallel_loop3A_177 = arith.mulf %parallel_loop3A_166, %parallel_loop3A_172 : vector<16xf32>
        %parallel_loop3A_178 = arith.index_cast %parallel_loop3A_72 : i32 to index
        %parallel_loop3A_179 = arith.constant 48 : index
        %parallel_loop3A_180 = tpu.vector_load %arg18[%parallel_loop3A_178, %parallel_loop3A_179] {strides = array<i32>} : memref<80x64xf32, #tpu.memory_space<vmem>>, vector<16xf32>,
        tpu.vector_store %arg18[%parallel_loop3A_178, %parallel_loop3A_179], %parallel_loop3A_177 {strides = array<i32>} : memref<80x64xf32, #tpu.memory_space<vmem>>, vector<16xf32>,
        %parallel_loop3A_181 = arith.constant 4 : i32
        %parallel_loop3A_182 = vector.broadcast %parallel_loop3A_181 : i32 to vector<16xi32>
        %parallel_loop3A_183 = arith.divsi %iota3A, %parallel_loop3A_182 : vector<16xi32>
        %parallel_loop3A_184 = arith.constant 0 : i32
        %parallel_loop3A_185 = vector.broadcast %parallel_loop3A_184 : i32 to vector<16xi32>
        %parallel_loop3A_186 = arith.cmpi sgt, %iota3A, %parallel_loop3A_185 : vector<16xi32>
        %parallel_loop3A_187 = arith.extui %parallel_loop3A_186 : vector<16xi1> to vector<16xi32>
        %parallel_loop3A_188 = arith.constant 0 : i32
        %parallel_loop3A_189 = vector.broadcast %parallel_loop3A_188 : i32 to vector<16xi32>
        %parallel_loop3A_190 = arith.cmpi slt, %iota3A, %parallel_loop3A_189 : vector<16xi32>
        %parallel_loop3A_191 = arith.extui %parallel_loop3A_190 : vector<16xi1> to vector<16xi32>
        %parallel_loop3A_192 = arith.subi %parallel_loop3A_187, %parallel_loop3A_191 : vector<16xi32>
        %parallel_loop3A_193 = arith.constant 0 : i32
        %parallel_loop3A_194 = arith.cmpi sgt, %parallel_loop3A_181, %parallel_loop3A_193 : i32
        %parallel_loop3A_195 = arith.extui %parallel_loop3A_194 : i1 to i32
        %parallel_loop3A_196 = arith.constant 0 : i32
        %parallel_loop3A_197 = arith.cmpi slt, %parallel_loop3A_181, %parallel_loop3A_196 : i32
        %parallel_loop3A_198 = arith.extui %parallel_loop3A_197 : i1 to i32
        %parallel_loop3A_199 = arith.subi %parallel_loop3A_195, %parallel_loop3A_198 : i32
        %parallel_loop3A_200 = vector.broadcast %parallel_loop3A_199 : i32 to vector<16xi32>
        %parallel_loop3A_201 = arith.cmpi ne, %parallel_loop3A_192, %parallel_loop3A_200 : vector<16xi32>
        %parallel_loop3A_202 = vector.broadcast %parallel_loop3A_181 : i32 to vector<16xi32>
        %parallel_loop3A_203 = arith.remsi %iota3A, %parallel_loop3A_202 : vector<16xi32>
        %parallel_loop3A_204 = arith.constant 0 : i32
        %parallel_loop3A_205 = vector.broadcast %parallel_loop3A_204 : i32 to vector<16xi32>
        %parallel_loop3A_206 = arith.cmpi ne, %parallel_loop3A_203, %parallel_loop3A_205 : vector<16xi32>
        %parallel_loop3A_207 = arith.andi %parallel_loop3A_201, %parallel_loop3A_206 : vector<16xi1>
        %parallel_loop3A_208 = arith.constant 1 : i32
        %parallel_loop3A_209 = vector.broadcast %parallel_loop3A_208 : i32 to vector<16xi32>
        %parallel_loop3A_210 = arith.subi %parallel_loop3A_183, %parallel_loop3A_209 : vector<16xi32>
        %parallel_loop3A_211 = arith.select %parallel_loop3A_207, %parallel_loop3A_210, %parallel_loop3A_183 : vector<16xi1>, vector<16xi32>
        %parallel_loop3A_212 = arith.constant 2 : i32
        %parallel_loop3A_213 = arith.muli %parallel_loop3A_212, %arg0 : i32
        %parallel_loop3A_214 = arith.constant 1 : i32
        %parallel_loop3A_215 = arith.addi %parallel_loop3A_213, %parallel_loop3A_214 : i32
        %parallel_loop3A_216 = vector.broadcast %parallel_loop3A_215 : i32 to vector<16xi32>
        %parallel_loop3A_217 = arith.cmpi eq, %parallel_loop3A_211, %parallel_loop3A_216 : vector<16xi32>
        %parallel_loop3A_218 = arith.select %parallel_loop3A_217, %parallel_loop3A_166, %parallel_loop3A_145 : vector<16xi1>, vector<16xf32>
        %parallel_loop3A_219 = arith.index_cast %parallel_loop3A_72 : i32 to index
        %parallel_loop3A_220 = arith.constant 0 : index
        %parallel_loop3A_221 = tpu.vector_load %arg19[%parallel_loop3A_219, %parallel_loop3A_220] {strides = array<i32>} : memref<80x16xf32, #tpu.memory_space<vmem>>, vector<16xf32>,
        tpu.vector_store %arg19[%parallel_loop3A_219, %parallel_loop3A_220], %parallel_loop3A_218 {strides = array<i32>} : memref<80x16xf32, #tpu.memory_space<vmem>>, vector<16xf32>,
      } {sc.loop_unroll_factor = 8 : i64, sc.parallel_access}
      "tpu.region"() ({
        %run_scoped3A = tpu.sem_alloc : memref<!tpu.dma_semaphore, #tpu.memory_space<semaphore_mem>>
        %dma_start3A = arith.constant 0 : i32
        %dma_start3A_72 = arith.constant 0 : i32
        %dma_start3A_73 = tpu.memref_slice %arg20[%dma_start3A, %dma_start3A_72] : memref<10000x64xf32, #tpu.memory_space<vmem_shared>> -> memref<10000x64xf32, #tpu.memory_space<vmem_shared>>
        tpu.enqueue_indirect_dma source(%arg18 : memref<80x64xf32, #tpu.memory_space<vmem>>) target(%dma_start3A_73 : memref<10000x64xf32, #tpu.memory_space<vmem_shared>>) offsets(%arg12 : memref<80xi32, #tpu.memory_space<vmem>>) semaphore(%run_scoped3A : memref<!tpu.dma_semaphore, #tpu.memory_space<semaphore_mem>>) {add = true}
        %dma_wait3A_74 = arith.constant 0 : i32
        %dma_wait3A_75 = arith.constant 0 : i32
        %dma_wait3A_76 = tpu.memref_slice %arg20[%dma_wait3A_74, %dma_wait3A_75] : memref<10000x64xf32, #tpu.memory_space<vmem_shared>> -> memref<10000x64xf32, #tpu.memory_space<vmem_shared>>
        tpu.wait_indirect_dma semaphore(%run_scoped3A : memref<!tpu.dma_semaphore, #tpu.memory_space<semaphore_mem>>) src(%arg18 : memref<80x64xf32, #tpu.memory_space<vmem>>) dst(%dma_wait3A_76 : memref<10000x64xf32, #tpu.memory_space<vmem_shared>>)
        tpu.yield
      }) : () -> ()
      "tpu.region"() ({
        %run_scoped3A = tpu.sem_alloc : memref<!tpu.dma_semaphore, #tpu.memory_space<semaphore_mem>>
        %dma_start3A = arith.constant 0 : i32
        %dma_start3A_72 = arith.constant 0 : i32
        %dma_start3A_73 = tpu.memref_slice %arg21[%dma_start3A, %dma_start3A_72] : memref<10000x16xf32, #tpu.memory_space<vmem_shared>> -> memref<10000x16xf32, #tpu.memory_space<vmem_shared>>
        tpu.enqueue_indirect_dma source(%arg19 : memref<80x16xf32, #tpu.memory_space<vmem>>) target(%dma_start3A_73 : memref<10000x16xf32, #tpu.memory_space<vmem_shared>>) offsets(%arg12 : memref<80xi32, #tpu.memory_space<vmem>>) semaphore(%run_scoped3A : memref<!tpu.dma_semaphore, #tpu.memory_space<semaphore_mem>>) {add = true}
        %dma_wait3A_74 = arith.constant 0 : i32
        %dma_wait3A_75 = arith.constant 0 : i32
        %dma_wait3A_76 = tpu.memref_slice %arg21[%dma_wait3A_74, %dma_wait3A_75] : memref<10000x16xf32, #tpu.memory_space<vmem_shared>> -> memref<10000x16xf32, #tpu.memory_space<vmem_shared>>
        tpu.wait_indirect_dma semaphore(%run_scoped3A : memref<!tpu.dma_semaphore, #tpu.memory_space<semaphore_mem>>) src(%arg19 : memref<80x16xf32, #tpu.memory_space<vmem>>) dst(%dma_wait3A_76 : memref<10000x16xf32, #tpu.memory_space<vmem_shared>>)
        tpu.yield
      }) : () -> ()
      %add3A_57 = arith.constant 2 : i32
      %add3A_58 = arith.addi %mul3A_32, %add3A_57 : i32
      %lt3A = arith.constant 250 : i32
      %lt3A_59 = arith.cmpi slt, %add3A_58, %lt3A : i32
      %convert_element_type3A_60 = arith.extui %lt3A_59 : i1 to i32
      %cond3A_61 = arith.constant 0 : i32
      %cond3A_62 = arith.cmpi ne, %convert_element_type3A_60, %cond3A_61 : i32
      scf.if %cond3A_62 {
        %add3A_72 = arith.constant 2 : i32
        %add3A_73 = arith.addi %mul3A_32, %add3A_72 : i32
        %mul3A_74 = arith.constant 20000 : i32
        %mul3A_75 = arith.muli %arg1, %mul3A_74 : i32
        %mul3A_76 = arith.constant 80 : i32
        %mul3A_77 = arith.muli %add3A_73, %mul3A_76 : i32
        %add3A_78 = arith.addi %mul3A_75, %mul3A_77 : i32
        "tpu.region"() ({
          %run_scoped3A = tpu.sem_alloc : memref<!tpu.dma_semaphore, #tpu.memory_space<semaphore_mem>>
          %dma_start3A = tpu.memref_slice %arg6[%add3A_78] : memref<320000xi32, #tpu.memory_space<hbm>> -> memref<80xi32, #tpu.memory_space<hbm>>
          %dma_start3A_89 = tpu.memref_slice %arg6[%add3A_78] : memref<320000xi32, #tpu.memory_space<hbm>> -> memref<80xi32, #tpu.memory_space<hbm>>
          tpu.enqueue_dma source(%dma_start3A_89 : memref<80xi32, #tpu.memory_space<hbm>>) target(%arg10 : memref<80xi32, #tpu.memory_space<vmem>>) target_semaphore(%run_scoped3A : memref<!tpu.dma_semaphore, #tpu.memory_space<semaphore_mem>>)
          %dma_wait3A_90 = tpu.memref_slice %arg6[%add3A_78] : memref<320000xi32, #tpu.memory_space<hbm>> -> memref<80xi32, #tpu.memory_space<hbm>>
          %dma_wait3A_91 = tpu.memref_slice %arg6[%add3A_78] : memref<320000xi32, #tpu.memory_space<hbm>> -> memref<80xi32, #tpu.memory_space<hbm>>
          tpu.wait_dma2 semaphore(%run_scoped3A : memref<!tpu.dma_semaphore, #tpu.memory_space<semaphore_mem>>) src(%dma_wait3A_91 : memref<80xi32, #tpu.memory_space<hbm>>) dst(%arg10 : memref<80xi32, #tpu.memory_space<vmem>>)
          tpu.yield
        }) : () -> ()
        "tpu.region"() ({
          %run_scoped3A = tpu.sem_alloc : memref<!tpu.dma_semaphore, #tpu.memory_space<semaphore_mem>>
          %dma_start3A = tpu.memref_slice %arg7[%add3A_78] : memref<320000xi32, #tpu.memory_space<hbm>> -> memref<80xi32, #tpu.memory_space<hbm>>
          %dma_start3A_89 = tpu.memref_slice %arg7[%add3A_78] : memref<320000xi32, #tpu.memory_space<hbm>> -> memref<80xi32, #tpu.memory_space<hbm>>
          tpu.enqueue_dma source(%dma_start3A_89 : memref<80xi32, #tpu.memory_space<hbm>>) target(%arg12 : memref<80xi32, #tpu.memory_space<vmem>>) target_semaphore(%run_scoped3A : memref<!tpu.dma_semaphore, #tpu.memory_space<semaphore_mem>>)
          %dma_wait3A_90 = tpu.memref_slice %arg7[%add3A_78] : memref<320000xi32, #tpu.memory_space<hbm>> -> memref<80xi32, #tpu.memory_space<hbm>>
          %dma_wait3A_91 = tpu.memref_slice %arg7[%add3A_78] : memref<320000xi32, #tpu.memory_space<hbm>> -> memref<80xi32, #tpu.memory_space<hbm>>
          tpu.wait_dma2 semaphore(%run_scoped3A : memref<!tpu.dma_semaphore, #tpu.memory_space<semaphore_mem>>) src(%dma_wait3A_91 : memref<80xi32, #tpu.memory_space<hbm>>) dst(%arg12 : memref<80xi32, #tpu.memory_space<vmem>>)
          tpu.yield
        }) : () -> ()
        %eq3A_79 = arith.constant 0 : i32
        %eq3A_80 = arith.cmpi eq, %arg0, %eq3A_79 : i32
        %convert_element_type3A_81 = arith.extui %eq3A_80 : i1 to i32
        %cond3A_82 = arith.constant 0 : i32
        %cond3A_83 = arith.cmpi ne, %convert_element_type3A_81, %cond3A_82 : i32
        scf.if %cond3A_83 {
          %dma_start3A = arith.constant 0 : i32
          %dma_start3A_89 = arith.constant 0 : i32
          %dma_start3A_90 = tpu.memref_slice %arg2[%dma_start3A, %dma_start3A_89] : memref<10000x128xf32, #tpu.memory_space<hbm>> -> memref<10000x128xf32, #tpu.memory_space<hbm>>
          tpu.enqueue_indirect_dma source(%dma_start3A_90 : memref<10000x128xf32, #tpu.memory_space<hbm>>) target(%arg14 : memref<80x128xf32, #tpu.memory_space<vmem>>) offsets(%arg10 : memref<80xi32, #tpu.memory_space<vmem>>) semaphore(%arg22 : memref<!tpu.dma_semaphore, #tpu.memory_space<semaphore_mem>>)
          %dma_start3A_91 = arith.constant 0 : i32
          %dma_start3A_92 = arith.constant 0 : i32
          %dma_start3A_93 = tpu.memref_slice %arg4[%dma_start3A_91, %dma_start3A_92] : memref<10000x64xf32, #tpu.memory_space<hbm>> -> memref<10000x64xf32, #tpu.memory_space<hbm>>
          tpu.enqueue_indirect_dma source(%dma_start3A_93 : memref<10000x64xf32, #tpu.memory_space<hbm>>) target(%arg16 : memref<80x64xf32, #tpu.memory_space<vmem>>) offsets(%arg12 : memref<80xi32, #tpu.memory_space<vmem>>) semaphore(%arg24 : memref<!tpu.dma_semaphore, #tpu.memory_space<semaphore_mem>>)
        } else {
        }
        %eq3A_84 = arith.constant 1 : i32
        %eq3A_85 = arith.cmpi eq, %arg0, %eq3A_84 : i32
        %convert_element_type3A_86 = arith.extui %eq3A_85 : i1 to i32
        %cond3A_87 = arith.constant 0 : i32
        %cond3A_88 = arith.cmpi ne, %convert_element_type3A_86, %cond3A_87 : i32
        scf.if %cond3A_88 {
          %dma_start3A = arith.constant 0 : i32
          %dma_start3A_89 = arith.constant 0 : i32
          %dma_start3A_90 = tpu.memref_slice %arg3[%dma_start3A, %dma_start3A_89] : memref<10000x128xf32, #tpu.memory_space<hbm>> -> memref<10000x128xf32, #tpu.memory_space<hbm>>
          tpu.enqueue_indirect_dma source(%dma_start3A_90 : memref<10000x128xf32, #tpu.memory_space<hbm>>) target(%arg14 : memref<80x128xf32, #tpu.memory_space<vmem>>) offsets(%arg10 : memref<80xi32, #tpu.memory_space<vmem>>) semaphore(%arg22 : memref<!tpu.dma_semaphore, #tpu.memory_space<semaphore_mem>>)
          %dma_start3A_91 = arith.constant 0 : i32
          %dma_start3A_92 = arith.constant 0 : i32
          %dma_start3A_93 = tpu.memref_slice %arg5[%dma_start3A_91, %dma_start3A_92] : memref<10000x64xf32, #tpu.memory_space<hbm>> -> memref<10000x64xf32, #tpu.memory_space<hbm>>
          tpu.enqueue_indirect_dma source(%dma_start3A_93 : memref<10000x64xf32, #tpu.memory_space<hbm>>) target(%arg16 : memref<80x64xf32, #tpu.memory_space<vmem>>) offsets(%arg12 : memref<80xi32, #tpu.memory_space<vmem>>) semaphore(%arg24 : memref<!tpu.dma_semaphore, #tpu.memory_space<semaphore_mem>>)
        } else {
        }
      } else {
      }
      %dma_wait3A_63 = arith.constant 0 : i32
      %dma_wait3A_64 = arith.constant 0 : i32
      %dma_wait3A_65 = tpu.memref_slice %arg2[%dma_wait3A_63, %dma_wait3A_64] : memref<10000x128xf32, #tpu.memory_space<hbm>> -> memref<10000x128xf32, #tpu.memory_space<hbm>>
      tpu.wait_indirect_dma semaphore(%arg23 : memref<!tpu.dma_semaphore, #tpu.memory_space<semaphore_mem>>) src(%dma_wait3A_65 : memref<10000x128xf32, #tpu.memory_space<hbm>>) dst(%arg15 : memref<80x128xf32, #tpu.memory_space<vmem>>)
      %dma_wait3A_66 = arith.constant 0 : i32
      %dma_wait3A_67 = arith.constant 0 : i32
      %dma_wait3A_68 = tpu.memref_slice %arg4[%dma_wait3A_66, %dma_wait3A_67] : memref<10000x64xf32, #tpu.memory_space<hbm>> -> memref<10000x64xf32, #tpu.memory_space<hbm>>
      tpu.wait_indirect_dma semaphore(%arg25 : memref<!tpu.dma_semaphore, #tpu.memory_space<semaphore_mem>>) src(%dma_wait3A_68 : memref<10000x64xf32, #tpu.memory_space<hbm>>) dst(%arg17 : memref<80x64xf32, #tpu.memory_space<vmem>>)
      %parallel_loop3A_69 = arith.constant 0 : i32
      %parallel_loop3A_70 = arith.constant 80 : i32
      %parallel_loop3A_71 = arith.constant 1 : i32
      scf.for %parallel_loop3A_72 = %parallel_loop3A_69 to %parallel_loop3A_70 step %parallel_loop3A_71  : i32 {
        %parallel_loop3A_73 = arith.index_cast %parallel_loop3A_72 : i32 to index
        %parallel_loop3A_74 = arith.constant 0 : index
        %parallel_loop3A_75 = tpu.vector_load %arg15[%parallel_loop3A_73, %parallel_loop3A_74] {strides = array<i32>} : memref<80x128xf32, #tpu.memory_space<vmem>>, vector<16xf32>,
        %parallel_loop3A_76 = arith.index_cast %parallel_loop3A_72 : i32 to index
        %parallel_loop3A_77 = arith.constant 16 : index
        %parallel_loop3A_78 = tpu.vector_load %arg15[%parallel_loop3A_76, %parallel_loop3A_77] {strides = array<i32>} : memref<80x128xf32, #tpu.memory_space<vmem>>, vector<16xf32>,
        %parallel_loop3A_79 = arith.index_cast %parallel_loop3A_72 : i32 to index
        %parallel_loop3A_80 = arith.constant 0 : index
        %parallel_loop3A_81 = tpu.vector_load %arg17[%parallel_loop3A_79, %parallel_loop3A_80] {strides = array<i32>} : memref<80x64xf32, #tpu.memory_space<vmem>>, vector<16xf32>,
        %parallel_loop3A_82 = arith.index_cast %parallel_loop3A_72 : i32 to index
        %parallel_loop3A_83 = arith.constant 16 : index
        %parallel_loop3A_84 = tpu.vector_load %arg17[%parallel_loop3A_82, %parallel_loop3A_83] {strides = array<i32>} : memref<80x64xf32, #tpu.memory_space<vmem>>, vector<16xf32>,
        %parallel_loop3A_85 = arith.mulf %parallel_loop3A_75, %parallel_loop3A_81 : vector<16xf32>
        %parallel_loop3A_86 = arith.mulf %parallel_loop3A_78, %parallel_loop3A_84 : vector<16xf32>
        %parallel_loop3A_87 = arith.addf %parallel_loop3A_85, %parallel_loop3A_86 : vector<16xf32>
        %parallel_loop3A_88 = arith.constant true
        %parallel_loop3A_89 = vector.broadcast %parallel_loop3A_88 : i1 to vector<16xi1>
        %parallel_loop3A_90 = tpu.scan <sum>, %parallel_loop3A_87 masked %parallel_loop3A_89 : vector<16xf32>, vector<16xi1> -> vector<16xf32>
        %parallel_loop3A_91 = vector.extract %parallel_loop3A_90[15] : f32 from vector<16xf32>
        %parallel_loop3A_92 = vector.broadcast %parallel_loop3A_91 : f32 to vector<16xf32>
        %parallel_loop3A_93 = math.exp %parallel_loop3A_92 : vector<16xf32>
        %parallel_loop3A_94 = arith.index_cast %parallel_loop3A_72 : i32 to index
        %parallel_loop3A_95 = arith.constant 64 : index
        %parallel_loop3A_96 = tpu.vector_load %arg15[%parallel_loop3A_94, %parallel_loop3A_95] {strides = array<i32>} : memref<80x128xf32, #tpu.memory_space<vmem>>, vector<16xf32>,
        %parallel_loop3A_97 = arith.index_cast %parallel_loop3A_72 : i32 to index
        %parallel_loop3A_98 = arith.constant 80 : index
        %parallel_loop3A_99 = tpu.vector_load %arg15[%parallel_loop3A_97, %parallel_loop3A_98] {strides = array<i32>} : memref<80x128xf32, #tpu.memory_space<vmem>>, vector<16xf32>,
        %parallel_loop3A_100 = arith.mulf %parallel_loop3A_93, %parallel_loop3A_96 : vector<16xf32>
        %parallel_loop3A_101 = arith.index_cast %parallel_loop3A_72 : i32 to index
        %parallel_loop3A_102 = arith.constant 0 : index
        %parallel_loop3A_103 = tpu.vector_load %arg18[%parallel_loop3A_101, %parallel_loop3A_102] {strides = array<i32>} : memref<80x64xf32, #tpu.memory_space<vmem>>, vector<16xf32>,
        tpu.vector_store %arg18[%parallel_loop3A_101, %parallel_loop3A_102], %parallel_loop3A_100 {strides = array<i32>} : memref<80x64xf32, #tpu.memory_space<vmem>>, vector<16xf32>,
        %parallel_loop3A_104 = arith.mulf %parallel_loop3A_93, %parallel_loop3A_99 : vector<16xf32>
        %parallel_loop3A_105 = arith.index_cast %parallel_loop3A_72 : i32 to index
        %parallel_loop3A_106 = arith.constant 16 : index
        %parallel_loop3A_107 = tpu.vector_load %arg18[%parallel_loop3A_105, %parallel_loop3A_106] {strides = array<i32>} : memref<80x64xf32, #tpu.memory_space<vmem>>, vector<16xf32>,
        tpu.vector_store %arg18[%parallel_loop3A_105, %parallel_loop3A_106], %parallel_loop3A_104 {strides = array<i32>} : memref<80x64xf32, #tpu.memory_space<vmem>>, vector<16xf32>,
        %parallel_loop3A_108 = arith.constant 4 : i32
        %parallel_loop3A_109 = vector.broadcast %parallel_loop3A_108 : i32 to vector<16xi32>
        %parallel_loop3A_110 = arith.divsi %iota3A, %parallel_loop3A_109 : vector<16xi32>
        %parallel_loop3A_111 = arith.constant 0 : i32
        %parallel_loop3A_112 = vector.broadcast %parallel_loop3A_111 : i32 to vector<16xi32>
        %parallel_loop3A_113 = arith.cmpi sgt, %iota3A, %parallel_loop3A_112 : vector<16xi32>
        %parallel_loop3A_114 = arith.extui %parallel_loop3A_113 : vector<16xi1> to vector<16xi32>
        %parallel_loop3A_115 = arith.constant 0 : i32
        %parallel_loop3A_116 = vector.broadcast %parallel_loop3A_115 : i32 to vector<16xi32>
        %parallel_loop3A_117 = arith.cmpi slt, %iota3A, %parallel_loop3A_116 : vector<16xi32>
        %parallel_loop3A_118 = arith.extui %parallel_loop3A_117 : vector<16xi1> to vector<16xi32>
        %parallel_loop3A_119 = arith.subi %parallel_loop3A_114, %parallel_loop3A_118 : vector<16xi32>
        %parallel_loop3A_120 = arith.constant 0 : i32
        %parallel_loop3A_121 = arith.cmpi sgt, %parallel_loop3A_108, %parallel_loop3A_120 : i32
        %parallel_loop3A_122 = arith.extui %parallel_loop3A_121 : i1 to i32
        %parallel_loop3A_123 = arith.constant 0 : i32
        %parallel_loop3A_124 = arith.cmpi slt, %parallel_loop3A_108, %parallel_loop3A_123 : i32
        %parallel_loop3A_125 = arith.extui %parallel_loop3A_124 : i1 to i32
        %parallel_loop3A_126 = arith.subi %parallel_loop3A_122, %parallel_loop3A_125 : i32
        %parallel_loop3A_127 = vector.broadcast %parallel_loop3A_126 : i32 to vector<16xi32>
        %parallel_loop3A_128 = arith.cmpi ne, %parallel_loop3A_119, %parallel_loop3A_127 : vector<16xi32>
        %parallel_loop3A_129 = vector.broadcast %parallel_loop3A_108 : i32 to vector<16xi32>
        %parallel_loop3A_130 = arith.remsi %iota3A, %parallel_loop3A_129 : vector<16xi32>
        %parallel_loop3A_131 = arith.constant 0 : i32
        %parallel_loop3A_132 = vector.broadcast %parallel_loop3A_131 : i32 to vector<16xi32>
        %parallel_loop3A_133 = arith.cmpi ne, %parallel_loop3A_130, %parallel_loop3A_132 : vector<16xi32>
        %parallel_loop3A_134 = arith.andi %parallel_loop3A_128, %parallel_loop3A_133 : vector<16xi1>
        %parallel_loop3A_135 = arith.constant 1 : i32
        %parallel_loop3A_136 = vector.broadcast %parallel_loop3A_135 : i32 to vector<16xi32>
        %parallel_loop3A_137 = arith.subi %parallel_loop3A_110, %parallel_loop3A_136 : vector<16xi32>
        %parallel_loop3A_138 = arith.select %parallel_loop3A_134, %parallel_loop3A_137, %parallel_loop3A_110 : vector<16xi1>, vector<16xi32>
        %parallel_loop3A_139 = arith.constant 2 : i32
        %parallel_loop3A_140 = arith.muli %parallel_loop3A_139, %arg0 : i32
        %parallel_loop3A_141 = arith.constant 0 : i32
        %parallel_loop3A_142 = arith.addi %parallel_loop3A_140, %parallel_loop3A_141 : i32
        %parallel_loop3A_143 = vector.broadcast %parallel_loop3A_142 : i32 to vector<16xi32>
        %parallel_loop3A_144 = arith.cmpi eq, %parallel_loop3A_138, %parallel_loop3A_143 : vector<16xi32>
        %parallel_loop3A_145 = arith.select %parallel_loop3A_144, %parallel_loop3A_93, %broadcast_in_dim3A_0 : vector<16xi1>, vector<16xf32>
        %parallel_loop3A_146 = arith.index_cast %parallel_loop3A_72 : i32 to index
        %parallel_loop3A_147 = arith.constant 32 : index
        %parallel_loop3A_148 = tpu.vector_load %arg15[%parallel_loop3A_146, %parallel_loop3A_147] {strides = array<i32>} : memref<80x128xf32, #tpu.memory_space<vmem>>, vector<16xf32>,
        %parallel_loop3A_149 = arith.index_cast %parallel_loop3A_72 : i32 to index
        %parallel_loop3A_150 = arith.constant 48 : index
        %parallel_loop3A_151 = tpu.vector_load %arg15[%parallel_loop3A_149, %parallel_loop3A_150] {strides = array<i32>} : memref<80x128xf32, #tpu.memory_space<vmem>>, vector<16xf32>,
        %parallel_loop3A_152 = arith.index_cast %parallel_loop3A_72 : i32 to index
        %parallel_loop3A_153 = arith.constant 32 : index
        %parallel_loop3A_154 = tpu.vector_load %arg17[%parallel_loop3A_152, %parallel_loop3A_153] {strides = array<i32>} : memref<80x64xf32, #tpu.memory_space<vmem>>, vector<16xf32>,
        %parallel_loop3A_155 = arith.index_cast %parallel_loop3A_72 : i32 to index
        %parallel_loop3A_156 = arith.constant 48 : index
        %parallel_loop3A_157 = tpu.vector_load %arg17[%parallel_loop3A_155, %parallel_loop3A_156] {strides = array<i32>} : memref<80x64xf32, #tpu.memory_space<vmem>>, vector<16xf32>,
        %parallel_loop3A_158 = arith.mulf %parallel_loop3A_148, %parallel_loop3A_154 : vector<16xf32>
        %parallel_loop3A_159 = arith.mulf %parallel_loop3A_151, %parallel_loop3A_157 : vector<16xf32>
        %parallel_loop3A_160 = arith.addf %parallel_loop3A_158, %parallel_loop3A_159 : vector<16xf32>
        %parallel_loop3A_161 = arith.constant true
        %parallel_loop3A_162 = vector.broadcast %parallel_loop3A_161 : i1 to vector<16xi1>
        %parallel_loop3A_163 = tpu.scan <sum>, %parallel_loop3A_160 masked %parallel_loop3A_162 : vector<16xf32>, vector<16xi1> -> vector<16xf32>
        %parallel_loop3A_164 = vector.extract %parallel_loop3A_163[15] : f32 from vector<16xf32>
        %parallel_loop3A_165 = vector.broadcast %parallel_loop3A_164 : f32 to vector<16xf32>
        %parallel_loop3A_166 = math.exp %parallel_loop3A_165 : vector<16xf32>
        %parallel_loop3A_167 = arith.index_cast %parallel_loop3A_72 : i32 to index
        %parallel_loop3A_168 = arith.constant 96 : index
        %parallel_loop3A_169 = tpu.vector_load %arg15[%parallel_loop3A_167, %parallel_loop3A_168] {strides = array<i32>} : memref<80x128xf32, #tpu.memory_space<vmem>>, vector<16xf32>,
        %parallel_loop3A_170 = arith.index_cast %parallel_loop3A_72 : i32 to index
        %parallel_loop3A_171 = arith.constant 112 : index
        %parallel_loop3A_172 = tpu.vector_load %arg15[%parallel_loop3A_170, %parallel_loop3A_171] {strides = array<i32>} : memref<80x128xf32, #tpu.memory_space<vmem>>, vector<16xf32>,
        %parallel_loop3A_173 = arith.mulf %parallel_loop3A_166, %parallel_loop3A_169 : vector<16xf32>
        %parallel_loop3A_174 = arith.index_cast %parallel_loop3A_72 : i32 to index
        %parallel_loop3A_175 = arith.constant 32 : index
        %parallel_loop3A_176 = tpu.vector_load %arg18[%parallel_loop3A_174, %parallel_loop3A_175] {strides = array<i32>} : memref<80x64xf32, #tpu.memory_space<vmem>>, vector<16xf32>,
        tpu.vector_store %arg18[%parallel_loop3A_174, %parallel_loop3A_175], %parallel_loop3A_173 {strides = array<i32>} : memref<80x64xf32, #tpu.memory_space<vmem>>, vector<16xf32>,
        %parallel_loop3A_177 = arith.mulf %parallel_loop3A_166, %parallel_loop3A_172 : vector<16xf32>
        %parallel_loop3A_178 = arith.index_cast %parallel_loop3A_72 : i32 to index
        %parallel_loop3A_179 = arith.constant 48 : index
        %parallel_loop3A_180 = tpu.vector_load %arg18[%parallel_loop3A_178, %parallel_loop3A_179] {strides = array<i32>} : memref<80x64xf32, #tpu.memory_space<vmem>>, vector<16xf32>,
        tpu.vector_store %arg18[%parallel_loop3A_178, %parallel_loop3A_179], %parallel_loop3A_177 {strides = array<i32>} : memref<80x64xf32, #tpu.memory_space<vmem>>, vector<16xf32>,
        %parallel_loop3A_181 = arith.constant 4 : i32
        %parallel_loop3A_182 = vector.broadcast %parallel_loop3A_181 : i32 to vector<16xi32>
        %parallel_loop3A_183 = arith.divsi %iota3A, %parallel_loop3A_182 : vector<16xi32>
        %parallel_loop3A_184 = arith.constant 0 : i32
        %parallel_loop3A_185 = vector.broadcast %parallel_loop3A_184 : i32 to vector<16xi32>
        %parallel_loop3A_186 = arith.cmpi sgt, %iota3A, %parallel_loop3A_185 : vector<16xi32>
        %parallel_loop3A_187 = arith.extui %parallel_loop3A_186 : vector<16xi1> to vector<16xi32>
        %parallel_loop3A_188 = arith.constant 0 : i32
        %parallel_loop3A_189 = vector.broadcast %parallel_loop3A_188 : i32 to vector<16xi32>
        %parallel_loop3A_190 = arith.cmpi slt, %iota3A, %parallel_loop3A_189 : vector<16xi32>
        %parallel_loop3A_191 = arith.extui %parallel_loop3A_190 : vector<16xi1> to vector<16xi32>
        %parallel_loop3A_192 = arith.subi %parallel_loop3A_187, %parallel_loop3A_191 : vector<16xi32>
        %parallel_loop3A_193 = arith.constant 0 : i32
        %parallel_loop3A_194 = arith.cmpi sgt, %parallel_loop3A_181, %parallel_loop3A_193 : i32
        %parallel_loop3A_195 = arith.extui %parallel_loop3A_194 : i1 to i32
        %parallel_loop3A_196 = arith.constant 0 : i32
        %parallel_loop3A_197 = arith.cmpi slt, %parallel_loop3A_181, %parallel_loop3A_196 : i32
        %parallel_loop3A_198 = arith.extui %parallel_loop3A_197 : i1 to i32
        %parallel_loop3A_199 = arith.subi %parallel_loop3A_195, %parallel_loop3A_198 : i32
        %parallel_loop3A_200 = vector.broadcast %parallel_loop3A_199 : i32 to vector<16xi32>
        %parallel_loop3A_201 = arith.cmpi ne, %parallel_loop3A_192, %parallel_loop3A_200 : vector<16xi32>
        %parallel_loop3A_202 = vector.broadcast %parallel_loop3A_181 : i32 to vector<16xi32>
        %parallel_loop3A_203 = arith.remsi %iota3A, %parallel_loop3A_202 : vector<16xi32>
        %parallel_loop3A_204 = arith.constant 0 : i32
        %parallel_loop3A_205 = vector.broadcast %parallel_loop3A_204 : i32 to vector<16xi32>
        %parallel_loop3A_206 = arith.cmpi ne, %parallel_loop3A_203, %parallel_loop3A_205 : vector<16xi32>
        %parallel_loop3A_207 = arith.andi %parallel_loop3A_201, %parallel_loop3A_206 : vector<16xi1>
        %parallel_loop3A_208 = arith.constant 1 : i32
        %parallel_loop3A_209 = vector.broadcast %parallel_loop3A_208 : i32 to vector<16xi32>
        %parallel_loop3A_210 = arith.subi %parallel_loop3A_183, %parallel_loop3A_209 : vector<16xi32>
        %parallel_loop3A_211 = arith.select %parallel_loop3A_207, %parallel_loop3A_210, %parallel_loop3A_183 : vector<16xi1>, vector<16xi32>
        %parallel_loop3A_212 = arith.constant 2 : i32
        %parallel_loop3A_213 = arith.muli %parallel_loop3A_212, %arg0 : i32
        %parallel_loop3A_214 = arith.constant 1 : i32
        %parallel_loop3A_215 = arith.addi %parallel_loop3A_213, %parallel_loop3A_214 : i32
        %parallel_loop3A_216 = vector.broadcast %parallel_loop3A_215 : i32 to vector<16xi32>
        %parallel_loop3A_217 = arith.cmpi eq, %parallel_loop3A_211, %parallel_loop3A_216 : vector<16xi32>
        %parallel_loop3A_218 = arith.select %parallel_loop3A_217, %parallel_loop3A_166, %parallel_loop3A_145 : vector<16xi1>, vector<16xf32>
        %parallel_loop3A_219 = arith.index_cast %parallel_loop3A_72 : i32 to index
        %parallel_loop3A_220 = arith.constant 0 : index
        %parallel_loop3A_221 = tpu.vector_load %arg19[%parallel_loop3A_219, %parallel_loop3A_220] {strides = array<i32>} : memref<80x16xf32, #tpu.memory_space<vmem>>, vector<16xf32>,
        tpu.vector_store %arg19[%parallel_loop3A_219, %parallel_loop3A_220], %parallel_loop3A_218 {strides = array<i32>} : memref<80x16xf32, #tpu.memory_space<vmem>>, vector<16xf32>,
      } {sc.loop_unroll_factor = 8 : i64, sc.parallel_access}
      "tpu.region"() ({
        %run_scoped3A = tpu.sem_alloc : memref<!tpu.dma_semaphore, #tpu.memory_space<semaphore_mem>>
        %dma_start3A = arith.constant 0 : i32
        %dma_start3A_72 = arith.constant 0 : i32
        %dma_start3A_73 = tpu.memref_slice %arg20[%dma_start3A, %dma_start3A_72] : memref<10000x64xf32, #tpu.memory_space<vmem_shared>> -> memref<10000x64xf32, #tpu.memory_space<vmem_shared>>
        tpu.enqueue_indirect_dma source(%arg18 : memref<80x64xf32, #tpu.memory_space<vmem>>) target(%dma_start3A_73 : memref<10000x64xf32, #tpu.memory_space<vmem_shared>>) offsets(%arg13 : memref<80xi32, #tpu.memory_space<vmem>>) semaphore(%run_scoped3A : memref<!tpu.dma_semaphore, #tpu.memory_space<semaphore_mem>>) {add = true}
        %dma_wait3A_74 = arith.constant 0 : i32
        %dma_wait3A_75 = arith.constant 0 : i32
        %dma_wait3A_76 = tpu.memref_slice %arg20[%dma_wait3A_74, %dma_wait3A_75] : memref<10000x64xf32, #tpu.memory_space<vmem_shared>> -> memref<10000x64xf32, #tpu.memory_space<vmem_shared>>
        tpu.wait_indirect_dma semaphore(%run_scoped3A : memref<!tpu.dma_semaphore, #tpu.memory_space<semaphore_mem>>) src(%arg18 : memref<80x64xf32, #tpu.memory_space<vmem>>) dst(%dma_wait3A_76 : memref<10000x64xf32, #tpu.memory_space<vmem_shared>>)
        tpu.yield
      }) : () -> ()
      "tpu.region"() ({
        %run_scoped3A = tpu.sem_alloc : memref<!tpu.dma_semaphore, #tpu.memory_space<semaphore_mem>>
        %dma_start3A = arith.constant 0 : i32
        %dma_start3A_72 = arith.constant 0 : i32
        %dma_start3A_73 = tpu.memref_slice %arg21[%dma_start3A, %dma_start3A_72] : memref<10000x16xf32, #tpu.memory_space<vmem_shared>> -> memref<10000x16xf32, #tpu.memory_space<vmem_shared>>
        tpu.enqueue_indirect_dma source(%arg19 : memref<80x16xf32, #tpu.memory_space<vmem>>) target(%dma_start3A_73 : memref<10000x16xf32, #tpu.memory_space<vmem_shared>>) offsets(%arg13 : memref<80xi32, #tpu.memory_space<vmem>>) semaphore(%run_scoped3A : memref<!tpu.dma_semaphore, #tpu.memory_space<semaphore_mem>>) {add = true}
        %dma_wait3A_74 = arith.constant 0 : i32
        %dma_wait3A_75 = arith.constant 0 : i32
        %dma_wait3A_76 = tpu.memref_slice %arg21[%dma_wait3A_74, %dma_wait3A_75] : memref<10000x16xf32, #tpu.memory_space<vmem_shared>> -> memref<10000x16xf32, #tpu.memory_space<vmem_shared>>
        tpu.wait_indirect_dma semaphore(%run_scoped3A : memref<!tpu.dma_semaphore, #tpu.memory_space<semaphore_mem>>) src(%arg19 : memref<80x16xf32, #tpu.memory_space<vmem>>) dst(%dma_wait3A_76 : memref<10000x16xf32, #tpu.memory_space<vmem_shared>>)
        tpu.yield
      }) : () -> ()
    }
    %scan3A_28 = arith.constant 125 : i32
    %barrier3A_29 = arith.constant 0 : index
    tpu.barrier barrier_id(%barrier3A_29)
    "tpu.region"() ({
      %run_scoped3A = tpu.sem_alloc : memref<!tpu.dma_semaphore, #tpu.memory_space<semaphore_mem>>
      %dma_start3A = arith.constant 0 : i32
      %dma_start3A_30 = tpu.memref_slice %arg8[%arg0, %mul3A_6, %dma_start3A] : memref<2x10000x64xf32, #tpu.memory_space<hbm>> -> memref<1x640x64xf32, #tpu.memory_space<hbm>>
      %dma_start3A_31 = tpu.memref_squeeze %dma_start3A_30 : memref<1x640x64xf32, #tpu.memory_space<hbm>> -> memref<640x64xf32, #tpu.memory_space<hbm>>
      %dma_start3A_32 = arith.constant 0 : i32
      %dma_start3A_33 = tpu.memref_slice %arg20[%mul3A_6, %dma_start3A_32] : memref<10000x64xf32, #tpu.memory_space<vmem_shared>> -> memref<640x64xf32, #tpu.memory_space<vmem_shared>>
      tpu.enqueue_dma source(%dma_start3A_33 : memref<640x64xf32, #tpu.memory_space<vmem_shared>>) target(%dma_start3A_31 : memref<640x64xf32, #tpu.memory_space<hbm>>) target_semaphore(%run_scoped3A : memref<!tpu.dma_semaphore, #tpu.memory_space<semaphore_mem>>)
      %dma_wait3A = arith.constant 0 : i32
      %dma_wait3A_34 = tpu.memref_slice %arg8[%arg0, %mul3A_6, %dma_wait3A] : memref<2x10000x64xf32, #tpu.memory_space<hbm>> -> memref<1x640x64xf32, #tpu.memory_space<hbm>>
      %dma_wait3A_35 = tpu.memref_squeeze %dma_wait3A_34 : memref<1x640x64xf32, #tpu.memory_space<hbm>> -> memref<640x64xf32, #tpu.memory_space<hbm>>
      %dma_wait3A_36 = arith.constant 0 : i32
      %dma_wait3A_37 = tpu.memref_slice %arg20[%mul3A_6, %dma_wait3A_36] : memref<10000x64xf32, #tpu.memory_space<vmem_shared>> -> memref<640x64xf32, #tpu.memory_space<vmem_shared>>
      tpu.wait_dma2 semaphore(%run_scoped3A : memref<!tpu.dma_semaphore, #tpu.memory_space<semaphore_mem>>) src(%dma_wait3A_37 : memref<640x64xf32, #tpu.memory_space<vmem_shared>>) dst(%dma_wait3A_35 : memref<640x64xf32, #tpu.memory_space<hbm>>)
      tpu.yield
    }) : () -> ()
    "tpu.region"() ({
      %run_scoped3A = tpu.sem_alloc : memref<!tpu.dma_semaphore, #tpu.memory_space<semaphore_mem>>
      %dma_start3A = arith.constant 0 : i32
      %dma_start3A_30 = tpu.memref_slice %arg9[%arg0, %mul3A_6, %dma_start3A] : memref<2x10000x16xf32, #tpu.memory_space<hbm>> -> memref<1x640x16xf32, #tpu.memory_space<hbm>>
      %dma_start3A_31 = tpu.memref_squeeze %dma_start3A_30 : memref<1x640x16xf32, #tpu.memory_space<hbm>> -> memref<640x16xf32, #tpu.memory_space<hbm>>
      %dma_start3A_32 = arith.constant 0 : i32
      %dma_start3A_33 = tpu.memref_slice %arg21[%mul3A_6, %dma_start3A_32] : memref<10000x16xf32, #tpu.memory_space<vmem_shared>> -> memref<640x16xf32, #tpu.memory_space<vmem_shared>>
      tpu.enqueue_dma source(%dma_start3A_33 : memref<640x16xf32, #tpu.memory_space<vmem_shared>>) target(%dma_start3A_31 : memref<640x16xf32, #tpu.memory_space<hbm>>) target_semaphore(%run_scoped3A : memref<!tpu.dma_semaphore, #tpu.memory_space<semaphore_mem>>)
      %dma_wait3A = arith.constant 0 : i32
      %dma_wait3A_34 = tpu.memref_slice %arg9[%arg0, %mul3A_6, %dma_wait3A] : memref<2x10000x16xf32, #tpu.memory_space<hbm>> -> memref<1x640x16xf32, #tpu.memory_space<hbm>>
      %dma_wait3A_35 = tpu.memref_squeeze %dma_wait3A_34 : memref<1x640x16xf32, #tpu.memory_space<hbm>> -> memref<640x16xf32, #tpu.memory_space<hbm>>
      %dma_wait3A_36 = arith.constant 0 : i32
      %dma_wait3A_37 = tpu.memref_slice %arg21[%mul3A_6, %dma_wait3A_36] : memref<10000x16xf32, #tpu.memory_space<vmem_shared>> -> memref<640x16xf32, #tpu.memory_space<vmem_shared>>
      tpu.wait_dma2 semaphore(%run_scoped3A : memref<!tpu.dma_semaphore, #tpu.memory_space<semaphore_mem>>) src(%dma_wait3A_37 : memref<640x16xf32, #tpu.memory_space<vmem_shared>>) dst(%dma_wait3A_35 : memref<640x16xf32, #tpu.memory_space<hbm>>)
      tpu.yield
    }) : () -> ()
    return
  }
}

#map = affine_map<(d0, d1) -> (0, 0)>
#map1 = affine_map<(d0, d1) -> (0)>
#map2 = affine_map<(d0, d1) -> (0, 0, 0)>
module attributes {stable_mosaic.version = 14 : i64} {
  func.func @_sc_edge_body(%arg0: i32, %arg1: i32, %arg2: memref<10000x128xf32, #tpu.memory_space<hbm>>, %arg3: memref<10000x128xf32, #tpu.memory_space<hbm>>, %arg4: memref<10000x64xf32, #tpu.memory_space<hbm>>, %arg5: memref<10000x64xf32, #tpu.memory_space<hbm>>, %arg6: memref<320000xi32, #tpu.memory_space<hbm>>, %arg7: memref<320000xi32, #tpu.memory_space<hbm>>, %arg8: memref<2x10000x64xf32, #tpu.memory_space<hbm>>, %arg9: memref<2x10000x16xf32, #tpu.memory_space<hbm>>, %arg10: memref<80xi32, #tpu.memory_space<vmem>>, %arg11: memref<80xi32, #tpu.memory_space<vmem>>, %arg12: memref<80xi32, #tpu.memory_space<vmem>>, %arg13: memref<80xi32, #tpu.memory_space<vmem>>, %arg14: memref<80x128xf32, #tpu.memory_space<vmem>>, %arg15: memref<80x128xf32, #tpu.memory_space<vmem>>, %arg16: memref<80x64xf32, #tpu.memory_space<vmem>>, %arg17: memref<80x64xf32, #tpu.memory_space<vmem>>, %arg18: memref<80x64xf32, #tpu.memory_space<vmem>>, %arg19: memref<80x16xf32, #tpu.memory_space<vmem>>, %arg20: memref<10000x64xf32, #tpu.memory_space<vmem_shared>>, %arg21: memref<10000x16xf32, #tpu.memory_space<vmem_shared>>, %arg22: memref<!tpu.dma_semaphore, #tpu.memory_space<semaphore_mem>>, %arg23: memref<!tpu.dma_semaphore, #tpu.memory_space<semaphore_mem>>, %arg24: memref<!tpu.dma_semaphore, #tpu.memory_space<semaphore_mem>>, %arg25: memref<!tpu.dma_semaphore, #tpu.memory_space<semaphore_mem>>) attributes {dimension_semantics = [#tpu.dimension_semantics<core_parallel>, #tpu.dimension_semantics<subcore_parallel>], iteration_bounds = array<i64: 2, 16>, scalar_prefetch = 0 : i64, scratch_operands = 16 : i64, tpu.core_type = #tpu.core_type<sc_vector_subcore>, window_params = [{transform_indices = #map}, {transform_indices = #map}, {transform_indices = #map}, {transform_indices = #map}, {transform_indices = #map1}, {transform_indices = #map1}, {transform_indices = #map2}, {transform_indices = #map2}]} {
    %broadcast_in_dim3A = arith.constant 0.000000e+00 : f32
    %broadcast_in_dim3A_0 = vector.broadcast %broadcast_in_dim3A : f32 to vector<16xf32>
    %iota3A = tpu.iota {dimensions = array<i32: 0>} : vector<16xi32>
    %scan3A = arith.constant 0 : i32
    %scan3A_1 = arith.constant 0 : i32
    %scan3A_2 = arith.constant 80 : i32
    %scan3A_3 = arith.addi %scan3A_1, %scan3A_2 : i32
    %scan3A_4 = arith.constant 1 : i32
    scf.for %scan3A_30 = %scan3A_1 to %scan3A_3 step %scan3A_4  : i32 {
      %swap3A = arith.index_cast %scan3A_30 : i32 to index
      %swap3A_31 = arith.constant 0 : index
      %swap3A_32 = tpu.vector_load %arg18[%swap3A, %swap3A_31] {strides = array<i32>} : memref<80x64xf32, #tpu.memory_space<vmem>>, vector<16xf32>,
      tpu.vector_store %arg18[%swap3A, %swap3A_31], %broadcast_in_dim3A_0 {strides = array<i32>} : memref<80x64xf32, #tpu.memory_space<vmem>>, vector<16xf32>,
      %swap3A_33 = arith.index_cast %scan3A_30 : i32 to index
      %swap3A_34 = arith.constant 16 : index
      %swap3A_35 = tpu.vector_load %arg18[%swap3A_33, %swap3A_34] {strides = array<i32>} : memref<80x64xf32, #tpu.memory_space<vmem>>, vector<16xf32>,
      tpu.vector_store %arg18[%swap3A_33, %swap3A_34], %broadcast_in_dim3A_0 {strides = array<i32>} : memref<80x64xf32, #tpu.memory_space<vmem>>, vector<16xf32>,
      %swap3A_36 = arith.index_cast %scan3A_30 : i32 to index
      %swap3A_37 = arith.constant 32 : index
      %swap3A_38 = tpu.vector_load %arg18[%swap3A_36, %swap3A_37] {strides = array<i32>} : memref<80x64xf32, #tpu.memory_space<vmem>>, vector<16xf32>,
      tpu.vector_store %arg18[%swap3A_36, %swap3A_37], %broadcast_in_dim3A_0 {strides = array<i32>} : memref<80x64xf32, #tpu.memory_space<vmem>>, vector<16xf32>,
      %swap3A_39 = arith.index_cast %scan3A_30 : i32 to index
      %swap3A_40 = arith.constant 48 : index
      %swap3A_41 = tpu.vector_load %arg18[%swap3A_39, %swap3A_40] {strides = array<i32>} : memref<80x64xf32, #tpu.memory_space<vmem>>, vector<16xf32>,
      tpu.vector_store %arg18[%swap3A_39, %swap3A_40], %broadcast_in_dim3A_0 {strides = array<i32>} : memref<80x64xf32, #tpu.memory_space<vmem>>, vector<16xf32>,
      %swap3A_42 = arith.index_cast %scan3A_30 : i32 to index
      %swap3A_43 = arith.constant 0 : index
      %swap3A_44 = tpu.vector_load %arg19[%swap3A_42, %swap3A_43] {strides = array<i32>} : memref<80x16xf32, #tpu.memory_space<vmem>>, vector<16xf32>,
      tpu.vector_store %arg19[%swap3A_42, %swap3A_43], %broadcast_in_dim3A_0 {strides = array<i32>} : memref<80x16xf32, #tpu.memory_space<vmem>>, vector<16xf32>,
    }
    %scan3A_5 = arith.constant 80 : i32
    %mul3A = arith.constant 624 : i32
    %mul3A_6 = arith.muli %arg1, %mul3A : i32
    %scan3A_7 = arith.constant 0 : i32
    %scan3A_8 = arith.constant 0 : i32
    %scan3A_9 = arith.constant 8 : i32
    %scan3A_10 = arith.addi %scan3A_8, %scan3A_9 : i32
    %scan3A_11 = arith.constant 1 : i32
    scf.for %scan3A_30 = %scan3A_8 to %scan3A_10 step %scan3A_11  : i32 {
      %mul3A_31 = arith.constant 80 : i32
      %mul3A_32 = arith.muli %scan3A_30, %mul3A_31 : i32
      %add3A_33 = arith.addi %mul3A_6, %mul3A_32 : i32
      "tpu.region"() ({
        %run_scoped3A = tpu.sem_alloc : memref<!tpu.dma_semaphore, #tpu.memory_space<semaphore_mem>>
        %dma_start3A = arith.constant 0 : i32
        %dma_start3A_37 = arith.constant 0 : i32
        %dma_start3A_38 = tpu.memref_slice %arg18[%dma_start3A, %dma_start3A_37] : memref<80x64xf32, #tpu.memory_space<vmem>> -> memref<80x64xf32, #tpu.memory_space<vmem>>
        %dma_start3A_39 = arith.constant 0 : i32
        %dma_start3A_40 = tpu.memref_slice %arg20[%add3A_33, %dma_start3A_39] : memref<10000x64xf32, #tpu.memory_space<vmem_shared>> -> memref<80x64xf32, #tpu.memory_space<vmem_shared>>
        %dma_start3A_41 = arith.constant 0 : i32
        %dma_start3A_42 = tpu.memref_slice %arg20[%add3A_33, %dma_start3A_41] : memref<10000x64xf32, #tpu.memory_space<vmem_shared>> -> memref<80x64xf32, #tpu.memory_space<vmem_shared>>
        %dma_start3A_43 = arith.constant 0 : i32
        %dma_start3A_44 = arith.constant 0 : i32
        %dma_start3A_45 = tpu.memref_slice %arg18[%dma_start3A_43, %dma_start3A_44] : memref<80x64xf32, #tpu.memory_space<vmem>> -> memref<80x64xf32, #tpu.memory_space<vmem>>
        tpu.enqueue_dma source(%dma_start3A_45 : memref<80x64xf32, #tpu.memory_space<vmem>>) target(%dma_start3A_42 : memref<80x64xf32, #tpu.memory_space<vmem_shared>>) target_semaphore(%run_scoped3A : memref<!tpu.dma_semaphore, #tpu.memory_space<semaphore_mem>>)
        %dma_wait3A = arith.constant 0 : i32
        %dma_wait3A_46 = arith.constant 0 : i32
        %dma_wait3A_47 = tpu.memref_slice %arg18[%dma_wait3A, %dma_wait3A_46] : memref<80x64xf32, #tpu.memory_space<vmem>> -> memref<80x64xf32, #tpu.memory_space<vmem>>
        %dma_wait3A_48 = arith.constant 0 : i32
        %dma_wait3A_49 = tpu.memref_slice %arg20[%add3A_33, %dma_wait3A_48] : memref<10000x64xf32, #tpu.memory_space<vmem_shared>> -> memref<80x64xf32, #tpu.memory_space<vmem_shared>>
        %dma_wait3A_50 = arith.constant 0 : i32
        %dma_wait3A_51 = tpu.memref_slice %arg20[%add3A_33, %dma_wait3A_50] : memref<10000x64xf32, #tpu.memory_space<vmem_shared>> -> memref<80x64xf32, #tpu.memory_space<vmem_shared>>
        %dma_wait3A_52 = arith.constant 0 : i32
        %dma_wait3A_53 = arith.constant 0 : i32
        %dma_wait3A_54 = tpu.memref_slice %arg18[%dma_wait3A_52, %dma_wait3A_53] : memref<80x64xf32, #tpu.memory_space<vmem>> -> memref<80x64xf32, #tpu.memory_space<vmem>>
        tpu.wait_dma2 semaphore(%run_scoped3A : memref<!tpu.dma_semaphore, #tpu.memory_space<semaphore_mem>>) src(%dma_wait3A_54 : memref<80x64xf32, #tpu.memory_space<vmem>>) dst(%dma_wait3A_51 : memref<80x64xf32, #tpu.memory_space<vmem_shared>>)
        tpu.yield
      }) : () -> ()
      %mul3A_34 = arith.constant 80 : i32
      %mul3A_35 = arith.muli %scan3A_30, %mul3A_34 : i32
      %add3A_36 = arith.addi %mul3A_6, %mul3A_35 : i32
      "tpu.region"() ({
        %run_scoped3A = tpu.sem_alloc : memref<!tpu.dma_semaphore, #tpu.memory_space<semaphore_mem>>
        %dma_start3A = arith.constant 0 : i32
        %dma_start3A_37 = arith.constant 0 : i32
        %dma_start3A_38 = tpu.memref_slice %arg19[%dma_start3A, %dma_start3A_37] : memref<80x16xf32, #tpu.memory_space<vmem>> -> memref<80x16xf32, #tpu.memory_space<vmem>>
        %dma_start3A_39 = arith.constant 0 : i32
        %dma_start3A_40 = tpu.memref_slice %arg21[%add3A_36, %dma_start3A_39] : memref<10000x16xf32, #tpu.memory_space<vmem_shared>> -> memref<80x16xf32, #tpu.memory_space<vmem_shared>>
        %dma_start3A_41 = arith.constant 0 : i32
        %dma_start3A_42 = tpu.memref_slice %arg21[%add3A_36, %dma_start3A_41] : memref<10000x16xf32, #tpu.memory_space<vmem_shared>> -> memref<80x16xf32, #tpu.memory_space<vmem_shared>>
        %dma_start3A_43 = arith.constant 0 : i32
        %dma_start3A_44 = arith.constant 0 : i32
        %dma_start3A_45 = tpu.memref_slice %arg19[%dma_start3A_43, %dma_start3A_44] : memref<80x16xf32, #tpu.memory_space<vmem>> -> memref<80x16xf32, #tpu.memory_space<vmem>>
        tpu.enqueue_dma source(%dma_start3A_45 : memref<80x16xf32, #tpu.memory_space<vmem>>) target(%dma_start3A_42 : memref<80x16xf32, #tpu.memory_space<vmem_shared>>) target_semaphore(%run_scoped3A : memref<!tpu.dma_semaphore, #tpu.memory_space<semaphore_mem>>)
        %dma_wait3A = arith.constant 0 : i32
        %dma_wait3A_46 = arith.constant 0 : i32
        %dma_wait3A_47 = tpu.memref_slice %arg19[%dma_wait3A, %dma_wait3A_46] : memref<80x16xf32, #tpu.memory_space<vmem>> -> memref<80x16xf32, #tpu.memory_space<vmem>>
        %dma_wait3A_48 = arith.constant 0 : i32
        %dma_wait3A_49 = tpu.memref_slice %arg21[%add3A_36, %dma_wait3A_48] : memref<10000x16xf32, #tpu.memory_space<vmem_shared>> -> memref<80x16xf32, #tpu.memory_space<vmem_shared>>
        %dma_wait3A_50 = arith.constant 0 : i32
        %dma_wait3A_51 = tpu.memref_slice %arg21[%add3A_36, %dma_wait3A_50] : memref<10000x16xf32, #tpu.memory_space<vmem_shared>> -> memref<80x16xf32, #tpu.memory_space<vmem_shared>>
        %dma_wait3A_52 = arith.constant 0 : i32
        %dma_wait3A_53 = arith.constant 0 : i32
        %dma_wait3A_54 = tpu.memref_slice %arg19[%dma_wait3A_52, %dma_wait3A_53] : memref<80x16xf32, #tpu.memory_space<vmem>> -> memref<80x16xf32, #tpu.memory_space<vmem>>
        tpu.wait_dma2 semaphore(%run_scoped3A : memref<!tpu.dma_semaphore, #tpu.memory_space<semaphore_mem>>) src(%dma_wait3A_54 : memref<80x16xf32, #tpu.memory_space<vmem>>) dst(%dma_wait3A_51 : memref<80x16xf32, #tpu.memory_space<vmem_shared>>)
        tpu.yield
      }) : () -> ()
    }
    %scan3A_12 = arith.constant 8 : i32
    %barrier3A = arith.constant 0 : index
    tpu.barrier barrier_id(%barrier3A)
    %mul3A_13 = arith.constant 20000 : i32
    %mul3A_14 = arith.muli %arg1, %mul3A_13 : i32
    %add3A = arith.constant 0 : i32
    %add3A_15 = arith.addi %mul3A_14, %add3A : i32
    "tpu.region"() ({
      %run_scoped3A = tpu.sem_alloc : memref<!tpu.dma_semaphore, #tpu.memory_space<semaphore_mem>>
      %dma_start3A = tpu.memref_slice %arg6[%add3A_15] : memref<320000xi32, #tpu.memory_space<hbm>> -> memref<80xi32, #tpu.memory_space<hbm>>
      %dma_start3A_30 = tpu.memref_slice %arg6[%add3A_15] : memref<320000xi32, #tpu.memory_space<hbm>> -> memref<80xi32, #tpu.memory_space<hbm>>
      tpu.enqueue_dma source(%dma_start3A_30 : memref<80xi32, #tpu.memory_space<hbm>>) target(%arg10 : memref<80xi32, #tpu.memory_space<vmem>>) target_semaphore(%run_scoped3A : memref<!tpu.dma_semaphore, #tpu.memory_space<semaphore_mem>>)
      %dma_wait3A = tpu.memref_slice %arg6[%add3A_15] : memref<320000xi32, #tpu.memory_space<hbm>> -> memref<80xi32, #tpu.memory_space<hbm>>
      %dma_wait3A_31 = tpu.memref_slice %arg6[%add3A_15] : memref<320000xi32, #tpu.memory_space<hbm>> -> memref<80xi32, #tpu.memory_space<hbm>>
      tpu.wait_dma2 semaphore(%run_scoped3A : memref<!tpu.dma_semaphore, #tpu.memory_space<semaphore_mem>>) src(%dma_wait3A_31 : memref<80xi32, #tpu.memory_space<hbm>>) dst(%arg10 : memref<80xi32, #tpu.memory_space<vmem>>)
      tpu.yield
    }) : () -> ()
    "tpu.region"() ({
      %run_scoped3A = tpu.sem_alloc : memref<!tpu.dma_semaphore, #tpu.memory_space<semaphore_mem>>
      %dma_start3A = tpu.memref_slice %arg7[%add3A_15] : memref<320000xi32, #tpu.memory_space<hbm>> -> memref<80xi32, #tpu.memory_space<hbm>>
      %dma_start3A_30 = tpu.memref_slice %arg7[%add3A_15] : memref<320000xi32, #tpu.memory_space<hbm>> -> memref<80xi32, #tpu.memory_space<hbm>>
      tpu.enqueue_dma source(%dma_start3A_30 : memref<80xi32, #tpu.memory_space<hbm>>) target(%arg12 : memref<80xi32, #tpu.memory_space<vmem>>) target_semaphore(%run_scoped3A : memref<!tpu.dma_semaphore, #tpu.memory_space<semaphore_mem>>)
      %dma_wait3A = tpu.memref_slice %arg7[%add3A_15] : memref<320000xi32, #tpu.memory_space<hbm>> -> memref<80xi32, #tpu.memory_space<hbm>>
      %dma_wait3A_31 = tpu.memref_slice %arg7[%add3A_15] : memref<320000xi32, #tpu.memory_space<hbm>> -> memref<80xi32, #tpu.memory_space<hbm>>
      tpu.wait_dma2 semaphore(%run_scoped3A : memref<!tpu.dma_semaphore, #tpu.memory_space<semaphore_mem>>) src(%dma_wait3A_31 : memref<80xi32, #tpu.memory_space<hbm>>) dst(%arg12 : memref<80xi32, #tpu.memory_space<vmem>>)
      tpu.yield
    }) : () -> ()
    %eq3A = arith.constant 0 : i32
    %eq3A_16 = arith.cmpi eq, %arg0, %eq3A : i32
    %convert_element_type3A = arith.extui %eq3A_16 : i1 to i32
    %cond3A = arith.constant 0 : i32
    %cond3A_17 = arith.cmpi ne, %convert_element_type3A, %cond3A : i32
    scf.if %cond3A_17 {
      %dma_start3A = arith.constant 0 : i32
      %dma_start3A_30 = arith.constant 0 : i32
      %dma_start3A_31 = tpu.memref_slice %arg2[%dma_start3A, %dma_start3A_30] : memref<10000x128xf32, #tpu.memory_space<hbm>> -> memref<10000x128xf32, #tpu.memory_space<hbm>>
      tpu.enqueue_indirect_dma source(%dma_start3A_31 : memref<10000x128xf32, #tpu.memory_space<hbm>>) target(%arg14 : memref<80x128xf32, #tpu.memory_space<vmem>>) offsets(%arg10 : memref<80xi32, #tpu.memory_space<vmem>>) semaphore(%arg22 : memref<!tpu.dma_semaphore, #tpu.memory_space<semaphore_mem>>)
      %dma_start3A_32 = arith.constant 0 : i32
      %dma_start3A_33 = arith.constant 0 : i32
      %dma_start3A_34 = tpu.memref_slice %arg4[%dma_start3A_32, %dma_start3A_33] : memref<10000x64xf32, #tpu.memory_space<hbm>> -> memref<10000x64xf32, #tpu.memory_space<hbm>>
      tpu.enqueue_indirect_dma source(%dma_start3A_34 : memref<10000x64xf32, #tpu.memory_space<hbm>>) target(%arg16 : memref<80x64xf32, #tpu.memory_space<vmem>>) offsets(%arg12 : memref<80xi32, #tpu.memory_space<vmem>>) semaphore(%arg24 : memref<!tpu.dma_semaphore, #tpu.memory_space<semaphore_mem>>)
    } else {
    }
    %eq3A_18 = arith.constant 1 : i32
    %eq3A_19 = arith.cmpi eq, %arg0, %eq3A_18 : i32
    %convert_element_type3A_20 = arith.extui %eq3A_19 : i1 to i32
    %cond3A_21 = arith.constant 0 : i32
    %cond3A_22 = arith.cmpi ne, %convert_element_type3A_20, %cond3A_21 : i32
    scf.if %cond3A_22 {
      %dma_start3A = arith.constant 0 : i32
      %dma_start3A_30 = arith.constant 0 : i32
      %dma_start3A_31 = tpu.memref_slice %arg3[%dma_start3A, %dma_start3A_30] : memref<10000x128xf32, #tpu.memory_space<hbm>> -> memref<10000x128xf32, #tpu.memory_space<hbm>>
      tpu.enqueue_indirect_dma source(%dma_start3A_31 : memref<10000x128xf32, #tpu.memory_space<hbm>>) target(%arg14 : memref<80x128xf32, #tpu.memory_space<vmem>>) offsets(%arg10 : memref<80xi32, #tpu.memory_space<vmem>>) semaphore(%arg22 : memref<!tpu.dma_semaphore, #tpu.memory_space<semaphore_mem>>)
      %dma_start3A_32 = arith.constant 0 : i32
      %dma_start3A_33 = arith.constant 0 : i32
      %dma_start3A_34 = tpu.memref_slice %arg5[%dma_start3A_32, %dma_start3A_33] : memref<10000x64xf32, #tpu.memory_space<hbm>> -> memref<10000x64xf32, #tpu.memory_space<hbm>>
      tpu.enqueue_indirect_dma source(%dma_start3A_34 : memref<10000x64xf32, #tpu.memory_space<hbm>>) target(%arg16 : memref<80x64xf32, #tpu.memory_space<vmem>>) offsets(%arg12 : memref<80xi32, #tpu.memory_space<vmem>>) semaphore(%arg24 : memref<!tpu.dma_semaphore, #tpu.memory_space<semaphore_mem>>)
    } else {
    }
    %scan3A_23 = arith.constant 0 : i32
    %scan3A_24 = arith.constant 0 : i32
    %scan3A_25 = arith.constant 125 : i32
    %scan3A_26 = arith.addi %scan3A_24, %scan3A_25 : i32
    %scan3A_27 = arith.constant 1 : i32
    scf.for %scan3A_30 = %scan3A_24 to %scan3A_26 step %scan3A_27  : i32 {
      %mul3A_31 = arith.constant 2 : i32
      %mul3A_32 = arith.muli %mul3A_31, %scan3A_30 : i32
      %add3A_33 = arith.constant 1 : i32
      %add3A_34 = arith.addi %mul3A_32, %add3A_33 : i32
      %mul3A_35 = arith.constant 20000 : i32
      %mul3A_36 = arith.muli %arg1, %mul3A_35 : i32
      %mul3A_37 = arith.constant 80 : i32
      %mul3A_38 = arith.muli %add3A_34, %mul3A_37 : i32
      %add3A_39 = arith.addi %mul3A_36, %mul3A_38 : i32
      "tpu.region"() ({
        %run_scoped3A = tpu.sem_alloc : memref<!tpu.dma_semaphore, #tpu.memory_space<semaphore_mem>>
        %dma_start3A = tpu.memref_slice %arg6[%add3A_39] : memref<320000xi32, #tpu.memory_space<hbm>> -> memref<80xi32, #tpu.memory_space<hbm>>
        %dma_start3A_72 = tpu.memref_slice %arg6[%add3A_39] : memref<320000xi32, #tpu.memory_space<hbm>> -> memref<80xi32, #tpu.memory_space<hbm>>
        tpu.enqueue_dma source(%dma_start3A_72 : memref<80xi32, #tpu.memory_space<hbm>>) target(%arg11 : memref<80xi32, #tpu.memory_space<vmem>>) target_semaphore(%run_scoped3A : memref<!tpu.dma_semaphore, #tpu.memory_space<semaphore_mem>>)
        %dma_wait3A_73 = tpu.memref_slice %arg6[%add3A_39] : memref<320000xi32, #tpu.memory_space<hbm>> -> memref<80xi32, #tpu.memory_space<hbm>>
        %dma_wait3A_74 = tpu.memref_slice %arg6[%add3A_39] : memref<320000xi32, #tpu.memory_space<hbm>> -> memref<80xi32, #tpu.memory_space<hbm>>
        tpu.wait_dma2 semaphore(%run_scoped3A : memref<!tpu.dma_semaphore, #tpu.memory_space<semaphore_mem>>) src(%dma_wait3A_74 : memref<80xi32, #tpu.memory_space<hbm>>) dst(%arg11 : memref<80xi32, #tpu.memory_space<vmem>>)
        tpu.yield
      }) : () -> ()
      "tpu.region"() ({
        %run_scoped3A = tpu.sem_alloc : memref<!tpu.dma_semaphore, #tpu.memory_space<semaphore_mem>>
        %dma_start3A = tpu.memref_slice %arg7[%add3A_39] : memref<320000xi32, #tpu.memory_space<hbm>> -> memref<80xi32, #tpu.memory_space<hbm>>
        %dma_start3A_72 = tpu.memref_slice %arg7[%add3A_39] : memref<320000xi32, #tpu.memory_space<hbm>> -> memref<80xi32, #tpu.memory_space<hbm>>
        tpu.enqueue_dma source(%dma_start3A_72 : memref<80xi32, #tpu.memory_space<hbm>>) target(%arg13 : memref<80xi32, #tpu.memory_space<vmem>>) target_semaphore(%run_scoped3A : memref<!tpu.dma_semaphore, #tpu.memory_space<semaphore_mem>>)
        %dma_wait3A_73 = tpu.memref_slice %arg7[%add3A_39] : memref<320000xi32, #tpu.memory_space<hbm>> -> memref<80xi32, #tpu.memory_space<hbm>>
        %dma_wait3A_74 = tpu.memref_slice %arg7[%add3A_39] : memref<320000xi32, #tpu.memory_space<hbm>> -> memref<80xi32, #tpu.memory_space<hbm>>
        tpu.wait_dma2 semaphore(%run_scoped3A : memref<!tpu.dma_semaphore, #tpu.memory_space<semaphore_mem>>) src(%dma_wait3A_74 : memref<80xi32, #tpu.memory_space<hbm>>) dst(%arg13 : memref<80xi32, #tpu.memory_space<vmem>>)
        tpu.yield
      }) : () -> ()
      %eq3A_40 = arith.constant 0 : i32
      %eq3A_41 = arith.cmpi eq, %arg0, %eq3A_40 : i32
      %convert_element_type3A_42 = arith.extui %eq3A_41 : i1 to i32
      %cond3A_43 = arith.constant 0 : i32
      %cond3A_44 = arith.cmpi ne, %convert_element_type3A_42, %cond3A_43 : i32
      scf.if %cond3A_44 {
        %dma_start3A = arith.constant 0 : i32
        %dma_start3A_72 = arith.constant 0 : i32
        %dma_start3A_73 = tpu.memref_slice %arg2[%dma_start3A, %dma_start3A_72] : memref<10000x128xf32, #tpu.memory_space<hbm>> -> memref<10000x128xf32, #tpu.memory_space<hbm>>
        tpu.enqueue_indirect_dma source(%dma_start3A_73 : memref<10000x128xf32, #tpu.memory_space<hbm>>) target(%arg15 : memref<80x128xf32, #tpu.memory_space<vmem>>) offsets(%arg11 : memref<80xi32, #tpu.memory_space<vmem>>) semaphore(%arg23 : memref<!tpu.dma_semaphore, #tpu.memory_space<semaphore_mem>>)
        %dma_start3A_74 = arith.constant 0 : i32
        %dma_start3A_75 = arith.constant 0 : i32
        %dma_start3A_76 = tpu.memref_slice %arg4[%dma_start3A_74, %dma_start3A_75] : memref<10000x64xf32, #tpu.memory_space<hbm>> -> memref<10000x64xf32, #tpu.memory_space<hbm>>
        tpu.enqueue_indirect_dma source(%dma_start3A_76 : memref<10000x64xf32, #tpu.memory_space<hbm>>) target(%arg17 : memref<80x64xf32, #tpu.memory_space<vmem>>) offsets(%arg13 : memref<80xi32, #tpu.memory_space<vmem>>) semaphore(%arg25 : memref<!tpu.dma_semaphore, #tpu.memory_space<semaphore_mem>>)
      } else {
      }
      %eq3A_45 = arith.constant 1 : i32
      %eq3A_46 = arith.cmpi eq, %arg0, %eq3A_45 : i32
      %convert_element_type3A_47 = arith.extui %eq3A_46 : i1 to i32
      %cond3A_48 = arith.constant 0 : i32
      %cond3A_49 = arith.cmpi ne, %convert_element_type3A_47, %cond3A_48 : i32
      scf.if %cond3A_49 {
        %dma_start3A = arith.constant 0 : i32
        %dma_start3A_72 = arith.constant 0 : i32
        %dma_start3A_73 = tpu.memref_slice %arg3[%dma_start3A, %dma_start3A_72] : memref<10000x128xf32, #tpu.memory_space<hbm>> -> memref<10000x128xf32, #tpu.memory_space<hbm>>
        tpu.enqueue_indirect_dma source(%dma_start3A_73 : memref<10000x128xf32, #tpu.memory_space<hbm>>) target(%arg15 : memref<80x128xf32, #tpu.memory_space<vmem>>) offsets(%arg11 : memref<80xi32, #tpu.memory_space<vmem>>) semaphore(%arg23 : memref<!tpu.dma_semaphore, #tpu.memory_space<semaphore_mem>>)
        %dma_start3A_74 = arith.constant 0 : i32
        %dma_start3A_75 = arith.constant 0 : i32
        %dma_start3A_76 = tpu.memref_slice %arg5[%dma_start3A_74, %dma_start3A_75] : memref<10000x64xf32, #tpu.memory_space<hbm>> -> memref<10000x64xf32, #tpu.memory_space<hbm>>
        tpu.enqueue_indirect_dma source(%dma_start3A_76 : memref<10000x64xf32, #tpu.memory_space<hbm>>) target(%arg17 : memref<80x64xf32, #tpu.memory_space<vmem>>) offsets(%arg13 : memref<80xi32, #tpu.memory_space<vmem>>) semaphore(%arg25 : memref<!tpu.dma_semaphore, #tpu.memory_space<semaphore_mem>>)
      } else {
      }
      %dma_wait3A = arith.constant 0 : i32
      %dma_wait3A_50 = arith.constant 0 : i32
      %dma_wait3A_51 = tpu.memref_slice %arg2[%dma_wait3A, %dma_wait3A_50] : memref<10000x128xf32, #tpu.memory_space<hbm>> -> memref<10000x128xf32, #tpu.memory_space<hbm>>
      tpu.wait_indirect_dma semaphore(%arg22 : memref<!tpu.dma_semaphore, #tpu.memory_space<semaphore_mem>>) src(%dma_wait3A_51 : memref<10000x128xf32, #tpu.memory_space<hbm>>) dst(%arg14 : memref<80x128xf32, #tpu.memory_space<vmem>>)
      %dma_wait3A_52 = arith.constant 0 : i32
      %dma_wait3A_53 = arith.constant 0 : i32
      %dma_wait3A_54 = tpu.memref_slice %arg4[%dma_wait3A_52, %dma_wait3A_53] : memref<10000x64xf32, #tpu.memory_space<hbm>> -> memref<10000x64xf32, #tpu.memory_space<hbm>>
      tpu.wait_indirect_dma semaphore(%arg24 : memref<!tpu.dma_semaphore, #tpu.memory_space<semaphore_mem>>) src(%dma_wait3A_54 : memref<10000x64xf32, #tpu.memory_space<hbm>>) dst(%arg16 : memref<80x64xf32, #tpu.memory_space<vmem>>)
      %parallel_loop3A = arith.constant 0 : i32
      %parallel_loop3A_55 = arith.constant 80 : i32
      %parallel_loop3A_56 = arith.constant 1 : i32
      scf.for %parallel_loop3A_72 = %parallel_loop3A to %parallel_loop3A_55 step %parallel_loop3A_56  : i32 {
        %parallel_loop3A_73 = arith.index_cast %parallel_loop3A_72 : i32 to index
        %parallel_loop3A_74 = arith.constant 0 : index
        %parallel_loop3A_75 = tpu.vector_load %arg14[%parallel_loop3A_73, %parallel_loop3A_74] {strides = array<i32>} : memref<80x128xf32, #tpu.memory_space<vmem>>, vector<16xf32>,
        %parallel_loop3A_76 = arith.index_cast %parallel_loop3A_72 : i32 to index
        %parallel_loop3A_77 = arith.constant 16 : index
        %parallel_loop3A_78 = tpu.vector_load %arg14[%parallel_loop3A_76, %parallel_loop3A_77] {strides = array<i32>} : memref<80x128xf32, #tpu.memory_space<vmem>>, vector<16xf32>,
        %parallel_loop3A_79 = arith.index_cast %parallel_loop3A_72 : i32 to index
        %parallel_loop3A_80 = arith.constant 0 : index
        %parallel_loop3A_81 = tpu.vector_load %arg16[%parallel_loop3A_79, %parallel_loop3A_80] {strides = array<i32>} : memref<80x64xf32, #tpu.memory_space<vmem>>, vector<16xf32>,
        %parallel_loop3A_82 = arith.index_cast %parallel_loop3A_72 : i32 to index
        %parallel_loop3A_83 = arith.constant 16 : index
        %parallel_loop3A_84 = tpu.vector_load %arg16[%parallel_loop3A_82, %parallel_loop3A_83] {strides = array<i32>} : memref<80x64xf32, #tpu.memory_space<vmem>>, vector<16xf32>,
        %parallel_loop3A_85 = arith.mulf %parallel_loop3A_75, %parallel_loop3A_81 : vector<16xf32>
        %parallel_loop3A_86 = arith.mulf %parallel_loop3A_78, %parallel_loop3A_84 : vector<16xf32>
        %parallel_loop3A_87 = arith.addf %parallel_loop3A_85, %parallel_loop3A_86 : vector<16xf32>
        %parallel_loop3A_88 = arith.constant true
        %parallel_loop3A_89 = vector.broadcast %parallel_loop3A_88 : i1 to vector<16xi1>
        %parallel_loop3A_90 = tpu.scan <sum>, %parallel_loop3A_87 masked %parallel_loop3A_89 : vector<16xf32>, vector<16xi1> -> vector<16xf32>
        %parallel_loop3A_91 = vector.extract %parallel_loop3A_90[15] : f32 from vector<16xf32>
        %parallel_loop3A_92 = vector.broadcast %parallel_loop3A_91 : f32 to vector<16xf32>
        %parallel_loop3A_93 = math.exp %parallel_loop3A_92 : vector<16xf32>
        %parallel_loop3A_94 = arith.index_cast %parallel_loop3A_72 : i32 to index
        %parallel_loop3A_95 = arith.constant 64 : index
        %parallel_loop3A_96 = tpu.vector_load %arg14[%parallel_loop3A_94, %parallel_loop3A_95] {strides = array<i32>} : memref<80x128xf32, #tpu.memory_space<vmem>>, vector<16xf32>,
        %parallel_loop3A_97 = arith.index_cast %parallel_loop3A_72 : i32 to index
        %parallel_loop3A_98 = arith.constant 80 : index
        %parallel_loop3A_99 = tpu.vector_load %arg14[%parallel_loop3A_97, %parallel_loop3A_98] {strides = array<i32>} : memref<80x128xf32, #tpu.memory_space<vmem>>, vector<16xf32>,
        %parallel_loop3A_100 = arith.mulf %parallel_loop3A_93, %parallel_loop3A_96 : vector<16xf32>
        %parallel_loop3A_101 = arith.index_cast %parallel_loop3A_72 : i32 to index
        %parallel_loop3A_102 = arith.constant 0 : index
        %parallel_loop3A_103 = tpu.vector_load %arg18[%parallel_loop3A_101, %parallel_loop3A_102] {strides = array<i32>} : memref<80x64xf32, #tpu.memory_space<vmem>>, vector<16xf32>,
        tpu.vector_store %arg18[%parallel_loop3A_101, %parallel_loop3A_102], %parallel_loop3A_100 {strides = array<i32>} : memref<80x64xf32, #tpu.memory_space<vmem>>, vector<16xf32>,
        %parallel_loop3A_104 = arith.mulf %parallel_loop3A_93, %parallel_loop3A_99 : vector<16xf32>
        %parallel_loop3A_105 = arith.index_cast %parallel_loop3A_72 : i32 to index
        %parallel_loop3A_106 = arith.constant 16 : index
        %parallel_loop3A_107 = tpu.vector_load %arg18[%parallel_loop3A_105, %parallel_loop3A_106] {strides = array<i32>} : memref<80x64xf32, #tpu.memory_space<vmem>>, vector<16xf32>,
        tpu.vector_store %arg18[%parallel_loop3A_105, %parallel_loop3A_106], %parallel_loop3A_104 {strides = array<i32>} : memref<80x64xf32, #tpu.memory_space<vmem>>, vector<16xf32>,
        %parallel_loop3A_108 = arith.constant 4 : i32
        %parallel_loop3A_109 = vector.broadcast %parallel_loop3A_108 : i32 to vector<16xi32>
        %parallel_loop3A_110 = arith.divsi %iota3A, %parallel_loop3A_109 : vector<16xi32>
        %parallel_loop3A_111 = arith.constant 0 : i32
        %parallel_loop3A_112 = vector.broadcast %parallel_loop3A_111 : i32 to vector<16xi32>
        %parallel_loop3A_113 = arith.cmpi sgt, %iota3A, %parallel_loop3A_112 : vector<16xi32>
        %parallel_loop3A_114 = arith.extui %parallel_loop3A_113 : vector<16xi1> to vector<16xi32>
        %parallel_loop3A_115 = arith.constant 0 : i32
        %parallel_loop3A_116 = vector.broadcast %parallel_loop3A_115 : i32 to vector<16xi32>
        %parallel_loop3A_117 = arith.cmpi slt, %iota3A, %parallel_loop3A_116 : vector<16xi32>
        %parallel_loop3A_118 = arith.extui %parallel_loop3A_117 : vector<16xi1> to vector<16xi32>
        %parallel_loop3A_119 = arith.subi %parallel_loop3A_114, %parallel_loop3A_118 : vector<16xi32>
        %parallel_loop3A_120 = arith.constant 0 : i32
        %parallel_loop3A_121 = arith.cmpi sgt, %parallel_loop3A_108, %parallel_loop3A_120 : i32
        %parallel_loop3A_122 = arith.extui %parallel_loop3A_121 : i1 to i32
        %parallel_loop3A_123 = arith.constant 0 : i32
        %parallel_loop3A_124 = arith.cmpi slt, %parallel_loop3A_108, %parallel_loop3A_123 : i32
        %parallel_loop3A_125 = arith.extui %parallel_loop3A_124 : i1 to i32
        %parallel_loop3A_126 = arith.subi %parallel_loop3A_122, %parallel_loop3A_125 : i32
        %parallel_loop3A_127 = vector.broadcast %parallel_loop3A_126 : i32 to vector<16xi32>
        %parallel_loop3A_128 = arith.cmpi ne, %parallel_loop3A_119, %parallel_loop3A_127 : vector<16xi32>
        %parallel_loop3A_129 = vector.broadcast %parallel_loop3A_108 : i32 to vector<16xi32>
        %parallel_loop3A_130 = arith.remsi %iota3A, %parallel_loop3A_129 : vector<16xi32>
        %parallel_loop3A_131 = arith.constant 0 : i32
        %parallel_loop3A_132 = vector.broadcast %parallel_loop3A_131 : i32 to vector<16xi32>
        %parallel_loop3A_133 = arith.cmpi ne, %parallel_loop3A_130, %parallel_loop3A_132 : vector<16xi32>
        %parallel_loop3A_134 = arith.andi %parallel_loop3A_128, %parallel_loop3A_133 : vector<16xi1>
        %parallel_loop3A_135 = arith.constant 1 : i32
        %parallel_loop3A_136 = vector.broadcast %parallel_loop3A_135 : i32 to vector<16xi32>
        %parallel_loop3A_137 = arith.subi %parallel_loop3A_110, %parallel_loop3A_136 : vector<16xi32>
        %parallel_loop3A_138 = arith.select %parallel_loop3A_134, %parallel_loop3A_137, %parallel_loop3A_110 : vector<16xi1>, vector<16xi32>
        %parallel_loop3A_139 = arith.constant 2 : i32
        %parallel_loop3A_140 = arith.muli %parallel_loop3A_139, %arg0 : i32
        %parallel_loop3A_141 = arith.constant 0 : i32
        %parallel_loop3A_142 = arith.addi %parallel_loop3A_140, %parallel_loop3A_141 : i32
        %parallel_loop3A_143 = vector.broadcast %parallel_loop3A_142 : i32 to vector<16xi32>
        %parallel_loop3A_144 = arith.cmpi eq, %parallel_loop3A_138, %parallel_loop3A_143 : vector<16xi32>
        %parallel_loop3A_145 = arith.select %parallel_loop3A_144, %parallel_loop3A_93, %broadcast_in_dim3A_0 : vector<16xi1>, vector<16xf32>
        %parallel_loop3A_146 = arith.index_cast %parallel_loop3A_72 : i32 to index
        %parallel_loop3A_147 = arith.constant 32 : index
        %parallel_loop3A_148 = tpu.vector_load %arg14[%parallel_loop3A_146, %parallel_loop3A_147] {strides = array<i32>} : memref<80x128xf32, #tpu.memory_space<vmem>>, vector<16xf32>,
        %parallel_loop3A_149 = arith.index_cast %parallel_loop3A_72 : i32 to index
        %parallel_loop3A_150 = arith.constant 48 : index
        %parallel_loop3A_151 = tpu.vector_load %arg14[%parallel_loop3A_149, %parallel_loop3A_150] {strides = array<i32>} : memref<80x128xf32, #tpu.memory_space<vmem>>, vector<16xf32>,
        %parallel_loop3A_152 = arith.index_cast %parallel_loop3A_72 : i32 to index
        %parallel_loop3A_153 = arith.constant 32 : index
        %parallel_loop3A_154 = tpu.vector_load %arg16[%parallel_loop3A_152, %parallel_loop3A_153] {strides = array<i32>} : memref<80x64xf32, #tpu.memory_space<vmem>>, vector<16xf32>,
        %parallel_loop3A_155 = arith.index_cast %parallel_loop3A_72 : i32 to index
        %parallel_loop3A_156 = arith.constant 48 : index
        %parallel_loop3A_157 = tpu.vector_load %arg16[%parallel_loop3A_155, %parallel_loop3A_156] {strides = array<i32>} : memref<80x64xf32, #tpu.memory_space<vmem>>, vector<16xf32>,
        %parallel_loop3A_158 = arith.mulf %parallel_loop3A_148, %parallel_loop3A_154 : vector<16xf32>
        %parallel_loop3A_159 = arith.mulf %parallel_loop3A_151, %parallel_loop3A_157 : vector<16xf32>
        %parallel_loop3A_160 = arith.addf %parallel_loop3A_158, %parallel_loop3A_159 : vector<16xf32>
        %parallel_loop3A_161 = arith.constant true
        %parallel_loop3A_162 = vector.broadcast %parallel_loop3A_161 : i1 to vector<16xi1>
        %parallel_loop3A_163 = tpu.scan <sum>, %parallel_loop3A_160 masked %parallel_loop3A_162 : vector<16xf32>, vector<16xi1> -> vector<16xf32>
        %parallel_loop3A_164 = vector.extract %parallel_loop3A_163[15] : f32 from vector<16xf32>
        %parallel_loop3A_165 = vector.broadcast %parallel_loop3A_164 : f32 to vector<16xf32>
        %parallel_loop3A_166 = math.exp %parallel_loop3A_165 : vector<16xf32>
        %parallel_loop3A_167 = arith.index_cast %parallel_loop3A_72 : i32 to index
        %parallel_loop3A_168 = arith.constant 96 : index
        %parallel_loop3A_169 = tpu.vector_load %arg14[%parallel_loop3A_167, %parallel_loop3A_168] {strides = array<i32>} : memref<80x128xf32, #tpu.memory_space<vmem>>, vector<16xf32>,
        %parallel_loop3A_170 = arith.index_cast %parallel_loop3A_72 : i32 to index
        %parallel_loop3A_171 = arith.constant 112 : index
        %parallel_loop3A_172 = tpu.vector_load %arg14[%parallel_loop3A_170, %parallel_loop3A_171] {strides = array<i32>} : memref<80x128xf32, #tpu.memory_space<vmem>>, vector<16xf32>,
        %parallel_loop3A_173 = arith.mulf %parallel_loop3A_166, %parallel_loop3A_169 : vector<16xf32>
        %parallel_loop3A_174 = arith.index_cast %parallel_loop3A_72 : i32 to index
        %parallel_loop3A_175 = arith.constant 32 : index
        %parallel_loop3A_176 = tpu.vector_load %arg18[%parallel_loop3A_174, %parallel_loop3A_175] {strides = array<i32>} : memref<80x64xf32, #tpu.memory_space<vmem>>, vector<16xf32>,
        tpu.vector_store %arg18[%parallel_loop3A_174, %parallel_loop3A_175], %parallel_loop3A_173 {strides = array<i32>} : memref<80x64xf32, #tpu.memory_space<vmem>>, vector<16xf32>,
        %parallel_loop3A_177 = arith.mulf %parallel_loop3A_166, %parallel_loop3A_172 : vector<16xf32>
        %parallel_loop3A_178 = arith.index_cast %parallel_loop3A_72 : i32 to index
        %parallel_loop3A_179 = arith.constant 48 : index
        %parallel_loop3A_180 = tpu.vector_load %arg18[%parallel_loop3A_178, %parallel_loop3A_179] {strides = array<i32>} : memref<80x64xf32, #tpu.memory_space<vmem>>, vector<16xf32>,
        tpu.vector_store %arg18[%parallel_loop3A_178, %parallel_loop3A_179], %parallel_loop3A_177 {strides = array<i32>} : memref<80x64xf32, #tpu.memory_space<vmem>>, vector<16xf32>,
        %parallel_loop3A_181 = arith.constant 4 : i32
        %parallel_loop3A_182 = vector.broadcast %parallel_loop3A_181 : i32 to vector<16xi32>
        %parallel_loop3A_183 = arith.divsi %iota3A, %parallel_loop3A_182 : vector<16xi32>
        %parallel_loop3A_184 = arith.constant 0 : i32
        %parallel_loop3A_185 = vector.broadcast %parallel_loop3A_184 : i32 to vector<16xi32>
        %parallel_loop3A_186 = arith.cmpi sgt, %iota3A, %parallel_loop3A_185 : vector<16xi32>
        %parallel_loop3A_187 = arith.extui %parallel_loop3A_186 : vector<16xi1> to vector<16xi32>
        %parallel_loop3A_188 = arith.constant 0 : i32
        %parallel_loop3A_189 = vector.broadcast %parallel_loop3A_188 : i32 to vector<16xi32>
        %parallel_loop3A_190 = arith.cmpi slt, %iota3A, %parallel_loop3A_189 : vector<16xi32>
        %parallel_loop3A_191 = arith.extui %parallel_loop3A_190 : vector<16xi1> to vector<16xi32>
        %parallel_loop3A_192 = arith.subi %parallel_loop3A_187, %parallel_loop3A_191 : vector<16xi32>
        %parallel_loop3A_193 = arith.constant 0 : i32
        %parallel_loop3A_194 = arith.cmpi sgt, %parallel_loop3A_181, %parallel_loop3A_193 : i32
        %parallel_loop3A_195 = arith.extui %parallel_loop3A_194 : i1 to i32
        %parallel_loop3A_196 = arith.constant 0 : i32
        %parallel_loop3A_197 = arith.cmpi slt, %parallel_loop3A_181, %parallel_loop3A_196 : i32
        %parallel_loop3A_198 = arith.extui %parallel_loop3A_197 : i1 to i32
        %parallel_loop3A_199 = arith.subi %parallel_loop3A_195, %parallel_loop3A_198 : i32
        %parallel_loop3A_200 = vector.broadcast %parallel_loop3A_199 : i32 to vector<16xi32>
        %parallel_loop3A_201 = arith.cmpi ne, %parallel_loop3A_192, %parallel_loop3A_200 : vector<16xi32>
        %parallel_loop3A_202 = vector.broadcast %parallel_loop3A_181 : i32 to vector<16xi32>
        %parallel_loop3A_203 = arith.remsi %iota3A, %parallel_loop3A_202 : vector<16xi32>
        %parallel_loop3A_204 = arith.constant 0 : i32
        %parallel_loop3A_205 = vector.broadcast %parallel_loop3A_204 : i32 to vector<16xi32>
        %parallel_loop3A_206 = arith.cmpi ne, %parallel_loop3A_203, %parallel_loop3A_205 : vector<16xi32>
        %parallel_loop3A_207 = arith.andi %parallel_loop3A_201, %parallel_loop3A_206 : vector<16xi1>
        %parallel_loop3A_208 = arith.constant 1 : i32
        %parallel_loop3A_209 = vector.broadcast %parallel_loop3A_208 : i32 to vector<16xi32>
        %parallel_loop3A_210 = arith.subi %parallel_loop3A_183, %parallel_loop3A_209 : vector<16xi32>
        %parallel_loop3A_211 = arith.select %parallel_loop3A_207, %parallel_loop3A_210, %parallel_loop3A_183 : vector<16xi1>, vector<16xi32>
        %parallel_loop3A_212 = arith.constant 2 : i32
        %parallel_loop3A_213 = arith.muli %parallel_loop3A_212, %arg0 : i32
        %parallel_loop3A_214 = arith.constant 1 : i32
        %parallel_loop3A_215 = arith.addi %parallel_loop3A_213, %parallel_loop3A_214 : i32
        %parallel_loop3A_216 = vector.broadcast %parallel_loop3A_215 : i32 to vector<16xi32>
        %parallel_loop3A_217 = arith.cmpi eq, %parallel_loop3A_211, %parallel_loop3A_216 : vector<16xi32>
        %parallel_loop3A_218 = arith.select %parallel_loop3A_217, %parallel_loop3A_166, %parallel_loop3A_145 : vector<16xi1>, vector<16xf32>
        %parallel_loop3A_219 = arith.index_cast %parallel_loop3A_72 : i32 to index
        %parallel_loop3A_220 = arith.constant 0 : index
        %parallel_loop3A_221 = tpu.vector_load %arg19[%parallel_loop3A_219, %parallel_loop3A_220] {strides = array<i32>} : memref<80x16xf32, #tpu.memory_space<vmem>>, vector<16xf32>,
        tpu.vector_store %arg19[%parallel_loop3A_219, %parallel_loop3A_220], %parallel_loop3A_218 {strides = array<i32>} : memref<80x16xf32, #tpu.memory_space<vmem>>, vector<16xf32>,
      } {sc.loop_unroll_factor = 8 : i64, sc.parallel_access}
      "tpu.region"() ({
        %run_scoped3A = tpu.sem_alloc : memref<!tpu.dma_semaphore, #tpu.memory_space<semaphore_mem>>
        %dma_start3A = arith.constant 0 : i32
        %dma_start3A_72 = arith.constant 0 : i32
        %dma_start3A_73 = tpu.memref_slice %arg20[%dma_start3A, %dma_start3A_72] : memref<10000x64xf32, #tpu.memory_space<vmem_shared>> -> memref<10000x64xf32, #tpu.memory_space<vmem_shared>>
        tpu.enqueue_indirect_dma source(%arg18 : memref<80x64xf32, #tpu.memory_space<vmem>>) target(%dma_start3A_73 : memref<10000x64xf32, #tpu.memory_space<vmem_shared>>) offsets(%arg12 : memref<80xi32, #tpu.memory_space<vmem>>) semaphore(%run_scoped3A : memref<!tpu.dma_semaphore, #tpu.memory_space<semaphore_mem>>) {add = true}
        %dma_wait3A_74 = arith.constant 0 : i32
        %dma_wait3A_75 = arith.constant 0 : i32
        %dma_wait3A_76 = tpu.memref_slice %arg20[%dma_wait3A_74, %dma_wait3A_75] : memref<10000x64xf32, #tpu.memory_space<vmem_shared>> -> memref<10000x64xf32, #tpu.memory_space<vmem_shared>>
        tpu.wait_indirect_dma semaphore(%run_scoped3A : memref<!tpu.dma_semaphore, #tpu.memory_space<semaphore_mem>>) src(%arg18 : memref<80x64xf32, #tpu.memory_space<vmem>>) dst(%dma_wait3A_76 : memref<10000x64xf32, #tpu.memory_space<vmem_shared>>)
        tpu.yield
      }) : () -> ()
      "tpu.region"() ({
        %run_scoped3A = tpu.sem_alloc : memref<!tpu.dma_semaphore, #tpu.memory_space<semaphore_mem>>
        %dma_start3A = arith.constant 0 : i32
        %dma_start3A_72 = arith.constant 0 : i32
        %dma_start3A_73 = tpu.memref_slice %arg21[%dma_start3A, %dma_start3A_72] : memref<10000x16xf32, #tpu.memory_space<vmem_shared>> -> memref<10000x16xf32, #tpu.memory_space<vmem_shared>>
        tpu.enqueue_indirect_dma source(%arg19 : memref<80x16xf32, #tpu.memory_space<vmem>>) target(%dma_start3A_73 : memref<10000x16xf32, #tpu.memory_space<vmem_shared>>) offsets(%arg12 : memref<80xi32, #tpu.memory_space<vmem>>) semaphore(%run_scoped3A : memref<!tpu.dma_semaphore, #tpu.memory_space<semaphore_mem>>) {add = true}
        %dma_wait3A_74 = arith.constant 0 : i32
        %dma_wait3A_75 = arith.constant 0 : i32
        %dma_wait3A_76 = tpu.memref_slice %arg21[%dma_wait3A_74, %dma_wait3A_75] : memref<10000x16xf32, #tpu.memory_space<vmem_shared>> -> memref<10000x16xf32, #tpu.memory_space<vmem_shared>>
        tpu.wait_indirect_dma semaphore(%run_scoped3A : memref<!tpu.dma_semaphore, #tpu.memory_space<semaphore_mem>>) src(%arg19 : memref<80x16xf32, #tpu.memory_space<vmem>>) dst(%dma_wait3A_76 : memref<10000x16xf32, #tpu.memory_space<vmem_shared>>)
        tpu.yield
      }) : () -> ()
      %add3A_57 = arith.constant 2 : i32
      %add3A_58 = arith.addi %mul3A_32, %add3A_57 : i32
      %lt3A = arith.constant 250 : i32
      %lt3A_59 = arith.cmpi slt, %add3A_58, %lt3A : i32
      %convert_element_type3A_60 = arith.extui %lt3A_59 : i1 to i32
      %cond3A_61 = arith.constant 0 : i32
      %cond3A_62 = arith.cmpi ne, %convert_element_type3A_60, %cond3A_61 : i32
      scf.if %cond3A_62 {
        %add3A_72 = arith.constant 2 : i32
        %add3A_73 = arith.addi %mul3A_32, %add3A_72 : i32
        %mul3A_74 = arith.constant 20000 : i32
        %mul3A_75 = arith.muli %arg1, %mul3A_74 : i32
        %mul3A_76 = arith.constant 80 : i32
        %mul3A_77 = arith.muli %add3A_73, %mul3A_76 : i32
        %add3A_78 = arith.addi %mul3A_75, %mul3A_77 : i32
        "tpu.region"() ({
          %run_scoped3A = tpu.sem_alloc : memref<!tpu.dma_semaphore, #tpu.memory_space<semaphore_mem>>
          %dma_start3A = tpu.memref_slice %arg6[%add3A_78] : memref<320000xi32, #tpu.memory_space<hbm>> -> memref<80xi32, #tpu.memory_space<hbm>>
          %dma_start3A_89 = tpu.memref_slice %arg6[%add3A_78] : memref<320000xi32, #tpu.memory_space<hbm>> -> memref<80xi32, #tpu.memory_space<hbm>>
          tpu.enqueue_dma source(%dma_start3A_89 : memref<80xi32, #tpu.memory_space<hbm>>) target(%arg10 : memref<80xi32, #tpu.memory_space<vmem>>) target_semaphore(%run_scoped3A : memref<!tpu.dma_semaphore, #tpu.memory_space<semaphore_mem>>)
          %dma_wait3A_90 = tpu.memref_slice %arg6[%add3A_78] : memref<320000xi32, #tpu.memory_space<hbm>> -> memref<80xi32, #tpu.memory_space<hbm>>
          %dma_wait3A_91 = tpu.memref_slice %arg6[%add3A_78] : memref<320000xi32, #tpu.memory_space<hbm>> -> memref<80xi32, #tpu.memory_space<hbm>>
          tpu.wait_dma2 semaphore(%run_scoped3A : memref<!tpu.dma_semaphore, #tpu.memory_space<semaphore_mem>>) src(%dma_wait3A_91 : memref<80xi32, #tpu.memory_space<hbm>>) dst(%arg10 : memref<80xi32, #tpu.memory_space<vmem>>)
          tpu.yield
        }) : () -> ()
        "tpu.region"() ({
          %run_scoped3A = tpu.sem_alloc : memref<!tpu.dma_semaphore, #tpu.memory_space<semaphore_mem>>
          %dma_start3A = tpu.memref_slice %arg7[%add3A_78] : memref<320000xi32, #tpu.memory_space<hbm>> -> memref<80xi32, #tpu.memory_space<hbm>>
          %dma_start3A_89 = tpu.memref_slice %arg7[%add3A_78] : memref<320000xi32, #tpu.memory_space<hbm>> -> memref<80xi32, #tpu.memory_space<hbm>>
          tpu.enqueue_dma source(%dma_start3A_89 : memref<80xi32, #tpu.memory_space<hbm>>) target(%arg12 : memref<80xi32, #tpu.memory_space<vmem>>) target_semaphore(%run_scoped3A : memref<!tpu.dma_semaphore, #tpu.memory_space<semaphore_mem>>)
          %dma_wait3A_90 = tpu.memref_slice %arg7[%add3A_78] : memref<320000xi32, #tpu.memory_space<hbm>> -> memref<80xi32, #tpu.memory_space<hbm>>
          %dma_wait3A_91 = tpu.memref_slice %arg7[%add3A_78] : memref<320000xi32, #tpu.memory_space<hbm>> -> memref<80xi32, #tpu.memory_space<hbm>>
          tpu.wait_dma2 semaphore(%run_scoped3A : memref<!tpu.dma_semaphore, #tpu.memory_space<semaphore_mem>>) src(%dma_wait3A_91 : memref<80xi32, #tpu.memory_space<hbm>>) dst(%arg12 : memref<80xi32, #tpu.memory_space<vmem>>)
          tpu.yield
        }) : () -> ()
        %eq3A_79 = arith.constant 0 : i32
        %eq3A_80 = arith.cmpi eq, %arg0, %eq3A_79 : i32
        %convert_element_type3A_81 = arith.extui %eq3A_80 : i1 to i32
        %cond3A_82 = arith.constant 0 : i32
        %cond3A_83 = arith.cmpi ne, %convert_element_type3A_81, %cond3A_82 : i32
        scf.if %cond3A_83 {
          %dma_start3A = arith.constant 0 : i32
          %dma_start3A_89 = arith.constant 0 : i32
          %dma_start3A_90 = tpu.memref_slice %arg2[%dma_start3A, %dma_start3A_89] : memref<10000x128xf32, #tpu.memory_space<hbm>> -> memref<10000x128xf32, #tpu.memory_space<hbm>>
          tpu.enqueue_indirect_dma source(%dma_start3A_90 : memref<10000x128xf32, #tpu.memory_space<hbm>>) target(%arg14 : memref<80x128xf32, #tpu.memory_space<vmem>>) offsets(%arg10 : memref<80xi32, #tpu.memory_space<vmem>>) semaphore(%arg22 : memref<!tpu.dma_semaphore, #tpu.memory_space<semaphore_mem>>)
          %dma_start3A_91 = arith.constant 0 : i32
          %dma_start3A_92 = arith.constant 0 : i32
          %dma_start3A_93 = tpu.memref_slice %arg4[%dma_start3A_91, %dma_start3A_92] : memref<10000x64xf32, #tpu.memory_space<hbm>> -> memref<10000x64xf32, #tpu.memory_space<hbm>>
          tpu.enqueue_indirect_dma source(%dma_start3A_93 : memref<10000x64xf32, #tpu.memory_space<hbm>>) target(%arg16 : memref<80x64xf32, #tpu.memory_space<vmem>>) offsets(%arg12 : memref<80xi32, #tpu.memory_space<vmem>>) semaphore(%arg24 : memref<!tpu.dma_semaphore, #tpu.memory_space<semaphore_mem>>)
        } else {
        }
        %eq3A_84 = arith.constant 1 : i32
        %eq3A_85 = arith.cmpi eq, %arg0, %eq3A_84 : i32
        %convert_element_type3A_86 = arith.extui %eq3A_85 : i1 to i32
        %cond3A_87 = arith.constant 0 : i32
        %cond3A_88 = arith.cmpi ne, %convert_element_type3A_86, %cond3A_87 : i32
        scf.if %cond3A_88 {
          %dma_start3A = arith.constant 0 : i32
          %dma_start3A_89 = arith.constant 0 : i32
          %dma_start3A_90 = tpu.memref_slice %arg3[%dma_start3A, %dma_start3A_89] : memref<10000x128xf32, #tpu.memory_space<hbm>> -> memref<10000x128xf32, #tpu.memory_space<hbm>>
          tpu.enqueue_indirect_dma source(%dma_start3A_90 : memref<10000x128xf32, #tpu.memory_space<hbm>>) target(%arg14 : memref<80x128xf32, #tpu.memory_space<vmem>>) offsets(%arg10 : memref<80xi32, #tpu.memory_space<vmem>>) semaphore(%arg22 : memref<!tpu.dma_semaphore, #tpu.memory_space<semaphore_mem>>)
          %dma_start3A_91 = arith.constant 0 : i32
          %dma_start3A_92 = arith.constant 0 : i32
          %dma_start3A_93 = tpu.memref_slice %arg5[%dma_start3A_91, %dma_start3A_92] : memref<10000x64xf32, #tpu.memory_space<hbm>> -> memref<10000x64xf32, #tpu.memory_space<hbm>>
          tpu.enqueue_indirect_dma source(%dma_start3A_93 : memref<10000x64xf32, #tpu.memory_space<hbm>>) target(%arg16 : memref<80x64xf32, #tpu.memory_space<vmem>>) offsets(%arg12 : memref<80xi32, #tpu.memory_space<vmem>>) semaphore(%arg24 : memref<!tpu.dma_semaphore, #tpu.memory_space<semaphore_mem>>)
        } else {
        }
      } else {
      }
      %dma_wait3A_63 = arith.constant 0 : i32
      %dma_wait3A_64 = arith.constant 0 : i32
      %dma_wait3A_65 = tpu.memref_slice %arg2[%dma_wait3A_63, %dma_wait3A_64] : memref<10000x128xf32, #tpu.memory_space<hbm>> -> memref<10000x128xf32, #tpu.memory_space<hbm>>
      tpu.wait_indirect_dma semaphore(%arg23 : memref<!tpu.dma_semaphore, #tpu.memory_space<semaphore_mem>>) src(%dma_wait3A_65 : memref<10000x128xf32, #tpu.memory_space<hbm>>) dst(%arg15 : memref<80x128xf32, #tpu.memory_space<vmem>>)
      %dma_wait3A_66 = arith.constant 0 : i32
      %dma_wait3A_67 = arith.constant 0 : i32
      %dma_wait3A_68 = tpu.memref_slice %arg4[%dma_wait3A_66, %dma_wait3A_67] : memref<10000x64xf32, #tpu.memory_space<hbm>> -> memref<10000x64xf32, #tpu.memory_space<hbm>>
      tpu.wait_indirect_dma semaphore(%arg25 : memref<!tpu.dma_semaphore, #tpu.memory_space<semaphore_mem>>) src(%dma_wait3A_68 : memref<10000x64xf32, #tpu.memory_space<hbm>>) dst(%arg17 : memref<80x64xf32, #tpu.memory_space<vmem>>)
      %parallel_loop3A_69 = arith.constant 0 : i32
      %parallel_loop3A_70 = arith.constant 80 : i32
      %parallel_loop3A_71 = arith.constant 1 : i32
      scf.for %parallel_loop3A_72 = %parallel_loop3A_69 to %parallel_loop3A_70 step %parallel_loop3A_71  : i32 {
        %parallel_loop3A_73 = arith.index_cast %parallel_loop3A_72 : i32 to index
        %parallel_loop3A_74 = arith.constant 0 : index
        %parallel_loop3A_75 = tpu.vector_load %arg15[%parallel_loop3A_73, %parallel_loop3A_74] {strides = array<i32>} : memref<80x128xf32, #tpu.memory_space<vmem>>, vector<16xf32>,
        %parallel_loop3A_76 = arith.index_cast %parallel_loop3A_72 : i32 to index
        %parallel_loop3A_77 = arith.constant 16 : index
        %parallel_loop3A_78 = tpu.vector_load %arg15[%parallel_loop3A_76, %parallel_loop3A_77] {strides = array<i32>} : memref<80x128xf32, #tpu.memory_space<vmem>>, vector<16xf32>,
        %parallel_loop3A_79 = arith.index_cast %parallel_loop3A_72 : i32 to index
        %parallel_loop3A_80 = arith.constant 0 : index
        %parallel_loop3A_81 = tpu.vector_load %arg17[%parallel_loop3A_79, %parallel_loop3A_80] {strides = array<i32>} : memref<80x64xf32, #tpu.memory_space<vmem>>, vector<16xf32>,
        %parallel_loop3A_82 = arith.index_cast %parallel_loop3A_72 : i32 to index
        %parallel_loop3A_83 = arith.constant 16 : index
        %parallel_loop3A_84 = tpu.vector_load %arg17[%parallel_loop3A_82, %parallel_loop3A_83] {strides = array<i32>} : memref<80x64xf32, #tpu.memory_space<vmem>>, vector<16xf32>,
        %parallel_loop3A_85 = arith.mulf %parallel_loop3A_75, %parallel_loop3A_81 : vector<16xf32>
        %parallel_loop3A_86 = arith.mulf %parallel_loop3A_78, %parallel_loop3A_84 : vector<16xf32>
        %parallel_loop3A_87 = arith.addf %parallel_loop3A_85, %parallel_loop3A_86 : vector<16xf32>
        %parallel_loop3A_88 = arith.constant true
        %parallel_loop3A_89 = vector.broadcast %parallel_loop3A_88 : i1 to vector<16xi1>
        %parallel_loop3A_90 = tpu.scan <sum>, %parallel_loop3A_87 masked %parallel_loop3A_89 : vector<16xf32>, vector<16xi1> -> vector<16xf32>
        %parallel_loop3A_91 = vector.extract %parallel_loop3A_90[15] : f32 from vector<16xf32>
        %parallel_loop3A_92 = vector.broadcast %parallel_loop3A_91 : f32 to vector<16xf32>
        %parallel_loop3A_93 = math.exp %parallel_loop3A_92 : vector<16xf32>
        %parallel_loop3A_94 = arith.index_cast %parallel_loop3A_72 : i32 to index
        %parallel_loop3A_95 = arith.constant 64 : index
        %parallel_loop3A_96 = tpu.vector_load %arg15[%parallel_loop3A_94, %parallel_loop3A_95] {strides = array<i32>} : memref<80x128xf32, #tpu.memory_space<vmem>>, vector<16xf32>,
        %parallel_loop3A_97 = arith.index_cast %parallel_loop3A_72 : i32 to index
        %parallel_loop3A_98 = arith.constant 80 : index
        %parallel_loop3A_99 = tpu.vector_load %arg15[%parallel_loop3A_97, %parallel_loop3A_98] {strides = array<i32>} : memref<80x128xf32, #tpu.memory_space<vmem>>, vector<16xf32>,
        %parallel_loop3A_100 = arith.mulf %parallel_loop3A_93, %parallel_loop3A_96 : vector<16xf32>
        %parallel_loop3A_101 = arith.index_cast %parallel_loop3A_72 : i32 to index
        %parallel_loop3A_102 = arith.constant 0 : index
        %parallel_loop3A_103 = tpu.vector_load %arg18[%parallel_loop3A_101, %parallel_loop3A_102] {strides = array<i32>} : memref<80x64xf32, #tpu.memory_space<vmem>>, vector<16xf32>,
        tpu.vector_store %arg18[%parallel_loop3A_101, %parallel_loop3A_102], %parallel_loop3A_100 {strides = array<i32>} : memref<80x64xf32, #tpu.memory_space<vmem>>, vector<16xf32>,
        %parallel_loop3A_104 = arith.mulf %parallel_loop3A_93, %parallel_loop3A_99 : vector<16xf32>
        %parallel_loop3A_105 = arith.index_cast %parallel_loop3A_72 : i32 to index
        %parallel_loop3A_106 = arith.constant 16 : index
        %parallel_loop3A_107 = tpu.vector_load %arg18[%parallel_loop3A_105, %parallel_loop3A_106] {strides = array<i32>} : memref<80x64xf32, #tpu.memory_space<vmem>>, vector<16xf32>,
        tpu.vector_store %arg18[%parallel_loop3A_105, %parallel_loop3A_106], %parallel_loop3A_104 {strides = array<i32>} : memref<80x64xf32, #tpu.memory_space<vmem>>, vector<16xf32>,
        %parallel_loop3A_108 = arith.constant 4 : i32
        %parallel_loop3A_109 = vector.broadcast %parallel_loop3A_108 : i32 to vector<16xi32>
        %parallel_loop3A_110 = arith.divsi %iota3A, %parallel_loop3A_109 : vector<16xi32>
        %parallel_loop3A_111 = arith.constant 0 : i32
        %parallel_loop3A_112 = vector.broadcast %parallel_loop3A_111 : i32 to vector<16xi32>
        %parallel_loop3A_113 = arith.cmpi sgt, %iota3A, %parallel_loop3A_112 : vector<16xi32>
        %parallel_loop3A_114 = arith.extui %parallel_loop3A_113 : vector<16xi1> to vector<16xi32>
        %parallel_loop3A_115 = arith.constant 0 : i32
        %parallel_loop3A_116 = vector.broadcast %parallel_loop3A_115 : i32 to vector<16xi32>
        %parallel_loop3A_117 = arith.cmpi slt, %iota3A, %parallel_loop3A_116 : vector<16xi32>
        %parallel_loop3A_118 = arith.extui %parallel_loop3A_117 : vector<16xi1> to vector<16xi32>
        %parallel_loop3A_119 = arith.subi %parallel_loop3A_114, %parallel_loop3A_118 : vector<16xi32>
        %parallel_loop3A_120 = arith.constant 0 : i32
        %parallel_loop3A_121 = arith.cmpi sgt, %parallel_loop3A_108, %parallel_loop3A_120 : i32
        %parallel_loop3A_122 = arith.extui %parallel_loop3A_121 : i1 to i32
        %parallel_loop3A_123 = arith.constant 0 : i32
        %parallel_loop3A_124 = arith.cmpi slt, %parallel_loop3A_108, %parallel_loop3A_123 : i32
        %parallel_loop3A_125 = arith.extui %parallel_loop3A_124 : i1 to i32
        %parallel_loop3A_126 = arith.subi %parallel_loop3A_122, %parallel_loop3A_125 : i32
        %parallel_loop3A_127 = vector.broadcast %parallel_loop3A_126 : i32 to vector<16xi32>
        %parallel_loop3A_128 = arith.cmpi ne, %parallel_loop3A_119, %parallel_loop3A_127 : vector<16xi32>
        %parallel_loop3A_129 = vector.broadcast %parallel_loop3A_108 : i32 to vector<16xi32>
        %parallel_loop3A_130 = arith.remsi %iota3A, %parallel_loop3A_129 : vector<16xi32>
        %parallel_loop3A_131 = arith.constant 0 : i32
        %parallel_loop3A_132 = vector.broadcast %parallel_loop3A_131 : i32 to vector<16xi32>
        %parallel_loop3A_133 = arith.cmpi ne, %parallel_loop3A_130, %parallel_loop3A_132 : vector<16xi32>
        %parallel_loop3A_134 = arith.andi %parallel_loop3A_128, %parallel_loop3A_133 : vector<16xi1>
        %parallel_loop3A_135 = arith.constant 1 : i32
        %parallel_loop3A_136 = vector.broadcast %parallel_loop3A_135 : i32 to vector<16xi32>
        %parallel_loop3A_137 = arith.subi %parallel_loop3A_110, %parallel_loop3A_136 : vector<16xi32>
        %parallel_loop3A_138 = arith.select %parallel_loop3A_134, %parallel_loop3A_137, %parallel_loop3A_110 : vector<16xi1>, vector<16xi32>
        %parallel_loop3A_139 = arith.constant 2 : i32
        %parallel_loop3A_140 = arith.muli %parallel_loop3A_139, %arg0 : i32
        %parallel_loop3A_141 = arith.constant 0 : i32
        %parallel_loop3A_142 = arith.addi %parallel_loop3A_140, %parallel_loop3A_141 : i32
        %parallel_loop3A_143 = vector.broadcast %parallel_loop3A_142 : i32 to vector<16xi32>
        %parallel_loop3A_144 = arith.cmpi eq, %parallel_loop3A_138, %parallel_loop3A_143 : vector<16xi32>
        %parallel_loop3A_145 = arith.select %parallel_loop3A_144, %parallel_loop3A_93, %broadcast_in_dim3A_0 : vector<16xi1>, vector<16xf32>
        %parallel_loop3A_146 = arith.index_cast %parallel_loop3A_72 : i32 to index
        %parallel_loop3A_147 = arith.constant 32 : index
        %parallel_loop3A_148 = tpu.vector_load %arg15[%parallel_loop3A_146, %parallel_loop3A_147] {strides = array<i32>} : memref<80x128xf32, #tpu.memory_space<vmem>>, vector<16xf32>,
        %parallel_loop3A_149 = arith.index_cast %parallel_loop3A_72 : i32 to index
        %parallel_loop3A_150 = arith.constant 48 : index
        %parallel_loop3A_151 = tpu.vector_load %arg15[%parallel_loop3A_149, %parallel_loop3A_150] {strides = array<i32>} : memref<80x128xf32, #tpu.memory_space<vmem>>, vector<16xf32>,
        %parallel_loop3A_152 = arith.index_cast %parallel_loop3A_72 : i32 to index
        %parallel_loop3A_153 = arith.constant 32 : index
        %parallel_loop3A_154 = tpu.vector_load %arg17[%parallel_loop3A_152, %parallel_loop3A_153] {strides = array<i32>} : memref<80x64xf32, #tpu.memory_space<vmem>>, vector<16xf32>,
        %parallel_loop3A_155 = arith.index_cast %parallel_loop3A_72 : i32 to index
        %parallel_loop3A_156 = arith.constant 48 : index
        %parallel_loop3A_157 = tpu.vector_load %arg17[%parallel_loop3A_155, %parallel_loop3A_156] {strides = array<i32>} : memref<80x64xf32, #tpu.memory_space<vmem>>, vector<16xf32>,
        %parallel_loop3A_158 = arith.mulf %parallel_loop3A_148, %parallel_loop3A_154 : vector<16xf32>
        %parallel_loop3A_159 = arith.mulf %parallel_loop3A_151, %parallel_loop3A_157 : vector<16xf32>
        %parallel_loop3A_160 = arith.addf %parallel_loop3A_158, %parallel_loop3A_159 : vector<16xf32>
        %parallel_loop3A_161 = arith.constant true
        %parallel_loop3A_162 = vector.broadcast %parallel_loop3A_161 : i1 to vector<16xi1>
        %parallel_loop3A_163 = tpu.scan <sum>, %parallel_loop3A_160 masked %parallel_loop3A_162 : vector<16xf32>, vector<16xi1> -> vector<16xf32>
        %parallel_loop3A_164 = vector.extract %parallel_loop3A_163[15] : f32 from vector<16xf32>
        %parallel_loop3A_165 = vector.broadcast %parallel_loop3A_164 : f32 to vector<16xf32>
        %parallel_loop3A_166 = math.exp %parallel_loop3A_165 : vector<16xf32>
        %parallel_loop3A_167 = arith.index_cast %parallel_loop3A_72 : i32 to index
        %parallel_loop3A_168 = arith.constant 96 : index
        %parallel_loop3A_169 = tpu.vector_load %arg15[%parallel_loop3A_167, %parallel_loop3A_168] {strides = array<i32>} : memref<80x128xf32, #tpu.memory_space<vmem>>, vector<16xf32>,
        %parallel_loop3A_170 = arith.index_cast %parallel_loop3A_72 : i32 to index
        %parallel_loop3A_171 = arith.constant 112 : index
        %parallel_loop3A_172 = tpu.vector_load %arg15[%parallel_loop3A_170, %parallel_loop3A_171] {strides = array<i32>} : memref<80x128xf32, #tpu.memory_space<vmem>>, vector<16xf32>,
        %parallel_loop3A_173 = arith.mulf %parallel_loop3A_166, %parallel_loop3A_169 : vector<16xf32>
        %parallel_loop3A_174 = arith.index_cast %parallel_loop3A_72 : i32 to index
        %parallel_loop3A_175 = arith.constant 32 : index
        %parallel_loop3A_176 = tpu.vector_load %arg18[%parallel_loop3A_174, %parallel_loop3A_175] {strides = array<i32>} : memref<80x64xf32, #tpu.memory_space<vmem>>, vector<16xf32>,
        tpu.vector_store %arg18[%parallel_loop3A_174, %parallel_loop3A_175], %parallel_loop3A_173 {strides = array<i32>} : memref<80x64xf32, #tpu.memory_space<vmem>>, vector<16xf32>,
        %parallel_loop3A_177 = arith.mulf %parallel_loop3A_166, %parallel_loop3A_172 : vector<16xf32>
        %parallel_loop3A_178 = arith.index_cast %parallel_loop3A_72 : i32 to index
        %parallel_loop3A_179 = arith.constant 48 : index
        %parallel_loop3A_180 = tpu.vector_load %arg18[%parallel_loop3A_178, %parallel_loop3A_179] {strides = array<i32>} : memref<80x64xf32, #tpu.memory_space<vmem>>, vector<16xf32>,
        tpu.vector_store %arg18[%parallel_loop3A_178, %parallel_loop3A_179], %parallel_loop3A_177 {strides = array<i32>} : memref<80x64xf32, #tpu.memory_space<vmem>>, vector<16xf32>,
        %parallel_loop3A_181 = arith.constant 4 : i32
        %parallel_loop3A_182 = vector.broadcast %parallel_loop3A_181 : i32 to vector<16xi32>
        %parallel_loop3A_183 = arith.divsi %iota3A, %parallel_loop3A_182 : vector<16xi32>
        %parallel_loop3A_184 = arith.constant 0 : i32
        %parallel_loop3A_185 = vector.broadcast %parallel_loop3A_184 : i32 to vector<16xi32>
        %parallel_loop3A_186 = arith.cmpi sgt, %iota3A, %parallel_loop3A_185 : vector<16xi32>
        %parallel_loop3A_187 = arith.extui %parallel_loop3A_186 : vector<16xi1> to vector<16xi32>
        %parallel_loop3A_188 = arith.constant 0 : i32
        %parallel_loop3A_189 = vector.broadcast %parallel_loop3A_188 : i32 to vector<16xi32>
        %parallel_loop3A_190 = arith.cmpi slt, %iota3A, %parallel_loop3A_189 : vector<16xi32>
        %parallel_loop3A_191 = arith.extui %parallel_loop3A_190 : vector<16xi1> to vector<16xi32>
        %parallel_loop3A_192 = arith.subi %parallel_loop3A_187, %parallel_loop3A_191 : vector<16xi32>
        %parallel_loop3A_193 = arith.constant 0 : i32
        %parallel_loop3A_194 = arith.cmpi sgt, %parallel_loop3A_181, %parallel_loop3A_193 : i32
        %parallel_loop3A_195 = arith.extui %parallel_loop3A_194 : i1 to i32
        %parallel_loop3A_196 = arith.constant 0 : i32
        %parallel_loop3A_197 = arith.cmpi slt, %parallel_loop3A_181, %parallel_loop3A_196 : i32
        %parallel_loop3A_198 = arith.extui %parallel_loop3A_197 : i1 to i32
        %parallel_loop3A_199 = arith.subi %parallel_loop3A_195, %parallel_loop3A_198 : i32
        %parallel_loop3A_200 = vector.broadcast %parallel_loop3A_199 : i32 to vector<16xi32>
        %parallel_loop3A_201 = arith.cmpi ne, %parallel_loop3A_192, %parallel_loop3A_200 : vector<16xi32>
        %parallel_loop3A_202 = vector.broadcast %parallel_loop3A_181 : i32 to vector<16xi32>
        %parallel_loop3A_203 = arith.remsi %iota3A, %parallel_loop3A_202 : vector<16xi32>
        %parallel_loop3A_204 = arith.constant 0 : i32
        %parallel_loop3A_205 = vector.broadcast %parallel_loop3A_204 : i32 to vector<16xi32>
        %parallel_loop3A_206 = arith.cmpi ne, %parallel_loop3A_203, %parallel_loop3A_205 : vector<16xi32>
        %parallel_loop3A_207 = arith.andi %parallel_loop3A_201, %parallel_loop3A_206 : vector<16xi1>
        %parallel_loop3A_208 = arith.constant 1 : i32
        %parallel_loop3A_209 = vector.broadcast %parallel_loop3A_208 : i32 to vector<16xi32>
        %parallel_loop3A_210 = arith.subi %parallel_loop3A_183, %parallel_loop3A_209 : vector<16xi32>
        %parallel_loop3A_211 = arith.select %parallel_loop3A_207, %parallel_loop3A_210, %parallel_loop3A_183 : vector<16xi1>, vector<16xi32>
        %parallel_loop3A_212 = arith.constant 2 : i32
        %parallel_loop3A_213 = arith.muli %parallel_loop3A_212, %arg0 : i32
        %parallel_loop3A_214 = arith.constant 1 : i32
        %parallel_loop3A_215 = arith.addi %parallel_loop3A_213, %parallel_loop3A_214 : i32
        %parallel_loop3A_216 = vector.broadcast %parallel_loop3A_215 : i32 to vector<16xi32>
        %parallel_loop3A_217 = arith.cmpi eq, %parallel_loop3A_211, %parallel_loop3A_216 : vector<16xi32>
        %parallel_loop3A_218 = arith.select %parallel_loop3A_217, %parallel_loop3A_166, %parallel_loop3A_145 : vector<16xi1>, vector<16xf32>
        %parallel_loop3A_219 = arith.index_cast %parallel_loop3A_72 : i32 to index
        %parallel_loop3A_220 = arith.constant 0 : index
        %parallel_loop3A_221 = tpu.vector_load %arg19[%parallel_loop3A_219, %parallel_loop3A_220] {strides = array<i32>} : memref<80x16xf32, #tpu.memory_space<vmem>>, vector<16xf32>,
        tpu.vector_store %arg19[%parallel_loop3A_219, %parallel_loop3A_220], %parallel_loop3A_218 {strides = array<i32>} : memref<80x16xf32, #tpu.memory_space<vmem>>, vector<16xf32>,
      } {sc.loop_unroll_factor = 8 : i64, sc.parallel_access}
      "tpu.region"() ({
        %run_scoped3A = tpu.sem_alloc : memref<!tpu.dma_semaphore, #tpu.memory_space<semaphore_mem>>
        %dma_start3A = arith.constant 0 : i32
        %dma_start3A_72 = arith.constant 0 : i32
        %dma_start3A_73 = tpu.memref_slice %arg20[%dma_start3A, %dma_start3A_72] : memref<10000x64xf32, #tpu.memory_space<vmem_shared>> -> memref<10000x64xf32, #tpu.memory_space<vmem_shared>>
        tpu.enqueue_indirect_dma source(%arg18 : memref<80x64xf32, #tpu.memory_space<vmem>>) target(%dma_start3A_73 : memref<10000x64xf32, #tpu.memory_space<vmem_shared>>) offsets(%arg13 : memref<80xi32, #tpu.memory_space<vmem>>) semaphore(%run_scoped3A : memref<!tpu.dma_semaphore, #tpu.memory_space<semaphore_mem>>) {add = true}
        %dma_wait3A_74 = arith.constant 0 : i32
        %dma_wait3A_75 = arith.constant 0 : i32
        %dma_wait3A_76 = tpu.memref_slice %arg20[%dma_wait3A_74, %dma_wait3A_75] : memref<10000x64xf32, #tpu.memory_space<vmem_shared>> -> memref<10000x64xf32, #tpu.memory_space<vmem_shared>>
        tpu.wait_indirect_dma semaphore(%run_scoped3A : memref<!tpu.dma_semaphore, #tpu.memory_space<semaphore_mem>>) src(%arg18 : memref<80x64xf32, #tpu.memory_space<vmem>>) dst(%dma_wait3A_76 : memref<10000x64xf32, #tpu.memory_space<vmem_shared>>)
        tpu.yield
      }) : () -> ()
      "tpu.region"() ({
        %run_scoped3A = tpu.sem_alloc : memref<!tpu.dma_semaphore, #tpu.memory_space<semaphore_mem>>
        %dma_start3A = arith.constant 0 : i32
        %dma_start3A_72 = arith.constant 0 : i32
        %dma_start3A_73 = tpu.memref_slice %arg21[%dma_start3A, %dma_start3A_72] : memref<10000x16xf32, #tpu.memory_space<vmem_shared>> -> memref<10000x16xf32, #tpu.memory_space<vmem_shared>>
        tpu.enqueue_indirect_dma source(%arg19 : memref<80x16xf32, #tpu.memory_space<vmem>>) target(%dma_start3A_73 : memref<10000x16xf32, #tpu.memory_space<vmem_shared>>) offsets(%arg13 : memref<80xi32, #tpu.memory_space<vmem>>) semaphore(%run_scoped3A : memref<!tpu.dma_semaphore, #tpu.memory_space<semaphore_mem>>) {add = true}
        %dma_wait3A_74 = arith.constant 0 : i32
        %dma_wait3A_75 = arith.constant 0 : i32
        %dma_wait3A_76 = tpu.memref_slice %arg21[%dma_wait3A_74, %dma_wait3A_75] : memref<10000x16xf32, #tpu.memory_space<vmem_shared>> -> memref<10000x16xf32, #tpu.memory_space<vmem_shared>>
        tpu.wait_indirect_dma semaphore(%run_scoped3A : memref<!tpu.dma_semaphore, #tpu.memory_space<semaphore_mem>>) src(%arg19 : memref<80x16xf32, #tpu.memory_space<vmem>>) dst(%dma_wait3A_76 : memref<10000x16xf32, #tpu.memory_space<vmem_shared>>)
        tpu.yield
      }) : () -> ()
    }
    %scan3A_28 = arith.constant 125 : i32
    %barrier3A_29 = arith.constant 0 : index
    tpu.barrier barrier_id(%barrier3A_29)
    "tpu.region"() ({
      %run_scoped3A = tpu.sem_alloc : memref<!tpu.dma_semaphore, #tpu.memory_space<semaphore_mem>>
      %dma_start3A = arith.constant 0 : i32
      %dma_start3A_30 = tpu.memref_slice %arg8[%arg0, %mul3A_6, %dma_start3A] : memref<2x10000x64xf32, #tpu.memory_space<hbm>> -> memref<1x640x64xf32, #tpu.memory_space<hbm>>
      %dma_start3A_31 = tpu.memref_squeeze %dma_start3A_30 : memref<1x640x64xf32, #tpu.memory_space<hbm>> -> memref<640x64xf32, #tpu.memory_space<hbm>>
      %dma_start3A_32 = arith.constant 0 : i32
      %dma_start3A_33 = tpu.memref_slice %arg20[%mul3A_6, %dma_start3A_32] : memref<10000x64xf32, #tpu.memory_space<vmem_shared>> -> memref<640x64xf32, #tpu.memory_space<vmem_shared>>
      tpu.enqueue_dma source(%dma_start3A_33 : memref<640x64xf32, #tpu.memory_space<vmem_shared>>) target(%dma_start3A_31 : memref<640x64xf32, #tpu.memory_space<hbm>>) target_semaphore(%run_scoped3A : memref<!tpu.dma_semaphore, #tpu.memory_space<semaphore_mem>>)
      %dma_wait3A = arith.constant 0 : i32
      %dma_wait3A_34 = tpu.memref_slice %arg8[%arg0, %mul3A_6, %dma_wait3A] : memref<2x10000x64xf32, #tpu.memory_space<hbm>> -> memref<1x640x64xf32, #tpu.memory_space<hbm>>
      %dma_wait3A_35 = tpu.memref_squeeze %dma_wait3A_34 : memref<1x640x64xf32, #tpu.memory_space<hbm>> -> memref<640x64xf32, #tpu.memory_space<hbm>>
      %dma_wait3A_36 = arith.constant 0 : i32
      %dma_wait3A_37 = tpu.memref_slice %arg20[%mul3A_6, %dma_wait3A_36] : memref<10000x64xf32, #tpu.memory_space<vmem_shared>> -> memref<640x64xf32, #tpu.memory_space<vmem_shared>>
      tpu.wait_dma2 semaphore(%run_scoped3A : memref<!tpu.dma_semaphore, #tpu.memory_space<semaphore_mem>>) src(%dma_wait3A_37 : memref<640x64xf32, #tpu.memory_space<vmem_shared>>) dst(%dma_wait3A_35 : memref<640x64xf32, #tpu.memory_space<hbm>>)
      tpu.yield
    }) : () -> ()
    "tpu.region"() ({
      %run_scoped3A = tpu.sem_alloc : memref<!tpu.dma_semaphore, #tpu.memory_space<semaphore_mem>>
      %dma_start3A = arith.constant 0 : i32
      %dma_start3A_30 = tpu.memref_slice %arg9[%arg0, %mul3A_6, %dma_start3A] : memref<2x10000x16xf32, #tpu.memory_space<hbm>> -> memref<1x640x16xf32, #tpu.memory_space<hbm>>
      %dma_start3A_31 = tpu.memref_squeeze %dma_start3A_30 : memref<1x640x16xf32, #tpu.memory_space<hbm>> -> memref<640x16xf32, #tpu.memory_space<hbm>>
      %dma_start3A_32 = arith.constant 0 : i32
      %dma_start3A_33 = tpu.memref_slice %arg21[%mul3A_6, %dma_start3A_32] : memref<10000x16xf32, #tpu.memory_space<vmem_shared>> -> memref<640x16xf32, #tpu.memory_space<vmem_shared>>
      tpu.enqueue_dma source(%dma_start3A_33 : memref<640x16xf32, #tpu.memory_space<vmem_shared>>) target(%dma_start3A_31 : memref<640x16xf32, #tpu.memory_space<hbm>>) target_semaphore(%run_scoped3A : memref<!tpu.dma_semaphore, #tpu.memory_space<semaphore_mem>>)
      %dma_wait3A = arith.constant 0 : i32
      %dma_wait3A_34 = tpu.memref_slice %arg9[%arg0, %mul3A_6, %dma_wait3A] : memref<2x10000x16xf32, #tpu.memory_space<hbm>> -> memref<1x640x16xf32, #tpu.memory_space<hbm>>
      %dma_wait3A_35 = tpu.memref_squeeze %dma_wait3A_34 : memref<1x640x16xf32, #tpu.memory_space<hbm>> -> memref<640x16xf32, #tpu.memory_space<hbm>>
      %dma_wait3A_36 = arith.constant 0 : i32
      %dma_wait3A_37 = tpu.memref_slice %arg21[%mul3A_6, %dma_wait3A_36] : memref<10000x16xf32, #tpu.memory_space<vmem_shared>> -> memref<640x16xf32, #tpu.memory_space<vmem_shared>>
      tpu.wait_dma2 semaphore(%run_scoped3A : memref<!tpu.dma_semaphore, #tpu.memory_space<semaphore_mem>>) src(%dma_wait3A_37 : memref<640x16xf32, #tpu.memory_space<vmem_shared>>) dst(%dma_wait3A_35 : memref<640x16xf32, #tpu.memory_space<hbm>>)
      tpu.yield
    }) : () -> ()
    return
  }
}

#map = affine_map<(d0, d1) -> (0, 0)>
#map1 = affine_map<(d0, d1) -> (0)>
#map2 = affine_map<(d0, d1) -> (0, 0, 0)>
module attributes {stable_mosaic.version = 14 : i64} {
  func.func @_sc_edge_body(%arg0: i32, %arg1: i32, %arg2: memref<10000x128xf32, #tpu.memory_space<hbm>>, %arg3: memref<10000x128xf32, #tpu.memory_space<hbm>>, %arg4: memref<10000x64xf32, #tpu.memory_space<hbm>>, %arg5: memref<10000x64xf32, #tpu.memory_space<hbm>>, %arg6: memref<320000xi32, #tpu.memory_space<hbm>>, %arg7: memref<320000xi32, #tpu.memory_space<hbm>>, %arg8: memref<2x10000x64xf32, #tpu.memory_space<hbm>>, %arg9: memref<2x10000x16xf32, #tpu.memory_space<hbm>>, %arg10: memref<80xi32, #tpu.memory_space<vmem>>, %arg11: memref<80xi32, #tpu.memory_space<vmem>>, %arg12: memref<80xi32, #tpu.memory_space<vmem>>, %arg13: memref<80xi32, #tpu.memory_space<vmem>>, %arg14: memref<80x128xf32, #tpu.memory_space<vmem>>, %arg15: memref<80x128xf32, #tpu.memory_space<vmem>>, %arg16: memref<80x64xf32, #tpu.memory_space<vmem>>, %arg17: memref<80x64xf32, #tpu.memory_space<vmem>>, %arg18: memref<80x64xf32, #tpu.memory_space<vmem>>, %arg19: memref<80x16xf32, #tpu.memory_space<vmem>>, %arg20: memref<10000x64xf32, #tpu.memory_space<vmem_shared>>, %arg21: memref<10000x16xf32, #tpu.memory_space<vmem_shared>>, %arg22: memref<!tpu.dma_semaphore, #tpu.memory_space<semaphore_mem>>, %arg23: memref<!tpu.dma_semaphore, #tpu.memory_space<semaphore_mem>>, %arg24: memref<!tpu.dma_semaphore, #tpu.memory_space<semaphore_mem>>, %arg25: memref<!tpu.dma_semaphore, #tpu.memory_space<semaphore_mem>>) attributes {dimension_semantics = [#tpu.dimension_semantics<core_parallel>, #tpu.dimension_semantics<subcore_parallel>], iteration_bounds = array<i64: 2, 16>, scalar_prefetch = 0 : i64, scratch_operands = 16 : i64, tpu.core_type = #tpu.core_type<sc_vector_subcore>, window_params = [{transform_indices = #map}, {transform_indices = #map}, {transform_indices = #map}, {transform_indices = #map}, {transform_indices = #map1}, {transform_indices = #map1}, {transform_indices = #map2}, {transform_indices = #map2}]} {
    %broadcast_in_dim3A = arith.constant 0.000000e+00 : f32
    %broadcast_in_dim3A_0 = vector.broadcast %broadcast_in_dim3A : f32 to vector<16xf32>
    %iota3A = tpu.iota {dimensions = array<i32: 0>} : vector<16xi32>
    %scan3A = arith.constant 0 : i32
    %scan3A_1 = arith.constant 0 : i32
    %scan3A_2 = arith.constant 80 : i32
    %scan3A_3 = arith.addi %scan3A_1, %scan3A_2 : i32
    %scan3A_4 = arith.constant 1 : i32
    scf.for %scan3A_30 = %scan3A_1 to %scan3A_3 step %scan3A_4  : i32 {
      %swap3A = arith.index_cast %scan3A_30 : i32 to index
      %swap3A_31 = arith.constant 0 : index
      %swap3A_32 = tpu.vector_load %arg18[%swap3A, %swap3A_31] {strides = array<i32>} : memref<80x64xf32, #tpu.memory_space<vmem>>, vector<16xf32>,
      tpu.vector_store %arg18[%swap3A, %swap3A_31], %broadcast_in_dim3A_0 {strides = array<i32>} : memref<80x64xf32, #tpu.memory_space<vmem>>, vector<16xf32>,
      %swap3A_33 = arith.index_cast %scan3A_30 : i32 to index
      %swap3A_34 = arith.constant 16 : index
      %swap3A_35 = tpu.vector_load %arg18[%swap3A_33, %swap3A_34] {strides = array<i32>} : memref<80x64xf32, #tpu.memory_space<vmem>>, vector<16xf32>,
      tpu.vector_store %arg18[%swap3A_33, %swap3A_34], %broadcast_in_dim3A_0 {strides = array<i32>} : memref<80x64xf32, #tpu.memory_space<vmem>>, vector<16xf32>,
      %swap3A_36 = arith.index_cast %scan3A_30 : i32 to index
      %swap3A_37 = arith.constant 32 : index
      %swap3A_38 = tpu.vector_load %arg18[%swap3A_36, %swap3A_37] {strides = array<i32>} : memref<80x64xf32, #tpu.memory_space<vmem>>, vector<16xf32>,
      tpu.vector_store %arg18[%swap3A_36, %swap3A_37], %broadcast_in_dim3A_0 {strides = array<i32>} : memref<80x64xf32, #tpu.memory_space<vmem>>, vector<16xf32>,
      %swap3A_39 = arith.index_cast %scan3A_30 : i32 to index
      %swap3A_40 = arith.constant 48 : index
      %swap3A_41 = tpu.vector_load %arg18[%swap3A_39, %swap3A_40] {strides = array<i32>} : memref<80x64xf32, #tpu.memory_space<vmem>>, vector<16xf32>,
      tpu.vector_store %arg18[%swap3A_39, %swap3A_40], %broadcast_in_dim3A_0 {strides = array<i32>} : memref<80x64xf32, #tpu.memory_space<vmem>>, vector<16xf32>,
      %swap3A_42 = arith.index_cast %scan3A_30 : i32 to index
      %swap3A_43 = arith.constant 0 : index
      %swap3A_44 = tpu.vector_load %arg19[%swap3A_42, %swap3A_43] {strides = array<i32>} : memref<80x16xf32, #tpu.memory_space<vmem>>, vector<16xf32>,
      tpu.vector_store %arg19[%swap3A_42, %swap3A_43], %broadcast_in_dim3A_0 {strides = array<i32>} : memref<80x16xf32, #tpu.memory_space<vmem>>, vector<16xf32>,
    }
    %scan3A_5 = arith.constant 80 : i32
    %mul3A = arith.constant 624 : i32
    %mul3A_6 = arith.muli %arg1, %mul3A : i32
    %scan3A_7 = arith.constant 0 : i32
    %scan3A_8 = arith.constant 0 : i32
    %scan3A_9 = arith.constant 8 : i32
    %scan3A_10 = arith.addi %scan3A_8, %scan3A_9 : i32
    %scan3A_11 = arith.constant 1 : i32
    scf.for %scan3A_30 = %scan3A_8 to %scan3A_10 step %scan3A_11  : i32 {
      %mul3A_31 = arith.constant 80 : i32
      %mul3A_32 = arith.muli %scan3A_30, %mul3A_31 : i32
      %add3A_33 = arith.addi %mul3A_6, %mul3A_32 : i32
      "tpu.region"() ({
        %run_scoped3A = tpu.sem_alloc : memref<!tpu.dma_semaphore, #tpu.memory_space<semaphore_mem>>
        %dma_start3A = arith.constant 0 : i32
        %dma_start3A_37 = arith.constant 0 : i32
        %dma_start3A_38 = tpu.memref_slice %arg18[%dma_start3A, %dma_start3A_37] : memref<80x64xf32, #tpu.memory_space<vmem>> -> memref<80x64xf32, #tpu.memory_space<vmem>>
        %dma_start3A_39 = arith.constant 0 : i32
        %dma_start3A_40 = tpu.memref_slice %arg20[%add3A_33, %dma_start3A_39] : memref<10000x64xf32, #tpu.memory_space<vmem_shared>> -> memref<80x64xf32, #tpu.memory_space<vmem_shared>>
        %dma_start3A_41 = arith.constant 0 : i32
        %dma_start3A_42 = tpu.memref_slice %arg20[%add3A_33, %dma_start3A_41] : memref<10000x64xf32, #tpu.memory_space<vmem_shared>> -> memref<80x64xf32, #tpu.memory_space<vmem_shared>>
        %dma_start3A_43 = arith.constant 0 : i32
        %dma_start3A_44 = arith.constant 0 : i32
        %dma_start3A_45 = tpu.memref_slice %arg18[%dma_start3A_43, %dma_start3A_44] : memref<80x64xf32, #tpu.memory_space<vmem>> -> memref<80x64xf32, #tpu.memory_space<vmem>>
        tpu.enqueue_dma source(%dma_start3A_45 : memref<80x64xf32, #tpu.memory_space<vmem>>) target(%dma_start3A_42 : memref<80x64xf32, #tpu.memory_space<vmem_shared>>) target_semaphore(%run_scoped3A : memref<!tpu.dma_semaphore, #tpu.memory_space<semaphore_mem>>)
        %dma_wait3A = arith.constant 0 : i32
        %dma_wait3A_46 = arith.constant 0 : i32
        %dma_wait3A_47 = tpu.memref_slice %arg18[%dma_wait3A, %dma_wait3A_46] : memref<80x64xf32, #tpu.memory_space<vmem>> -> memref<80x64xf32, #tpu.memory_space<vmem>>
        %dma_wait3A_48 = arith.constant 0 : i32
        %dma_wait3A_49 = tpu.memref_slice %arg20[%add3A_33, %dma_wait3A_48] : memref<10000x64xf32, #tpu.memory_space<vmem_shared>> -> memref<80x64xf32, #tpu.memory_space<vmem_shared>>
        %dma_wait3A_50 = arith.constant 0 : i32
        %dma_wait3A_51 = tpu.memref_slice %arg20[%add3A_33, %dma_wait3A_50] : memref<10000x64xf32, #tpu.memory_space<vmem_shared>> -> memref<80x64xf32, #tpu.memory_space<vmem_shared>>
        %dma_wait3A_52 = arith.constant 0 : i32
        %dma_wait3A_53 = arith.constant 0 : i32
        %dma_wait3A_54 = tpu.memref_slice %arg18[%dma_wait3A_52, %dma_wait3A_53] : memref<80x64xf32, #tpu.memory_space<vmem>> -> memref<80x64xf32, #tpu.memory_space<vmem>>
        tpu.wait_dma2 semaphore(%run_scoped3A : memref<!tpu.dma_semaphore, #tpu.memory_space<semaphore_mem>>) src(%dma_wait3A_54 : memref<80x64xf32, #tpu.memory_space<vmem>>) dst(%dma_wait3A_51 : memref<80x64xf32, #tpu.memory_space<vmem_shared>>)
        tpu.yield
      }) : () -> ()
      %mul3A_34 = arith.constant 80 : i32
      %mul3A_35 = arith.muli %scan3A_30, %mul3A_34 : i32
      %add3A_36 = arith.addi %mul3A_6, %mul3A_35 : i32
      "tpu.region"() ({
        %run_scoped3A = tpu.sem_alloc : memref<!tpu.dma_semaphore, #tpu.memory_space<semaphore_mem>>
        %dma_start3A = arith.constant 0 : i32
        %dma_start3A_37 = arith.constant 0 : i32
        %dma_start3A_38 = tpu.memref_slice %arg19[%dma_start3A, %dma_start3A_37] : memref<80x16xf32, #tpu.memory_space<vmem>> -> memref<80x16xf32, #tpu.memory_space<vmem>>
        %dma_start3A_39 = arith.constant 0 : i32
        %dma_start3A_40 = tpu.memref_slice %arg21[%add3A_36, %dma_start3A_39] : memref<10000x16xf32, #tpu.memory_space<vmem_shared>> -> memref<80x16xf32, #tpu.memory_space<vmem_shared>>
        %dma_start3A_41 = arith.constant 0 : i32
        %dma_start3A_42 = tpu.memref_slice %arg21[%add3A_36, %dma_start3A_41] : memref<10000x16xf32, #tpu.memory_space<vmem_shared>> -> memref<80x16xf32, #tpu.memory_space<vmem_shared>>
        %dma_start3A_43 = arith.constant 0 : i32
        %dma_start3A_44 = arith.constant 0 : i32
        %dma_start3A_45 = tpu.memref_slice %arg19[%dma_start3A_43, %dma_start3A_44] : memref<80x16xf32, #tpu.memory_space<vmem>> -> memref<80x16xf32, #tpu.memory_space<vmem>>
        tpu.enqueue_dma source(%dma_start3A_45 : memref<80x16xf32, #tpu.memory_space<vmem>>) target(%dma_start3A_42 : memref<80x16xf32, #tpu.memory_space<vmem_shared>>) target_semaphore(%run_scoped3A : memref<!tpu.dma_semaphore, #tpu.memory_space<semaphore_mem>>)
        %dma_wait3A = arith.constant 0 : i32
        %dma_wait3A_46 = arith.constant 0 : i32
        %dma_wait3A_47 = tpu.memref_slice %arg19[%dma_wait3A, %dma_wait3A_46] : memref<80x16xf32, #tpu.memory_space<vmem>> -> memref<80x16xf32, #tpu.memory_space<vmem>>
        %dma_wait3A_48 = arith.constant 0 : i32
        %dma_wait3A_49 = tpu.memref_slice %arg21[%add3A_36, %dma_wait3A_48] : memref<10000x16xf32, #tpu.memory_space<vmem_shared>> -> memref<80x16xf32, #tpu.memory_space<vmem_shared>>
        %dma_wait3A_50 = arith.constant 0 : i32
        %dma_wait3A_51 = tpu.memref_slice %arg21[%add3A_36, %dma_wait3A_50] : memref<10000x16xf32, #tpu.memory_space<vmem_shared>> -> memref<80x16xf32, #tpu.memory_space<vmem_shared>>
        %dma_wait3A_52 = arith.constant 0 : i32
        %dma_wait3A_53 = arith.constant 0 : i32
        %dma_wait3A_54 = tpu.memref_slice %arg19[%dma_wait3A_52, %dma_wait3A_53] : memref<80x16xf32, #tpu.memory_space<vmem>> -> memref<80x16xf32, #tpu.memory_space<vmem>>
        tpu.wait_dma2 semaphore(%run_scoped3A : memref<!tpu.dma_semaphore, #tpu.memory_space<semaphore_mem>>) src(%dma_wait3A_54 : memref<80x16xf32, #tpu.memory_space<vmem>>) dst(%dma_wait3A_51 : memref<80x16xf32, #tpu.memory_space<vmem_shared>>)
        tpu.yield
      }) : () -> ()
    }
    %scan3A_12 = arith.constant 8 : i32
    %barrier3A = arith.constant 0 : index
    tpu.barrier barrier_id(%barrier3A)
    %mul3A_13 = arith.constant 20000 : i32
    %mul3A_14 = arith.muli %arg1, %mul3A_13 : i32
    %add3A = arith.constant 0 : i32
    %add3A_15 = arith.addi %mul3A_14, %add3A : i32
    "tpu.region"() ({
      %run_scoped3A = tpu.sem_alloc : memref<!tpu.dma_semaphore, #tpu.memory_space<semaphore_mem>>
      %dma_start3A = tpu.memref_slice %arg6[%add3A_15] : memref<320000xi32, #tpu.memory_space<hbm>> -> memref<80xi32, #tpu.memory_space<hbm>>
      %dma_start3A_30 = tpu.memref_slice %arg6[%add3A_15] : memref<320000xi32, #tpu.memory_space<hbm>> -> memref<80xi32, #tpu.memory_space<hbm>>
      tpu.enqueue_dma source(%dma_start3A_30 : memref<80xi32, #tpu.memory_space<hbm>>) target(%arg10 : memref<80xi32, #tpu.memory_space<vmem>>) target_semaphore(%run_scoped3A : memref<!tpu.dma_semaphore, #tpu.memory_space<semaphore_mem>>)
      %dma_wait3A = tpu.memref_slice %arg6[%add3A_15] : memref<320000xi32, #tpu.memory_space<hbm>> -> memref<80xi32, #tpu.memory_space<hbm>>
      %dma_wait3A_31 = tpu.memref_slice %arg6[%add3A_15] : memref<320000xi32, #tpu.memory_space<hbm>> -> memref<80xi32, #tpu.memory_space<hbm>>
      tpu.wait_dma2 semaphore(%run_scoped3A : memref<!tpu.dma_semaphore, #tpu.memory_space<semaphore_mem>>) src(%dma_wait3A_31 : memref<80xi32, #tpu.memory_space<hbm>>) dst(%arg10 : memref<80xi32, #tpu.memory_space<vmem>>)
      tpu.yield
    }) : () -> ()
    "tpu.region"() ({
      %run_scoped3A = tpu.sem_alloc : memref<!tpu.dma_semaphore, #tpu.memory_space<semaphore_mem>>
      %dma_start3A = tpu.memref_slice %arg7[%add3A_15] : memref<320000xi32, #tpu.memory_space<hbm>> -> memref<80xi32, #tpu.memory_space<hbm>>
      %dma_start3A_30 = tpu.memref_slice %arg7[%add3A_15] : memref<320000xi32, #tpu.memory_space<hbm>> -> memref<80xi32, #tpu.memory_space<hbm>>
      tpu.enqueue_dma source(%dma_start3A_30 : memref<80xi32, #tpu.memory_space<hbm>>) target(%arg12 : memref<80xi32, #tpu.memory_space<vmem>>) target_semaphore(%run_scoped3A : memref<!tpu.dma_semaphore, #tpu.memory_space<semaphore_mem>>)
      %dma_wait3A = tpu.memref_slice %arg7[%add3A_15] : memref<320000xi32, #tpu.memory_space<hbm>> -> memref<80xi32, #tpu.memory_space<hbm>>
      %dma_wait3A_31 = tpu.memref_slice %arg7[%add3A_15] : memref<320000xi32, #tpu.memory_space<hbm>> -> memref<80xi32, #tpu.memory_space<hbm>>
      tpu.wait_dma2 semaphore(%run_scoped3A : memref<!tpu.dma_semaphore, #tpu.memory_space<semaphore_mem>>) src(%dma_wait3A_31 : memref<80xi32, #tpu.memory_space<hbm>>) dst(%arg12 : memref<80xi32, #tpu.memory_space<vmem>>)
      tpu.yield
    }) : () -> ()
    %eq3A = arith.constant 0 : i32
    %eq3A_16 = arith.cmpi eq, %arg0, %eq3A : i32
    %convert_element_type3A = arith.extui %eq3A_16 : i1 to i32
    %cond3A = arith.constant 0 : i32
    %cond3A_17 = arith.cmpi ne, %convert_element_type3A, %cond3A : i32
    scf.if %cond3A_17 {
      %dma_start3A = arith.constant 0 : i32
      %dma_start3A_30 = arith.constant 0 : i32
      %dma_start3A_31 = tpu.memref_slice %arg2[%dma_start3A, %dma_start3A_30] : memref<10000x128xf32, #tpu.memory_space<hbm>> -> memref<10000x128xf32, #tpu.memory_space<hbm>>
      tpu.enqueue_indirect_dma source(%dma_start3A_31 : memref<10000x128xf32, #tpu.memory_space<hbm>>) target(%arg14 : memref<80x128xf32, #tpu.memory_space<vmem>>) offsets(%arg10 : memref<80xi32, #tpu.memory_space<vmem>>) semaphore(%arg22 : memref<!tpu.dma_semaphore, #tpu.memory_space<semaphore_mem>>)
      %dma_start3A_32 = arith.constant 0 : i32
      %dma_start3A_33 = arith.constant 0 : i32
      %dma_start3A_34 = tpu.memref_slice %arg4[%dma_start3A_32, %dma_start3A_33] : memref<10000x64xf32, #tpu.memory_space<hbm>> -> memref<10000x64xf32, #tpu.memory_space<hbm>>
      tpu.enqueue_indirect_dma source(%dma_start3A_34 : memref<10000x64xf32, #tpu.memory_space<hbm>>) target(%arg16 : memref<80x64xf32, #tpu.memory_space<vmem>>) offsets(%arg12 : memref<80xi32, #tpu.memory_space<vmem>>) semaphore(%arg24 : memref<!tpu.dma_semaphore, #tpu.memory_space<semaphore_mem>>)
    } else {
    }
    %eq3A_18 = arith.constant 1 : i32
    %eq3A_19 = arith.cmpi eq, %arg0, %eq3A_18 : i32
    %convert_element_type3A_20 = arith.extui %eq3A_19 : i1 to i32
    %cond3A_21 = arith.constant 0 : i32
    %cond3A_22 = arith.cmpi ne, %convert_element_type3A_20, %cond3A_21 : i32
    scf.if %cond3A_22 {
      %dma_start3A = arith.constant 0 : i32
      %dma_start3A_30 = arith.constant 0 : i32
      %dma_start3A_31 = tpu.memref_slice %arg3[%dma_start3A, %dma_start3A_30] : memref<10000x128xf32, #tpu.memory_space<hbm>> -> memref<10000x128xf32, #tpu.memory_space<hbm>>
      tpu.enqueue_indirect_dma source(%dma_start3A_31 : memref<10000x128xf32, #tpu.memory_space<hbm>>) target(%arg14 : memref<80x128xf32, #tpu.memory_space<vmem>>) offsets(%arg10 : memref<80xi32, #tpu.memory_space<vmem>>) semaphore(%arg22 : memref<!tpu.dma_semaphore, #tpu.memory_space<semaphore_mem>>)
      %dma_start3A_32 = arith.constant 0 : i32
      %dma_start3A_33 = arith.constant 0 : i32
      %dma_start3A_34 = tpu.memref_slice %arg5[%dma_start3A_32, %dma_start3A_33] : memref<10000x64xf32, #tpu.memory_space<hbm>> -> memref<10000x64xf32, #tpu.memory_space<hbm>>
      tpu.enqueue_indirect_dma source(%dma_start3A_34 : memref<10000x64xf32, #tpu.memory_space<hbm>>) target(%arg16 : memref<80x64xf32, #tpu.memory_space<vmem>>) offsets(%arg12 : memref<80xi32, #tpu.memory_space<vmem>>) semaphore(%arg24 : memref<!tpu.dma_semaphore, #tpu.memory_space<semaphore_mem>>)
    } else {
    }
    %scan3A_23 = arith.constant 0 : i32
    %scan3A_24 = arith.constant 0 : i32
    %scan3A_25 = arith.constant 125 : i32
    %scan3A_26 = arith.addi %scan3A_24, %scan3A_25 : i32
    %scan3A_27 = arith.constant 1 : i32
    scf.for %scan3A_30 = %scan3A_24 to %scan3A_26 step %scan3A_27  : i32 {
      %mul3A_31 = arith.constant 2 : i32
      %mul3A_32 = arith.muli %mul3A_31, %scan3A_30 : i32
      %add3A_33 = arith.constant 1 : i32
      %add3A_34 = arith.addi %mul3A_32, %add3A_33 : i32
      %mul3A_35 = arith.constant 20000 : i32
      %mul3A_36 = arith.muli %arg1, %mul3A_35 : i32
      %mul3A_37 = arith.constant 80 : i32
      %mul3A_38 = arith.muli %add3A_34, %mul3A_37 : i32
      %add3A_39 = arith.addi %mul3A_36, %mul3A_38 : i32
      "tpu.region"() ({
        %run_scoped3A = tpu.sem_alloc : memref<!tpu.dma_semaphore, #tpu.memory_space<semaphore_mem>>
        %dma_start3A = tpu.memref_slice %arg6[%add3A_39] : memref<320000xi32, #tpu.memory_space<hbm>> -> memref<80xi32, #tpu.memory_space<hbm>>
        %dma_start3A_72 = tpu.memref_slice %arg6[%add3A_39] : memref<320000xi32, #tpu.memory_space<hbm>> -> memref<80xi32, #tpu.memory_space<hbm>>
        tpu.enqueue_dma source(%dma_start3A_72 : memref<80xi32, #tpu.memory_space<hbm>>) target(%arg11 : memref<80xi32, #tpu.memory_space<vmem>>) target_semaphore(%run_scoped3A : memref<!tpu.dma_semaphore, #tpu.memory_space<semaphore_mem>>)
        %dma_wait3A_73 = tpu.memref_slice %arg6[%add3A_39] : memref<320000xi32, #tpu.memory_space<hbm>> -> memref<80xi32, #tpu.memory_space<hbm>>
        %dma_wait3A_74 = tpu.memref_slice %arg6[%add3A_39] : memref<320000xi32, #tpu.memory_space<hbm>> -> memref<80xi32, #tpu.memory_space<hbm>>
        tpu.wait_dma2 semaphore(%run_scoped3A : memref<!tpu.dma_semaphore, #tpu.memory_space<semaphore_mem>>) src(%dma_wait3A_74 : memref<80xi32, #tpu.memory_space<hbm>>) dst(%arg11 : memref<80xi32, #tpu.memory_space<vmem>>)
        tpu.yield
      }) : () -> ()
      "tpu.region"() ({
        %run_scoped3A = tpu.sem_alloc : memref<!tpu.dma_semaphore, #tpu.memory_space<semaphore_mem>>
        %dma_start3A = tpu.memref_slice %arg7[%add3A_39] : memref<320000xi32, #tpu.memory_space<hbm>> -> memref<80xi32, #tpu.memory_space<hbm>>
        %dma_start3A_72 = tpu.memref_slice %arg7[%add3A_39] : memref<320000xi32, #tpu.memory_space<hbm>> -> memref<80xi32, #tpu.memory_space<hbm>>
        tpu.enqueue_dma source(%dma_start3A_72 : memref<80xi32, #tpu.memory_space<hbm>>) target(%arg13 : memref<80xi32, #tpu.memory_space<vmem>>) target_semaphore(%run_scoped3A : memref<!tpu.dma_semaphore, #tpu.memory_space<semaphore_mem>>)
        %dma_wait3A_73 = tpu.memref_slice %arg7[%add3A_39] : memref<320000xi32, #tpu.memory_space<hbm>> -> memref<80xi32, #tpu.memory_space<hbm>>
        %dma_wait3A_74 = tpu.memref_slice %arg7[%add3A_39] : memref<320000xi32, #tpu.memory_space<hbm>> -> memref<80xi32, #tpu.memory_space<hbm>>
        tpu.wait_dma2 semaphore(%run_scoped3A : memref<!tpu.dma_semaphore, #tpu.memory_space<semaphore_mem>>) src(%dma_wait3A_74 : memref<80xi32, #tpu.memory_space<hbm>>) dst(%arg13 : memref<80xi32, #tpu.memory_space<vmem>>)
        tpu.yield
      }) : () -> ()
      %eq3A_40 = arith.constant 0 : i32
      %eq3A_41 = arith.cmpi eq, %arg0, %eq3A_40 : i32
      %convert_element_type3A_42 = arith.extui %eq3A_41 : i1 to i32
      %cond3A_43 = arith.constant 0 : i32
      %cond3A_44 = arith.cmpi ne, %convert_element_type3A_42, %cond3A_43 : i32
      scf.if %cond3A_44 {
        %dma_start3A = arith.constant 0 : i32
        %dma_start3A_72 = arith.constant 0 : i32
        %dma_start3A_73 = tpu.memref_slice %arg2[%dma_start3A, %dma_start3A_72] : memref<10000x128xf32, #tpu.memory_space<hbm>> -> memref<10000x128xf32, #tpu.memory_space<hbm>>
        tpu.enqueue_indirect_dma source(%dma_start3A_73 : memref<10000x128xf32, #tpu.memory_space<hbm>>) target(%arg15 : memref<80x128xf32, #tpu.memory_space<vmem>>) offsets(%arg11 : memref<80xi32, #tpu.memory_space<vmem>>) semaphore(%arg23 : memref<!tpu.dma_semaphore, #tpu.memory_space<semaphore_mem>>)
        %dma_start3A_74 = arith.constant 0 : i32
        %dma_start3A_75 = arith.constant 0 : i32
        %dma_start3A_76 = tpu.memref_slice %arg4[%dma_start3A_74, %dma_start3A_75] : memref<10000x64xf32, #tpu.memory_space<hbm>> -> memref<10000x64xf32, #tpu.memory_space<hbm>>
        tpu.enqueue_indirect_dma source(%dma_start3A_76 : memref<10000x64xf32, #tpu.memory_space<hbm>>) target(%arg17 : memref<80x64xf32, #tpu.memory_space<vmem>>) offsets(%arg13 : memref<80xi32, #tpu.memory_space<vmem>>) semaphore(%arg25 : memref<!tpu.dma_semaphore, #tpu.memory_space<semaphore_mem>>)
      } else {
      }
      %eq3A_45 = arith.constant 1 : i32
      %eq3A_46 = arith.cmpi eq, %arg0, %eq3A_45 : i32
      %convert_element_type3A_47 = arith.extui %eq3A_46 : i1 to i32
      %cond3A_48 = arith.constant 0 : i32
      %cond3A_49 = arith.cmpi ne, %convert_element_type3A_47, %cond3A_48 : i32
      scf.if %cond3A_49 {
        %dma_start3A = arith.constant 0 : i32
        %dma_start3A_72 = arith.constant 0 : i32
        %dma_start3A_73 = tpu.memref_slice %arg3[%dma_start3A, %dma_start3A_72] : memref<10000x128xf32, #tpu.memory_space<hbm>> -> memref<10000x128xf32, #tpu.memory_space<hbm>>
        tpu.enqueue_indirect_dma source(%dma_start3A_73 : memref<10000x128xf32, #tpu.memory_space<hbm>>) target(%arg15 : memref<80x128xf32, #tpu.memory_space<vmem>>) offsets(%arg11 : memref<80xi32, #tpu.memory_space<vmem>>) semaphore(%arg23 : memref<!tpu.dma_semaphore, #tpu.memory_space<semaphore_mem>>)
        %dma_start3A_74 = arith.constant 0 : i32
        %dma_start3A_75 = arith.constant 0 : i32
        %dma_start3A_76 = tpu.memref_slice %arg5[%dma_start3A_74, %dma_start3A_75] : memref<10000x64xf32, #tpu.memory_space<hbm>> -> memref<10000x64xf32, #tpu.memory_space<hbm>>
        tpu.enqueue_indirect_dma source(%dma_start3A_76 : memref<10000x64xf32, #tpu.memory_space<hbm>>) target(%arg17 : memref<80x64xf32, #tpu.memory_space<vmem>>) offsets(%arg13 : memref<80xi32, #tpu.memory_space<vmem>>) semaphore(%arg25 : memref<!tpu.dma_semaphore, #tpu.memory_space<semaphore_mem>>)
      } else {
      }
      %dma_wait3A = arith.constant 0 : i32
      %dma_wait3A_50 = arith.constant 0 : i32
      %dma_wait3A_51 = tpu.memref_slice %arg2[%dma_wait3A, %dma_wait3A_50] : memref<10000x128xf32, #tpu.memory_space<hbm>> -> memref<10000x128xf32, #tpu.memory_space<hbm>>
      tpu.wait_indirect_dma semaphore(%arg22 : memref<!tpu.dma_semaphore, #tpu.memory_space<semaphore_mem>>) src(%dma_wait3A_51 : memref<10000x128xf32, #tpu.memory_space<hbm>>) dst(%arg14 : memref<80x128xf32, #tpu.memory_space<vmem>>)
      %dma_wait3A_52 = arith.constant 0 : i32
      %dma_wait3A_53 = arith.constant 0 : i32
      %dma_wait3A_54 = tpu.memref_slice %arg4[%dma_wait3A_52, %dma_wait3A_53] : memref<10000x64xf32, #tpu.memory_space<hbm>> -> memref<10000x64xf32, #tpu.memory_space<hbm>>
      tpu.wait_indirect_dma semaphore(%arg24 : memref<!tpu.dma_semaphore, #tpu.memory_space<semaphore_mem>>) src(%dma_wait3A_54 : memref<10000x64xf32, #tpu.memory_space<hbm>>) dst(%arg16 : memref<80x64xf32, #tpu.memory_space<vmem>>)
      %parallel_loop3A = arith.constant 0 : i32
      %parallel_loop3A_55 = arith.constant 80 : i32
      %parallel_loop3A_56 = arith.constant 1 : i32
      scf.for %parallel_loop3A_72 = %parallel_loop3A to %parallel_loop3A_55 step %parallel_loop3A_56  : i32 {
        %parallel_loop3A_73 = arith.index_cast %parallel_loop3A_72 : i32 to index
        %parallel_loop3A_74 = arith.constant 0 : index
        %parallel_loop3A_75 = tpu.vector_load %arg14[%parallel_loop3A_73, %parallel_loop3A_74] {strides = array<i32>} : memref<80x128xf32, #tpu.memory_space<vmem>>, vector<16xf32>,
        %parallel_loop3A_76 = arith.index_cast %parallel_loop3A_72 : i32 to index
        %parallel_loop3A_77 = arith.constant 16 : index
        %parallel_loop3A_78 = tpu.vector_load %arg14[%parallel_loop3A_76, %parallel_loop3A_77] {strides = array<i32>} : memref<80x128xf32, #tpu.memory_space<vmem>>, vector<16xf32>,
        %parallel_loop3A_79 = arith.index_cast %parallel_loop3A_72 : i32 to index
        %parallel_loop3A_80 = arith.constant 0 : index
        %parallel_loop3A_81 = tpu.vector_load %arg16[%parallel_loop3A_79, %parallel_loop3A_80] {strides = array<i32>} : memref<80x64xf32, #tpu.memory_space<vmem>>, vector<16xf32>,
        %parallel_loop3A_82 = arith.index_cast %parallel_loop3A_72 : i32 to index
        %parallel_loop3A_83 = arith.constant 16 : index
        %parallel_loop3A_84 = tpu.vector_load %arg16[%parallel_loop3A_82, %parallel_loop3A_83] {strides = array<i32>} : memref<80x64xf32, #tpu.memory_space<vmem>>, vector<16xf32>,
        %parallel_loop3A_85 = arith.mulf %parallel_loop3A_75, %parallel_loop3A_81 : vector<16xf32>
        %parallel_loop3A_86 = arith.mulf %parallel_loop3A_78, %parallel_loop3A_84 : vector<16xf32>
        %parallel_loop3A_87 = arith.addf %parallel_loop3A_85, %parallel_loop3A_86 : vector<16xf32>
        %parallel_loop3A_88 = arith.constant true
        %parallel_loop3A_89 = vector.broadcast %parallel_loop3A_88 : i1 to vector<16xi1>
        %parallel_loop3A_90 = tpu.scan <sum>, %parallel_loop3A_87 masked %parallel_loop3A_89 : vector<16xf32>, vector<16xi1> -> vector<16xf32>
        %parallel_loop3A_91 = vector.extract %parallel_loop3A_90[15] : f32 from vector<16xf32>
        %parallel_loop3A_92 = vector.broadcast %parallel_loop3A_91 : f32 to vector<16xf32>
        %parallel_loop3A_93 = math.exp %parallel_loop3A_92 : vector<16xf32>
        %parallel_loop3A_94 = arith.index_cast %parallel_loop3A_72 : i32 to index
        %parallel_loop3A_95 = arith.constant 64 : index
        %parallel_loop3A_96 = tpu.vector_load %arg14[%parallel_loop3A_94, %parallel_loop3A_95] {strides = array<i32>} : memref<80x128xf32, #tpu.memory_space<vmem>>, vector<16xf32>,
        %parallel_loop3A_97 = arith.index_cast %parallel_loop3A_72 : i32 to index
        %parallel_loop3A_98 = arith.constant 80 : index
        %parallel_loop3A_99 = tpu.vector_load %arg14[%parallel_loop3A_97, %parallel_loop3A_98] {strides = array<i32>} : memref<80x128xf32, #tpu.memory_space<vmem>>, vector<16xf32>,
        %parallel_loop3A_100 = arith.mulf %parallel_loop3A_93, %parallel_loop3A_96 : vector<16xf32>
        %parallel_loop3A_101 = arith.index_cast %parallel_loop3A_72 : i32 to index
        %parallel_loop3A_102 = arith.constant 0 : index
        %parallel_loop3A_103 = tpu.vector_load %arg18[%parallel_loop3A_101, %parallel_loop3A_102] {strides = array<i32>} : memref<80x64xf32, #tpu.memory_space<vmem>>, vector<16xf32>,
        tpu.vector_store %arg18[%parallel_loop3A_101, %parallel_loop3A_102], %parallel_loop3A_100 {strides = array<i32>} : memref<80x64xf32, #tpu.memory_space<vmem>>, vector<16xf32>,
        %parallel_loop3A_104 = arith.mulf %parallel_loop3A_93, %parallel_loop3A_99 : vector<16xf32>
        %parallel_loop3A_105 = arith.index_cast %parallel_loop3A_72 : i32 to index
        %parallel_loop3A_106 = arith.constant 16 : index
        %parallel_loop3A_107 = tpu.vector_load %arg18[%parallel_loop3A_105, %parallel_loop3A_106] {strides = array<i32>} : memref<80x64xf32, #tpu.memory_space<vmem>>, vector<16xf32>,
        tpu.vector_store %arg18[%parallel_loop3A_105, %parallel_loop3A_106], %parallel_loop3A_104 {strides = array<i32>} : memref<80x64xf32, #tpu.memory_space<vmem>>, vector<16xf32>,
        %parallel_loop3A_108 = arith.constant 4 : i32
        %parallel_loop3A_109 = vector.broadcast %parallel_loop3A_108 : i32 to vector<16xi32>
        %parallel_loop3A_110 = arith.divsi %iota3A, %parallel_loop3A_109 : vector<16xi32>
        %parallel_loop3A_111 = arith.constant 0 : i32
        %parallel_loop3A_112 = vector.broadcast %parallel_loop3A_111 : i32 to vector<16xi32>
        %parallel_loop3A_113 = arith.cmpi sgt, %iota3A, %parallel_loop3A_112 : vector<16xi32>
        %parallel_loop3A_114 = arith.extui %parallel_loop3A_113 : vector<16xi1> to vector<16xi32>
        %parallel_loop3A_115 = arith.constant 0 : i32
        %parallel_loop3A_116 = vector.broadcast %parallel_loop3A_115 : i32 to vector<16xi32>
        %parallel_loop3A_117 = arith.cmpi slt, %iota3A, %parallel_loop3A_116 : vector<16xi32>
        %parallel_loop3A_118 = arith.extui %parallel_loop3A_117 : vector<16xi1> to vector<16xi32>
        %parallel_loop3A_119 = arith.subi %parallel_loop3A_114, %parallel_loop3A_118 : vector<16xi32>
        %parallel_loop3A_120 = arith.constant 0 : i32
        %parallel_loop3A_121 = arith.cmpi sgt, %parallel_loop3A_108, %parallel_loop3A_120 : i32
        %parallel_loop3A_122 = arith.extui %parallel_loop3A_121 : i1 to i32
        %parallel_loop3A_123 = arith.constant 0 : i32
        %parallel_loop3A_124 = arith.cmpi slt, %parallel_loop3A_108, %parallel_loop3A_123 : i32
        %parallel_loop3A_125 = arith.extui %parallel_loop3A_124 : i1 to i32
        %parallel_loop3A_126 = arith.subi %parallel_loop3A_122, %parallel_loop3A_125 : i32
        %parallel_loop3A_127 = vector.broadcast %parallel_loop3A_126 : i32 to vector<16xi32>
        %parallel_loop3A_128 = arith.cmpi ne, %parallel_loop3A_119, %parallel_loop3A_127 : vector<16xi32>
        %parallel_loop3A_129 = vector.broadcast %parallel_loop3A_108 : i32 to vector<16xi32>
        %parallel_loop3A_130 = arith.remsi %iota3A, %parallel_loop3A_129 : vector<16xi32>
        %parallel_loop3A_131 = arith.constant 0 : i32
        %parallel_loop3A_132 = vector.broadcast %parallel_loop3A_131 : i32 to vector<16xi32>
        %parallel_loop3A_133 = arith.cmpi ne, %parallel_loop3A_130, %parallel_loop3A_132 : vector<16xi32>
        %parallel_loop3A_134 = arith.andi %parallel_loop3A_128, %parallel_loop3A_133 : vector<16xi1>
        %parallel_loop3A_135 = arith.constant 1 : i32
        %parallel_loop3A_136 = vector.broadcast %parallel_loop3A_135 : i32 to vector<16xi32>
        %parallel_loop3A_137 = arith.subi %parallel_loop3A_110, %parallel_loop3A_136 : vector<16xi32>
        %parallel_loop3A_138 = arith.select %parallel_loop3A_134, %parallel_loop3A_137, %parallel_loop3A_110 : vector<16xi1>, vector<16xi32>
        %parallel_loop3A_139 = arith.constant 2 : i32
        %parallel_loop3A_140 = arith.muli %parallel_loop3A_139, %arg0 : i32
        %parallel_loop3A_141 = arith.constant 0 : i32
        %parallel_loop3A_142 = arith.addi %parallel_loop3A_140, %parallel_loop3A_141 : i32
        %parallel_loop3A_143 = vector.broadcast %parallel_loop3A_142 : i32 to vector<16xi32>
        %parallel_loop3A_144 = arith.cmpi eq, %parallel_loop3A_138, %parallel_loop3A_143 : vector<16xi32>
        %parallel_loop3A_145 = arith.select %parallel_loop3A_144, %parallel_loop3A_93, %broadcast_in_dim3A_0 : vector<16xi1>, vector<16xf32>
        %parallel_loop3A_146 = arith.index_cast %parallel_loop3A_72 : i32 to index
        %parallel_loop3A_147 = arith.constant 32 : index
        %parallel_loop3A_148 = tpu.vector_load %arg14[%parallel_loop3A_146, %parallel_loop3A_147] {strides = array<i32>} : memref<80x128xf32, #tpu.memory_space<vmem>>, vector<16xf32>,
        %parallel_loop3A_149 = arith.index_cast %parallel_loop3A_72 : i32 to index
        %parallel_loop3A_150 = arith.constant 48 : index
        %parallel_loop3A_151 = tpu.vector_load %arg14[%parallel_loop3A_149, %parallel_loop3A_150] {strides = array<i32>} : memref<80x128xf32, #tpu.memory_space<vmem>>, vector<16xf32>,
        %parallel_loop3A_152 = arith.index_cast %parallel_loop3A_72 : i32 to index
        %parallel_loop3A_153 = arith.constant 32 : index
        %parallel_loop3A_154 = tpu.vector_load %arg16[%parallel_loop3A_152, %parallel_loop3A_153] {strides = array<i32>} : memref<80x64xf32, #tpu.memory_space<vmem>>, vector<16xf32>,
        %parallel_loop3A_155 = arith.index_cast %parallel_loop3A_72 : i32 to index
        %parallel_loop3A_156 = arith.constant 48 : index
        %parallel_loop3A_157 = tpu.vector_load %arg16[%parallel_loop3A_155, %parallel_loop3A_156] {strides = array<i32>} : memref<80x64xf32, #tpu.memory_space<vmem>>, vector<16xf32>,
        %parallel_loop3A_158 = arith.mulf %parallel_loop3A_148, %parallel_loop3A_154 : vector<16xf32>
        %parallel_loop3A_159 = arith.mulf %parallel_loop3A_151, %parallel_loop3A_157 : vector<16xf32>
        %parallel_loop3A_160 = arith.addf %parallel_loop3A_158, %parallel_loop3A_159 : vector<16xf32>
        %parallel_loop3A_161 = arith.constant true
        %parallel_loop3A_162 = vector.broadcast %parallel_loop3A_161 : i1 to vector<16xi1>
        %parallel_loop3A_163 = tpu.scan <sum>, %parallel_loop3A_160 masked %parallel_loop3A_162 : vector<16xf32>, vector<16xi1> -> vector<16xf32>
        %parallel_loop3A_164 = vector.extract %parallel_loop3A_163[15] : f32 from vector<16xf32>
        %parallel_loop3A_165 = vector.broadcast %parallel_loop3A_164 : f32 to vector<16xf32>
        %parallel_loop3A_166 = math.exp %parallel_loop3A_165 : vector<16xf32>
        %parallel_loop3A_167 = arith.index_cast %parallel_loop3A_72 : i32 to index
        %parallel_loop3A_168 = arith.constant 96 : index
        %parallel_loop3A_169 = tpu.vector_load %arg14[%parallel_loop3A_167, %parallel_loop3A_168] {strides = array<i32>} : memref<80x128xf32, #tpu.memory_space<vmem>>, vector<16xf32>,
        %parallel_loop3A_170 = arith.index_cast %parallel_loop3A_72 : i32 to index
        %parallel_loop3A_171 = arith.constant 112 : index
        %parallel_loop3A_172 = tpu.vector_load %arg14[%parallel_loop3A_170, %parallel_loop3A_171] {strides = array<i32>} : memref<80x128xf32, #tpu.memory_space<vmem>>, vector<16xf32>,
        %parallel_loop3A_173 = arith.mulf %parallel_loop3A_166, %parallel_loop3A_169 : vector<16xf32>
        %parallel_loop3A_174 = arith.index_cast %parallel_loop3A_72 : i32 to index
        %parallel_loop3A_175 = arith.constant 32 : index
        %parallel_loop3A_176 = tpu.vector_load %arg18[%parallel_loop3A_174, %parallel_loop3A_175] {strides = array<i32>} : memref<80x64xf32, #tpu.memory_space<vmem>>, vector<16xf32>,
        tpu.vector_store %arg18[%parallel_loop3A_174, %parallel_loop3A_175], %parallel_loop3A_173 {strides = array<i32>} : memref<80x64xf32, #tpu.memory_space<vmem>>, vector<16xf32>,
        %parallel_loop3A_177 = arith.mulf %parallel_loop3A_166, %parallel_loop3A_172 : vector<16xf32>
        %parallel_loop3A_178 = arith.index_cast %parallel_loop3A_72 : i32 to index
        %parallel_loop3A_179 = arith.constant 48 : index
        %parallel_loop3A_180 = tpu.vector_load %arg18[%parallel_loop3A_178, %parallel_loop3A_179] {strides = array<i32>} : memref<80x64xf32, #tpu.memory_space<vmem>>, vector<16xf32>,
        tpu.vector_store %arg18[%parallel_loop3A_178, %parallel_loop3A_179], %parallel_loop3A_177 {strides = array<i32>} : memref<80x64xf32, #tpu.memory_space<vmem>>, vector<16xf32>,
        %parallel_loop3A_181 = arith.constant 4 : i32
        %parallel_loop3A_182 = vector.broadcast %parallel_loop3A_181 : i32 to vector<16xi32>
        %parallel_loop3A_183 = arith.divsi %iota3A, %parallel_loop3A_182 : vector<16xi32>
        %parallel_loop3A_184 = arith.constant 0 : i32
        %parallel_loop3A_185 = vector.broadcast %parallel_loop3A_184 : i32 to vector<16xi32>
        %parallel_loop3A_186 = arith.cmpi sgt, %iota3A, %parallel_loop3A_185 : vector<16xi32>
        %parallel_loop3A_187 = arith.extui %parallel_loop3A_186 : vector<16xi1> to vector<16xi32>
        %parallel_loop3A_188 = arith.constant 0 : i32
        %parallel_loop3A_189 = vector.broadcast %parallel_loop3A_188 : i32 to vector<16xi32>
        %parallel_loop3A_190 = arith.cmpi slt, %iota3A, %parallel_loop3A_189 : vector<16xi32>
        %parallel_loop3A_191 = arith.extui %parallel_loop3A_190 : vector<16xi1> to vector<16xi32>
        %parallel_loop3A_192 = arith.subi %parallel_loop3A_187, %parallel_loop3A_191 : vector<16xi32>
        %parallel_loop3A_193 = arith.constant 0 : i32
        %parallel_loop3A_194 = arith.cmpi sgt, %parallel_loop3A_181, %parallel_loop3A_193 : i32
        %parallel_loop3A_195 = arith.extui %parallel_loop3A_194 : i1 to i32
        %parallel_loop3A_196 = arith.constant 0 : i32
        %parallel_loop3A_197 = arith.cmpi slt, %parallel_loop3A_181, %parallel_loop3A_196 : i32
        %parallel_loop3A_198 = arith.extui %parallel_loop3A_197 : i1 to i32
        %parallel_loop3A_199 = arith.subi %parallel_loop3A_195, %parallel_loop3A_198 : i32
        %parallel_loop3A_200 = vector.broadcast %parallel_loop3A_199 : i32 to vector<16xi32>
        %parallel_loop3A_201 = arith.cmpi ne, %parallel_loop3A_192, %parallel_loop3A_200 : vector<16xi32>
        %parallel_loop3A_202 = vector.broadcast %parallel_loop3A_181 : i32 to vector<16xi32>
        %parallel_loop3A_203 = arith.remsi %iota3A, %parallel_loop3A_202 : vector<16xi32>
        %parallel_loop3A_204 = arith.constant 0 : i32
        %parallel_loop3A_205 = vector.broadcast %parallel_loop3A_204 : i32 to vector<16xi32>
        %parallel_loop3A_206 = arith.cmpi ne, %parallel_loop3A_203, %parallel_loop3A_205 : vector<16xi32>
        %parallel_loop3A_207 = arith.andi %parallel_loop3A_201, %parallel_loop3A_206 : vector<16xi1>
        %parallel_loop3A_208 = arith.constant 1 : i32
        %parallel_loop3A_209 = vector.broadcast %parallel_loop3A_208 : i32 to vector<16xi32>
        %parallel_loop3A_210 = arith.subi %parallel_loop3A_183, %parallel_loop3A_209 : vector<16xi32>
        %parallel_loop3A_211 = arith.select %parallel_loop3A_207, %parallel_loop3A_210, %parallel_loop3A_183 : vector<16xi1>, vector<16xi32>
        %parallel_loop3A_212 = arith.constant 2 : i32
        %parallel_loop3A_213 = arith.muli %parallel_loop3A_212, %arg0 : i32
        %parallel_loop3A_214 = arith.constant 1 : i32
        %parallel_loop3A_215 = arith.addi %parallel_loop3A_213, %parallel_loop3A_214 : i32
        %parallel_loop3A_216 = vector.broadcast %parallel_loop3A_215 : i32 to vector<16xi32>
        %parallel_loop3A_217 = arith.cmpi eq, %parallel_loop3A_211, %parallel_loop3A_216 : vector<16xi32>
        %parallel_loop3A_218 = arith.select %parallel_loop3A_217, %parallel_loop3A_166, %parallel_loop3A_145 : vector<16xi1>, vector<16xf32>
        %parallel_loop3A_219 = arith.index_cast %parallel_loop3A_72 : i32 to index
        %parallel_loop3A_220 = arith.constant 0 : index
        %parallel_loop3A_221 = tpu.vector_load %arg19[%parallel_loop3A_219, %parallel_loop3A_220] {strides = array<i32>} : memref<80x16xf32, #tpu.memory_space<vmem>>, vector<16xf32>,
        tpu.vector_store %arg19[%parallel_loop3A_219, %parallel_loop3A_220], %parallel_loop3A_218 {strides = array<i32>} : memref<80x16xf32, #tpu.memory_space<vmem>>, vector<16xf32>,
      } {sc.loop_unroll_factor = 8 : i64, sc.parallel_access}
      "tpu.region"() ({
        %run_scoped3A = tpu.sem_alloc : memref<!tpu.dma_semaphore, #tpu.memory_space<semaphore_mem>>
        %dma_start3A = arith.constant 0 : i32
        %dma_start3A_72 = arith.constant 0 : i32
        %dma_start3A_73 = tpu.memref_slice %arg20[%dma_start3A, %dma_start3A_72] : memref<10000x64xf32, #tpu.memory_space<vmem_shared>> -> memref<10000x64xf32, #tpu.memory_space<vmem_shared>>
        tpu.enqueue_indirect_dma source(%arg18 : memref<80x64xf32, #tpu.memory_space<vmem>>) target(%dma_start3A_73 : memref<10000x64xf32, #tpu.memory_space<vmem_shared>>) offsets(%arg12 : memref<80xi32, #tpu.memory_space<vmem>>) semaphore(%run_scoped3A : memref<!tpu.dma_semaphore, #tpu.memory_space<semaphore_mem>>) {add = true}
        %dma_wait3A_74 = arith.constant 0 : i32
        %dma_wait3A_75 = arith.constant 0 : i32
        %dma_wait3A_76 = tpu.memref_slice %arg20[%dma_wait3A_74, %dma_wait3A_75] : memref<10000x64xf32, #tpu.memory_space<vmem_shared>> -> memref<10000x64xf32, #tpu.memory_space<vmem_shared>>
        tpu.wait_indirect_dma semaphore(%run_scoped3A : memref<!tpu.dma_semaphore, #tpu.memory_space<semaphore_mem>>) src(%arg18 : memref<80x64xf32, #tpu.memory_space<vmem>>) dst(%dma_wait3A_76 : memref<10000x64xf32, #tpu.memory_space<vmem_shared>>)
        tpu.yield
      }) : () -> ()
      "tpu.region"() ({
        %run_scoped3A = tpu.sem_alloc : memref<!tpu.dma_semaphore, #tpu.memory_space<semaphore_mem>>
        %dma_start3A = arith.constant 0 : i32
        %dma_start3A_72 = arith.constant 0 : i32
        %dma_start3A_73 = tpu.memref_slice %arg21[%dma_start3A, %dma_start3A_72] : memref<10000x16xf32, #tpu.memory_space<vmem_shared>> -> memref<10000x16xf32, #tpu.memory_space<vmem_shared>>
        tpu.enqueue_indirect_dma source(%arg19 : memref<80x16xf32, #tpu.memory_space<vmem>>) target(%dma_start3A_73 : memref<10000x16xf32, #tpu.memory_space<vmem_shared>>) offsets(%arg12 : memref<80xi32, #tpu.memory_space<vmem>>) semaphore(%run_scoped3A : memref<!tpu.dma_semaphore, #tpu.memory_space<semaphore_mem>>) {add = true}
        %dma_wait3A_74 = arith.constant 0 : i32
        %dma_wait3A_75 = arith.constant 0 : i32
        %dma_wait3A_76 = tpu.memref_slice %arg21[%dma_wait3A_74, %dma_wait3A_75] : memref<10000x16xf32, #tpu.memory_space<vmem_shared>> -> memref<10000x16xf32, #tpu.memory_space<vmem_shared>>
        tpu.wait_indirect_dma semaphore(%run_scoped3A : memref<!tpu.dma_semaphore, #tpu.memory_space<semaphore_mem>>) src(%arg19 : memref<80x16xf32, #tpu.memory_space<vmem>>) dst(%dma_wait3A_76 : memref<10000x16xf32, #tpu.memory_space<vmem_shared>>)
        tpu.yield
      }) : () -> ()
      %add3A_57 = arith.constant 2 : i32
      %add3A_58 = arith.addi %mul3A_32, %add3A_57 : i32
      %lt3A = arith.constant 250 : i32
      %lt3A_59 = arith.cmpi slt, %add3A_58, %lt3A : i32
      %convert_element_type3A_60 = arith.extui %lt3A_59 : i1 to i32
      %cond3A_61 = arith.constant 0 : i32
      %cond3A_62 = arith.cmpi ne, %convert_element_type3A_60, %cond3A_61 : i32
      scf.if %cond3A_62 {
        %add3A_72 = arith.constant 2 : i32
        %add3A_73 = arith.addi %mul3A_32, %add3A_72 : i32
        %mul3A_74 = arith.constant 20000 : i32
        %mul3A_75 = arith.muli %arg1, %mul3A_74 : i32
        %mul3A_76 = arith.constant 80 : i32
        %mul3A_77 = arith.muli %add3A_73, %mul3A_76 : i32
        %add3A_78 = arith.addi %mul3A_75, %mul3A_77 : i32
        "tpu.region"() ({
          %run_scoped3A = tpu.sem_alloc : memref<!tpu.dma_semaphore, #tpu.memory_space<semaphore_mem>>
          %dma_start3A = tpu.memref_slice %arg6[%add3A_78] : memref<320000xi32, #tpu.memory_space<hbm>> -> memref<80xi32, #tpu.memory_space<hbm>>
          %dma_start3A_89 = tpu.memref_slice %arg6[%add3A_78] : memref<320000xi32, #tpu.memory_space<hbm>> -> memref<80xi32, #tpu.memory_space<hbm>>
          tpu.enqueue_dma source(%dma_start3A_89 : memref<80xi32, #tpu.memory_space<hbm>>) target(%arg10 : memref<80xi32, #tpu.memory_space<vmem>>) target_semaphore(%run_scoped3A : memref<!tpu.dma_semaphore, #tpu.memory_space<semaphore_mem>>)
          %dma_wait3A_90 = tpu.memref_slice %arg6[%add3A_78] : memref<320000xi32, #tpu.memory_space<hbm>> -> memref<80xi32, #tpu.memory_space<hbm>>
          %dma_wait3A_91 = tpu.memref_slice %arg6[%add3A_78] : memref<320000xi32, #tpu.memory_space<hbm>> -> memref<80xi32, #tpu.memory_space<hbm>>
          tpu.wait_dma2 semaphore(%run_scoped3A : memref<!tpu.dma_semaphore, #tpu.memory_space<semaphore_mem>>) src(%dma_wait3A_91 : memref<80xi32, #tpu.memory_space<hbm>>) dst(%arg10 : memref<80xi32, #tpu.memory_space<vmem>>)
          tpu.yield
        }) : () -> ()
        "tpu.region"() ({
          %run_scoped3A = tpu.sem_alloc : memref<!tpu.dma_semaphore, #tpu.memory_space<semaphore_mem>>
          %dma_start3A = tpu.memref_slice %arg7[%add3A_78] : memref<320000xi32, #tpu.memory_space<hbm>> -> memref<80xi32, #tpu.memory_space<hbm>>
          %dma_start3A_89 = tpu.memref_slice %arg7[%add3A_78] : memref<320000xi32, #tpu.memory_space<hbm>> -> memref<80xi32, #tpu.memory_space<hbm>>
          tpu.enqueue_dma source(%dma_start3A_89 : memref<80xi32, #tpu.memory_space<hbm>>) target(%arg12 : memref<80xi32, #tpu.memory_space<vmem>>) target_semaphore(%run_scoped3A : memref<!tpu.dma_semaphore, #tpu.memory_space<semaphore_mem>>)
          %dma_wait3A_90 = tpu.memref_slice %arg7[%add3A_78] : memref<320000xi32, #tpu.memory_space<hbm>> -> memref<80xi32, #tpu.memory_space<hbm>>
          %dma_wait3A_91 = tpu.memref_slice %arg7[%add3A_78] : memref<320000xi32, #tpu.memory_space<hbm>> -> memref<80xi32, #tpu.memory_space<hbm>>
          tpu.wait_dma2 semaphore(%run_scoped3A : memref<!tpu.dma_semaphore, #tpu.memory_space<semaphore_mem>>) src(%dma_wait3A_91 : memref<80xi32, #tpu.memory_space<hbm>>) dst(%arg12 : memref<80xi32, #tpu.memory_space<vmem>>)
          tpu.yield
        }) : () -> ()
        %eq3A_79 = arith.constant 0 : i32
        %eq3A_80 = arith.cmpi eq, %arg0, %eq3A_79 : i32
        %convert_element_type3A_81 = arith.extui %eq3A_80 : i1 to i32
        %cond3A_82 = arith.constant 0 : i32
        %cond3A_83 = arith.cmpi ne, %convert_element_type3A_81, %cond3A_82 : i32
        scf.if %cond3A_83 {
          %dma_start3A = arith.constant 0 : i32
          %dma_start3A_89 = arith.constant 0 : i32
          %dma_start3A_90 = tpu.memref_slice %arg2[%dma_start3A, %dma_start3A_89] : memref<10000x128xf32, #tpu.memory_space<hbm>> -> memref<10000x128xf32, #tpu.memory_space<hbm>>
          tpu.enqueue_indirect_dma source(%dma_start3A_90 : memref<10000x128xf32, #tpu.memory_space<hbm>>) target(%arg14 : memref<80x128xf32, #tpu.memory_space<vmem>>) offsets(%arg10 : memref<80xi32, #tpu.memory_space<vmem>>) semaphore(%arg22 : memref<!tpu.dma_semaphore, #tpu.memory_space<semaphore_mem>>)
          %dma_start3A_91 = arith.constant 0 : i32
          %dma_start3A_92 = arith.constant 0 : i32
          %dma_start3A_93 = tpu.memref_slice %arg4[%dma_start3A_91, %dma_start3A_92] : memref<10000x64xf32, #tpu.memory_space<hbm>> -> memref<10000x64xf32, #tpu.memory_space<hbm>>
          tpu.enqueue_indirect_dma source(%dma_start3A_93 : memref<10000x64xf32, #tpu.memory_space<hbm>>) target(%arg16 : memref<80x64xf32, #tpu.memory_space<vmem>>) offsets(%arg12 : memref<80xi32, #tpu.memory_space<vmem>>) semaphore(%arg24 : memref<!tpu.dma_semaphore, #tpu.memory_space<semaphore_mem>>)
        } else {
        }
        %eq3A_84 = arith.constant 1 : i32
        %eq3A_85 = arith.cmpi eq, %arg0, %eq3A_84 : i32
        %convert_element_type3A_86 = arith.extui %eq3A_85 : i1 to i32
        %cond3A_87 = arith.constant 0 : i32
        %cond3A_88 = arith.cmpi ne, %convert_element_type3A_86, %cond3A_87 : i32
        scf.if %cond3A_88 {
          %dma_start3A = arith.constant 0 : i32
          %dma_start3A_89 = arith.constant 0 : i32
          %dma_start3A_90 = tpu.memref_slice %arg3[%dma_start3A, %dma_start3A_89] : memref<10000x128xf32, #tpu.memory_space<hbm>> -> memref<10000x128xf32, #tpu.memory_space<hbm>>
          tpu.enqueue_indirect_dma source(%dma_start3A_90 : memref<10000x128xf32, #tpu.memory_space<hbm>>) target(%arg14 : memref<80x128xf32, #tpu.memory_space<vmem>>) offsets(%arg10 : memref<80xi32, #tpu.memory_space<vmem>>) semaphore(%arg22 : memref<!tpu.dma_semaphore, #tpu.memory_space<semaphore_mem>>)
          %dma_start3A_91 = arith.constant 0 : i32
          %dma_start3A_92 = arith.constant 0 : i32
          %dma_start3A_93 = tpu.memref_slice %arg5[%dma_start3A_91, %dma_start3A_92] : memref<10000x64xf32, #tpu.memory_space<hbm>> -> memref<10000x64xf32, #tpu.memory_space<hbm>>
          tpu.enqueue_indirect_dma source(%dma_start3A_93 : memref<10000x64xf32, #tpu.memory_space<hbm>>) target(%arg16 : memref<80x64xf32, #tpu.memory_space<vmem>>) offsets(%arg12 : memref<80xi32, #tpu.memory_space<vmem>>) semaphore(%arg24 : memref<!tpu.dma_semaphore, #tpu.memory_space<semaphore_mem>>)
        } else {
        }
      } else {
      }
      %dma_wait3A_63 = arith.constant 0 : i32
      %dma_wait3A_64 = arith.constant 0 : i32
      %dma_wait3A_65 = tpu.memref_slice %arg2[%dma_wait3A_63, %dma_wait3A_64] : memref<10000x128xf32, #tpu.memory_space<hbm>> -> memref<10000x128xf32, #tpu.memory_space<hbm>>
      tpu.wait_indirect_dma semaphore(%arg23 : memref<!tpu.dma_semaphore, #tpu.memory_space<semaphore_mem>>) src(%dma_wait3A_65 : memref<10000x128xf32, #tpu.memory_space<hbm>>) dst(%arg15 : memref<80x128xf32, #tpu.memory_space<vmem>>)
      %dma_wait3A_66 = arith.constant 0 : i32
      %dma_wait3A_67 = arith.constant 0 : i32
      %dma_wait3A_68 = tpu.memref_slice %arg4[%dma_wait3A_66, %dma_wait3A_67] : memref<10000x64xf32, #tpu.memory_space<hbm>> -> memref<10000x64xf32, #tpu.memory_space<hbm>>
      tpu.wait_indirect_dma semaphore(%arg25 : memref<!tpu.dma_semaphore, #tpu.memory_space<semaphore_mem>>) src(%dma_wait3A_68 : memref<10000x64xf32, #tpu.memory_space<hbm>>) dst(%arg17 : memref<80x64xf32, #tpu.memory_space<vmem>>)
      %parallel_loop3A_69 = arith.constant 0 : i32
      %parallel_loop3A_70 = arith.constant 80 : i32
      %parallel_loop3A_71 = arith.constant 1 : i32
      scf.for %parallel_loop3A_72 = %parallel_loop3A_69 to %parallel_loop3A_70 step %parallel_loop3A_71  : i32 {
        %parallel_loop3A_73 = arith.index_cast %parallel_loop3A_72 : i32 to index
        %parallel_loop3A_74 = arith.constant 0 : index
        %parallel_loop3A_75 = tpu.vector_load %arg15[%parallel_loop3A_73, %parallel_loop3A_74] {strides = array<i32>} : memref<80x128xf32, #tpu.memory_space<vmem>>, vector<16xf32>,
        %parallel_loop3A_76 = arith.index_cast %parallel_loop3A_72 : i32 to index
        %parallel_loop3A_77 = arith.constant 16 : index
        %parallel_loop3A_78 = tpu.vector_load %arg15[%parallel_loop3A_76, %parallel_loop3A_77] {strides = array<i32>} : memref<80x128xf32, #tpu.memory_space<vmem>>, vector<16xf32>,
        %parallel_loop3A_79 = arith.index_cast %parallel_loop3A_72 : i32 to index
        %parallel_loop3A_80 = arith.constant 0 : index
        %parallel_loop3A_81 = tpu.vector_load %arg17[%parallel_loop3A_79, %parallel_loop3A_80] {strides = array<i32>} : memref<80x64xf32, #tpu.memory_space<vmem>>, vector<16xf32>,
        %parallel_loop3A_82 = arith.index_cast %parallel_loop3A_72 : i32 to index
        %parallel_loop3A_83 = arith.constant 16 : index
        %parallel_loop3A_84 = tpu.vector_load %arg17[%parallel_loop3A_82, %parallel_loop3A_83] {strides = array<i32>} : memref<80x64xf32, #tpu.memory_space<vmem>>, vector<16xf32>,
        %parallel_loop3A_85 = arith.mulf %parallel_loop3A_75, %parallel_loop3A_81 : vector<16xf32>
        %parallel_loop3A_86 = arith.mulf %parallel_loop3A_78, %parallel_loop3A_84 : vector<16xf32>
        %parallel_loop3A_87 = arith.addf %parallel_loop3A_85, %parallel_loop3A_86 : vector<16xf32>
        %parallel_loop3A_88 = arith.constant true
        %parallel_loop3A_89 = vector.broadcast %parallel_loop3A_88 : i1 to vector<16xi1>
        %parallel_loop3A_90 = tpu.scan <sum>, %parallel_loop3A_87 masked %parallel_loop3A_89 : vector<16xf32>, vector<16xi1> -> vector<16xf32>
        %parallel_loop3A_91 = vector.extract %parallel_loop3A_90[15] : f32 from vector<16xf32>
        %parallel_loop3A_92 = vector.broadcast %parallel_loop3A_91 : f32 to vector<16xf32>
        %parallel_loop3A_93 = math.exp %parallel_loop3A_92 : vector<16xf32>
        %parallel_loop3A_94 = arith.index_cast %parallel_loop3A_72 : i32 to index
        %parallel_loop3A_95 = arith.constant 64 : index
        %parallel_loop3A_96 = tpu.vector_load %arg15[%parallel_loop3A_94, %parallel_loop3A_95] {strides = array<i32>} : memref<80x128xf32, #tpu.memory_space<vmem>>, vector<16xf32>,
        %parallel_loop3A_97 = arith.index_cast %parallel_loop3A_72 : i32 to index
        %parallel_loop3A_98 = arith.constant 80 : index
        %parallel_loop3A_99 = tpu.vector_load %arg15[%parallel_loop3A_97, %parallel_loop3A_98] {strides = array<i32>} : memref<80x128xf32, #tpu.memory_space<vmem>>, vector<16xf32>,
        %parallel_loop3A_100 = arith.mulf %parallel_loop3A_93, %parallel_loop3A_96 : vector<16xf32>
        %parallel_loop3A_101 = arith.index_cast %parallel_loop3A_72 : i32 to index
        %parallel_loop3A_102 = arith.constant 0 : index
        %parallel_loop3A_103 = tpu.vector_load %arg18[%parallel_loop3A_101, %parallel_loop3A_102] {strides = array<i32>} : memref<80x64xf32, #tpu.memory_space<vmem>>, vector<16xf32>,
        tpu.vector_store %arg18[%parallel_loop3A_101, %parallel_loop3A_102], %parallel_loop3A_100 {strides = array<i32>} : memref<80x64xf32, #tpu.memory_space<vmem>>, vector<16xf32>,
        %parallel_loop3A_104 = arith.mulf %parallel_loop3A_93, %parallel_loop3A_99 : vector<16xf32>
        %parallel_loop3A_105 = arith.index_cast %parallel_loop3A_72 : i32 to index
        %parallel_loop3A_106 = arith.constant 16 : index
        %parallel_loop3A_107 = tpu.vector_load %arg18[%parallel_loop3A_105, %parallel_loop3A_106] {strides = array<i32>} : memref<80x64xf32, #tpu.memory_space<vmem>>, vector<16xf32>,
        tpu.vector_store %arg18[%parallel_loop3A_105, %parallel_loop3A_106], %parallel_loop3A_104 {strides = array<i32>} : memref<80x64xf32, #tpu.memory_space<vmem>>, vector<16xf32>,
        %parallel_loop3A_108 = arith.constant 4 : i32
        %parallel_loop3A_109 = vector.broadcast %parallel_loop3A_108 : i32 to vector<16xi32>
        %parallel_loop3A_110 = arith.divsi %iota3A, %parallel_loop3A_109 : vector<16xi32>
        %parallel_loop3A_111 = arith.constant 0 : i32
        %parallel_loop3A_112 = vector.broadcast %parallel_loop3A_111 : i32 to vector<16xi32>
        %parallel_loop3A_113 = arith.cmpi sgt, %iota3A, %parallel_loop3A_112 : vector<16xi32>
        %parallel_loop3A_114 = arith.extui %parallel_loop3A_113 : vector<16xi1> to vector<16xi32>
        %parallel_loop3A_115 = arith.constant 0 : i32
        %parallel_loop3A_116 = vector.broadcast %parallel_loop3A_115 : i32 to vector<16xi32>
        %parallel_loop3A_117 = arith.cmpi slt, %iota3A, %parallel_loop3A_116 : vector<16xi32>
        %parallel_loop3A_118 = arith.extui %parallel_loop3A_117 : vector<16xi1> to vector<16xi32>
        %parallel_loop3A_119 = arith.subi %parallel_loop3A_114, %parallel_loop3A_118 : vector<16xi32>
        %parallel_loop3A_120 = arith.constant 0 : i32
        %parallel_loop3A_121 = arith.cmpi sgt, %parallel_loop3A_108, %parallel_loop3A_120 : i32
        %parallel_loop3A_122 = arith.extui %parallel_loop3A_121 : i1 to i32
        %parallel_loop3A_123 = arith.constant 0 : i32
        %parallel_loop3A_124 = arith.cmpi slt, %parallel_loop3A_108, %parallel_loop3A_123 : i32
        %parallel_loop3A_125 = arith.extui %parallel_loop3A_124 : i1 to i32
        %parallel_loop3A_126 = arith.subi %parallel_loop3A_122, %parallel_loop3A_125 : i32
        %parallel_loop3A_127 = vector.broadcast %parallel_loop3A_126 : i32 to vector<16xi32>
        %parallel_loop3A_128 = arith.cmpi ne, %parallel_loop3A_119, %parallel_loop3A_127 : vector<16xi32>
        %parallel_loop3A_129 = vector.broadcast %parallel_loop3A_108 : i32 to vector<16xi32>
        %parallel_loop3A_130 = arith.remsi %iota3A, %parallel_loop3A_129 : vector<16xi32>
        %parallel_loop3A_131 = arith.constant 0 : i32
        %parallel_loop3A_132 = vector.broadcast %parallel_loop3A_131 : i32 to vector<16xi32>
        %parallel_loop3A_133 = arith.cmpi ne, %parallel_loop3A_130, %parallel_loop3A_132 : vector<16xi32>
        %parallel_loop3A_134 = arith.andi %parallel_loop3A_128, %parallel_loop3A_133 : vector<16xi1>
        %parallel_loop3A_135 = arith.constant 1 : i32
        %parallel_loop3A_136 = vector.broadcast %parallel_loop3A_135 : i32 to vector<16xi32>
        %parallel_loop3A_137 = arith.subi %parallel_loop3A_110, %parallel_loop3A_136 : vector<16xi32>
        %parallel_loop3A_138 = arith.select %parallel_loop3A_134, %parallel_loop3A_137, %parallel_loop3A_110 : vector<16xi1>, vector<16xi32>
        %parallel_loop3A_139 = arith.constant 2 : i32
        %parallel_loop3A_140 = arith.muli %parallel_loop3A_139, %arg0 : i32
        %parallel_loop3A_141 = arith.constant 0 : i32
        %parallel_loop3A_142 = arith.addi %parallel_loop3A_140, %parallel_loop3A_141 : i32
        %parallel_loop3A_143 = vector.broadcast %parallel_loop3A_142 : i32 to vector<16xi32>
        %parallel_loop3A_144 = arith.cmpi eq, %parallel_loop3A_138, %parallel_loop3A_143 : vector<16xi32>
        %parallel_loop3A_145 = arith.select %parallel_loop3A_144, %parallel_loop3A_93, %broadcast_in_dim3A_0 : vector<16xi1>, vector<16xf32>
        %parallel_loop3A_146 = arith.index_cast %parallel_loop3A_72 : i32 to index
        %parallel_loop3A_147 = arith.constant 32 : index
        %parallel_loop3A_148 = tpu.vector_load %arg15[%parallel_loop3A_146, %parallel_loop3A_147] {strides = array<i32>} : memref<80x128xf32, #tpu.memory_space<vmem>>, vector<16xf32>,
        %parallel_loop3A_149 = arith.index_cast %parallel_loop3A_72 : i32 to index
        %parallel_loop3A_150 = arith.constant 48 : index
        %parallel_loop3A_151 = tpu.vector_load %arg15[%parallel_loop3A_149, %parallel_loop3A_150] {strides = array<i32>} : memref<80x128xf32, #tpu.memory_space<vmem>>, vector<16xf32>,
        %parallel_loop3A_152 = arith.index_cast %parallel_loop3A_72 : i32 to index
        %parallel_loop3A_153 = arith.constant 32 : index
        %parallel_loop3A_154 = tpu.vector_load %arg17[%parallel_loop3A_152, %parallel_loop3A_153] {strides = array<i32>} : memref<80x64xf32, #tpu.memory_space<vmem>>, vector<16xf32>,
        %parallel_loop3A_155 = arith.index_cast %parallel_loop3A_72 : i32 to index
        %parallel_loop3A_156 = arith.constant 48 : index
        %parallel_loop3A_157 = tpu.vector_load %arg17[%parallel_loop3A_155, %parallel_loop3A_156] {strides = array<i32>} : memref<80x64xf32, #tpu.memory_space<vmem>>, vector<16xf32>,
        %parallel_loop3A_158 = arith.mulf %parallel_loop3A_148, %parallel_loop3A_154 : vector<16xf32>
        %parallel_loop3A_159 = arith.mulf %parallel_loop3A_151, %parallel_loop3A_157 : vector<16xf32>
        %parallel_loop3A_160 = arith.addf %parallel_loop3A_158, %parallel_loop3A_159 : vector<16xf32>
        %parallel_loop3A_161 = arith.constant true
        %parallel_loop3A_162 = vector.broadcast %parallel_loop3A_161 : i1 to vector<16xi1>
        %parallel_loop3A_163 = tpu.scan <sum>, %parallel_loop3A_160 masked %parallel_loop3A_162 : vector<16xf32>, vector<16xi1> -> vector<16xf32>
        %parallel_loop3A_164 = vector.extract %parallel_loop3A_163[15] : f32 from vector<16xf32>
        %parallel_loop3A_165 = vector.broadcast %parallel_loop3A_164 : f32 to vector<16xf32>
        %parallel_loop3A_166 = math.exp %parallel_loop3A_165 : vector<16xf32>
        %parallel_loop3A_167 = arith.index_cast %parallel_loop3A_72 : i32 to index
        %parallel_loop3A_168 = arith.constant 96 : index
        %parallel_loop3A_169 = tpu.vector_load %arg15[%parallel_loop3A_167, %parallel_loop3A_168] {strides = array<i32>} : memref<80x128xf32, #tpu.memory_space<vmem>>, vector<16xf32>,
        %parallel_loop3A_170 = arith.index_cast %parallel_loop3A_72 : i32 to index
        %parallel_loop3A_171 = arith.constant 112 : index
        %parallel_loop3A_172 = tpu.vector_load %arg15[%parallel_loop3A_170, %parallel_loop3A_171] {strides = array<i32>} : memref<80x128xf32, #tpu.memory_space<vmem>>, vector<16xf32>,
        %parallel_loop3A_173 = arith.mulf %parallel_loop3A_166, %parallel_loop3A_169 : vector<16xf32>
        %parallel_loop3A_174 = arith.index_cast %parallel_loop3A_72 : i32 to index
        %parallel_loop3A_175 = arith.constant 32 : index
        %parallel_loop3A_176 = tpu.vector_load %arg18[%parallel_loop3A_174, %parallel_loop3A_175] {strides = array<i32>} : memref<80x64xf32, #tpu.memory_space<vmem>>, vector<16xf32>,
        tpu.vector_store %arg18[%parallel_loop3A_174, %parallel_loop3A_175], %parallel_loop3A_173 {strides = array<i32>} : memref<80x64xf32, #tpu.memory_space<vmem>>, vector<16xf32>,
        %parallel_loop3A_177 = arith.mulf %parallel_loop3A_166, %parallel_loop3A_172 : vector<16xf32>
        %parallel_loop3A_178 = arith.index_cast %parallel_loop3A_72 : i32 to index
        %parallel_loop3A_179 = arith.constant 48 : index
        %parallel_loop3A_180 = tpu.vector_load %arg18[%parallel_loop3A_178, %parallel_loop3A_179] {strides = array<i32>} : memref<80x64xf32, #tpu.memory_space<vmem>>, vector<16xf32>,
        tpu.vector_store %arg18[%parallel_loop3A_178, %parallel_loop3A_179], %parallel_loop3A_177 {strides = array<i32>} : memref<80x64xf32, #tpu.memory_space<vmem>>, vector<16xf32>,
        %parallel_loop3A_181 = arith.constant 4 : i32
        %parallel_loop3A_182 = vector.broadcast %parallel_loop3A_181 : i32 to vector<16xi32>
        %parallel_loop3A_183 = arith.divsi %iota3A, %parallel_loop3A_182 : vector<16xi32>
        %parallel_loop3A_184 = arith.constant 0 : i32
        %parallel_loop3A_185 = vector.broadcast %parallel_loop3A_184 : i32 to vector<16xi32>
        %parallel_loop3A_186 = arith.cmpi sgt, %iota3A, %parallel_loop3A_185 : vector<16xi32>
        %parallel_loop3A_187 = arith.extui %parallel_loop3A_186 : vector<16xi1> to vector<16xi32>
        %parallel_loop3A_188 = arith.constant 0 : i32
        %parallel_loop3A_189 = vector.broadcast %parallel_loop3A_188 : i32 to vector<16xi32>
        %parallel_loop3A_190 = arith.cmpi slt, %iota3A, %parallel_loop3A_189 : vector<16xi32>
        %parallel_loop3A_191 = arith.extui %parallel_loop3A_190 : vector<16xi1> to vector<16xi32>
        %parallel_loop3A_192 = arith.subi %parallel_loop3A_187, %parallel_loop3A_191 : vector<16xi32>
        %parallel_loop3A_193 = arith.constant 0 : i32
        %parallel_loop3A_194 = arith.cmpi sgt, %parallel_loop3A_181, %parallel_loop3A_193 : i32
        %parallel_loop3A_195 = arith.extui %parallel_loop3A_194 : i1 to i32
        %parallel_loop3A_196 = arith.constant 0 : i32
        %parallel_loop3A_197 = arith.cmpi slt, %parallel_loop3A_181, %parallel_loop3A_196 : i32
        %parallel_loop3A_198 = arith.extui %parallel_loop3A_197 : i1 to i32
        %parallel_loop3A_199 = arith.subi %parallel_loop3A_195, %parallel_loop3A_198 : i32
        %parallel_loop3A_200 = vector.broadcast %parallel_loop3A_199 : i32 to vector<16xi32>
        %parallel_loop3A_201 = arith.cmpi ne, %parallel_loop3A_192, %parallel_loop3A_200 : vector<16xi32>
        %parallel_loop3A_202 = vector.broadcast %parallel_loop3A_181 : i32 to vector<16xi32>
        %parallel_loop3A_203 = arith.remsi %iota3A, %parallel_loop3A_202 : vector<16xi32>
        %parallel_loop3A_204 = arith.constant 0 : i32
        %parallel_loop3A_205 = vector.broadcast %parallel_loop3A_204 : i32 to vector<16xi32>
        %parallel_loop3A_206 = arith.cmpi ne, %parallel_loop3A_203, %parallel_loop3A_205 : vector<16xi32>
        %parallel_loop3A_207 = arith.andi %parallel_loop3A_201, %parallel_loop3A_206 : vector<16xi1>
        %parallel_loop3A_208 = arith.constant 1 : i32
        %parallel_loop3A_209 = vector.broadcast %parallel_loop3A_208 : i32 to vector<16xi32>
        %parallel_loop3A_210 = arith.subi %parallel_loop3A_183, %parallel_loop3A_209 : vector<16xi32>
        %parallel_loop3A_211 = arith.select %parallel_loop3A_207, %parallel_loop3A_210, %parallel_loop3A_183 : vector<16xi1>, vector<16xi32>
        %parallel_loop3A_212 = arith.constant 2 : i32
        %parallel_loop3A_213 = arith.muli %parallel_loop3A_212, %arg0 : i32
        %parallel_loop3A_214 = arith.constant 1 : i32
        %parallel_loop3A_215 = arith.addi %parallel_loop3A_213, %parallel_loop3A_214 : i32
        %parallel_loop3A_216 = vector.broadcast %parallel_loop3A_215 : i32 to vector<16xi32>
        %parallel_loop3A_217 = arith.cmpi eq, %parallel_loop3A_211, %parallel_loop3A_216 : vector<16xi32>
        %parallel_loop3A_218 = arith.select %parallel_loop3A_217, %parallel_loop3A_166, %parallel_loop3A_145 : vector<16xi1>, vector<16xf32>
        %parallel_loop3A_219 = arith.index_cast %parallel_loop3A_72 : i32 to index
        %parallel_loop3A_220 = arith.constant 0 : index
        %parallel_loop3A_221 = tpu.vector_load %arg19[%parallel_loop3A_219, %parallel_loop3A_220] {strides = array<i32>} : memref<80x16xf32, #tpu.memory_space<vmem>>, vector<16xf32>,
        tpu.vector_store %arg19[%parallel_loop3A_219, %parallel_loop3A_220], %parallel_loop3A_218 {strides = array<i32>} : memref<80x16xf32, #tpu.memory_space<vmem>>, vector<16xf32>,
      } {sc.loop_unroll_factor = 8 : i64, sc.parallel_access}
      "tpu.region"() ({
        %run_scoped3A = tpu.sem_alloc : memref<!tpu.dma_semaphore, #tpu.memory_space<semaphore_mem>>
        %dma_start3A = arith.constant 0 : i32
        %dma_start3A_72 = arith.constant 0 : i32
        %dma_start3A_73 = tpu.memref_slice %arg20[%dma_start3A, %dma_start3A_72] : memref<10000x64xf32, #tpu.memory_space<vmem_shared>> -> memref<10000x64xf32, #tpu.memory_space<vmem_shared>>
        tpu.enqueue_indirect_dma source(%arg18 : memref<80x64xf32, #tpu.memory_space<vmem>>) target(%dma_start3A_73 : memref<10000x64xf32, #tpu.memory_space<vmem_shared>>) offsets(%arg13 : memref<80xi32, #tpu.memory_space<vmem>>) semaphore(%run_scoped3A : memref<!tpu.dma_semaphore, #tpu.memory_space<semaphore_mem>>) {add = true}
        %dma_wait3A_74 = arith.constant 0 : i32
        %dma_wait3A_75 = arith.constant 0 : i32
        %dma_wait3A_76 = tpu.memref_slice %arg20[%dma_wait3A_74, %dma_wait3A_75] : memref<10000x64xf32, #tpu.memory_space<vmem_shared>> -> memref<10000x64xf32, #tpu.memory_space<vmem_shared>>
        tpu.wait_indirect_dma semaphore(%run_scoped3A : memref<!tpu.dma_semaphore, #tpu.memory_space<semaphore_mem>>) src(%arg18 : memref<80x64xf32, #tpu.memory_space<vmem>>) dst(%dma_wait3A_76 : memref<10000x64xf32, #tpu.memory_space<vmem_shared>>)
        tpu.yield
      }) : () -> ()
      "tpu.region"() ({
        %run_scoped3A = tpu.sem_alloc : memref<!tpu.dma_semaphore, #tpu.memory_space<semaphore_mem>>
        %dma_start3A = arith.constant 0 : i32
        %dma_start3A_72 = arith.constant 0 : i32
        %dma_start3A_73 = tpu.memref_slice %arg21[%dma_start3A, %dma_start3A_72] : memref<10000x16xf32, #tpu.memory_space<vmem_shared>> -> memref<10000x16xf32, #tpu.memory_space<vmem_shared>>
        tpu.enqueue_indirect_dma source(%arg19 : memref<80x16xf32, #tpu.memory_space<vmem>>) target(%dma_start3A_73 : memref<10000x16xf32, #tpu.memory_space<vmem_shared>>) offsets(%arg13 : memref<80xi32, #tpu.memory_space<vmem>>) semaphore(%run_scoped3A : memref<!tpu.dma_semaphore, #tpu.memory_space<semaphore_mem>>) {add = true}
        %dma_wait3A_74 = arith.constant 0 : i32
        %dma_wait3A_75 = arith.constant 0 : i32
        %dma_wait3A_76 = tpu.memref_slice %arg21[%dma_wait3A_74, %dma_wait3A_75] : memref<10000x16xf32, #tpu.memory_space<vmem_shared>> -> memref<10000x16xf32, #tpu.memory_space<vmem_shared>>
        tpu.wait_indirect_dma semaphore(%run_scoped3A : memref<!tpu.dma_semaphore, #tpu.memory_space<semaphore_mem>>) src(%arg19 : memref<80x16xf32, #tpu.memory_space<vmem>>) dst(%dma_wait3A_76 : memref<10000x16xf32, #tpu.memory_space<vmem_shared>>)
        tpu.yield
      }) : () -> ()
    }
    %scan3A_28 = arith.constant 125 : i32
    %barrier3A_29 = arith.constant 0 : index
    tpu.barrier barrier_id(%barrier3A_29)
    "tpu.region"() ({
      %run_scoped3A = tpu.sem_alloc : memref<!tpu.dma_semaphore, #tpu.memory_space<semaphore_mem>>
      %dma_start3A = arith.constant 0 : i32
      %dma_start3A_30 = tpu.memref_slice %arg8[%arg0, %mul3A_6, %dma_start3A] : memref<2x10000x64xf32, #tpu.memory_space<hbm>> -> memref<1x640x64xf32, #tpu.memory_space<hbm>>
      %dma_start3A_31 = tpu.memref_squeeze %dma_start3A_30 : memref<1x640x64xf32, #tpu.memory_space<hbm>> -> memref<640x64xf32, #tpu.memory_space<hbm>>
      %dma_start3A_32 = arith.constant 0 : i32
      %dma_start3A_33 = tpu.memref_slice %arg20[%mul3A_6, %dma_start3A_32] : memref<10000x64xf32, #tpu.memory_space<vmem_shared>> -> memref<640x64xf32, #tpu.memory_space<vmem_shared>>
      tpu.enqueue_dma source(%dma_start3A_33 : memref<640x64xf32, #tpu.memory_space<vmem_shared>>) target(%dma_start3A_31 : memref<640x64xf32, #tpu.memory_space<hbm>>) target_semaphore(%run_scoped3A : memref<!tpu.dma_semaphore, #tpu.memory_space<semaphore_mem>>)
      %dma_wait3A = arith.constant 0 : i32
      %dma_wait3A_34 = tpu.memref_slice %arg8[%arg0, %mul3A_6, %dma_wait3A] : memref<2x10000x64xf32, #tpu.memory_space<hbm>> -> memref<1x640x64xf32, #tpu.memory_space<hbm>>
      %dma_wait3A_35 = tpu.memref_squeeze %dma_wait3A_34 : memref<1x640x64xf32, #tpu.memory_space<hbm>> -> memref<640x64xf32, #tpu.memory_space<hbm>>
      %dma_wait3A_36 = arith.constant 0 : i32
      %dma_wait3A_37 = tpu.memref_slice %arg20[%mul3A_6, %dma_wait3A_36] : memref<10000x64xf32, #tpu.memory_space<vmem_shared>> -> memref<640x64xf32, #tpu.memory_space<vmem_shared>>
      tpu.wait_dma2 semaphore(%run_scoped3A : memref<!tpu.dma_semaphore, #tpu.memory_space<semaphore_mem>>) src(%dma_wait3A_37 : memref<640x64xf32, #tpu.memory_space<vmem_shared>>) dst(%dma_wait3A_35 : memref<640x64xf32, #tpu.memory_space<hbm>>)
      tpu.yield
    }) : () -> ()
    "tpu.region"() ({
      %run_scoped3A = tpu.sem_alloc : memref<!tpu.dma_semaphore, #tpu.memory_space<semaphore_mem>>
      %dma_start3A = arith.constant 0 : i32
      %dma_start3A_30 = tpu.memref_slice %arg9[%arg0, %mul3A_6, %dma_start3A] : memref<2x10000x16xf32, #tpu.memory_space<hbm>> -> memref<1x640x16xf32, #tpu.memory_space<hbm>>
      %dma_start3A_31 = tpu.memref_squeeze %dma_start3A_30 : memref<1x640x16xf32, #tpu.memory_space<hbm>> -> memref<640x16xf32, #tpu.memory_space<hbm>>
      %dma_start3A_32 = arith.constant 0 : i32
      %dma_start3A_33 = tpu.memref_slice %arg21[%mul3A_6, %dma_start3A_32] : memref<10000x16xf32, #tpu.memory_space<vmem_shared>> -> memref<640x16xf32, #tpu.memory_space<vmem_shared>>
      tpu.enqueue_dma source(%dma_start3A_33 : memref<640x16xf32, #tpu.memory_space<vmem_shared>>) target(%dma_start3A_31 : memref<640x16xf32, #tpu.memory_space<hbm>>) target_semaphore(%run_scoped3A : memref<!tpu.dma_semaphore, #tpu.memory_space<semaphore_mem>>)
      %dma_wait3A = arith.constant 0 : i32
      %dma_wait3A_34 = tpu.memref_slice %arg9[%arg0, %mul3A_6, %dma_wait3A] : memref<2x10000x16xf32, #tpu.memory_space<hbm>> -> memref<1x640x16xf32, #tpu.memory_space<hbm>>
      %dma_wait3A_35 = tpu.memref_squeeze %dma_wait3A_34 : memref<1x640x16xf32, #tpu.memory_space<hbm>> -> memref<640x16xf32, #tpu.memory_space<hbm>>
      %dma_wait3A_36 = arith.constant 0 : i32
      %dma_wait3A_37 = tpu.memref_slice %arg21[%mul3A_6, %dma_wait3A_36] : memref<10000x16xf32, #tpu.memory_space<vmem_shared>> -> memref<640x16xf32, #tpu.memory_space<vmem_shared>>
      tpu.wait_dma2 semaphore(%run_scoped3A : memref<!tpu.dma_semaphore, #tpu.memory_space<semaphore_mem>>) src(%dma_wait3A_37 : memref<640x16xf32, #tpu.memory_space<vmem_shared>>) dst(%dma_wait3A_35 : memref<640x16xf32, #tpu.memory_space<hbm>>)
      tpu.yield
    }) : () -> ()
    return
  }
}

module attributes {stable_mosaic.version = 14 : i64} {
  func.func @_linear_body(%arg0: i32, %arg1: memref<2000x128xf32, #tpu.memory_space<vmem>>, %arg2: memref<128x128xf32, #tpu.memory_space<vmem>>, %arg3: memref<1x128xf32, #tpu.memory_space<vmem>>, %arg4: memref<2000x128xf32, #tpu.memory_space<vmem>>) attributes {dimension_semantics = [#tpu.dimension_semantics<arbitrary>], iteration_bounds = array<i64: 5>, scalar_prefetch = 0 : i64, scratch_operands = 0 : i64, tpu.core_type = #tpu.core_type<tc>, window_params = [{transform_indices = @transform_0, window_bounds = array<i64: 2000, 128>}, {pipeline_mode = #tpu.pipeline_mode<synchronous>, transform_indices = @transform_1, window_bounds = array<i64: 128, 128>}, {pipeline_mode = #tpu.pipeline_mode<synchronous>, transform_indices = @transform_2, window_bounds = array<i64: 1, 128>}, {transform_indices = @transform_3, window_bounds = array<i64: 2000, 128>}]} {
    %get3A = arith.constant 0 : index
    %get3A_0 = arith.constant 0 : index
    %get3A_1 = vector.load %arg1[%get3A, %get3A_0] : memref<2000x128xf32, #tpu.memory_space<vmem>>, vector<2000x128xf32>
    %get3A_2 = arith.constant 0 : index
    %get3A_3 = arith.constant 0 : index
    %get3A_4 = vector.load %arg2[%get3A_2, %get3A_3] : memref<128x128xf32, #tpu.memory_space<vmem>>, vector<128x128xf32>
    %dot_general3A = arith.constant dense<0.000000e+00> : vector<2000x128xf32>
    %dot_general3A_5 = tpu.matmul %get3A_1, %get3A_4, %dot_general3A {dimension_numbers = #tpu.dot_dimension_numbers<[1], [0], [0], [1], [0, 0, 1, 1], [], []>, transpose_lhs_hint = false} : vector<2000x128xf32>, vector<128x128xf32>, vector<2000x128xf32> -> vector<2000x128xf32>
    %get3A_6 = arith.constant 0 : index
    %get3A_7 = arith.constant 0 : index
    %get3A_8 = vector.load %arg3[%get3A_6, %get3A_7] : memref<1x128xf32, #tpu.memory_space<vmem>>, vector<1x128xf32>
    %add3A = vector.broadcast %get3A_8 : vector<1x128xf32> to vector<2000x128xf32>
    %add3A_9 = arith.addf %dot_general3A_5, %add3A : vector<2000x128xf32>
    %max3A = arith.constant 0.000000e+00 : f32
    %max3A_10 = vector.broadcast %max3A : f32 to vector<2000x128xf32>
    %max3A_11 = arith.maximumf %add3A_9, %max3A_10 : vector<2000x128xf32>
    %swap3A = arith.constant 0 : index
    %swap3A_12 = arith.constant 0 : index
    %swap3A_13 = vector.load %arg4[%swap3A, %swap3A_12] : memref<2000x128xf32, #tpu.memory_space<vmem>>, vector<2000x128xf32>
    tpu.vector_store %arg4[%swap3A, %swap3A_12], %max3A_11 {strides = array<i32>} : memref<2000x128xf32, #tpu.memory_space<vmem>>, vector<2000x128xf32>,
    return
  }
  func.func @transform_0(%arg0: i32) -> (i32, i32) {
    %c0_i32 = arith.constant 0 : i32
    %c0_i32_0 = arith.constant 0 : i32
    return %arg0, %c0_i32 : i32, i32
  }
  func.func @transform_1(%arg0: i32) -> (i32, i32) {
    %c0_i32 = arith.constant 0 : i32
    %c0_i32_0 = arith.constant 0 : i32
    %c0_i32_1 = arith.constant 0 : i32
    return %c0_i32, %c0_i32_0 : i32, i32
  }
  func.func @transform_2(%arg0: i32) -> (i32, i32) {
    %c0_i32 = arith.constant 0 : i32
    %c0_i32_0 = arith.constant 0 : i32
    %c0_i32_1 = arith.constant 0 : i32
    return %c0_i32, %c0_i32_0 : i32, i32
  }
  func.func @transform_3(%arg0: i32) -> (i32, i32) {
    %c0_i32 = arith.constant 0 : i32
    %c0_i32_0 = arith.constant 0 : i32
    return %arg0, %c0_i32 : i32, i32
  }
}

module attributes {stable_mosaic.version = 14 : i64} {
  func.func @_proj_body(%arg0: i32, %arg1: memref<2000x128xf32, #tpu.memory_space<vmem>>, %arg2: memref<128x384xf32, #tpu.memory_space<vmem>>, %arg3: memref<1x384xf32, #tpu.memory_space<vmem>>, %arg4: memref<2000x128xf32, #tpu.memory_space<vmem>>, %arg5: memref<2000x128xf32, #tpu.memory_space<vmem>>, %arg6: memref<2000x64xf32, #tpu.memory_space<vmem>>, %arg7: memref<2000x64xf32, #tpu.memory_space<vmem>>) attributes {dimension_semantics = [#tpu.dimension_semantics<arbitrary>], iteration_bounds = array<i64: 5>, scalar_prefetch = 0 : i64, scratch_operands = 0 : i64, tpu.core_type = #tpu.core_type<tc>, window_params = [{transform_indices = @transform_0, window_bounds = array<i64: 2000, 128>}, {pipeline_mode = #tpu.pipeline_mode<synchronous>, transform_indices = @transform_1, window_bounds = array<i64: 128, 384>}, {pipeline_mode = #tpu.pipeline_mode<synchronous>, transform_indices = @transform_2, window_bounds = array<i64: 1, 384>}, {transform_indices = @transform_3, window_bounds = array<i64: 2000, 128>}, {transform_indices = @transform_4, window_bounds = array<i64: 2000, 128>}, {transform_indices = @transform_5, window_bounds = array<i64: 2000, 64>}, {transform_indices = @transform_6, window_bounds = array<i64: 2000, 64>}]} {
    %get3A = arith.constant 0 : index
    %get3A_0 = arith.constant 0 : index
    %get3A_1 = vector.load %arg1[%get3A, %get3A_0] : memref<2000x128xf32, #tpu.memory_space<vmem>>, vector<2000x128xf32>
    %get3A_2 = arith.constant 0 : index
    %get3A_3 = arith.constant 0 : index
    %get3A_4 = vector.load %arg2[%get3A_2, %get3A_3] : memref<128x384xf32, #tpu.memory_space<vmem>>, vector<128x384xf32>
    %dot_general3A = arith.constant dense<0.000000e+00> : vector<2000x384xf32>
    %dot_general3A_5 = tpu.matmul %get3A_1, %get3A_4, %dot_general3A {dimension_numbers = #tpu.dot_dimension_numbers<[1], [0], [0], [1], [0, 0, 1, 1], [], []>, transpose_lhs_hint = false} : vector<2000x128xf32>, vector<128x384xf32>, vector<2000x384xf32> -> vector<2000x384xf32>
    %get3A_6 = arith.constant 0 : index
    %get3A_7 = arith.constant 0 : index
    %get3A_8 = vector.load %arg3[%get3A_6, %get3A_7] : memref<1x384xf32, #tpu.memory_space<vmem>>, vector<1x384xf32>
    %add3A = vector.broadcast %get3A_8 : vector<1x384xf32> to vector<2000x384xf32>
    %add3A_9 = arith.addf %dot_general3A_5, %add3A : vector<2000x384xf32>
    %slice3A = vector.extract_strided_slice %add3A_9 {offsets = [0, 0], sizes = [2000, 128], strides = [1, 1]} : vector<2000x384xf32> to vector<2000x128xf32>
    %swap3A = arith.constant 0 : index
    %swap3A_10 = arith.constant 0 : index
    %swap3A_11 = vector.load %arg4[%swap3A, %swap3A_10] : memref<2000x128xf32, #tpu.memory_space<vmem>>, vector<2000x128xf32>
    tpu.vector_store %arg4[%swap3A, %swap3A_10], %slice3A {strides = array<i32>} : memref<2000x128xf32, #tpu.memory_space<vmem>>, vector<2000x128xf32>,
    %slice3A_12 = vector.extract_strided_slice %add3A_9 {offsets = [0, 128], sizes = [2000, 128], strides = [1, 1]} : vector<2000x384xf32> to vector<2000x128xf32>
    %swap3A_13 = arith.constant 0 : index
    %swap3A_14 = arith.constant 0 : index
    %swap3A_15 = vector.load %arg5[%swap3A_13, %swap3A_14] : memref<2000x128xf32, #tpu.memory_space<vmem>>, vector<2000x128xf32>
    tpu.vector_store %arg5[%swap3A_13, %swap3A_14], %slice3A_12 {strides = array<i32>} : memref<2000x128xf32, #tpu.memory_space<vmem>>, vector<2000x128xf32>,
    %slice3A_16 = vector.extract_strided_slice %add3A_9 {offsets = [0, 256], sizes = [2000, 64], strides = [1, 1]} : vector<2000x384xf32> to vector<2000x64xf32>
    %swap3A_17 = arith.constant 0 : index
    %swap3A_18 = arith.constant 0 : index
    %swap3A_19 = vector.load %arg6[%swap3A_17, %swap3A_18] : memref<2000x64xf32, #tpu.memory_space<vmem>>, vector<2000x64xf32>
    tpu.vector_store %arg6[%swap3A_17, %swap3A_18], %slice3A_16 {strides = array<i32>} : memref<2000x64xf32, #tpu.memory_space<vmem>>, vector<2000x64xf32>,
    %slice3A_20 = vector.extract_strided_slice %add3A_9 {offsets = [0, 320], sizes = [2000, 64], strides = [1, 1]} : vector<2000x384xf32> to vector<2000x64xf32>
    %swap3A_21 = arith.constant 0 : index
    %swap3A_22 = arith.constant 0 : index
    %swap3A_23 = vector.load %arg7[%swap3A_21, %swap3A_22] : memref<2000x64xf32, #tpu.memory_space<vmem>>, vector<2000x64xf32>
    tpu.vector_store %arg7[%swap3A_21, %swap3A_22], %slice3A_20 {strides = array<i32>} : memref<2000x64xf32, #tpu.memory_space<vmem>>, vector<2000x64xf32>,
    return
  }
  func.func @transform_0(%arg0: i32) -> (i32, i32) {
    %c0_i32 = arith.constant 0 : i32
    %c0_i32_0 = arith.constant 0 : i32
    return %arg0, %c0_i32 : i32, i32
  }
  func.func @transform_1(%arg0: i32) -> (i32, i32) {
    %c0_i32 = arith.constant 0 : i32
    %c0_i32_0 = arith.constant 0 : i32
    %c0_i32_1 = arith.constant 0 : i32
    return %c0_i32, %c0_i32_0 : i32, i32
  }
  func.func @transform_2(%arg0: i32) -> (i32, i32) {
    %c0_i32 = arith.constant 0 : i32
    %c0_i32_0 = arith.constant 0 : i32
    %c0_i32_1 = arith.constant 0 : i32
    return %c0_i32, %c0_i32_0 : i32, i32
  }
  func.func @transform_3(%arg0: i32) -> (i32, i32) {
    %c0_i32 = arith.constant 0 : i32
    %c0_i32_0 = arith.constant 0 : i32
    return %arg0, %c0_i32 : i32, i32
  }
  func.func @transform_4(%arg0: i32) -> (i32, i32) {
    %c0_i32 = arith.constant 0 : i32
    %c0_i32_0 = arith.constant 0 : i32
    return %arg0, %c0_i32 : i32, i32
  }
  func.func @transform_5(%arg0: i32) -> (i32, i32) {
    %c0_i32 = arith.constant 0 : i32
    %c0_i32_0 = arith.constant 0 : i32
    return %arg0, %c0_i32 : i32, i32
  }
  func.func @transform_6(%arg0: i32) -> (i32, i32) {
    %c0_i32 = arith.constant 0 : i32
    %c0_i32_0 = arith.constant 0 : i32
    return %arg0, %c0_i32 : i32, i32
  }
}

module attributes {stable_mosaic.version = 14 : i64} {
  func.func @_post_body(%arg0: i32, %arg1: memref<2x2000x64xf32, #tpu.memory_space<vmem>>, %arg2: memref<2x2000x16xf32, #tpu.memory_space<vmem>>, %arg3: memref<2000x128xf32, #tpu.memory_space<vmem>>, %arg4: memref<128x128xf32, #tpu.memory_space<vmem>>, %arg5: memref<1x128xf32, #tpu.memory_space<vmem>>, %arg6: memref<1x1xf32, #tpu.memory_space<vmem>>, %arg7: memref<2000x128xf32, #tpu.memory_space<vmem>>) attributes {dimension_semantics = [#tpu.dimension_semantics<arbitrary>], iteration_bounds = array<i64: 5>, scalar_prefetch = 0 : i64, scratch_operands = 0 : i64, tpu.core_type = #tpu.core_type<tc>, window_params = [{transform_indices = @transform_0, window_bounds = array<i64: 2, 2000, 64>}, {transform_indices = @transform_1, window_bounds = array<i64: 2, 2000, 16>}, {transform_indices = @transform_2, window_bounds = array<i64: 2000, 128>}, {pipeline_mode = #tpu.pipeline_mode<synchronous>, transform_indices = @transform_3, window_bounds = array<i64: 128, 128>}, {pipeline_mode = #tpu.pipeline_mode<synchronous>, transform_indices = @transform_4, window_bounds = array<i64: 1, 128>}, {pipeline_mode = #tpu.pipeline_mode<synchronous>, transform_indices = @transform_5, window_bounds = array<i64: 1, 1>}, {transform_indices = @transform_6, window_bounds = array<i64: 2000, 128>}]} {
    %get3A = arith.constant 0 : index
    %get3A_0 = arith.constant 0 : index
    %get3A_1 = arith.constant 0 : index
    %get3A_2 = vector.load %arg1[%get3A, %get3A_0, %get3A_1] : memref<2x2000x64xf32, #tpu.memory_space<vmem>>, vector<1x2000x64xf32>
    %get3A_3 = vector.shape_cast %get3A_2 : vector<1x2000x64xf32> to vector<2000x64xf32>
    %get3A_4 = arith.constant 1 : index
    %get3A_5 = arith.constant 0 : index
    %get3A_6 = arith.constant 0 : index
    %get3A_7 = vector.load %arg1[%get3A_4, %get3A_5, %get3A_6] : memref<2x2000x64xf32, #tpu.memory_space<vmem>>, vector<1x2000x64xf32>
    %get3A_8 = vector.shape_cast %get3A_7 : vector<1x2000x64xf32> to vector<2000x64xf32>
    %concatenate3A = tpu.concatenate %get3A_3, %get3A_8 in 1 : vector<2000x64xf32>, vector<2000x64xf32> -> vector<2000x128xf32>
    %get3A_9 = arith.constant 0 : index
    %get3A_10 = arith.constant 0 : index
    %get3A_11 = arith.constant 0 : index
    %get3A_12 = vector.load %arg2[%get3A_9, %get3A_10, %get3A_11] : memref<2x2000x16xf32, #tpu.memory_space<vmem>>, vector<1x2000x16xf32>
    %get3A_13 = vector.shape_cast %get3A_12 : vector<1x2000x16xf32> to vector<2000x16xf32>
    %get3A_14 = arith.constant 1 : index
    %get3A_15 = arith.constant 0 : index
    %get3A_16 = arith.constant 0 : index
    %get3A_17 = vector.load %arg2[%get3A_14, %get3A_15, %get3A_16] : memref<2x2000x16xf32, #tpu.memory_space<vmem>>, vector<1x2000x16xf32>
    %get3A_18 = vector.shape_cast %get3A_17 : vector<1x2000x16xf32> to vector<2000x16xf32>
    %add3A = arith.addf %get3A_13, %get3A_18 : vector<2000x16xf32>
    %slice3A = vector.extract_strided_slice %add3A {offsets = [0, 0], sizes = [2000, 1], strides = [1, 1]} : vector<2000x16xf32> to vector<2000x1xf32>
    %broadcast_in_dim3A = vector.shape_cast %slice3A : vector<2000x1xf32> to vector<2000x1xf32>
    %broadcast_in_dim3A_19 = vector.broadcast %broadcast_in_dim3A : vector<2000x1xf32> to vector<2000x32xf32>
    %slice3A_20 = vector.extract_strided_slice %add3A {offsets = [0, 4], sizes = [2000, 1], strides = [1, 1]} : vector<2000x16xf32> to vector<2000x1xf32>
    %broadcast_in_dim3A_21 = vector.shape_cast %slice3A_20 : vector<2000x1xf32> to vector<2000x1xf32>
    %broadcast_in_dim3A_22 = vector.broadcast %broadcast_in_dim3A_21 : vector<2000x1xf32> to vector<2000x32xf32>
    %slice3A_23 = vector.extract_strided_slice %add3A {offsets = [0, 8], sizes = [2000, 1], strides = [1, 1]} : vector<2000x16xf32> to vector<2000x1xf32>
    %broadcast_in_dim3A_24 = vector.shape_cast %slice3A_23 : vector<2000x1xf32> to vector<2000x1xf32>
    %broadcast_in_dim3A_25 = vector.broadcast %broadcast_in_dim3A_24 : vector<2000x1xf32> to vector<2000x32xf32>
    %slice3A_26 = vector.extract_strided_slice %add3A {offsets = [0, 12], sizes = [2000, 1], strides = [1, 1]} : vector<2000x16xf32> to vector<2000x1xf32>
    %broadcast_in_dim3A_27 = vector.shape_cast %slice3A_26 : vector<2000x1xf32> to vector<2000x1xf32>
    %broadcast_in_dim3A_28 = vector.broadcast %broadcast_in_dim3A_27 : vector<2000x1xf32> to vector<2000x32xf32>
    %concatenate3A_29 = tpu.concatenate %broadcast_in_dim3A_19, %broadcast_in_dim3A_22, %broadcast_in_dim3A_25, %broadcast_in_dim3A_28 in 1 : vector<2000x32xf32>, vector<2000x32xf32>, vector<2000x32xf32>, vector<2000x32xf32> -> vector<2000x128xf32>
    %add3A_30 = arith.constant 1.000000e-16 : f32
    %add3A_31 = vector.broadcast %add3A_30 : f32 to vector<2000x128xf32>
    %add3A_32 = arith.addf %concatenate3A_29, %add3A_31 : vector<2000x128xf32>
    %div3A = arith.divf %concatenate3A, %add3A_32 : vector<2000x128xf32>
    %integer_pow3A = arith.mulf %div3A, %div3A : vector<2000x128xf32>
    %integer_pow3A_33 = arith.mulf %div3A, %integer_pow3A : vector<2000x128xf32>
    %mul3A = arith.constant 4.471500e-02 : f32
    %mul3A_34 = vector.broadcast %mul3A : f32 to vector<2000x128xf32>
    %mul3A_35 = arith.mulf %mul3A_34, %integer_pow3A_33 : vector<2000x128xf32>
    %add3A_36 = arith.addf %div3A, %mul3A_35 : vector<2000x128xf32>
    %mul3A_37 = arith.constant 0.797884583 : f32
    %mul3A_38 = vector.broadcast %mul3A_37 : f32 to vector<2000x128xf32>
    %mul3A_39 = arith.mulf %mul3A_38, %add3A_36 : vector<2000x128xf32>
    %tanh3A = math.tanh %mul3A_39 : vector<2000x128xf32>
    %add3A_40 = arith.constant 1.000000e+00 : f32
    %add3A_41 = vector.broadcast %add3A_40 : f32 to vector<2000x128xf32>
    %add3A_42 = arith.addf %add3A_41, %tanh3A : vector<2000x128xf32>
    %mul3A_43 = arith.constant 5.000000e-01 : f32
    %mul3A_44 = vector.broadcast %mul3A_43 : f32 to vector<2000x128xf32>
    %mul3A_45 = arith.mulf %mul3A_44, %add3A_42 : vector<2000x128xf32>
    %mul3A_46 = arith.mulf %div3A, %mul3A_45 : vector<2000x128xf32>
    %get3A_47 = arith.constant 0 : index
    %get3A_48 = arith.constant 0 : index
    %get3A_49 = vector.load %arg4[%get3A_47, %get3A_48] : memref<128x128xf32, #tpu.memory_space<vmem>>, vector<128x128xf32>
    %dot_general3A = arith.constant dense<0.000000e+00> : vector<2000x128xf32>
    %dot_general3A_50 = tpu.matmul %mul3A_46, %get3A_49, %dot_general3A {dimension_numbers = #tpu.dot_dimension_numbers<[1], [0], [0], [1], [0, 0, 1, 1], [], []>, transpose_lhs_hint = false} : vector<2000x128xf32>, vector<128x128xf32>, vector<2000x128xf32> -> vector<2000x128xf32>
    %get3A_51 = arith.constant 0 : index
    %get3A_52 = arith.constant 0 : index
    %get3A_53 = vector.load %arg5[%get3A_51, %get3A_52] : memref<1x128xf32, #tpu.memory_space<vmem>>, vector<1x128xf32>
    %add3A_54 = vector.broadcast %get3A_53 : vector<1x128xf32> to vector<2000x128xf32>
    %add3A_55 = arith.addf %dot_general3A_50, %add3A_54 : vector<2000x128xf32>
    %get3A_56 = arith.constant 0 : index
    %get3A_57 = arith.constant 0 : index
    %get3A_58 = vector.load %arg6[%get3A_56, %get3A_57] : memref<1x1xf32, #tpu.memory_space<vmem>>, vector<1x1xf32>
    %get3A_59 = vector.extract %get3A_58[0, 0] : f32 from vector<1x1xf32>
    %logistic3A = arith.negf %get3A_59 : f32
    %logistic3A_60 = math.exp %logistic3A : f32
    %logistic3A_61 = arith.constant 1.000000e+00 : f32
    %logistic3A_62 = arith.addf %logistic3A_61, %logistic3A_60 : f32
    %logistic3A_63 = arith.divf %logistic3A_61, %logistic3A_62 : f32
    %mul3A_64 = vector.broadcast %logistic3A_63 : f32 to vector<2000x128xf32>
    %mul3A_65 = arith.mulf %mul3A_64, %add3A_55 : vector<2000x128xf32>
    %sub3A = arith.constant 1.000000e+00 : f32
    %sub3A_66 = arith.subf %sub3A, %logistic3A_63 : f32
    %get3A_67 = arith.constant 0 : index
    %get3A_68 = arith.constant 0 : index
    %get3A_69 = vector.load %arg3[%get3A_67, %get3A_68] : memref<2000x128xf32, #tpu.memory_space<vmem>>, vector<2000x128xf32>
    %mul3A_70 = vector.broadcast %sub3A_66 : f32 to vector<2000x128xf32>
    %mul3A_71 = arith.mulf %mul3A_70, %get3A_69 : vector<2000x128xf32>
    %add3A_72 = arith.addf %mul3A_65, %mul3A_71 : vector<2000x128xf32>
    %swap3A = arith.constant 0 : index
    %swap3A_73 = arith.constant 0 : index
    %swap3A_74 = vector.load %arg7[%swap3A, %swap3A_73] : memref<2000x128xf32, #tpu.memory_space<vmem>>, vector<2000x128xf32>
    tpu.vector_store %arg7[%swap3A, %swap3A_73], %add3A_72 {strides = array<i32>} : memref<2000x128xf32, #tpu.memory_space<vmem>>, vector<2000x128xf32>,
    return
  }
  func.func @transform_0(%arg0: i32) -> (i32, i32, i32) {
    %c0_i32 = arith.constant 0 : i32
    %c0_i32_0 = arith.constant 0 : i32
    %c0_i32_1 = arith.constant 0 : i32
    return %c0_i32, %arg0, %c0_i32_0 : i32, i32, i32
  }
  func.func @transform_1(%arg0: i32) -> (i32, i32, i32) {
    %c0_i32 = arith.constant 0 : i32
    %c0_i32_0 = arith.constant 0 : i32
    %c0_i32_1 = arith.constant 0 : i32
    return %c0_i32, %arg0, %c0_i32_0 : i32, i32, i32
  }
  func.func @transform_2(%arg0: i32) -> (i32, i32) {
    %c0_i32 = arith.constant 0 : i32
    %c0_i32_0 = arith.constant 0 : i32
    return %arg0, %c0_i32 : i32, i32
  }
  func.func @transform_3(%arg0: i32) -> (i32, i32) {
    %c0_i32 = arith.constant 0 : i32
    %c0_i32_0 = arith.constant 0 : i32
    %c0_i32_1 = arith.constant 0 : i32
    return %c0_i32, %c0_i32_0 : i32, i32
  }
  func.func @transform_4(%arg0: i32) -> (i32, i32) {
    %c0_i32 = arith.constant 0 : i32
    %c0_i32_0 = arith.constant 0 : i32
    %c0_i32_1 = arith.constant 0 : i32
    return %c0_i32, %c0_i32_0 : i32, i32
  }
  func.func @transform_5(%arg0: i32) -> (i32, i32) {
    %c0_i32 = arith.constant 0 : i32
    %c0_i32_0 = arith.constant 0 : i32
    %c0_i32_1 = arith.constant 0 : i32
    return %c0_i32, %c0_i32_0 : i32, i32
  }
  func.func @transform_6(%arg0: i32) -> (i32, i32) {
    %c0_i32 = arith.constant 0 : i32
    %c0_i32_0 = arith.constant 0 : i32
    return %arg0, %c0_i32 : i32, i32
  }
}

module attributes {stable_mosaic.version = 14 : i64} {
  func.func @_proj_body(%arg0: i32, %arg1: memref<2000x128xf32, #tpu.memory_space<vmem>>, %arg2: memref<128x384xf32, #tpu.memory_space<vmem>>, %arg3: memref<1x384xf32, #tpu.memory_space<vmem>>, %arg4: memref<2000x128xf32, #tpu.memory_space<vmem>>, %arg5: memref<2000x128xf32, #tpu.memory_space<vmem>>, %arg6: memref<2000x64xf32, #tpu.memory_space<vmem>>, %arg7: memref<2000x64xf32, #tpu.memory_space<vmem>>) attributes {dimension_semantics = [#tpu.dimension_semantics<arbitrary>], iteration_bounds = array<i64: 5>, scalar_prefetch = 0 : i64, scratch_operands = 0 : i64, tpu.core_type = #tpu.core_type<tc>, window_params = [{transform_indices = @transform_0, window_bounds = array<i64: 2000, 128>}, {pipeline_mode = #tpu.pipeline_mode<synchronous>, transform_indices = @transform_1, window_bounds = array<i64: 128, 384>}, {pipeline_mode = #tpu.pipeline_mode<synchronous>, transform_indices = @transform_2, window_bounds = array<i64: 1, 384>}, {transform_indices = @transform_3, window_bounds = array<i64: 2000, 128>}, {transform_indices = @transform_4, window_bounds = array<i64: 2000, 128>}, {transform_indices = @transform_5, window_bounds = array<i64: 2000, 64>}, {transform_indices = @transform_6, window_bounds = array<i64: 2000, 64>}]} {
    %get3A = arith.constant 0 : index
    %get3A_0 = arith.constant 0 : index
    %get3A_1 = vector.load %arg1[%get3A, %get3A_0] : memref<2000x128xf32, #tpu.memory_space<vmem>>, vector<2000x128xf32>
    %get3A_2 = arith.constant 0 : index
    %get3A_3 = arith.constant 0 : index
    %get3A_4 = vector.load %arg2[%get3A_2, %get3A_3] : memref<128x384xf32, #tpu.memory_space<vmem>>, vector<128x384xf32>
    %dot_general3A = arith.constant dense<0.000000e+00> : vector<2000x384xf32>
    %dot_general3A_5 = tpu.matmul %get3A_1, %get3A_4, %dot_general3A {dimension_numbers = #tpu.dot_dimension_numbers<[1], [0], [0], [1], [0, 0, 1, 1], [], []>, transpose_lhs_hint = false} : vector<2000x128xf32>, vector<128x384xf32>, vector<2000x384xf32> -> vector<2000x384xf32>
    %get3A_6 = arith.constant 0 : index
    %get3A_7 = arith.constant 0 : index
    %get3A_8 = vector.load %arg3[%get3A_6, %get3A_7] : memref<1x384xf32, #tpu.memory_space<vmem>>, vector<1x384xf32>
    %add3A = vector.broadcast %get3A_8 : vector<1x384xf32> to vector<2000x384xf32>
    %add3A_9 = arith.addf %dot_general3A_5, %add3A : vector<2000x384xf32>
    %slice3A = vector.extract_strided_slice %add3A_9 {offsets = [0, 0], sizes = [2000, 128], strides = [1, 1]} : vector<2000x384xf32> to vector<2000x128xf32>
    %swap3A = arith.constant 0 : index
    %swap3A_10 = arith.constant 0 : index
    %swap3A_11 = vector.load %arg4[%swap3A, %swap3A_10] : memref<2000x128xf32, #tpu.memory_space<vmem>>, vector<2000x128xf32>
    tpu.vector_store %arg4[%swap3A, %swap3A_10], %slice3A {strides = array<i32>} : memref<2000x128xf32, #tpu.memory_space<vmem>>, vector<2000x128xf32>,
    %slice3A_12 = vector.extract_strided_slice %add3A_9 {offsets = [0, 128], sizes = [2000, 128], strides = [1, 1]} : vector<2000x384xf32> to vector<2000x128xf32>
    %swap3A_13 = arith.constant 0 : index
    %swap3A_14 = arith.constant 0 : index
    %swap3A_15 = vector.load %arg5[%swap3A_13, %swap3A_14] : memref<2000x128xf32, #tpu.memory_space<vmem>>, vector<2000x128xf32>
    tpu.vector_store %arg5[%swap3A_13, %swap3A_14], %slice3A_12 {strides = array<i32>} : memref<2000x128xf32, #tpu.memory_space<vmem>>, vector<2000x128xf32>,
    %slice3A_16 = vector.extract_strided_slice %add3A_9 {offsets = [0, 256], sizes = [2000, 64], strides = [1, 1]} : vector<2000x384xf32> to vector<2000x64xf32>
    %swap3A_17 = arith.constant 0 : index
    %swap3A_18 = arith.constant 0 : index
    %swap3A_19 = vector.load %arg6[%swap3A_17, %swap3A_18] : memref<2000x64xf32, #tpu.memory_space<vmem>>, vector<2000x64xf32>
    tpu.vector_store %arg6[%swap3A_17, %swap3A_18], %slice3A_16 {strides = array<i32>} : memref<2000x64xf32, #tpu.memory_space<vmem>>, vector<2000x64xf32>,
    %slice3A_20 = vector.extract_strided_slice %add3A_9 {offsets = [0, 320], sizes = [2000, 64], strides = [1, 1]} : vector<2000x384xf32> to vector<2000x64xf32>
    %swap3A_21 = arith.constant 0 : index
    %swap3A_22 = arith.constant 0 : index
    %swap3A_23 = vector.load %arg7[%swap3A_21, %swap3A_22] : memref<2000x64xf32, #tpu.memory_space<vmem>>, vector<2000x64xf32>
    tpu.vector_store %arg7[%swap3A_21, %swap3A_22], %slice3A_20 {strides = array<i32>} : memref<2000x64xf32, #tpu.memory_space<vmem>>, vector<2000x64xf32>,
    return
  }
  func.func @transform_0(%arg0: i32) -> (i32, i32) {
    %c0_i32 = arith.constant 0 : i32
    %c0_i32_0 = arith.constant 0 : i32
    return %arg0, %c0_i32 : i32, i32
  }
  func.func @transform_1(%arg0: i32) -> (i32, i32) {
    %c0_i32 = arith.constant 0 : i32
    %c0_i32_0 = arith.constant 0 : i32
    %c0_i32_1 = arith.constant 0 : i32
    return %c0_i32, %c0_i32_0 : i32, i32
  }
  func.func @transform_2(%arg0: i32) -> (i32, i32) {
    %c0_i32 = arith.constant 0 : i32
    %c0_i32_0 = arith.constant 0 : i32
    %c0_i32_1 = arith.constant 0 : i32
    return %c0_i32, %c0_i32_0 : i32, i32
  }
  func.func @transform_3(%arg0: i32) -> (i32, i32) {
    %c0_i32 = arith.constant 0 : i32
    %c0_i32_0 = arith.constant 0 : i32
    return %arg0, %c0_i32 : i32, i32
  }
  func.func @transform_4(%arg0: i32) -> (i32, i32) {
    %c0_i32 = arith.constant 0 : i32
    %c0_i32_0 = arith.constant 0 : i32
    return %arg0, %c0_i32 : i32, i32
  }
  func.func @transform_5(%arg0: i32) -> (i32, i32) {
    %c0_i32 = arith.constant 0 : i32
    %c0_i32_0 = arith.constant 0 : i32
    return %arg0, %c0_i32 : i32, i32
  }
  func.func @transform_6(%arg0: i32) -> (i32, i32) {
    %c0_i32 = arith.constant 0 : i32
    %c0_i32_0 = arith.constant 0 : i32
    return %arg0, %c0_i32 : i32, i32
  }
}

module attributes {stable_mosaic.version = 14 : i64} {
  func.func @_proj_body(%arg0: i32, %arg1: memref<2000x128xf32, #tpu.memory_space<vmem>>, %arg2: memref<128x384xf32, #tpu.memory_space<vmem>>, %arg3: memref<1x384xf32, #tpu.memory_space<vmem>>, %arg4: memref<2000x128xf32, #tpu.memory_space<vmem>>, %arg5: memref<2000x128xf32, #tpu.memory_space<vmem>>, %arg6: memref<2000x64xf32, #tpu.memory_space<vmem>>, %arg7: memref<2000x64xf32, #tpu.memory_space<vmem>>) attributes {dimension_semantics = [#tpu.dimension_semantics<arbitrary>], iteration_bounds = array<i64: 5>, scalar_prefetch = 0 : i64, scratch_operands = 0 : i64, tpu.core_type = #tpu.core_type<tc>, window_params = [{transform_indices = @transform_0, window_bounds = array<i64: 2000, 128>}, {pipeline_mode = #tpu.pipeline_mode<synchronous>, transform_indices = @transform_1, window_bounds = array<i64: 128, 384>}, {pipeline_mode = #tpu.pipeline_mode<synchronous>, transform_indices = @transform_2, window_bounds = array<i64: 1, 384>}, {transform_indices = @transform_3, window_bounds = array<i64: 2000, 128>}, {transform_indices = @transform_4, window_bounds = array<i64: 2000, 128>}, {transform_indices = @transform_5, window_bounds = array<i64: 2000, 64>}, {transform_indices = @transform_6, window_bounds = array<i64: 2000, 64>}]} {
    %get3A = arith.constant 0 : index
    %get3A_0 = arith.constant 0 : index
    %get3A_1 = vector.load %arg1[%get3A, %get3A_0] : memref<2000x128xf32, #tpu.memory_space<vmem>>, vector<2000x128xf32>
    %get3A_2 = arith.constant 0 : index
    %get3A_3 = arith.constant 0 : index
    %get3A_4 = vector.load %arg2[%get3A_2, %get3A_3] : memref<128x384xf32, #tpu.memory_space<vmem>>, vector<128x384xf32>
    %dot_general3A = arith.constant dense<0.000000e+00> : vector<2000x384xf32>
    %dot_general3A_5 = tpu.matmul %get3A_1, %get3A_4, %dot_general3A {dimension_numbers = #tpu.dot_dimension_numbers<[1], [0], [0], [1], [0, 0, 1, 1], [], []>, transpose_lhs_hint = false} : vector<2000x128xf32>, vector<128x384xf32>, vector<2000x384xf32> -> vector<2000x384xf32>
    %get3A_6 = arith.constant 0 : index
    %get3A_7 = arith.constant 0 : index
    %get3A_8 = vector.load %arg3[%get3A_6, %get3A_7] : memref<1x384xf32, #tpu.memory_space<vmem>>, vector<1x384xf32>
    %add3A = vector.broadcast %get3A_8 : vector<1x384xf32> to vector<2000x384xf32>
    %add3A_9 = arith.addf %dot_general3A_5, %add3A : vector<2000x384xf32>
    %slice3A = vector.extract_strided_slice %add3A_9 {offsets = [0, 0], sizes = [2000, 128], strides = [1, 1]} : vector<2000x384xf32> to vector<2000x128xf32>
    %swap3A = arith.constant 0 : index
    %swap3A_10 = arith.constant 0 : index
    %swap3A_11 = vector.load %arg4[%swap3A, %swap3A_10] : memref<2000x128xf32, #tpu.memory_space<vmem>>, vector<2000x128xf32>
    tpu.vector_store %arg4[%swap3A, %swap3A_10], %slice3A {strides = array<i32>} : memref<2000x128xf32, #tpu.memory_space<vmem>>, vector<2000x128xf32>,
    %slice3A_12 = vector.extract_strided_slice %add3A_9 {offsets = [0, 128], sizes = [2000, 128], strides = [1, 1]} : vector<2000x384xf32> to vector<2000x128xf32>
    %swap3A_13 = arith.constant 0 : index
    %swap3A_14 = arith.constant 0 : index
    %swap3A_15 = vector.load %arg5[%swap3A_13, %swap3A_14] : memref<2000x128xf32, #tpu.memory_space<vmem>>, vector<2000x128xf32>
    tpu.vector_store %arg5[%swap3A_13, %swap3A_14], %slice3A_12 {strides = array<i32>} : memref<2000x128xf32, #tpu.memory_space<vmem>>, vector<2000x128xf32>,
    %slice3A_16 = vector.extract_strided_slice %add3A_9 {offsets = [0, 256], sizes = [2000, 64], strides = [1, 1]} : vector<2000x384xf32> to vector<2000x64xf32>
    %swap3A_17 = arith.constant 0 : index
    %swap3A_18 = arith.constant 0 : index
    %swap3A_19 = vector.load %arg6[%swap3A_17, %swap3A_18] : memref<2000x64xf32, #tpu.memory_space<vmem>>, vector<2000x64xf32>
    tpu.vector_store %arg6[%swap3A_17, %swap3A_18], %slice3A_16 {strides = array<i32>} : memref<2000x64xf32, #tpu.memory_space<vmem>>, vector<2000x64xf32>,
    %slice3A_20 = vector.extract_strided_slice %add3A_9 {offsets = [0, 320], sizes = [2000, 64], strides = [1, 1]} : vector<2000x384xf32> to vector<2000x64xf32>
    %swap3A_21 = arith.constant 0 : index
    %swap3A_22 = arith.constant 0 : index
    %swap3A_23 = vector.load %arg7[%swap3A_21, %swap3A_22] : memref<2000x64xf32, #tpu.memory_space<vmem>>, vector<2000x64xf32>
    tpu.vector_store %arg7[%swap3A_21, %swap3A_22], %slice3A_20 {strides = array<i32>} : memref<2000x64xf32, #tpu.memory_space<vmem>>, vector<2000x64xf32>,
    return
  }
  func.func @transform_0(%arg0: i32) -> (i32, i32) {
    %c0_i32 = arith.constant 0 : i32
    %c0_i32_0 = arith.constant 0 : i32
    return %arg0, %c0_i32 : i32, i32
  }
  func.func @transform_1(%arg0: i32) -> (i32, i32) {
    %c0_i32 = arith.constant 0 : i32
    %c0_i32_0 = arith.constant 0 : i32
    %c0_i32_1 = arith.constant 0 : i32
    return %c0_i32, %c0_i32_0 : i32, i32
  }
  func.func @transform_2(%arg0: i32) -> (i32, i32) {
    %c0_i32 = arith.constant 0 : i32
    %c0_i32_0 = arith.constant 0 : i32
    %c0_i32_1 = arith.constant 0 : i32
    return %c0_i32, %c0_i32_0 : i32, i32
  }
  func.func @transform_3(%arg0: i32) -> (i32, i32) {
    %c0_i32 = arith.constant 0 : i32
    %c0_i32_0 = arith.constant 0 : i32
    return %arg0, %c0_i32 : i32, i32
  }
  func.func @transform_4(%arg0: i32) -> (i32, i32) {
    %c0_i32 = arith.constant 0 : i32
    %c0_i32_0 = arith.constant 0 : i32
    return %arg0, %c0_i32 : i32, i32
  }
  func.func @transform_5(%arg0: i32) -> (i32, i32) {
    %c0_i32 = arith.constant 0 : i32
    %c0_i32_0 = arith.constant 0 : i32
    return %arg0, %c0_i32 : i32, i32
  }
  func.func @transform_6(%arg0: i32) -> (i32, i32) {
    %c0_i32 = arith.constant 0 : i32
    %c0_i32_0 = arith.constant 0 : i32
    return %arg0, %c0_i32 : i32, i32
  }
}

module attributes {stable_mosaic.version = 14 : i64} {
  func.func @_linear_body(%arg0: i32, %arg1: memref<2000x128xf32, #tpu.memory_space<vmem>>, %arg2: memref<128x40xf32, #tpu.memory_space<vmem>>, %arg3: memref<1x40xf32, #tpu.memory_space<vmem>>, %arg4: memref<2000x40xf32, #tpu.memory_space<vmem>>) attributes {dimension_semantics = [#tpu.dimension_semantics<arbitrary>], iteration_bounds = array<i64: 5>, scalar_prefetch = 0 : i64, scratch_operands = 0 : i64, tpu.core_type = #tpu.core_type<tc>, window_params = [{transform_indices = @transform_0, window_bounds = array<i64: 2000, 128>}, {pipeline_mode = #tpu.pipeline_mode<synchronous>, transform_indices = @transform_1, window_bounds = array<i64: 128, 40>}, {pipeline_mode = #tpu.pipeline_mode<synchronous>, transform_indices = @transform_2, window_bounds = array<i64: 1, 40>}, {transform_indices = @transform_3, window_bounds = array<i64: 2000, 40>}]} {
    %get3A = arith.constant 0 : index
    %get3A_0 = arith.constant 0 : index
    %get3A_1 = vector.load %arg1[%get3A, %get3A_0] : memref<2000x128xf32, #tpu.memory_space<vmem>>, vector<2000x128xf32>
    %get3A_2 = arith.constant 0 : index
    %get3A_3 = arith.constant 0 : index
    %get3A_4 = vector.load %arg2[%get3A_2, %get3A_3] : memref<128x40xf32, #tpu.memory_space<vmem>>, vector<128x40xf32>
    %dot_general3A = arith.constant dense<0.000000e+00> : vector<2000x40xf32>
    %dot_general3A_5 = tpu.matmul %get3A_1, %get3A_4, %dot_general3A {dimension_numbers = #tpu.dot_dimension_numbers<[1], [0], [0], [1], [0, 0, 1, 1], [], []>, transpose_lhs_hint = false} : vector<2000x128xf32>, vector<128x40xf32>, vector<2000x40xf32> -> vector<2000x40xf32>
    %get3A_6 = arith.constant 0 : index
    %get3A_7 = arith.constant 0 : index
    %get3A_8 = vector.load %arg3[%get3A_6, %get3A_7] : memref<1x40xf32, #tpu.memory_space<vmem>>, vector<1x40xf32>
    %add3A = vector.broadcast %get3A_8 : vector<1x40xf32> to vector<2000x40xf32>
    %add3A_9 = arith.addf %dot_general3A_5, %add3A : vector<2000x40xf32>
    %swap3A = arith.constant 0 : index
    %swap3A_10 = arith.constant 0 : index
    %swap3A_11 = vector.load %arg4[%swap3A, %swap3A_10] : memref<2000x40xf32, #tpu.memory_space<vmem>>, vector<2000x40xf32>
    tpu.vector_store %arg4[%swap3A, %swap3A_10], %add3A_9 {strides = array<i32>} : memref<2000x40xf32, #tpu.memory_space<vmem>>, vector<2000x40xf32>,
    return
  }
  func.func @transform_0(%arg0: i32) -> (i32, i32) {
    %c0_i32 = arith.constant 0 : i32
    %c0_i32_0 = arith.constant 0 : i32
    return %arg0, %c0_i32 : i32, i32
  }
  func.func @transform_1(%arg0: i32) -> (i32, i32) {
    %c0_i32 = arith.constant 0 : i32
    %c0_i32_0 = arith.constant 0 : i32
    %c0_i32_1 = arith.constant 0 : i32
    return %c0_i32, %c0_i32_0 : i32, i32
  }
  func.func @transform_2(%arg0: i32) -> (i32, i32) {
    %c0_i32 = arith.constant 0 : i32
    %c0_i32_0 = arith.constant 0 : i32
    %c0_i32_1 = arith.constant 0 : i32
    return %c0_i32, %c0_i32_0 : i32, i32
  }
  func.func @transform_3(%arg0: i32) -> (i32, i32) {
    %c0_i32 = arith.constant 0 : i32
    %c0_i32_0 = arith.constant 0 : i32
    return %arg0, %c0_i32 : i32, i32
  }
}

</mosaic_0001>

<sc_bundles>
// kernel: kernel.15.cloned.1.call-start
scs
__scs_entry_jumppad:
0x0: {  	(pc) =	sbr.rel $0x88, $3  }
0x1: {  	(tag) =	ssettag $0x0;
	lr =	simm.s32 $0x1  }
0x2: {  	[smem:$0x3F67] =	sst lr;
	_ =	strace $0xD0000000  }
0x3: {  	_ = 	snop  }
0x4: {  	_ = 	snop  }
0x5: {  	_ = 	snop  }
0x6: {  	_ = 	snop  }
0x7: {  	_ = 	snop  }
__scs_overlays_trampoline_lowered:
0x8: {  	[smem:$0x3F76] =	sst s0  }
0x9: {  	[smem:$0x3F77] =	sst s1  }
0xa: {  	[smem:$0x3F78] =	sst s2  }
0xb: {  	[smem:$0x3F79] =	sst s3  }
0xc: {  	[smem:$0x3F7A] =	sst s4  }
0xd: {  	[smem:$0x3F7B] =	sst s5  }
0xe: {  	[smem:$0x3F7C] =	sst s6  }
0xf: {  	[smem:$0x3F7D] =	sst s7  }
0x10: {  	[smem:$0x3F7E] =	sst s8  }
0x11: {  	[smem:$0x3F7F] =	sst s9;
	s0 =	simm.s32 @!p0 $0x0  }
0x12: {  	s1 =	sld [smem:$0x3F65];
	s0 =	simm.s32 @p0 $0x1  }
0x13: {  	[smem:$0x3F80] =	sst s0;
	s0 =	simm.s32 @!p1 $0x0  }
0x14: {  	s2 =	sld [smem:$0x3F64];
	s0 =	simm.s32 @p1 $0x1  }
0x15: {  	[smem:$0x3F81] =	sst s0;
	s0 =	simm.s32 @!p2 $0x0  }
0x16: {  	s3 =	sld [smem:$0x3FDB];
	s0 =	simm.s32 @p2 $0x1  }
0x17: {  	s4 =	simm.s32 $0x1BF5;
	[smem:$0x3F83] =	sst s0  }
0x18: {  	s0 =	sld [smem:$0x3F66];
	_ =	swait.ge [sflag:s4], $0x0  }
0x19: {  	s7 =	sld [smem:$0x3F67]  }
0x1a: {  	s8 =	sadd.s32 $0xFFFFE003, lr  }
0x1b: {  	s9 =	sadd.s32 $0xFFFFFEF7, lr;
	s5 =	simm.s32 $0xFFFFFFFF;
	p2 =	slt.u32 s8, $0xFFFFF086  }
0x1c: {  	p1 =	slt.u32 s9, $0xF7A;
	s5 =	simm.s32 @!p2 $0x0  }
0x1d: {  	s5 =	simm.s32 @p1 $0x1;
	p0 =	seq.s32 s7, s2  }
0x1e: {  	s7 =	smul.u32 @!p0 $0xF7A, s2;
	p2 =	seq.s32 @!p0 s5, $0x0  }
0x1f: {  	s9 =	smul.u32 $0xF7A, s1;
	s8 =	simm.s32 @!p0 $0x1BF5;
	p2 =	por !p2, p0  }
0x20: {  	[sflag:s8] =	ssyncset.s32 @!p0 $0xFFFFF086;
	s6 =	sadd.s32 @!p0 s3, s7;
	s7 =	simm.s32 @!p0 $0x108  }
0x21: {  	s3 =	sadd.s32 s3, s9;
	s6 =	sadd.s32 @!p0 $0x88, s6;
	s7 =	simm.s32 @p2 $0x1082  }
0x22: {  	[simem:s7], [sflag:s8] =	dma.local @!p0 [hbm:s6], $0xF7A  }
0x23: {  	s9 =	sor.u32 $0xD0000000, s2;
	s6 =	simm.s32 $0x108;
	_ =	swait.ge @!p0 [sflag:s8], $0x0  }
0x24: {  	s3 =	sadd.s32 $0x88, s3;
	s6 =	simm.s32 @!p1 $0x1082;
	[sflag:s4] =	ssyncset.s32 $0xFFFFF086  }
0x25: {  	[simem:s6], [sflag:s4] =	dma.local [hbm:s3], $0xF7A  }
0x26: {  	[smem:$0x3F67] =	sst s1;
	(tag) =	ssettag s2;
	_ =	strace s9  }
0x27: {  	s1 =	sld [smem:$0x3F77]  }
0x28: {  	s2 =	sld [smem:$0x3F78]  }
0x29: {  	s4 =	sld [smem:$0x3F7A]  }
0x2a: {  	p0 =	seq.s32 s5, $0x0;
	s5 =	sld [smem:$0x3F7B]  }
0x2b: {  	s6 =	sld [smem:$0x3F7C]  }
0x2c: {  	s7 =	sld [smem:$0x3F7D]  }
0x2d: {  	s3 =	simm.s32 $0x108;
	s8 =	sld [smem:$0x3F7E]  }
0x2e: {  	s3 =	simm.s32 @!p0 $0x1082;
	s9 =	sld [smem:$0x3F7F]  }
0x2f: {  	lr =	sadd.s32 s0, s3;
	s0 =	sld [smem:$0x3F76]  }
0x30: {  	s3 =	sld [smem:$0x3F79]  }
0x31: {  	[smem:$0x3F82] =	sst s10  }
0x32: {  	s10 =	sld [smem:$0x3F80];
	_ =	sdelay $0x3  }
0x33: {  	p0 =	seq.s32 s10, $0x1;
	s10 =	sld [smem:$0x3F82];
	_ =	sdelay $0x3  }
0x34: {  	[smem:$0x3F82] =	sst s10  }
0x35: {  	s10 =	sld [smem:$0x3F81];
	_ =	sdelay $0x3  }
0x36: {  	p1 =	seq.s32 s10, $0x1;
	s10 =	sld [smem:$0x3F82];
	_ =	sdelay $0x3  }
0x37: {  	[smem:$0x3F82] =	sst s10  }
0x38: {  	s10 =	sld [smem:$0x3F83]  }
0x39: {  	_ = 	snop;
	(pc) =	sbr.ind lr, $3  }
0x3a: {  	_ = 	snop  }
0x3b: {  	_ = 	snop  }
0x3c: {  	p2 =	seq.s32 s10, $0x1;
	s10 =	sld [smem:$0x3F82]  }
0x3d: {  	_ =	shalt  }
0x3e: {  	_ =	shalt  }
0x3f: {  	_ =	shalt  }
0x40: {  	_ =	shalt  }
0x41: {  	_ =	shalt  }
0x42: {  	_ =	shalt  }
0x43: {  	_ =	shalt  }
0x44: {  	_ =	shalt  }
0x45: {  	_ =	shalt  }
0x46: {  	_ =	shalt  }
0x47: {  	_ =	shalt  }
0x48: {  	_ =	shalt  }
0x49: {  	_ =	shalt  }
0x4a: {  	_ =	shalt  }
0x4b: {  	_ =	shalt  }
0x4c: {  	_ =	shalt  }
0x4d: {  	_ =	shalt  }
0x4e: {  	_ =	shalt  }
0x4f: {  	_ =	shalt  }
0x50: {  	_ =	shalt  }
0x51: {  	_ =	shalt  }
0x52: {  	_ =	shalt  }
0x53: {  	_ =	shalt  }
0x54: {  	_ =	shalt  }
0x55: {  	_ =	shalt  }
0x56: {  	_ =	shalt  }
0x57: {  	_ =	shalt  }
0x58: {  	_ =	shalt  }
0x59: {  	_ =	shalt  }
0x5a: {  	_ =	shalt  }
0x5b: {  	_ =	shalt  }
0x5c: {  	_ =	shalt  }
0x5d: {  	_ =	shalt  }
0x5e: {  	_ =	shalt  }
0x5f: {  	_ =	shalt  }
0x60: {  	_ =	shalt  }
0x61: {  	_ =	shalt  }
0x62: {  	_ =	shalt  }
0x63: {  	_ =	shalt  }
0x64: {  	_ =	shalt  }
0x65: {  	_ =	shalt  }
0x66: {  	_ =	shalt  }
0x67: {  	_ =	shalt  }
0x68: {  	_ =	shalt  }
0x69: {  	_ =	shalt  }
0x6a: {  	_ =	shalt  }
0x6b: {  	_ =	shalt  }
0x6c: {  	_ =	shalt  }
0x6d: {  	_ =	shalt  }
0x6e: {  	_ =	shalt  }
0x6f: {  	_ =	shalt  }
0x70: {  	_ =	shalt  }
0x71: {  	_ =	shalt  }
0x72: {  	_ =	shalt  }
0x73: {  	_ =	shalt  }
0x74: {  	_ =	shalt  }
0x75: {  	_ =	shalt  }
0x76: {  	_ =	shalt  }
0x77: {  	_ =	shalt  }
0x78: {  	_ =	shalt  }
0x79: {  	_ =	shalt  }
0x7a: {  	_ =	shalt  }
0x7b: {  	_ =	shalt  }
0x7c: {  	_ =	shalt  }
0x7d: {  	_ =	shalt  }
0x7e: {  	_ =	shalt  }
0x7f: {  	_ =	shalt  }
0x80: {  	_ =	shalt  }
0x81: {  	_ =	shalt  }
0x82: {  	_ =	shalt  }
0x83: {  	_ =	shalt  }
0x84: {  	_ =	shalt  }
0x85: {  	_ =	shalt  }
0x86: {  	_ =	shalt  }
0x87: {  	_ =	shalt  }
.Lfunc_end0:
.L_simem_size_0:
called_computation_lowered:
.L_overlay_start_0:
0x88: {  	s2 =	sld [smem:$0x3FD9]  }
0x89: {  	s3 =	sld [smem:$0x3FFE];
	_ =	sdelay $0x1  }
0x8a: {  	s1 =	srdreg.scid  }
0x8b: {  	s0 =	sand.u32 $0x1, s1  }
0x8c: {  	s17 =	sshll.u32 s0, $0xA;
	s2 =	sadd.s32 s3, s2  }
0x8d: {  	s2 =	sadd.s32 s2, s17  }
0x8e: {  	[smem:$0x3F8E] =	sst s2  }
0x8f: {  	_ = 	snop  }
0x90: {  	s18 =	sld [smem:$0x3FD0];
	(tm) =	ssettm $0x1  }
0x91: {  	s19 =	sld [smem:$0x3FFB];
	_ =	sdelay $0x3  }
0x92: {  	_ =	strace s19  }
0x93: {  	s2 =	sld [smem:$0x3FFC];
	_ =	sdelay $0x3  }
0x94: {  	_ =	strace s2  }
0x95: {  	s2 =	sld [smem:$0x3FFD];
	_ =	sdelay $0x3  }
0x96: {  	_ =	strace s2  }
0x97: {  	_ =	strace $0x8FFFFFFF  }
0x98: {  	s20 =	sld [smem:$0x3FDB];
	_ =	sdelay $0x1  }
0x99: {  	s4 =	simm.s32 $_scs_section_size  }
0x9a: {  	s5 =	simm.s32 $_size__tile_overlayer_lowered;
	s6 =	simm.s32 $_tile_overlayer_lowered  }
0x9b: {  	s7 =	simm.s32 $0x1BFF;
	s21 =	sshll.u32 s6, $0x1;
	s4 =	sadd.s32 s4, s20  }
0x9c: {  	s22 =	simm.s32 $0x0;
	s5 =	sshll.u32 s5, $0x1;
	s6 =	sadd.s32 s21, s4  }
0x9d: {  	[timem:s22], [sflag:s7] =	dma.local [hbm:s6], s5  }
0x9e: {  	_ =	swait.ge [sflag:s7], s5  }
0x9f: {  	s5 =	ssub.s32 $0x0, s5;
	[sflag:s7] =	ssyncset.done $0x0  }
0xa0: {  	[sflag:s7] =	ssyncadd.s32 s5;
	_ =	sdelay $0x1  }
0xa1: {  	s23 =	simm.s32 $0x1B8B  }
0xa2: {  	_ =	swait.ge [sflag:s23], $0x1  }
0xa3: {  	[sflag:s23] =	ssyncset.done $0x0  }
0xa4: {  	[sflag:s23] =	ssyncadd.s32 $0xFFFFFFFF  }
0xa5: {  	s5 =	sld [smem:$0x0]  }
0xa6: {  	s6 =	sand.u32 $0xFFFFFFFE, s1  }
0xa7: {  	p0 =	sne.s32 s1, s6  }
0xa8: {  	s6 =	sshll.u32 @p0 s6, $0xE  }
0xa9: {  	s6 =	sadd.s32 @p0 $0x11B8D, s6;
	s7 =	sshll.u32 @p0 s5, $0x11  }
0xaa: {  	s6 =	sor.u32 @p0 s7, s6  }
0xab: {  	[sflag:s6] =	ssyncadd.remote.s32 @p0 $0x1;
	_ =	sdelay $0x1  }
0xac: {  	s6 =	simm.s32 @p0 $0x1B8D  }
0xad: {  	_ =	swait.eq @p0 [sflag:s6], $0x1  }
0xae: {  	[sflag:s6] =	ssyncadd.s32 @p0 $0xFFFFFFFF  }
0xaf: {  	s7 =	sshll.u32 @!p0 s1, $0xE  }
0xb0: {  	s7 =	sor.u32 @!p0 $0x4000, s7;
	s6 =	simm.s32 @!p0 $0x1B8D  }
0xb1: {  	s5 =	sshll.u32 @!p0 s5, $0x11;
	s7 =	sadd.s32 @!p0 $0x11B8D, s7;
	_ =	swait.eq @!p0 [sflag:s6], $0x1  }
0xb2: {  	s5 =	sor.u32 @!p0 s5, s7;
	[sflag:s6] =	ssyncadd.s32 @!p0 $0xFFFFFFFF  }
0xb3: {  	s25 =	simm.s32 $0x1B8E;
	s24 =	sld [smem:$0x3FFE];
	[sflag:s5] =	ssyncadd.remote.s32 @!p0 $0x1  }
0xb4: {  	s26 =	simm.s32 $execute0_lowered;
	[smem:$0x3FD2] =	sst s25  }
0xb5: {  	s6 =	sshll.u32 s26, $0x1;
	_ =	strace $0x80000049;
	[dreg:$0x1] =	wrdreg $0xFFFFFFFF  }
0xb6: {  	s28 =	simm.s32 $_size_execute0_lowered;
	s4 =	sadd.s32 s4, s6;
	[dreg:$0x0] =	wrdreg $0x0  }
0xb7: {  	s6 =	sshll.u32 s28, $0x1;
	[dreg:$0x2] =	wrdreg s4  }
0xb8: {  	[dreg:$0x3] =	wrdreg s6  }
0xb9: {  	[dreg:$0x4] =	wrdreg $0xC0  }
0xba: {  	_ =	task [dreg:s22], $0x5FFFF  }
0xbb: {  	[dreg:$0x1] =	wrdreg $0xFFFFFFFF  }
0xbc: {  	[dreg:$0x0] =	wrdreg $0x60  }
0xbd: {  	[dreg:$0x2] =	wrdreg s24  }
0xbe: {  	[dreg:$0x3] =	wrdreg s18  }
0xbf: {  	[dreg:$0x4] =	wrdreg $0x92400  }
0xc0: {  	[dreg:$0x5] =	wrdreg $0x12E800  }
0xc1: {  	[dreg:$0x6] =	wrdreg $0x9  }
0xc2: {  	_ =	task.clear_ibuf [dreg:s22], $0x7FFFF;
	_ =	strace $0x90000049  }
0xc3: {  	s29 =	simm.s32 $0x9;
	_ =	strace $0x8000004B  }
0xc4: {  	_ =	swait.ge [sflag:s29], $0x1  }
0xc5: {  	[sflag:s29] =	ssyncadd.s32 $0xFFFFFFFF  }
0xc6: {  	_ =	strace $0x9000004B  }
0xc7: {  	_ =	sfence  }
0xc8: {  	s30 =	sld [smem:$0x0];
	_ =	sdelay $0x2  }
0xc9: {  	s31 =	sshll.u32 s1, $0xD;
	s1 =	sshrl.u32 s1, $0x2  }
0xca: {  	s4 =	sand.u32 $0x4000, s31;
	s1 =	sadd.s32 s1, s30  }
0xcb: {  	s0 =	sor.u32 s4, s0;
	s1 =	sshll.u32 s1, $0x11  }
0xcc: {  	s0 =	sor.u32 s1, s0  }
0xcd: {  	s0 =	sadd.s32 $0x8F2B, s0  }
0xce: {  	[sflag:s0] =	ssyncadd.remote.s32 $0x1  }
0xcf: {  	_ =	sfence.sel $0xFFFF  }
0xd0: {  	[dreg:$0x0] =	wrdreg $0xFFFFFFFF;
	(pc) =	sbr.abs _section_cstart, $3  }
0xd1: {  	[dreg:$0x1] =	wrdreg $0xFFFFFFFF  }
0xd2: {  	_ =	task.clear_ibuf [dreg:s22], $0x2FFFF;
	_ =	strace $0x9FFFFFFF  }
0xd3: {  	(tm) =	ssettm $0x7FFFFFFF  }
tec
execute0_lowered:
.L_overlay_start_1:
0x0: {  	(tag) =	ssettag $0x1  }
0x1: {  	s0 =	rddreg [dreg:$0x0]  }
0x2: {  	s1 =	rddreg [dreg:$0x1];
	s21 =	stileid.u32  }
0x3: {  	s2 =	rddreg [dreg:$0x2];
	s9 =	smul.u32 $0x9C00, s21  }
0x4: {  	s3 =	rddreg [dreg:$0x3];
	s14 =	smul.u32 $0x2700, s21  }
0x5: {  	s5 =	simm.s32 $0x0;
	s4 =	srdreg.scid;
	s16 =	smul.u32 $0x4E20, s21  }
0x6: {  	[smem:$0x7FF] =	sst s5;
	s4 =	sand.u32 $0x1, s4;
	s18 =	smul.u32 $0x270, s21  }
0x7: {  	s10 =	sadd.s32 $0x44E00, s0;
	s6 =	sadd.s32 $0x6C000, s0;
	s23 =	smul.u32 $0x27000, s21  }
0x8: {  	s13 =	sadd.s32 $0x160C00, s0;
	s8 =	sadd.s32 $0x188000, s0;
	s7 =	smul.u32 $0x9C400, s4  }
0x9: {  	_ =	strace $0x8000004A;
	s11 =	smul.u32 $0x27100, s4;
	s15 =	ssub.s32 $0x2, s4  }
0xa: {  	p0 =	seq.s32 s4, $0x0;
	s19 =	sshrl.u32 s15, $0x1;
	s20 =	sshrl.u32 s16, $0x3  }
0xb: {  	s26 =	sshrl.u32 s9, $0x2;
	s28 =	sadd.s32 $0x50, s18;
	s6 =	smov.u32 @p0 s10  }
0xc: {  	s30 =	sadd.s32 $0xA0, s18;
	s21 =	sadd.s32 $0x140, s18;
	s12 =	sadd.s32 s9, s7  }
0xd: {  	s7 =	sadd.s32 $0x174600, s0;
	s11 =	sadd.s32 s14, s11;
	s15 =	ssub.s32 s15, s19  }
0xe: {  	s22 =	sadd.s32 s8, s20;
	s19 =	sshll.u32 s4, $0x1;
	s29 =	sshll.u32 s28, $0x6  }
0xf: {  	s12 =	sshrl.u32 s12, $0x3;
	s11 =	sshrl.u32 s11, $0x3;
	[dreg:$0x5] =	wrdreg s22  }
0x10: {  	s25 =	smax.u32 s15, $0x1;
	s7 =	smov.u32 @p0 s13;
	s13 =	sshll.u32 s30, $0x4  }
0x11: {  	s22 =	sshll.u32 s21, $0x6;
	v1 =	vmov s19;
	s19 =	simm.s32 $0x6540;
	s17 =	sadd.s32 s12, s0  }
0x12: {  	s0 =	sadd.s32 s11, s0;
	s11 =	sadd.s32 s1, s20;
	s20 =	sshllo.u32 s4, $0x1  }
0x13: {  	s12 =	sadd.s32 $0xA0, s16;
	[dreg:$0x9] =	wrdreg s25;
	s4 =	sshrl.u32 s23, $0x2  }
0x14: {  	s23 =	sadd.s32 $0x190, s18;
	[dreg:$0x6] =	wrdreg s11;
	s11 =	sadd.s32 $0x50, s16  }
0x15: {  	s24 =	sadd.s32 $0x191E00, s17;
	s16 =	sadd.s32 s9, s2;
	s0 =	sadd.s32 $0x1B9000, s0  }
0x16: {  	s4 =	sadd.s32 s4, s2;
	s9 =	sshll.u32 s28, $0x4;
	[dreg:$0x7] =	wrdreg s24  }
0x17: {  	s25 =	sshll.u32 s23, $0x4;
	s28 =	sadd.s32 $0x230, s18;
	[dreg:$0x8] =	wrdreg s0  }
0x18: {  	v2 =	vmov s20;
	s20 =	simm.s32 $0x1;
	s0 =	sadd.s32 s14, s3;
	[dreg:$0xa] =	wrdreg s4  }
0x19: {  	s4 =	sadd.s32 s26, s3;
	s31 =	sadd.s32 s9, s3;
	s9 =	sshll.u32 s30, $0x6  }
0x1a: {  	s14 =	sadd.s32 $0xF0, s18;
	s24 =	sshll.u32 s23, $0x6;
	s26 =	sadd.s32 $0x1E0, s18  }
0x1b: {  	s30 =	sshll.u32 s28, $0x6;
	s18 =	simm.s32 $0x2940;
	[dreg:$0xb] =	wrdreg s4  }
0x1c: {  	s23 =	simm.s32 $0x4;
	s4 =	sadd.s32 s29, s2;
	[dreg:$0xd] =	wrdreg s31  }
0x1d: {  	s15 =	sshll.u32 s14, $0x6;
	s31 =	sadd.s32 s30, s2;
	[dreg:$0xc] =	wrdreg s4  }
0x1e: {  	s29 =	sshll.u32 s26, $0x6;
	s4 =	sadd.s32 s9, s2;
	[dreg:$0x18] =	wrdreg s31  }
0x1f: {  	s9 =	sshll.u32 s14, $0x4;
	s10 =	sadd.s32 s29, s2;
	[dreg:$0xe] =	wrdreg s4  }
0x20: {  	s14 =	simm.s32 $0x8D40;
	s4 =	sadd.s32 s13, s3;
	[dreg:$0x16] =	wrdreg s10  }
0x21: {  	s17 =	sadd.s32 s9, s3;
	s9 =	sadd.s32 s22, s2;
	[dreg:$0xf] =	wrdreg s4  }
0x22: {  	s10 =	simm.s32 $0x7940;
	s13 =	simm.s32 $0x5;
	[dreg:$0x11] =	wrdreg s17  }
0x23: {  	s4 =	sadd.s32 s15, s2;
	[dreg:$0x12] =	wrdreg s9;
	s9 =	sshll.u32 s26, $0x4  }
0x24: {  	[dreg:$0x10] =	wrdreg s4;
	s4 =	sshll.u32 s21, $0x4;
	s9 =	sadd.s32 s9, s3  }
0x25: {  	s22 =	simm.s32 $0x2;
	s4 =	sadd.s32 s4, s3;
	[dreg:$0x17] =	wrdreg s9  }
0x26: {  	s15 =	simm.s32 $0xA0;
	[dreg:$0x13] =	wrdreg s4;
	s4 =	sadd.s32 s24, s2  }
0x27: {  	s17 =	simm.s32 $0xF0;
	[dreg:$0x14] =	wrdreg s4;
	s4 =	sadd.s32 s25, s3  }
0x28: {  	v0 =	vlaneseq.u32;
	s21 =	simm.s32 $0x3;
	[dreg:$0x15] =	wrdreg s4;
	s4 =	sshll.u32 s28, $0x4  }
0x29: {  	v3 =	vshrl.u32 v0, $0x2;
	s9 =	sshrl.u32 s0, $0x3;
	s24 =	simm.s32 $0x0;
	s4 =	sadd.s32 s4, s3  }
0x2a: {  	v0 =	vimm.f32 $0.0e+00;
	vm1 =	veq.s32 v1, v3;
	vm0 =	veq.s32 v2, v3;
	[dreg:$0x19] =	wrdreg s4;
	s4 =	sshrl.u32 s16, $0x3;
	s16 =	simm.s32 $0x50  }
.LBB2_1:
0x2b: {  	s0 =	simm.s32 $0x7960  }
0x2c: {  	[tilespmem:s0+$0x0] =	vst v0  }
0x2d: {  	[tilespmem:s0+$0xFFFFFFE0] =	vst v0  }
0x2e: {  	[tilespmem:s0+$0x10] =	vst v0  }
0x2f: {  	s25 =	simm.s32 $0x40;
	s26 =	simm.s32 $0x0;
	[tilespmem:s0+$0xFFFFFFF0] =	vst v0  }
.LBB2_2:
0x30: {  	p0 =	sne.s32 s25, $0x13C0  }
0x31: {  	[tilespmem:s26+$0x8D40] =	vst v0;
	s0 =	sadd.s32 $0x40, s0;
	s26 =	smov.u32 s25;
	s25 =	sadd.s32 $0x40, s25  }
.Ltmp0:
0x32: {  	[tilespmem:s0+$0x0] =	vst v0;
	(pc) =	sbr.rel @p0 .LBB2_2-.Ltmp0, $4  }
0x33: {  	_ = 	snop  }
0x34: {  	[tilespmem:s0+$0xFFFFFFE0] =	vst v0  }
0x35: {  	[tilespmem:s0+$0x10] =	vst v0  }
0x36: {  	s26 =	sshra.s32 s26, $0x2;
	[tilespmem:s0+$0xFFFFFFF0] =	vst v0  }
0x37: {  	[tilespmem:s26+$0x8D40] =	vst v0;
	s0 =	rddreg [dreg:$0xa]  }
0x38: {  	[spmem:s0] =	stream.linear.scatter [tilespmem:s10], [sflag:$0x5], $0x1400, $0x38;
	[tilespmem:$0x15590] =	vst v63  }
0x39: {  	_ =	swait.ge [sflag:s13], $0x1400  }
0x3a: {  	[sflag:s13] =	ssyncset.done $0x0  }
0x3b: {  	s31 =	rddreg [dreg:$0xb];
	[sflag:s13] =	ssyncadd.s32 $0xFFFFEC00  }
0x3c: {  	[spmem:s31] =	stream.linear.scatter [tilespmem:s14], [sflag:$0x5], $0x500, $0x38;
	[tilespmem:$0x15590] =	vst v63  }
0x3d: {  	_ =	swait.ge [sflag:s13], $0x500  }
0x3e: {  	[sflag:s13] =	ssyncset.done $0x0  }
0x3f: {  	s25 =	rddreg [dreg:$0xc];
	[sflag:s13] =	ssyncadd.s32 $0xFFFFFB00  }
0x40: {  	[spmem:s25] =	stream.linear.scatter [tilespmem:s10], [sflag:$0x5], $0x1400, $0x38;
	[tilespmem:$0x15590] =	vst v63  }
0x41: {  	_ =	swait.ge [sflag:s13], $0x1400  }
0x42: {  	[sflag:s13] =	ssyncset.done $0x0  }
0x43: {  	s26 =	rddreg [dreg:$0xd];
	[sflag:s13] =	ssyncadd.s32 $0xFFFFEC00  }
0x44: {  	[spmem:s26] =	stream.linear.scatter [tilespmem:s14], [sflag:$0x5], $0x500, $0x38;
	[tilespmem:$0x15590] =	vst v63  }
0x45: {  	_ =	swait.ge [sflag:s13], $0x500  }
0x46: {  	[sflag:s13] =	ssyncset.done $0x0  }
0x47: {  	s28 =	rddreg [dreg:$0xe];
	[sflag:s13] =	ssyncadd.s32 $0xFFFFFB00  }
0x48: {  	[spmem:s28] =	stream.linear.scatter [tilespmem:s10], [sflag:$0x5], $0x1400, $0x38;
	[tilespmem:$0x15590] =	vst v63  }
0x49: {  	_ =	swait.ge [sflag:s13], $0x1400  }
0x4a: {  	[sflag:s13] =	ssyncset.done $0x0  }
0x4b: {  	s29 =	rddreg [dreg:$0xf];
	[sflag:s13] =	ssyncadd.s32 $0xFFFFEC00  }
0x4c: {  	[spmem:s29] =	stream.linear.scatter [tilespmem:s14], [sflag:$0x5], $0x500, $0x38;
	[tilespmem:$0x15590] =	vst v63  }
0x4d: {  	_ =	swait.ge [sflag:s13], $0x500  }
0x4e: {  	[sflag:s13] =	ssyncset.done $0x0  }
0x4f: {  	s30 =	rddreg [dreg:$0x10];
	[sflag:s13] =	ssyncadd.s32 $0xFFFFFB00  }
0x50: {  	[spmem:s30] =	stream.linear.scatter [tilespmem:s10], [sflag:$0x5], $0x1400, $0x38;
	[tilespmem:$0x15590] =	vst v63  }
0x51: {  	_ =	swait.ge [sflag:s13], $0x1400  }
0x52: {  	[sflag:s13] =	ssyncset.done $0x0  }
0x53: {  	s31 =	rddreg [dreg:$0x11];
	[sflag:s13] =	ssyncadd.s32 $0xFFFFEC00  }
0x54: {  	[spmem:s31] =	stream.linear.scatter [tilespmem:s14], [sflag:$0x5], $0x500, $0x38;
	[tilespmem:$0x15590] =	vst v63  }
0x55: {  	_ =	swait.ge [sflag:s13], $0x500  }
0x56: {  	[sflag:s13] =	ssyncset.done $0x0  }
0x57: {  	s25 =	rddreg [dreg:$0x12];
	[sflag:s13] =	ssyncadd.s32 $0xFFFFFB00  }
0x58: {  	[spmem:s25] =	stream.linear.scatter [tilespmem:s10], [sflag:$0x5], $0x1400, $0x38;
	[tilespmem:$0x15590] =	vst v63  }
0x59: {  	_ =	swait.ge [sflag:s13], $0x1400  }
0x5a: {  	[sflag:s13] =	ssyncset.done $0x0  }
0x5b: {  	s26 =	rddreg [dreg:$0x13];
	[sflag:s13] =	ssyncadd.s32 $0xFFFFEC00  }
0x5c: {  	[spmem:s26] =	stream.linear.scatter [tilespmem:s14], [sflag:$0x5], $0x500, $0x38;
	[tilespmem:$0x15590] =	vst v63  }
0x5d: {  	_ =	swait.ge [sflag:s13], $0x500  }
0x5e: {  	[sflag:s13] =	ssyncset.done $0x0  }
0x5f: {  	s28 =	rddreg [dreg:$0x14];
	[sflag:s13] =	ssyncadd.s32 $0xFFFFFB00  }
0x60: {  	[spmem:s28] =	stream.linear.scatter [tilespmem:s10], [sflag:$0x5], $0x1400, $0x38;
	[tilespmem:$0x15590] =	vst v63  }
0x61: {  	_ =	swait.ge [sflag:s13], $0x1400  }
0x62: {  	[sflag:s13] =	ssyncset.done $0x0  }
0x63: {  	s29 =	rddreg [dreg:$0x15];
	[sflag:s13] =	ssyncadd.s32 $0xFFFFEC00  }
0x64: {  	[spmem:s29] =	stream.linear.scatter [tilespmem:s14], [sflag:$0x5], $0x500, $0x38;
	[tilespmem:$0x15590] =	vst v63  }
0x65: {  	_ =	swait.ge [sflag:s13], $0x500  }
0x66: {  	[sflag:s13] =	ssyncset.done $0x0  }
0x67: {  	s30 =	rddreg [dreg:$0x16];
	[sflag:s13] =	ssyncadd.s32 $0xFFFFFB00  }
0x68: {  	[spmem:s30] =	stream.linear.scatter [tilespmem:s10], [sflag:$0x5], $0x1400, $0x38;
	[tilespmem:$0x15590] =	vst v63  }
0x69: {  	_ =	swait.ge [sflag:s13], $0x1400  }
0x6a: {  	[sflag:s13] =	ssyncset.done $0x0  }
0x6b: {  	s31 =	rddreg [dreg:$0x17];
	[sflag:s13] =	ssyncadd.s32 $0xFFFFEC00  }
0x6c: {  	[spmem:s31] =	stream.linear.scatter [tilespmem:s14], [sflag:$0x5], $0x500, $0x38;
	[tilespmem:$0x15590] =	vst v63  }
0x6d: {  	_ =	swait.ge [sflag:s13], $0x500  }
0x6e: {  	[sflag:s13] =	ssyncset.done $0x0  }
0x6f: {  	s25 =	rddreg [dreg:$0x18];
	[sflag:s13] =	ssyncadd.s32 $0xFFFFFB00  }
0x70: {  	[spmem:s25] =	stream.linear.scatter [tilespmem:s10], [sflag:$0x5], $0x1400, $0x38;
	[tilespmem:$0x15590] =	vst v63  }
0x71: {  	_ =	swait.ge [sflag:s13], $0x1400  }
0x72: {  	[sflag:s13] =	ssyncset.done $0x0  }
0x73: {  	s26 =	rddreg [dreg:$0x19];
	[sflag:s13] =	ssyncadd.s32 $0xFFFFEC00  }
0x74: {  	[spmem:s26] =	stream.linear.scatter [tilespmem:s14], [sflag:$0x5], $0x500, $0x38;
	[tilespmem:$0x15590] =	vst v63  }
0x75: {  	_ =	swait.ge [sflag:s13], $0x500  }
0x76: {  	[sflag:s13] =	ssyncset.done $0x0  }
0x77: {  	[sflag:s13] =	ssyncadd.s32 $0xFFFFFB00  }
0x78: {  	[bflag:$0x0] =	sbarrier.arrive $0xFFFF  }
0x79: {  	s25 =	simm.s32 $0x0;
	s28 =	rddreg [dreg:$0x5]  }
0x7a: {  	[tilespmem:s25], [sflag:$0x5] =	stream.linear.gather [hbm4b:s28+s25], $0x50, $0x38;
	[tilespmem:$0x15590] =	vst v63  }
0x7b: {  	_ =	swait.ge [sflag:s13], $0x50  }
0x7c: {  	[sflag:s13] =	ssyncset.done $0x0  }
0x7d: {  	s29 =	rddreg [dreg:$0x6];
	[sflag:s13] =	ssyncadd.s32 $0xFFFFFFB0  }
0x7e: {  	[tilespmem:s15], [sflag:$0x5] =	stream.linear.gather [hbm4b:s29+s25], $0x50, $0x38;
	[tilespmem:$0x15590] =	vst v63  }
0x7f: {  	_ =	swait.ge [sflag:s13], $0x50  }
0x80: {  	[sflag:s13] =	ssyncset.done $0x0  }
0x81: {  	s30 =	simm.s32 $0x140;
	[sflag:s13] =	ssyncadd.s32 $0xFFFFFFB0  }
0x82: {  	[tilespmem:s30], [sflag:$0x1] =	stream.indirect.gather [hbm4b:s6+s16], $0x80, s25, s16, $0xb8;
	[tilespmem:$0x15590] =	vst v63  }
0x83: {  	s31 =	simm.s32 $0x5140  }
0x84: {  	[tilespmem:s31], [sflag:$0x3] =	stream.indirect.gather [hbm4b:s7+s16], $0x40, s15, s16, $0xb8;
	[tilespmem:$0x15590] =	vst v63  }
.LBB2_4:
0x85: {  	s26 =	smul.u32 $0xA0, s25;
	_ =	sdelay $0x1  }
0x86: {  	s0 =	sadd.s32 s26, s11  }
0x87: {  	s0 =	sshrl.u32 s0, $0x3  }
0x88: {  	s28 =	sadd.s32 s8, s0  }
0x89: {  	[tilespmem:s16], [sflag:$0x5] =	stream.linear.gather [hbm4b:s28+s5], $0x50, $0x38;
	[tilespmem:$0x15590] =	vst v63  }
0x8a: {  	_ =	swait.ge [sflag:s13], $0x50  }
0x8b: {  	[sflag:s13] =	ssyncset.done $0x0  }
0x8c: {  	s0 =	sadd.s32 s1, s0;
	[sflag:s13] =	ssyncadd.s32 $0xFFFFFFB0  }
0x8d: {  	[tilespmem:s17], [sflag:$0x5] =	stream.linear.gather [hbm4b:s0+s5], $0x50, $0x38;
	[tilespmem:$0x15590] =	vst v63  }
0x8e: {  	_ =	swait.ge [sflag:s13], $0x50  }
0x8f: {  	[sflag:s13] =	ssyncset.done $0x0  }
0x90: {  	[sflag:s13] =	ssyncadd.s32 $0xFFFFFFB0  }
0x91: {  	[tilespmem:s18], [sflag:$0x2] =	stream.indirect.gather [hbm4b:s6+s16], $0x80, s16, s16, $0xb8;
	[tilespmem:$0x15590] =	vst v63  }
0x92: {  	_ = 	snop  }
0x93: {  	[tilespmem:s19], [sflag:$0x4] =	stream.indirect.gather [hbm4b:s7+s16], $0x40, s17, s16, $0xb8;
	[tilespmem:$0x15590] =	vst v63  }
0x94: {  	_ =	swait.ge [sflag:s20], $0x2800  }
0x95: {  	[sflag:s20] =	ssyncset.done $0x0  }
0x96: {  	[sflag:s20] =	ssyncadd.s32 $0xFFFFD800  }
0x97: {  	_ =	swait.ge [sflag:s21], $0x1400  }
0x98: {  	[sflag:s21] =	ssyncset.done $0x0  }
0x99: {  	s0 =	simm.s32 $0x340;
	[sflag:s21] =	ssyncadd.s32 $0xFFFFEC00  }
0x9a: {  	v1 =	vld [tilespmem:s0+$0x180]  }
0x9b: {  	s28 =	simm.s32 $0x5240;
	v2 =	vld [tilespmem:s0+$0x190]  }
0x9c: {  	v3 =	vld [tilespmem:s28+$0xC0]  }
0x9d: {  	v4 =	vld [tilespmem:s28+$0xD0]  }
0x9e: {  	v5 =	vld [tilespmem:s0+$0xFFFFFE10]  }
0x9f: {  	v6 =	vld [tilespmem:s28+$0xFFFFFF00]  }
0xa0: {  	v7 =	vld [tilespmem:s28+$0xFFFFFF10]  }
0xa1: {  	v8 =	vld [tilespmem:s0+$0xFFFFFE80]  }
0xa2: {  	v9 =	vld [tilespmem:s0+$0xFFFFFE90]  }
0xa3: {  	v10 =	vld [tilespmem:s0+$0xFFFFFF10];
	v1 =	vmul.f32 v3, v1;
	v2 =	vmul.f32 v4, v2  }
0xa4: {  	v11 =	vld [tilespmem:s28+$0xFFFFFF90]  }
0xa5: {  	v3 =	vld [tilespmem:s28+$0xFFFFFF40];
	v1 =	vadd.f32 v2, v1  }
0xa6: {  	v4 =	vld [tilespmem:s28+$0xFFFFFF50]  }
0xa7: {  	v12 =	vld [tilespmem:s0+$0xFFFFFF80];
	(xrf2) =	vadd.scan.msk.f32 $0xffff, v1  }
0xa8: {  	v13 =	vld [tilespmem:s0+$0xFFFFFF90]  }
0xa9: {  	v14 =	vld [tilespmem:s0+$0x10]  }
0xaa: {  	v2 =	vld [tilespmem:s0+$0xFFFFFF00]  }
0xab: {  	v1 =	vld [tilespmem:s28+$0xFFFFFF80];
	v3 =	vmul.f32 v3, v8;
	v4 =	vmul.f32 v4, v9  }
0xac: {  	v8 =	vld [tilespmem:s28+$0xFFFFFFC0]  }
0xad: {  	v9 =	vld [tilespmem:s28+$0xFFFFFFD0];
	v3 =	vadd.f32 v4, v3  }
0xae: {  	v4 =	vld [tilespmem:s0+$0x0]  }
0xaf: {  	(xrf2) =	vadd.scan.msk.f32 $0xffff, v3;
	v3 =	vld [tilespmem:s28+$0x0]  }
0xb0: {  	v10 =	vmul.f32 v11, v10;
	v1 =	vmul.f32 v1, v2;
	v2 =	vld [tilespmem:s28+$0x10]  }
0xb1: {  	v16 =	vld [tilespmem:s0+$0x90];
	v8 =	vmul.f32 v8, v12;
	v15, _, _ =	vpop (xrf2)  }
0xb2: {  	v17 =	vld [tilespmem:s0+$0xFFFFFFD0];
	v9 =	vmul.f32 v9, v13;
	v1 =	vadd.f32 v10, v1;
	v15 =	vmul.f32 $1.442695020e+00, v15  }
0xb3: {  	v11 =	vld [tilespmem:s0+$0x80]  }
0xb4: {  	v10 =	vld [tilespmem:s28+$0x40];
	(xrf2) =	vadd.scan.msk.f32 $0xffff, v1;
	v1 =	vadd.f32 v9, v8;
	v15 =	vbroadcast v15, $0xF  }
0xb5: {  	v9 =	vld [tilespmem:s0+$0xFFFFFE00];
	v3 =	vmul.f32 v3, v4;
	v2 =	vmul.f32 v2, v14  }
0xb6: {  	v12 =	vld [tilespmem:s28+$0x50];
	(xrf2) =	vadd.scan.msk.f32 $0xffff, v1;
	(erf) = vpow2.f32 v15  }
0xb7: {  	v19 =	vld [tilespmem:s0+$0x50];
	v2 =	vadd.f32 v2, v3  }
0xb8: {  	v20 =	vld [tilespmem:s0+$0xD0]  }
0xb9: {  	v5 =	vmul.f32 v7, v5;
	v13 =	vld [tilespmem:s0+$0x100];
	v1, _, _ =	vpop (xrf2);
	(xrf2) =	vadd.scan.msk.f32 $0xffff, v2  }
0xba: {  	v8 =	vld [tilespmem:s28+$0x80];
	v10 =	vmul.f32 v10, v11;
	v6 =	vmul.f32 v6, v9  }
0xbb: {  	v3 =	vld [tilespmem:s0+$0x1C0];
	v11 =	vmul.f32 v12, v16;
	v1 =	vmul.f32 $1.442695020e+00, v1  }
0xbc: {  	v4 =	vld [tilespmem:s28+$0x90];
	v5 =	vadd.f32 v5, v6  }
0xbd: {  	v12 =	vld [tilespmem:s0+$0x1D0];
	v10 =	vadd.f32 v11, v10;
	v14 =	vbroadcast v1, $0xF  }
0xbe: {  	v15 =	vld [tilespmem:s0+$0x110];
	v9, _, _ =	vpop (xrf2)  }
0xbf: {  	v21 =	vld [tilespmem:s0+$0x150];
	(xrf2) =	vadd.scan.msk.f32 $0xffff, v10;
	v1 =	vpop (erf);
	(erf) = vpow2.f32 v14  }
0xc0: {  	v7 =	vld [tilespmem:s0+$0xFFFFFEC0];
	(xrf2) =	vadd.scan.msk.f32 $0xffff, v5;
	v9 =	vmul.f32 $1.442695020e+00, v9;
	v5, _, _ =	vpop (xrf2);
	v3 =	vmul.f32 v1, v3  }
0xc1: {  	s29 =	simm.s32 $0x7A40;
	v11 =	vld [tilespmem:s0+$0xFFFFFE50];
	v8 =	vmul.f32 v8, v13;
	v5 =	vmul.f32 $1.442695020e+00, v5  }
0xc2: {  	v2 =	vld [tilespmem:s0+$0xFFFFFE40];
	v12 =	vmul.f32 v1, v12;
	[tilespmem:s29+$0xC0] =	vst v3;
	v3 =	vbroadcast v9, $0xF  }
0xc3: {  	v10 =	vld [tilespmem:s0+$0xFFFFFED0];
	v4 =	vmul.f32 v4, v15;
	v5 =	vbroadcast v5, $0xF;
	v15, _, _ =	vpop (xrf2)  }
0xc4: {  	v6 =	vld [tilespmem:s0+$0xFFFFFF40];
	v15 =	vmul.f32 $1.442695020e+00, v15;
	[tilespmem:s29+$0xD0] =	vst v12;
	(erf) = vpow2.f32 v3  }
0xc5: {  	v12 =	vld [tilespmem:s0+$0x1A0];
	(erf) = vpow2.f32 v5  }
0xc6: {  	v4 =	vadd.f32 v4, v8;
	v13 =	vld [tilespmem:s28+$0xE0];
	v15 =	vbroadcast v15, $0xF  }
0xc7: {  	v16 =	vld [tilespmem:s28+$0xF0]  }
0xc8: {  	(xrf2) =	vadd.scan.msk.f32 $0xffff, v4;
	v3 =	vld [tilespmem:s0+$0x1B0];
	v5 =	vpop (erf)  }
0xc9: {  	v8 =	vld [tilespmem:s0+$0x40];
	v18, _, _ =	vpop (xrf2);
	(erf) = vpow2.f32 v15;
	v10 =	vmul.f32 v5, v10  }
0xca: {  	v14 =	vld [tilespmem:s0+$0xFFFFFF50];
	v15, _, _ =	vpop (xrf2);
	v4 =	vmul.f32 v5, v7;
	v7 =	vmul.f32 $1.442695020e+00, v18  }
0xcb: {  	v9 =	vld [tilespmem:s0+$0xFFFFFFC0];
	v15 =	vmul.f32 $1.442695020e+00, v15  }
0xcc: {  	v12 =	vmul.f32 v13, v12;
	v18 =	vld [tilespmem:s0+$0xC0];
	[tilespmem:s29+$0xFFFFFF40] =	vst v4;
	v4 =	vbroadcast v7, $0xF  }
0xcd: {  	v3 =	vmul.f32 v16, v3;
	v7 =	vld [tilespmem:s0+$0x140];
	[tilespmem:s29+$0xFFFFFF50] =	vst v10;
	v15 =	vbroadcast v15, $0xF;
	v10 =	vpop (erf)  }
0xce: {  	v22 =	vld [tilespmem:s0+$0xFFFFFEB0];
	(erf) = vpow2.f32 v4;
	v6 =	vmul.f32 v10, v6;
	v16 =	vpop (erf)  }
0xcf: {  	v3 =	vadd.f32 v3, v12;
	v13 =	vld [tilespmem:s28+$0xFFFFFF70];
	v14 =	vmul.f32 v10, v14;
	v12 =	vmul.f32 v16, v17  }
0xd0: {  	v4 =	vld [tilespmem:s0+$0xFFFFFEA0];
	(erf) = vpow2.f32 v15;
	[tilespmem:s29+$0xFFFFFF80] =	vst v6  }
0xd1: {  	v6 =	vld [tilespmem:s28+$0xFFFFFF60];
	[tilespmem:s29+$0xFFFFFF90] =	vst v14  }
0xd2: {  	v9 =	vmul.f32 v16, v9;
	v17, _, _ =	vpop (xrf2);
	v14 =	vld [tilespmem:s0+$0xFFFFFF20]  }
0xd3: {  	v15 =	vld [tilespmem:s0+$0xFFFFFF30];
	[tilespmem:s29+$0xFFFFFFD0] =	vst v12;
	v12 =	vpop (erf)  }
0xd4: {  	(xrf2) =	vadd.scan.msk.f32 $0xffff, v3;
	v3 =	vmul.f32 $1.442695020e+00, v17;
	[tilespmem:s29+$0xFFFFFFC0] =	vst v9;
	v9 =	vld [tilespmem:s28+$0xFFFFFFA0];
	v8 =	vmul.f32 v12, v8  }
0xd5: {  	v17 =	vld [tilespmem:s28+$0xFFFFFFB0]  }
0xd6: {  	v23 =	vld [tilespmem:s0+$0xFFFFFFA0];
	v3 =	vbroadcast v3, $0xF;
	v19 =	vmul.f32 v12, v19  }
0xd7: {  	v24 =	vld [tilespmem:s0+$0xFFFFFFB0];
	v4 =	vmul.f32 v6, v4;
	v6 =	vmul.f32 v13, v22;
	[tilespmem:s29+$0x0] =	vst v8  }
0xd8: {  	v13 =	vld [tilespmem:s28+$0xFFFFFFE0];
	[tilespmem:s29+$0x10] =	vst v19;
	v8 =	vpop (erf);
	(erf) = vpow2.f32 v3  }
0xd9: {  	v4 =	vadd.f32 v6, v4;
	v6 =	vld [tilespmem:s0+$0x20];
	v3 =	vmul.f32 v8, v18;
	v19 =	vmul.f32 v8, v20;
	v20 =	vpop (erf)  }
0xda: {  	v18 =	vld [tilespmem:s28+$0xFFFFFFF0];
	v2 =	vmul.f32 v20, v2  }
0xdb: {  	(xrf2) =	vadd.scan.msk.f32 $0xffff, v4;
	v4 =	vld [tilespmem:s28+$0x20];
	v11 =	vmul.f32 v20, v11;
	[tilespmem:s29+$0x40] =	vst v3  }
0xdc: {  	v3 =	vmul.f32 v9, v14;
	v9 =	vld [tilespmem:s0+$0x30];
	v14 =	vmul.f32 v17, v15;
	[tilespmem:s29+$0xFFFFFF00] =	vst v2  }
0xdd: {  	v2 =	vld [tilespmem:s28+$0x30];
	[tilespmem:s29+$0xFFFFFF10] =	vst v11  }
0xde: {  	v3 =	vadd.f32 v14, v3;
	v15 =	vld [tilespmem:s0+$0xFFFFFE20]  }
0xdf: {  	v55 =	vld [tilespmem:s28+$0xFFFFFF30]  }
0xe0: {  	v13 =	vmul.f32 v13, v23;
	v17 =	vmul.f32 v18, v24;
	v18 =	vld [tilespmem:s28+$0xFFFFFF20];
	v14, _, _ =	vpop (xrf2);
	(xrf2) =	vadd.scan.msk.f32 $0xffff, v3  }
0xe1: {  	v3 =	vld [tilespmem:s0+$0xFFFFFE30];
	v14 =	vmul.f32 $1.442695020e+00, v14  }
0xe2: {  	v13 =	vadd.f32 v17, v13  }
0xe3: {  	[tilespmem:s29+$0x50] =	vst v19;
	v4 =	vmul.f32 v4, v6;
	v19 =	vpop (erf);
	v14 =	vbroadcast v14, $0xF  }
0xe4: {  	v2 =	vmul.f32 v2, v9;
	v7 =	vmul.f32 v19, v7;
	(xrf2) =	vadd.scan.msk.f32 $0xffff, v13  }
0xe5: {  	v56 =	vld [tilespmem:s0+$0x1F0];
	v6 =	vmul.f32 v19, v21;
	(erf) = vpow2.f32 v14  }
0xe6: {  	v11 =	vld [tilespmem:s0+$0xA0];
	[tilespmem:s29+$0x80] =	vst v7;
	v7 =	vmul.f32 v18, v15;
	v3 =	vmul.f32 v55, v3  }
0xe7: {  	v17 =	vld [tilespmem:s0+$0x1E0];
	v2 =	vadd.f32 v2, v4  }
0xe8: {  	v13 =	vld [tilespmem:s0+$0xB0];
	v4, _, _ =	vpop (xrf2);
	v3 =	vadd.f32 v3, v7  }
0xe9: {  	v14 =	vld [tilespmem:s28+$0x60];
	v4 =	vmul.f32 $1.442695020e+00, v4;
	(xrf2) =	vadd.scan.msk.f32 $0xffff, v2  }
0xea: {  	[tilespmem:s29+$0x90] =	vst v6;
	v15 =	vld [tilespmem:s28+$0x70];
	v6, _, _ =	vpop (xrf2);
	(xrf2) =	vadd.scan.msk.f32 $0xffff, v3  }
0xeb: {  	v2 =	vld [tilespmem:s0+$0x120];
	v4 =	vbroadcast v4, $0xF;
	v9 =	vmul.f32 $1.442695020e+00, v6  }
0xec: {  	v18 =	vld [tilespmem:s28+$0xA0]  }
0xed: {  	v57 =	vld [tilespmem:s28+$0xB0];
	v3 =	vbroadcast v9, $0xF  }
0xee: {  	v26 =	vnsel vm1, $0x0, v10;
	v7 =	vld [tilespmem:s0+$0x130];
	(erf) = vpow2.f32 v4;
	v10 =	vmul.f32 v14, v11;
	v59, _, _ =	vpop (xrf2)  }
0xef: {  	v4 =	vpop (erf);
	(erf) = vpow2.f32 v3;
	v3 =	vmul.f32 $1.442695020e+00, v59  }
0xf0: {  	v1 =	vnsel vm1, $0x0, v1;
	v58 =	vld [tilespmem:s0+$0xFFFFFEE0];
	v14 =	vmul.f32 v15, v13;
	v17 =	vmul.f32 v4, v17  }
0xf1: {  	v25 =	vld [tilespmem:s0+$0xFFFFFEF0];
	v11 =	vmul.f32 v4, v56;
	v1 =	vsel vm0, v4, v1  }
0xf2: {  	v60 =	vld [tilespmem:s0+$0xFFFFFF60];
	v2 =	vmul.f32 v18, v2;
	v10 =	vadd.f32 v14, v10;
	[tilespmem:s29+$0xE0] =	vst v17  }
0xf3: {  	s30 =	simm.s32 $0x8D80;
	v61 =	vld [tilespmem:s0+$0xFFFFFF70];
	v7 =	vmul.f32 v57, v7;
	v18 =	vbroadcast v3, $0xF;
	[tilespmem:s29+$0xF0] =	vst v11;
	v3, _, _ =	vpop (xrf2)  }
0xf4: {  	v13 =	vld [tilespmem:s0+$0xFFFFFFE0];
	[tilespmem:s30+$0x30] =	vst v1;
	v1, _, _ =	vpop (xrf2);
	(xrf2) =	vadd.scan.msk.f32 $0xffff, v10  }
0xf5: {  	v15 =	vld [tilespmem:s0+$0xFFFFFFF0];
	v7 =	vadd.f32 v7, v2  }
0xf6: {  	v6 =	vld [tilespmem:s0+$0xFFFFFE60];
	v4 =	vnsel vm1, $0x0, v16;
	(erf) = vpow2.f32 v18;
	v16 =	vmul.f32 $1.442695020e+00, v3  }
0xf7: {  	v14 =	vld [tilespmem:s0+$0x70]  }
0xf8: {  	v9 =	vld [tilespmem:s0+$0xFFFFFE70];
	v11 =	vpop (erf);
	(xrf2) =	vadd.scan.msk.f32 $0xffff, v7;
	v16 =	vbroadcast v16, $0xF  }
0xf9: {  	v3 =	vnsel vm1, $0x0, v12;
	v12 =	vld [tilespmem:s0+$0x60];
	v17 =	vmul.f32 v11, v58;
	v18 =	vmul.f32 v11, v25  }
0xfa: {  	v5 =	vnsel vm1, $0x0, v5;
	v10 =	vld [tilespmem:s0+$0xE0];
	v63 =	vmul.f32 $1.442695020e+00, v1;
	(erf) = vpow2.f32 v16  }
0xfb: {  	v62 =	vsel vm0, v11, v5;
	v11 =	vld [tilespmem:s0+$0xF0];
	v1 =	vnsel vm1, $0x0, v8;
	[tilespmem:s29+$0xFFFFFF60] =	vst v17;
	v8 =	vpop (erf)  }
0xfc: {  	v2 =	vnsel vm1, $0x0, v19;
	v7 =	vld [tilespmem:s0+$0x160];
	[tilespmem:s29+$0xFFFFFF70] =	vst v18;
	v17 =	vbroadcast v63, $0xF;
	v19 =	vmul.f32 v8, v60  }
0xfd: {  	s31 =	simm.s32 $0x0;
	v5 =	vnsel vm1, $0x0, v20;
	[tilespmem:s30+$0xFFFFFFD0] =	vst v62;
	v16 =	vsel vm0, v8, v26;
	v18 =	vmul.f32 v8, v61;
	v8 =	vld [tilespmem:s0+$0x170];
	s0 =	simm.s32 $0x740  }
.LBB2_5:
0xfe: {  	v20 =	vld [tilespmem:s0+$0x180];
	[tilespmem:s29+$0xFFFFFFA0] =	vst v19;
	(erf) = vpow2.f32 v17;
	v17, _, _ =	vpop (xrf2)  }
0xff: {  	s28 =	sadd.s32 $0x200, s28;
	v19 =	vld [tilespmem:s0+$0x190];
	[tilespmem:s29+$0xFFFFFFB0] =	vst v18;
	v17 =	vmul.f32 $1.442695020e+00, v17;
	v18 =	vpop (erf)  }
0x100: {  	v21 =	vld [tilespmem:s28+$0xC0];
	[tilespmem:s30+$0xFFFFFFE0] =	vst v16;
	v23 =	vmul.f32 v18, v13;
	v24 =	vmul.f32 v18, v15;
	v16 =	vsel vm0, v18, v4  }
0x101: {  	v18 =	vld [tilespmem:s28+$0xD0];
	v17 =	vbroadcast v17, $0xF  }
0x102: {  	v22 =	vld [tilespmem:s0+$0xFFFFFE10];
	[tilespmem:s29+$0xFFFFFFE0] =	vst v23;
	v13, _, _ =	vpop (xrf2)  }
0x103: {  	v4 =	vld [tilespmem:s28+$0xFFFFFF00];
	[tilespmem:s29+$0xFFFFFFF0] =	vst v24;
	v13 =	vmul.f32 $1.442695020e+00, v13;
	v15 =	vpop (erf);
	(erf) = vpow2.f32 v17  }
0x104: {  	v17 =	vld [tilespmem:s28+$0xFFFFFF10];
	[tilespmem:s30+$0xFFFFFFF0] =	vst v16;
	v12 =	vmul.f32 v15, v12;
	v23 =	vmul.f32 v15, v14;
	v3 =	vsel vm0, v15, v3  }
0x105: {  	v15 =	vld [tilespmem:s0+$0xFFFFFE80];
	v13 =	vbroadcast v13, $0xF  }
0x106: {  	v20 =	vmul.f32 v21, v20;
	v16 =	vld [tilespmem:s0+$0xFFFFFE90];
	v18 =	vmul.f32 v18, v19;
	[tilespmem:s29+$0x20] =	vst v12  }
0x107: {  	s31 =	sadd.s32 $0x8, s31;
	v12 =	vld [tilespmem:s28+$0xFFFFFF40];
	[tilespmem:s29+$0x30] =	vst v23;
	v14 =	vpop (erf);
	(erf) = vpow2.f32 v13  }
0x108: {  	p0 =	slt.u32 s31, $0x48;
	v13 =	vld [tilespmem:s28+$0xFFFFFF50];
	v18 =	vadd.f32 v18, v20;
	v6 =	vmul.f32 v14, v6;
	v9 =	vmul.f32 v14, v9;
	[tilespmem:s30+$0x0] =	vst v3  }
0x109: {  	v5 =	vsel vm0, v14, v5;
	v3 =	vmul.f32 v17, v22;
	v17 =	vld [tilespmem:s0+$0xFFFFFF00]  }
0x10a: {  	v14 =	vld [tilespmem:s0+$0xFFFFFF10];
	(xrf2) =	vadd.scan.msk.f32 $0xffff, v18;
	[tilespmem:s29+$0xFFFFFF20] =	vst v6  }
0x10b: {  	v6 =	vld [tilespmem:s28+$0xFFFFFF80];
	[tilespmem:s29+$0xFFFFFF30] =	vst v9  }
0x10c: {  	v9 =	vmul.f32 v12, v15;
	v12 =	vld [tilespmem:s28+$0xFFFFFF90];
	[tilespmem:s30+$0xFFFFFFC0] =	vst v5;
	v5 =	vpop (erf)  }
0x10d: {  	v13 =	vmul.f32 v13, v16;
	v15 =	vld [tilespmem:s0+$0xFFFFFF80];
	v10 =	vmul.f32 v5, v10;
	v1 =	vsel vm0, v5, v1  }
0x10e: {  	v18 =	vmul.f32 v5, v11;
	v16 =	vld [tilespmem:s0+$0xFFFFFF90]  }
0x10f: {  	v9 =	vadd.f32 v13, v9;
	v11 =	vld [tilespmem:s28+$0xFFFFFFC0];
	[tilespmem:s29+$0x60] =	vst v10  }
0x110: {  	v6 =	vmul.f32 v6, v17;
	v10 =	vld [tilespmem:s28+$0xFFFFFFD0];
	[tilespmem:s29+$0x70] =	vst v18;
	v5 =	vpop (erf)  }
0x111: {  	v12 =	vmul.f32 v12, v14;
	v13 =	vld [tilespmem:s0+$0x0];
	(xrf2) =	vadd.scan.msk.f32 $0xffff, v9;
	v7 =	vmul.f32 v5, v7;
	v2 =	vsel vm0, v5, v2  }
0x112: {  	v9 =	vld [tilespmem:s0+$0x10];
	[tilespmem:s30+$0x10] =	vst v1;
	v1 =	vmul.f32 v5, v8  }
0x113: {  	v5 =	vadd.f32 v12, v6;
	v6 =	vld [tilespmem:s28+$0x0];
	[tilespmem:s29+$0xA0] =	vst v7  }
0x114: {  	v7 =	vmul.f32 v11, v15;
	v8 =	vld [tilespmem:s28+$0x10];
	v11, _, _ =	vpop (xrf2);
	[tilespmem:s29+$0xB0] =	vst v1  }
0x115: {  	v1 =	vmul.f32 v10, v16;
	v10 =	vld [tilespmem:s0+$0x80];
	v11 =	vmul.f32 $1.442695020e+00, v11;
	(xrf2) =	vadd.scan.msk.f32 $0xffff, v5;
	[tilespmem:s30+$0x20] =	vst v2  }
0x116: {  	v2 =	vld [tilespmem:s0+$0x90]  }
0x117: {  	v1 =	vadd.f32 v1, v7;
	v5 =	vld [tilespmem:s28+$0x40];
	v7 =	vbroadcast v11, $0xF  }
0x118: {  	v6 =	vmul.f32 v6, v13;
	v11 =	vld [tilespmem:s28+$0x50]  }
0x119: {  	v12 =	vmul.f32 v8, v9;
	v9 =	vld [tilespmem:s0+$0x100];
	(xrf2) =	vadd.scan.msk.f32 $0xffff, v1;
	(erf) = vpow2.f32 v7  }
0x11a: {  	v1 =	vld [tilespmem:s0+$0x110]  }
0x11b: {  	v6 =	vadd.f32 v12, v6;
	v7 =	vld [tilespmem:s28+$0x80];
	v8, _, _ =	vpop (xrf2)  }
0x11c: {  	v8 =	vmul.f32 $1.442695020e+00, v8;
	v14 =	vmul.f32 v5, v10;
	v10 =	vld [tilespmem:s28+$0x90]  }
0x11d: {  	v12 =	vld [tilespmem:s0+$0xFFFFFE00];
	v2 =	vmul.f32 v11, v2;
	(xrf2) =	vadd.scan.msk.f32 $0xffff, v6  }
0x11e: {  	v6 =	vbroadcast v8, $0xF;
	v8 =	vld [tilespmem:s0+$0x1C0]  }
0x11f: {  	v11 =	vadd.f32 v2, v14;
	v13 =	vld [tilespmem:s0+$0x1D0];
	v5, _, _ =	vpop (xrf2)  }
0x120: {  	v2 =	vld [tilespmem:s0+$0xFFFFFE40];
	v14 =	vmul.f32 $1.442695020e+00, v5;
	v7 =	vmul.f32 v7, v9  }
0x121: {  	v5 =	vld [tilespmem:s0+$0xFFFFFE50];
	v1 =	vmul.f32 v10, v1;
	(erf) = vpow2.f32 v6;
	(xrf2) =	vadd.scan.msk.f32 $0xffff, v11  }
0x122: {  	v4 =	vmul.f32 v4, v12;
	v9 =	vld [tilespmem:s0+$0xFFFFFEC0];
	v10 =	vbroadcast v14, $0xF;
	v6 =	vpop (erf)  }
0x123: {  	v11 =	vld [tilespmem:s0+$0xFFFFFED0];
	v1 =	vadd.f32 v1, v7;
	v7 =	vmul.f32 v6, v8;
	v8, _, _ =	vpop (xrf2)  }
0x124: {  	s29 =	sadd.s32 $0x200, s29;
	v3 =	vadd.f32 v3, v4;
	v4 =	vld [tilespmem:s0+$0xFFFFFF40];
	v14 =	vmul.f32 $1.442695020e+00, v8;
	v12 =	vmul.f32 v6, v13  }
0x125: {  	v13 =	vld [tilespmem:s0+$0xFFFFFF50];
	[tilespmem:s29+$0xC0] =	vst v7;
	(erf) = vpow2.f32 v10  }
0x126: {  	v7 =	vbroadcast v14, $0xF;
	v10 =	vld [tilespmem:s0+$0xFFFFFFC0];
	[tilespmem:s29+$0xD0] =	vst v12;
	(xrf2) =	vadd.scan.msk.f32 $0xffff, v3  }
0x127: {  	v3 =	vld [tilespmem:s0+$0x1A0];
	v8, _, _ =	vpop (xrf2)  }
0x128: {  	v8 =	vmul.f32 $1.442695020e+00, v8;
	v12 =	vld [tilespmem:s0+$0x1B0];
	(erf) = vpow2.f32 v7  }
0x129: {  	v14 =	vld [tilespmem:s28+$0xE0];
	(xrf2) =	vadd.scan.msk.f32 $0xffff, v1  }
0x12a: {  	v1 =	vbroadcast v8, $0xF;
	v15 =	vld [tilespmem:s28+$0xF0];
	v7 =	vpop (erf)  }
0x12b: {  	v9 =	vmul.f32 v7, v9;
	v11 =	vmul.f32 v7, v11;
	v8 =	vnsel vm1, $0x0, v7;
	v16 =	vld [tilespmem:s0+$0xFFFFFFD0];
	v7, _, _ =	vpop (xrf2)  }
0x12c: {  	v17 =	vld [tilespmem:s0+$0x40];
	v7 =	vmul.f32 $1.442695020e+00, v7;
	(erf) = vpow2.f32 v1  }
0x12d: {  	[tilespmem:s29+$0xFFFFFF40] =	vst v9;
	v1 =	vld [tilespmem:s0+$0x50]  }
0x12e: {  	[tilespmem:s29+$0xFFFFFF50] =	vst v11;
	v9 =	vbroadcast v7, $0xF;
	v11 =	vld [tilespmem:s0+$0xC0];
	v18 =	vpop (erf)  }
0x12f: {  	v3 =	vmul.f32 v14, v3;
	v7 =	vnsel vm1, $0x0, v18;
	v19 =	vld [tilespmem:s0+$0xD0];
	v20 =	vmul.f32 v15, v12  }
0x130: {  	v4 =	vmul.f32 v18, v4;
	v14 =	vld [tilespmem:s0+$0x140];
	v15, _, _ =	vpop (xrf2);
	(erf) = vpow2.f32 v9  }
0x131: {  	v21 =	vmul.f32 v18, v13;
	v9 =	vmul.f32 $1.442695020e+00, v15;
	v15 =	vld [tilespmem:s0+$0x150];
	v3 =	vadd.f32 v20, v3;
	v12 =	vpop (erf)  }
0x132: {  	v18 =	vld [tilespmem:s0+$0xFFFFFEA0];
	[tilespmem:s29+$0xFFFFFF80] =	vst v4;
	v10 =	vmul.f32 v12, v10;
	v16 =	vmul.f32 v12, v16;
	v4 =	vnsel vm1, $0x0, v12  }
0x133: {  	v22 =	vbroadcast v9, $0xF;
	v12 =	vld [tilespmem:s0+$0xFFFFFEB0];
	[tilespmem:s29+$0xFFFFFF90] =	vst v21;
	v13, _, _ =	vpop (xrf2);
	(xrf2) =	vadd.scan.msk.f32 $0xffff, v3  }
0x134: {  	v20 =	vld [tilespmem:s28+$0xFFFFFF60];
	[tilespmem:s29+$0xFFFFFFC0] =	vst v10;
	v10 =	vmul.f32 $1.442695020e+00, v13  }
0x135: {  	v13 =	vld [tilespmem:s28+$0xFFFFFF70];
	[tilespmem:s29+$0xFFFFFFD0] =	vst v16;
	(erf) = vpow2.f32 v22;
	v9 =	vpop (erf)  }
0x136: {  	v16 =	vld [tilespmem:s0+$0xFFFFFF20];
	v17 =	vmul.f32 v9, v17;
	v3 =	vnsel vm1, $0x0, v9;
	v10 =	vbroadcast v10, $0xF  }
0x137: {  	v22 =	vmul.f32 v9, v1;
	v21 =	vld [tilespmem:s0+$0xFFFFFF30]  }
0x138: {  	v9 =	vld [tilespmem:s28+$0xFFFFFFA0];
	[tilespmem:s29+$0x0] =	vst v17;
	(erf) = vpow2.f32 v10  }
0x139: {  	v10 =	vmul.f32 v20, v18;
	v17 =	vld [tilespmem:s28+$0xFFFFFFB0];
	[tilespmem:s29+$0x10] =	vst v22;
	v1 =	vpop (erf)  }
0x13a: {  	v18 =	vld [tilespmem:s0+$0xFFFFFFA0];
	v11 =	vmul.f32 v1, v11;
	v19 =	vmul.f32 v1, v19;
	v1 =	vnsel vm1, $0x0, v1  }
0x13b: {  	v22 =	vmul.f32 v13, v12;
	v13 =	vld [tilespmem:s0+$0xFFFFFFB0]  }
0x13c: {  	v20 =	vld [tilespmem:s28+$0xFFFFFFE0];
	[tilespmem:s29+$0x40] =	vst v11  }
0x13d: {  	v10 =	vadd.f32 v22, v10;
	v9 =	vmul.f32 v9, v16;
	v11 =	vld [tilespmem:s28+$0xFFFFFFF0];
	[tilespmem:s29+$0x50] =	vst v19;
	v12, _, _ =	vpop (xrf2)  }
0x13e: {  	v16 =	vmul.f32 v17, v21;
	v17 =	vld [tilespmem:s0+$0x20];
	v12 =	vmul.f32 $1.442695020e+00, v12;
	v19 =	vpop (erf)  }
0x13f: {  	v22 =	vmul.f32 v19, v2;
	v21 =	vmul.f32 v19, v5;
	v5 =	vnsel vm1, $0x0, v19;
	v19 =	vld [tilespmem:s0+$0x30];
	(xrf2) =	vadd.scan.msk.f32 $0xffff, v10  }
0x140: {  	v9 =	vadd.f32 v16, v9;
	v10 =	vld [tilespmem:s28+$0x20];
	v12 =	vbroadcast v12, $0xF  }
0x141: {  	[tilespmem:s29+$0xFFFFFF00] =	vst v22;
	v16 =	vmul.f32 v20, v18;
	v18 =	vld [tilespmem:s28+$0x30];
	v2 =	vpop (erf)  }
0x142: {  	[tilespmem:s29+$0xFFFFFF10] =	vst v21;
	v20 =	vld [tilespmem:s0+$0xA0];
	v14 =	vmul.f32 v2, v14;
	(xrf2) =	vadd.scan.msk.f32 $0xffff, v9;
	(erf) = vpow2.f32 v12  }
0x143: {  	v11 =	vmul.f32 v11, v13;
	v12 =	vmul.f32 v2, v15;
	v2 =	vnsel vm1, $0x0, v2;
	v9 =	vld [tilespmem:s0+$0xFFFFFE20]  }
0x144: {  	v13 =	vld [tilespmem:s0+$0xFFFFFE30];
	[tilespmem:s29+$0x80] =	vst v14  }
0x145: {  	v11 =	vadd.f32 v11, v16;
	v14 =	vld [tilespmem:s28+$0xFFFFFF20];
	v10 =	vmul.f32 v10, v17;
	[tilespmem:s29+$0x90] =	vst v12  }
0x146: {  	v12 =	vld [tilespmem:s28+$0xFFFFFF30];
	v15 =	vmul.f32 v18, v19  }
0x147: {  	v16 =	vld [tilespmem:s0+$0x1E0];
	(xrf2) =	vadd.scan.msk.f32 $0xffff, v11  }
0x148: {  	v10 =	vadd.f32 v15, v10;
	v11 =	vld [tilespmem:s0+$0x1F0]  }
0x149: {  	v15 =	vld [tilespmem:s0+$0xB0];
	v17, _, _ =	vpop (xrf2)  }
0x14a: {  	v9 =	vmul.f32 v14, v9;
	v14 =	vmul.f32 $1.442695020e+00, v17;
	v17 =	vld [tilespmem:s28+$0x60];
	(xrf2) =	vadd.scan.msk.f32 $0xffff, v10  }
0x14b: {  	v10 =	vmul.f32 v12, v13;
	v12 =	vld [tilespmem:s28+$0x70];
	v13 =	vpop (erf)  }
0x14c: {  	v14 =	vbroadcast v14, $0xF;
	v18 =	vld [tilespmem:s0+$0x120];
	v16 =	vmul.f32 v13, v16;
	v19, _, _ =	vpop (xrf2)  }
0x14d: {  	v9 =	vadd.f32 v10, v9;
	v10 =	vmul.f32 $1.442695020e+00, v19;
	v19 =	vld [tilespmem:s0+$0x130];
	v11 =	vmul.f32 v13, v11  }
0x14e: {  	v6 =	vnsel vm1, $0x0, v6;
	v21 =	vld [tilespmem:s28+$0xA0];
	[tilespmem:s29+$0xE0] =	vst v16;
	(erf) = vpow2.f32 v14  }
0x14f: {  	s30 =	sadd.s32 $0x80, s30;
	v13 =	vsel vm0, v13, v6;
	v14 =	vmul.f32 v17, v20;
	v16 =	vld [tilespmem:s28+$0xB0];
	[tilespmem:s29+$0xF0] =	vst v11;
	(xrf2) =	vadd.scan.msk.f32 $0xffff, v9  }
0x150: {  	v10 =	vbroadcast v10, $0xF;
	v6 =	vld [tilespmem:s0+$0xFFFFFE60];
	v12 =	vmul.f32 v12, v15;
	[tilespmem:s30+$0x30] =	vst v13  }
0x151: {  	v9 =	vld [tilespmem:s0+$0xFFFFFE70];
	v11, _, _ =	vpop (xrf2)  }
0x152: {  	v17 =	vld [tilespmem:s0+$0xFFFFFEE0];
	v11 =	vmul.f32 $1.442695020e+00, v11;
	v12 =	vadd.f32 v12, v14;
	(erf) = vpow2.f32 v10  }
0x153: {  	v10 =	vld [tilespmem:s0+$0xFFFFFEF0];
	v14 =	vmul.f32 v21, v18  }
0x154: {  	v18 =	vld [tilespmem:s0+$0xFFFFFF60];
	v11 =	vbroadcast v11, $0xF;
	v15 =	vmul.f32 v16, v19;
	v13, _, _ =	vpop (xrf2);
	(xrf2) =	vadd.scan.msk.f32 $0xffff, v12  }
0x155: {  	v20 =	vld [tilespmem:s0+$0xFFFFFF70];
	v16 =	vmul.f32 $1.442695020e+00, v13  }
0x156: {  	v13 =	vld [tilespmem:s0+$0xFFFFFFE0];
	v14 =	vadd.f32 v15, v14;
	(erf) = vpow2.f32 v11  }
0x157: {  	v15 =	vld [tilespmem:s0+$0xFFFFFFF0];
	v11 =	vbroadcast v16, $0xF;
	v12 =	vpop (erf)  }
0x158: {  	v16 =	vmul.f32 v12, v17;
	v17 =	vmul.f32 v12, v10;
	v8 =	vsel vm0, v12, v8;
	v12 =	vld [tilespmem:s0+$0x60];
	(xrf2) =	vadd.scan.msk.f32 $0xffff, v14  }
.Ltmp1:
0x159: {  	v14 =	vld [tilespmem:s0+$0x70];
	v10, _, _ =	vpop (xrf2);
	(pc) =	sbr.rel @p0 .LBB2_5-.Ltmp1, $4  }
0x15a: {  	v19 =	vmul.f32 $1.442695020e+00, v10;
	[tilespmem:s29+$0xFFFFFF60] =	vst v16;
	v10 =	vld [tilespmem:s0+$0xE0];
	(erf) = vpow2.f32 v11  }
0x15b: {  	[tilespmem:s29+$0xFFFFFF70] =	vst v17;
	v11 =	vld [tilespmem:s0+$0xF0];
	v21 =	vpop (erf)  }
0x15c: {  	v17 =	vbroadcast v19, $0xF;
	[tilespmem:s30+$0xFFFFFFD0] =	vst v8;
	v19 =	vmul.f32 v21, v18;
	v16 =	vsel vm0, v21, v7;
	v7 =	vld [tilespmem:s0+$0x160]  }
0x15d: {  	v18 =	vmul.f32 v21, v20;
	v8 =	vld [tilespmem:s0+$0x170];
	s0 =	sadd.s32 $0x400, s0  }
0x15e: {  	v20, _, _ =	vpop (xrf2)  }
0x15f: {  	v20 =	vmul.f32 $1.442695020e+00, v20  }
0x160: {  	(erf) = vpow2.f32 v17;
	[tilespmem:s29+$0xFFFFFFA0] =	vst v19;
	v19 =	vpop (erf)  }
0x161: {  	v13 =	vmul.f32 v19, v13;
	v17 =	vbroadcast v20, $0xF;
	_ =	sdelay $0x1  }
0x162: {  	v20, _, _ =	vpop (xrf2);
	(erf) = vpow2.f32 v17  }
0x163: {  	v20 =	vmul.f32 $1.442695020e+00, v20  }
0x164: {  	v15 =	vmul.f32 v19, v15;
	[tilespmem:s29+$0xFFFFFFE0] =	vst v13;
	v13 =	vpop (erf)  }
0x165: {  	v12 =	vmul.f32 v13, v12;
	v17 =	vbroadcast v20, $0xF  }
0x166: {  	[tilespmem:s29+$0xFFFFFFB0] =	vst v18  }
0x167: {  	v4 =	vsel vm0, v19, v4;
	[tilespmem:s29+$0xFFFFFFF0] =	vst v15;
	(erf) = vpow2.f32 v17  }
0x168: {  	[tilespmem:s30+$0xFFFFFFF0] =	vst v4;
	v4 =	vmul.f32 v13, v14;
	v3 =	vsel vm0, v13, v3  }
0x169: {  	[tilespmem:s29+$0x20] =	vst v12;
	v12 =	vpop (erf)  }
0x16a: {  	[tilespmem:s29+$0x30] =	vst v4;
	v4 =	vmul.f32 v12, v6  }
0x16b: {  	[tilespmem:s30+$0x0] =	vst v3;
	v3 =	vpop (erf)  }
0x16c: {  	v6 =	vmul.f32 v12, v9;
	[tilespmem:s29+$0xFFFFFF20] =	vst v4;
	v4 =	vsel vm0, v12, v5;
	v5 =	vmul.f32 v3, v10  }
0x16d: {  	[tilespmem:s30+$0xFFFFFFE0] =	vst v16  }
0x16e: {  	[tilespmem:s29+$0xFFFFFF30] =	vst v6  }
0x16f: {  	[tilespmem:s30+$0xFFFFFFC0] =	vst v4;
	v4 =	vmul.f32 v3, v11  }
0x170: {  	[tilespmem:s29+$0x60] =	vst v5;
	v5 =	vpop (erf)  }
0x171: {  	v1 =	vsel vm0, v3, v1;
	[tilespmem:s29+$0x70] =	vst v4;
	v3 =	vmul.f32 v5, v7  }
0x172: {  	[tilespmem:s30+$0x10] =	vst v1;
	v1 =	vmul.f32 v5, v8  }
0x173: {  	[tilespmem:s29+$0xA0] =	vst v3  }
0x174: {  	v2 =	vsel vm0, v5, v2;
	[tilespmem:s29+$0xB0] =	vst v1  }
0x175: {  	[tilespmem:s30+$0x20] =	vst v2  }
0x176: {  	[spmem:s2] =	stream.indirect.scatter.add.f32 [tilespmem:s10], [sflag:$0x5], $0x40, s15, s16, $0xb8;
	[tilespmem:$0x15590] =	vst v63  }
0x177: {  	_ =	swait.ge [sflag:s13], $0x1400  }
0x178: {  	[sflag:s13] =	ssyncset.done $0x0  }
0x179: {  	p0 =	seq.s32 s25, $0x7C;
	[sflag:s13] =	ssyncadd.s32 $0xFFFFEC00  }
0x17a: {  	[spmem:s3] =	stream.indirect.scatter.add.f32 [tilespmem:s14], [sflag:$0x5], $0x10, s15, s16, $0xb8;
	[tilespmem:$0x15590] =	vst v63  }
0x17b: {  	s0 =	sadd.s32 @!p0 s26, s12;
	_ =	swait.ge [sflag:s13], $0x500  }
0x17c: {  	s0 =	sshrl.u32 @!p0 s0, $0x3;
	[sflag:s13] =	ssyncset.done $0x0  }
0x17d: {  	s28 =	simm.s32 @!p0 $0x0;
	s26 =	sadd.s32 @!p0 s8, s0;
	[sflag:s13] =	ssyncadd.s32 $0xFFFFFB00  }
0x17e: {  	[tilespmem:s28], [sflag:$0x5] =	stream.linear.gather @!p0 [hbm4b:s26+s28], $0x50, $0x38;
	[tilespmem:$0x15590] =	vst v63  }
0x17f: {  	s26 =	simm.s32 @!p0 $0x5  }
0x180: {  	_ =	swait.ge @!p0 [sflag:s26], $0x50  }
0x181: {  	[sflag:s26] =	ssyncset.done @!p0 $0x0  }
0x182: {  	s0 =	sadd.s32 @!p0 s1, s0;
	s29 =	simm.s32 @!p0 $0xA0;
	[sflag:s26] =	ssyncadd.s32 @!p0 $0xFFFFFFB0  }
0x183: {  	[tilespmem:s29], [sflag:$0x5] =	stream.linear.gather @!p0 [hbm4b:s0+s28], $0x50, $0x38;
	[tilespmem:$0x15590] =	vst v63  }
0x184: {  	_ =	swait.ge @!p0 [sflag:s26], $0x50  }
0x185: {  	[sflag:s26] =	ssyncset.done @!p0 $0x0  }
0x186: {  	s0 =	simm.s32 @!p0 $0x50;
	[sflag:s26] =	ssyncadd.s32 @!p0 $0xFFFFFFB0;
	s26 =	simm.s32 @!p0 $0x140  }
0x187: {  	[tilespmem:s26], [sflag:$0x1] =	stream.indirect.gather @!p0 [hbm4b:s6+s0], $0x80, s28, s0, $0xb8;
	[tilespmem:$0x15590] =	vst v63  }
0x188: {  	s26 =	simm.s32 @!p0 $0x5140  }
0x189: {  	[tilespmem:s26], [sflag:$0x3] =	stream.indirect.gather @!p0 [hbm4b:s7+s0], $0x40, s29, s0, $0xb8;
	[tilespmem:$0x15590] =	vst v63  }
0x18a: {  	_ =	swait.ge [sflag:s22], $0x2800  }
0x18b: {  	[sflag:s22] =	ssyncset.done $0x0  }
0x18c: {  	[sflag:s22] =	ssyncadd.s32 $0xFFFFD800  }
0x18d: {  	_ =	swait.ge [sflag:s23], $0x1400  }
0x18e: {  	[sflag:s23] =	ssyncset.done $0x0  }
0x18f: {  	s31 =	simm.s32 $0x2B40;
	[sflag:s23] =	ssyncadd.s32 $0xFFFFEC00  }
0x190: {  	v1 =	vld [tilespmem:s31+$0x180]  }
0x191: {  	s26 =	simm.s32 $0x6640;
	v2 =	vld [tilespmem:s31+$0x190]  }
0x192: {  	v3 =	vld [tilespmem:s26+$0xC0]  }
0x193: {  	v4 =	vld [tilespmem:s26+$0xD0]  }
0x194: {  	v5 =	vld [tilespmem:s31+$0xFFFFFE10]  }
0x195: {  	v6 =	vld [tilespmem:s26+$0xFFFFFF00]  }
0x196: {  	v7 =	vld [tilespmem:s26+$0xFFFFFF10]  }
0x197: {  	v8 =	vld [tilespmem:s31+$0xFFFFFE80]  }
0x198: {  	v9 =	vld [tilespmem:s31+$0xFFFFFE90]  }
0x199: {  	v10 =	vld [tilespmem:s31+$0xFFFFFF10];
	v1 =	vmul.f32 v3, v1;
	v2 =	vmul.f32 v4, v2  }
0x19a: {  	v11 =	vld [tilespmem:s26+$0xFFFFFF90]  }
0x19b: {  	v3 =	vld [tilespmem:s26+$0xFFFFFF40];
	v1 =	vadd.f32 v2, v1  }
0x19c: {  	v4 =	vld [tilespmem:s26+$0xFFFFFF50]  }
0x19d: {  	v12 =	vld [tilespmem:s31+$0xFFFFFF80];
	(xrf2) =	vadd.scan.msk.f32 $0xffff, v1  }
0x19e: {  	v13 =	vld [tilespmem:s31+$0xFFFFFF90]  }
0x19f: {  	v14 =	vld [tilespmem:s31+$0x10]  }
0x1a0: {  	v2 =	vld [tilespmem:s31+$0xFFFFFF00]  }
0x1a1: {  	v1 =	vld [tilespmem:s26+$0xFFFFFF80];
	v3 =	vmul.f32 v3, v8;
	v4 =	vmul.f32 v4, v9  }
0x1a2: {  	v8 =	vld [tilespmem:s26+$0xFFFFFFC0]  }
0x1a3: {  	v9 =	vld [tilespmem:s26+$0xFFFFFFD0];
	v3 =	vadd.f32 v4, v3  }
0x1a4: {  	v4 =	vld [tilespmem:s31+$0x0]  }
0x1a5: {  	(xrf2) =	vadd.scan.msk.f32 $0xffff, v3;
	v3 =	vld [tilespmem:s26+$0x0]  }
0x1a6: {  	v10 =	vmul.f32 v11, v10;
	v1 =	vmul.f32 v1, v2;
	v2 =	vld [tilespmem:s26+$0x10]  }
0x1a7: {  	v16 =	vld [tilespmem:s31+$0x90];
	v8 =	vmul.f32 v8, v12;
	v15, _, _ =	vpop (xrf2)  }
0x1a8: {  	v17 =	vld [tilespmem:s31+$0xFFFFFFD0];
	v9 =	vmul.f32 v9, v13;
	v1 =	vadd.f32 v10, v1;
	v15 =	vmul.f32 $1.442695020e+00, v15  }
0x1a9: {  	v11 =	vld [tilespmem:s31+$0x80]  }
0x1aa: {  	v10 =	vld [tilespmem:s26+$0x40];
	(xrf2) =	vadd.scan.msk.f32 $0xffff, v1;
	v1 =	vadd.f32 v9, v8;
	v15 =	vbroadcast v15, $0xF  }
0x1ab: {  	v9 =	vld [tilespmem:s31+$0xFFFFFE00];
	v3 =	vmul.f32 v3, v4;
	v2 =	vmul.f32 v2, v14  }
0x1ac: {  	v12 =	vld [tilespmem:s26+$0x50];
	(xrf2) =	vadd.scan.msk.f32 $0xffff, v1;
	(erf) = vpow2.f32 v15  }
0x1ad: {  	v19 =	vld [tilespmem:s31+$0x50];
	v2 =	vadd.f32 v2, v3  }
0x1ae: {  	v20 =	vld [tilespmem:s31+$0xD0]  }
0x1af: {  	v5 =	vmul.f32 v7, v5;
	v13 =	vld [tilespmem:s31+$0x100];
	v1, _, _ =	vpop (xrf2);
	(xrf2) =	vadd.scan.msk.f32 $0xffff, v2  }
0x1b0: {  	v8 =	vld [tilespmem:s26+$0x80];
	v10 =	vmul.f32 v10, v11;
	v6 =	vmul.f32 v6, v9  }
0x1b1: {  	v3 =	vld [tilespmem:s31+$0x1C0];
	v11 =	vmul.f32 v12, v16;
	v1 =	vmul.f32 $1.442695020e+00, v1  }
0x1b2: {  	v4 =	vld [tilespmem:s26+$0x90];
	v5 =	vadd.f32 v5, v6  }
0x1b3: {  	v12 =	vld [tilespmem:s31+$0x1D0];
	v10 =	vadd.f32 v11, v10;
	v14 =	vbroadcast v1, $0xF  }
0x1b4: {  	v15 =	vld [tilespmem:s31+$0x110];
	v9, _, _ =	vpop (xrf2)  }
0x1b5: {  	v21 =	vld [tilespmem:s31+$0x150];
	(xrf2) =	vadd.scan.msk.f32 $0xffff, v10;
	(erf) = vpow2.f32 v14;
	v1 =	vpop (erf)  }
0x1b6: {  	v7 =	vld [tilespmem:s31+$0xFFFFFEC0];
	(xrf2) =	vadd.scan.msk.f32 $0xffff, v5;
	v9 =	vmul.f32 $1.442695020e+00, v9;
	v5, _, _ =	vpop (xrf2);
	v3 =	vmul.f32 v1, v3  }
0x1b7: {  	s28 =	simm.s32 $0x7A40;
	v11 =	vld [tilespmem:s31+$0xFFFFFE50];
	v8 =	vmul.f32 v8, v13;
	v5 =	vmul.f32 $1.442695020e+00, v5  }
0x1b8: {  	v2 =	vld [tilespmem:s31+$0xFFFFFE40];
	v12 =	vmul.f32 v1, v12;
	[tilespmem:s28+$0xC0] =	vst v3;
	v3 =	vbroadcast v9, $0xF  }
0x1b9: {  	v10 =	vld [tilespmem:s31+$0xFFFFFED0];
	v4 =	vmul.f32 v4, v15;
	v5 =	vbroadcast v5, $0xF;
	v15, _, _ =	vpop (xrf2)  }
0x1ba: {  	v6 =	vld [tilespmem:s31+$0xFFFFFF40];
	v15 =	vmul.f32 $1.442695020e+00, v15;
	[tilespmem:s28+$0xD0] =	vst v12;
	(erf) = vpow2.f32 v3  }
0x1bb: {  	v12 =	vld [tilespmem:s31+$0x1A0];
	(erf) = vpow2.f32 v5  }
0x1bc: {  	v4 =	vadd.f32 v4, v8;
	v13 =	vld [tilespmem:s26+$0xE0];
	v15 =	vbroadcast v15, $0xF  }
0x1bd: {  	v16 =	vld [tilespmem:s26+$0xF0]  }
0x1be: {  	(xrf2) =	vadd.scan.msk.f32 $0xffff, v4;
	v3 =	vld [tilespmem:s31+$0x1B0];
	v5 =	vpop (erf)  }
0x1bf: {  	v14 =	vld [tilespmem:s31+$0xFFFFFF50];
	v18, _, _ =	vpop (xrf2);
	v4 =	vmul.f32 v5, v7;
	v10 =	vmul.f32 v5, v10  }
0x1c0: {  	v8 =	vld [tilespmem:s31+$0x40];
	v7 =	vmul.f32 $1.442695020e+00, v18;
	(erf) = vpow2.f32 v15;
	v15, _, _ =	vpop (xrf2)  }
0x1c1: {  	v9 =	vld [tilespmem:s31+$0xFFFFFFC0];
	v15 =	vmul.f32 $1.442695020e+00, v15  }
0x1c2: {  	v18 =	vld [tilespmem:s31+$0xC0];
	[tilespmem:s28+$0xFFFFFF40] =	vst v4;
	v4 =	vbroadcast v7, $0xF;
	v12 =	vmul.f32 v13, v12  }
0x1c3: {  	v7 =	vld [tilespmem:s31+$0x140];
	[tilespmem:s28+$0xFFFFFF50] =	vst v10;
	v3 =	vmul.f32 v16, v3;
	v15 =	vbroadcast v15, $0xF;
	v10 =	vpop (erf)  }
0x1c4: {  	v22 =	vld [tilespmem:s31+$0xFFFFFEB0];
	(erf) = vpow2.f32 v4;
	v6 =	vmul.f32 v10, v6;
	v16 =	vpop (erf)  }
0x1c5: {  	v13 =	vld [tilespmem:s26+$0xFFFFFF70];
	v3 =	vadd.f32 v3, v12;
	v14 =	vmul.f32 v10, v14;
	v12 =	vmul.f32 v16, v17  }
0x1c6: {  	v4 =	vld [tilespmem:s31+$0xFFFFFEA0];
	(erf) = vpow2.f32 v15;
	[tilespmem:s28+$0xFFFFFF80] =	vst v6  }
0x1c7: {  	v6 =	vld [tilespmem:s26+$0xFFFFFF60];
	[tilespmem:s28+$0xFFFFFF90] =	vst v14  }
0x1c8: {  	v9 =	vmul.f32 v16, v9;
	v17, _, _ =	vpop (xrf2);
	v14 =	vld [tilespmem:s31+$0xFFFFFF20]  }
0x1c9: {  	v15 =	vld [tilespmem:s31+$0xFFFFFF30];
	[tilespmem:s28+$0xFFFFFFD0] =	vst v12;
	v12 =	vpop (erf)  }
0x1ca: {  	(xrf2) =	vadd.scan.msk.f32 $0xffff, v3;
	v3 =	vmul.f32 $1.442695020e+00, v17;
	[tilespmem:s28+$0xFFFFFFC0] =	vst v9;
	v9 =	vld [tilespmem:s26+$0xFFFFFFA0];
	v8 =	vmul.f32 v12, v8  }
0x1cb: {  	v17 =	vld [tilespmem:s26+$0xFFFFFFB0]  }
0x1cc: {  	v23 =	vld [tilespmem:s31+$0xFFFFFFA0];
	v3 =	vbroadcast v3, $0xF;
	v19 =	vmul.f32 v12, v19  }
0x1cd: {  	v24 =	vld [tilespmem:s31+$0xFFFFFFB0];
	v4 =	vmul.f32 v6, v4;
	v6 =	vmul.f32 v13, v22;
	[tilespmem:s28+$0x0] =	vst v8  }
0x1ce: {  	v13 =	vld [tilespmem:s26+$0xFFFFFFE0];
	[tilespmem:s28+$0x10] =	vst v19;
	v8 =	vpop (erf);
	(erf) = vpow2.f32 v3  }
0x1cf: {  	v4 =	vadd.f32 v6, v4;
	v6 =	vld [tilespmem:s31+$0x20];
	v3 =	vmul.f32 v8, v18;
	v19 =	vmul.f32 v8, v20;
	v20 =	vpop (erf)  }
0x1d0: {  	v18 =	vld [tilespmem:s26+$0xFFFFFFF0];
	v2 =	vmul.f32 v20, v2  }
0x1d1: {  	(xrf2) =	vadd.scan.msk.f32 $0xffff, v4;
	v4 =	vld [tilespmem:s26+$0x20];
	v11 =	vmul.f32 v20, v11;
	[tilespmem:s28+$0x40] =	vst v3  }
0x1d2: {  	v3 =	vmul.f32 v9, v14;
	v9 =	vld [tilespmem:s31+$0x30];
	v14 =	vmul.f32 v17, v15;
	[tilespmem:s28+$0xFFFFFF00] =	vst v2  }
0x1d3: {  	v2 =	vld [tilespmem:s26+$0x30];
	[tilespmem:s28+$0xFFFFFF10] =	vst v11  }
0x1d4: {  	v3 =	vadd.f32 v14, v3;
	v15 =	vld [tilespmem:s31+$0xFFFFFE20]  }
0x1d5: {  	v55 =	vld [tilespmem:s26+$0xFFFFFF30]  }
0x1d6: {  	v13 =	vmul.f32 v13, v23;
	v17 =	vmul.f32 v18, v24;
	v18 =	vld [tilespmem:s26+$0xFFFFFF20];
	v14, _, _ =	vpop (xrf2);
	(xrf2) =	vadd.scan.msk.f32 $0xffff, v3  }
0x1d7: {  	v3 =	vld [tilespmem:s31+$0xFFFFFE30];
	v14 =	vmul.f32 $1.442695020e+00, v14  }
0x1d8: {  	v13 =	vadd.f32 v17, v13  }
0x1d9: {  	[tilespmem:s28+$0x50] =	vst v19;
	v4 =	vmul.f32 v4, v6;
	v19 =	vpop (erf);
	v14 =	vbroadcast v14, $0xF  }
0x1da: {  	v2 =	vmul.f32 v2, v9;
	v7 =	vmul.f32 v19, v7;
	(xrf2) =	vadd.scan.msk.f32 $0xffff, v13  }
0x1db: {  	v56 =	vld [tilespmem:s31+$0x1F0];
	v6 =	vmul.f32 v19, v21;
	(erf) = vpow2.f32 v14  }
0x1dc: {  	v11 =	vld [tilespmem:s31+$0xA0];
	[tilespmem:s28+$0x80] =	vst v7;
	v7 =	vmul.f32 v18, v15;
	v3 =	vmul.f32 v55, v3  }
0x1dd: {  	v17 =	vld [tilespmem:s31+$0x1E0];
	v2 =	vadd.f32 v2, v4  }
0x1de: {  	v13 =	vld [tilespmem:s31+$0xB0];
	v4, _, _ =	vpop (xrf2);
	v3 =	vadd.f32 v3, v7  }
0x1df: {  	v14 =	vld [tilespmem:s26+$0x60];
	v4 =	vmul.f32 $1.442695020e+00, v4;
	(xrf2) =	vadd.scan.msk.f32 $0xffff, v2  }
0x1e0: {  	[tilespmem:s28+$0x90] =	vst v6;
	v15 =	vld [tilespmem:s26+$0x70];
	v6, _, _ =	vpop (xrf2);
	(xrf2) =	vadd.scan.msk.f32 $0xffff, v3  }
0x1e1: {  	v2 =	vld [tilespmem:s31+$0x120];
	v4 =	vbroadcast v4, $0xF;
	v9 =	vmul.f32 $1.442695020e+00, v6  }
0x1e2: {  	v18 =	vld [tilespmem:s26+$0xA0]  }
0x1e3: {  	v57 =	vld [tilespmem:s26+$0xB0];
	v3 =	vbroadcast v9, $0xF  }
0x1e4: {  	v26 =	vnsel vm1, $0x0, v10;
	v7 =	vld [tilespmem:s31+$0x130];
	(erf) = vpow2.f32 v4;
	v10 =	vmul.f32 v14, v11;
	v59, _, _ =	vpop (xrf2)  }
0x1e5: {  	v4 =	vpop (erf);
	(erf) = vpow2.f32 v3;
	v3 =	vmul.f32 $1.442695020e+00, v59  }
0x1e6: {  	v1 =	vnsel vm1, $0x0, v1;
	v58 =	vld [tilespmem:s31+$0xFFFFFEE0];
	v14 =	vmul.f32 v15, v13;
	v17 =	vmul.f32 v4, v17  }
0x1e7: {  	v25 =	vld [tilespmem:s31+$0xFFFFFEF0];
	v11 =	vmul.f32 v4, v56;
	v1 =	vsel vm0, v4, v1  }
0x1e8: {  	v60 =	vld [tilespmem:s31+$0xFFFFFF60];
	v2 =	vmul.f32 v18, v2;
	v10 =	vadd.f32 v14, v10;
	[tilespmem:s28+$0xE0] =	vst v17  }
0x1e9: {  	s29 =	simm.s32 $0x8D80;
	v61 =	vld [tilespmem:s31+$0xFFFFFF70];
	v7 =	vmul.f32 v57, v7;
	v18 =	vbroadcast v3, $0xF;
	[tilespmem:s28+$0xF0] =	vst v11;
	v3, _, _ =	vpop (xrf2)  }
0x1ea: {  	v13 =	vld [tilespmem:s31+$0xFFFFFFE0];
	[tilespmem:s29+$0x30] =	vst v1;
	v1, _, _ =	vpop (xrf2);
	(xrf2) =	vadd.scan.msk.f32 $0xffff, v10  }
0x1eb: {  	v15 =	vld [tilespmem:s31+$0xFFFFFFF0];
	v7 =	vadd.f32 v7, v2  }
0x1ec: {  	v6 =	vld [tilespmem:s31+$0xFFFFFE60];
	v4 =	vnsel vm1, $0x0, v16;
	(erf) = vpow2.f32 v18;
	v16 =	vmul.f32 $1.442695020e+00, v3  }
0x1ed: {  	v14 =	vld [tilespmem:s31+$0x70]  }
0x1ee: {  	v9 =	vld [tilespmem:s31+$0xFFFFFE70];
	v11 =	vpop (erf);
	(xrf2) =	vadd.scan.msk.f32 $0xffff, v7;
	v16 =	vbroadcast v16, $0xF  }
0x1ef: {  	v3 =	vnsel vm1, $0x0, v12;
	v12 =	vld [tilespmem:s31+$0x60];
	v17 =	vmul.f32 v11, v58;
	v18 =	vmul.f32 v11, v25  }
0x1f0: {  	v5 =	vnsel vm1, $0x0, v5;
	v10 =	vld [tilespmem:s31+$0xE0];
	v63 =	vmul.f32 $1.442695020e+00, v1;
	(erf) = vpow2.f32 v16  }
0x1f1: {  	v62 =	vsel vm0, v11, v5;
	v11 =	vld [tilespmem:s31+$0xF0];
	v1 =	vnsel vm1, $0x0, v8;
	[tilespmem:s28+$0xFFFFFF60] =	vst v17;
	v8 =	vpop (erf)  }
0x1f2: {  	v2 =	vnsel vm1, $0x0, v19;
	v7 =	vld [tilespmem:s31+$0x160];
	[tilespmem:s28+$0xFFFFFF70] =	vst v18;
	v17 =	vbroadcast v63, $0xF;
	v19 =	vmul.f32 v8, v60  }
0x1f3: {  	s30 =	simm.s32 $0x0;
	s0 =	simm.s32 $0x2F40;
	v5 =	vnsel vm1, $0x0, v20;
	[tilespmem:s29+$0xFFFFFFD0] =	vst v62;
	v16 =	vsel vm0, v8, v26;
	v18 =	vmul.f32 v8, v61;
	v8 =	vld [tilespmem:s31+$0x170]  }
.LBB2_7:
0x1f4: {  	v20 =	vld [tilespmem:s0+$0x180];
	[tilespmem:s28+$0xFFFFFFA0] =	vst v19;
	(erf) = vpow2.f32 v17;
	v17, _, _ =	vpop (xrf2)  }
0x1f5: {  	s26 =	sadd.s32 $0x200, s26;
	v19 =	vld [tilespmem:s0+$0x190];
	[tilespmem:s28+$0xFFFFFFB0] =	vst v18;
	v17 =	vmul.f32 $1.442695020e+00, v17;
	v18 =	vpop (erf)  }
0x1f6: {  	v21 =	vld [tilespmem:s26+$0xC0];
	[tilespmem:s29+$0xFFFFFFE0] =	vst v16;
	v23 =	vmul.f32 v18, v13;
	v24 =	vmul.f32 v18, v15;
	v16 =	vsel vm0, v18, v4  }
0x1f7: {  	v18 =	vld [tilespmem:s26+$0xD0];
	v17 =	vbroadcast v17, $0xF  }
0x1f8: {  	v22 =	vld [tilespmem:s0+$0xFFFFFE10];
	[tilespmem:s28+$0xFFFFFFE0] =	vst v23;
	v13, _, _ =	vpop (xrf2)  }
0x1f9: {  	v4 =	vld [tilespmem:s26+$0xFFFFFF00];
	[tilespmem:s28+$0xFFFFFFF0] =	vst v24;
	v13 =	vmul.f32 $1.442695020e+00, v13;
	v15 =	vpop (erf);
	(erf) = vpow2.f32 v17  }
0x1fa: {  	v17 =	vld [tilespmem:s26+$0xFFFFFF10];
	[tilespmem:s29+$0xFFFFFFF0] =	vst v16;
	v12 =	vmul.f32 v15, v12;
	v23 =	vmul.f32 v15, v14;
	v3 =	vsel vm0, v15, v3  }
0x1fb: {  	v15 =	vld [tilespmem:s0+$0xFFFFFE80];
	v13 =	vbroadcast v13, $0xF  }
0x1fc: {  	v20 =	vmul.f32 v21, v20;
	v16 =	vld [tilespmem:s0+$0xFFFFFE90];
	v18 =	vmul.f32 v18, v19;
	[tilespmem:s28+$0x20] =	vst v12  }
0x1fd: {  	s30 =	sadd.s32 $0x8, s30;
	v12 =	vld [tilespmem:s26+$0xFFFFFF40];
	[tilespmem:s28+$0x30] =	vst v23;
	v14 =	vpop (erf);
	(erf) = vpow2.f32 v13  }
0x1fe: {  	p0 =	slt.u32 s30, $0x48;
	v13 =	vld [tilespmem:s26+$0xFFFFFF50];
	v18 =	vadd.f32 v18, v20;
	v6 =	vmul.f32 v14, v6;
	v9 =	vmul.f32 v14, v9;
	[tilespmem:s29+$0x0] =	vst v3  }
0x1ff: {  	v5 =	vsel vm0, v14, v5;
	v3 =	vmul.f32 v17, v22;
	v17 =	vld [tilespmem:s0+$0xFFFFFF00]  }
0x200: {  	v14 =	vld [tilespmem:s0+$0xFFFFFF10];
	(xrf2) =	vadd.scan.msk.f32 $0xffff, v18;
	[tilespmem:s28+$0xFFFFFF20] =	vst v6  }
0x201: {  	v6 =	vld [tilespmem:s26+$0xFFFFFF80];
	[tilespmem:s28+$0xFFFFFF30] =	vst v9  }
0x202: {  	v9 =	vmul.f32 v12, v15;
	v12 =	vld [tilespmem:s26+$0xFFFFFF90];
	[tilespmem:s29+$0xFFFFFFC0] =	vst v5;
	v5 =	vpop (erf)  }
0x203: {  	v13 =	vmul.f32 v13, v16;
	v15 =	vld [tilespmem:s0+$0xFFFFFF80];
	v10 =	vmul.f32 v5, v10;
	v1 =	vsel vm0, v5, v1  }
0x204: {  	v18 =	vmul.f32 v5, v11;
	v16 =	vld [tilespmem:s0+$0xFFFFFF90]  }
0x205: {  	v9 =	vadd.f32 v13, v9;
	v11 =	vld [tilespmem:s26+$0xFFFFFFC0];
	[tilespmem:s28+$0x60] =	vst v10  }
0x206: {  	v6 =	vmul.f32 v6, v17;
	v10 =	vld [tilespmem:s26+$0xFFFFFFD0];
	[tilespmem:s28+$0x70] =	vst v18;
	v5 =	vpop (erf)  }
0x207: {  	v12 =	vmul.f32 v12, v14;
	v13 =	vld [tilespmem:s0+$0x0];
	(xrf2) =	vadd.scan.msk.f32 $0xffff, v9;
	v7 =	vmul.f32 v5, v7;
	v2 =	vsel vm0, v5, v2  }
0x208: {  	v9 =	vld [tilespmem:s0+$0x10];
	[tilespmem:s29+$0x10] =	vst v1;
	v1 =	vmul.f32 v5, v8  }
0x209: {  	v5 =	vadd.f32 v12, v6;
	v6 =	vld [tilespmem:s26+$0x0];
	[tilespmem:s28+$0xA0] =	vst v7  }
0x20a: {  	v7 =	vmul.f32 v11, v15;
	v8 =	vld [tilespmem:s26+$0x10];
	v11, _, _ =	vpop (xrf2);
	[tilespmem:s28+$0xB0] =	vst v1  }
0x20b: {  	v1 =	vmul.f32 v10, v16;
	v10 =	vld [tilespmem:s0+$0x80];
	v11 =	vmul.f32 $1.442695020e+00, v11;
	(xrf2) =	vadd.scan.msk.f32 $0xffff, v5;
	[tilespmem:s29+$0x20] =	vst v2  }
0x20c: {  	v2 =	vld [tilespmem:s0+$0x90]  }
0x20d: {  	v1 =	vadd.f32 v1, v7;
	v5 =	vld [tilespmem:s26+$0x40];
	v7 =	vbroadcast v11, $0xF  }
0x20e: {  	v6 =	vmul.f32 v6, v13;
	v11 =	vld [tilespmem:s26+$0x50]  }
0x20f: {  	v12 =	vmul.f32 v8, v9;
	v9 =	vld [tilespmem:s0+$0x100];
	(xrf2) =	vadd.scan.msk.f32 $0xffff, v1;
	(erf) = vpow2.f32 v7  }
0x210: {  	v1 =	vld [tilespmem:s0+$0x110]  }
0x211: {  	v6 =	vadd.f32 v12, v6;
	v7 =	vld [tilespmem:s26+$0x80];
	v8, _, _ =	vpop (xrf2)  }
0x212: {  	v8 =	vmul.f32 $1.442695020e+00, v8;
	v14 =	vmul.f32 v5, v10;
	v10 =	vld [tilespmem:s26+$0x90]  }
0x213: {  	v12 =	vld [tilespmem:s0+$0xFFFFFE00];
	v2 =	vmul.f32 v11, v2;
	(xrf2) =	vadd.scan.msk.f32 $0xffff, v6  }
0x214: {  	v6 =	vbroadcast v8, $0xF;
	v8 =	vld [tilespmem:s0+$0x1C0]  }
0x215: {  	v11 =	vadd.f32 v2, v14;
	v13 =	vld [tilespmem:s0+$0x1D0];
	v5, _, _ =	vpop (xrf2)  }
0x216: {  	v2 =	vld [tilespmem:s0+$0xFFFFFE40];
	v14 =	vmul.f32 $1.442695020e+00, v5;
	v7 =	vmul.f32 v7, v9  }
0x217: {  	v5 =	vld [tilespmem:s0+$0xFFFFFE50];
	v1 =	vmul.f32 v10, v1;
	(erf) = vpow2.f32 v6;
	(xrf2) =	vadd.scan.msk.f32 $0xffff, v11  }
0x218: {  	v4 =	vmul.f32 v4, v12;
	v9 =	vld [tilespmem:s0+$0xFFFFFEC0];
	v10 =	vbroadcast v14, $0xF;
	v6 =	vpop (erf)  }
0x219: {  	v11 =	vld [tilespmem:s0+$0xFFFFFED0];
	v1 =	vadd.f32 v1, v7;
	v7 =	vmul.f32 v6, v8;
	v8, _, _ =	vpop (xrf2)  }
0x21a: {  	s28 =	sadd.s32 $0x200, s28;
	v3 =	vadd.f32 v3, v4;
	v4 =	vld [tilespmem:s0+$0xFFFFFF40];
	v14 =	vmul.f32 $1.442695020e+00, v8;
	v12 =	vmul.f32 v6, v13  }
0x21b: {  	v13 =	vld [tilespmem:s0+$0xFFFFFF50];
	[tilespmem:s28+$0xC0] =	vst v7;
	(erf) = vpow2.f32 v10  }
0x21c: {  	v7 =	vbroadcast v14, $0xF;
	v10 =	vld [tilespmem:s0+$0xFFFFFFC0];
	[tilespmem:s28+$0xD0] =	vst v12;
	(xrf2) =	vadd.scan.msk.f32 $0xffff, v3  }
0x21d: {  	v3 =	vld [tilespmem:s0+$0x1A0];
	v8, _, _ =	vpop (xrf2)  }
0x21e: {  	v8 =	vmul.f32 $1.442695020e+00, v8;
	v12 =	vld [tilespmem:s0+$0x1B0];
	(erf) = vpow2.f32 v7  }
0x21f: {  	v14 =	vld [tilespmem:s26+$0xE0];
	(xrf2) =	vadd.scan.msk.f32 $0xffff, v1  }
0x220: {  	v1 =	vbroadcast v8, $0xF;
	v15 =	vld [tilespmem:s26+$0xF0];
	v7 =	vpop (erf)  }
0x221: {  	v9 =	vmul.f32 v7, v9;
	v11 =	vmul.f32 v7, v11;
	v8 =	vnsel vm1, $0x0, v7;
	v16 =	vld [tilespmem:s0+$0xFFFFFFD0];
	v7, _, _ =	vpop (xrf2)  }
0x222: {  	v17 =	vld [tilespmem:s0+$0x40];
	v7 =	vmul.f32 $1.442695020e+00, v7;
	(erf) = vpow2.f32 v1  }
0x223: {  	[tilespmem:s28+$0xFFFFFF40] =	vst v9;
	v1 =	vld [tilespmem:s0+$0x50]  }
0x224: {  	[tilespmem:s28+$0xFFFFFF50] =	vst v11;
	v9 =	vbroadcast v7, $0xF;
	v11 =	vld [tilespmem:s0+$0xC0];
	v18 =	vpop (erf)  }
0x225: {  	v3 =	vmul.f32 v14, v3;
	v7 =	vnsel vm1, $0x0, v18;
	v19 =	vld [tilespmem:s0+$0xD0];
	v20 =	vmul.f32 v15, v12  }
0x226: {  	v4 =	vmul.f32 v18, v4;
	v14 =	vld [tilespmem:s0+$0x140];
	v15, _, _ =	vpop (xrf2);
	(erf) = vpow2.f32 v9  }
0x227: {  	v21 =	vmul.f32 v18, v13;
	v9 =	vmul.f32 $1.442695020e+00, v15;
	v15 =	vld [tilespmem:s0+$0x150];
	v3 =	vadd.f32 v20, v3;
	v12 =	vpop (erf)  }
0x228: {  	v18 =	vld [tilespmem:s0+$0xFFFFFEA0];
	[tilespmem:s28+$0xFFFFFF80] =	vst v4;
	v10 =	vmul.f32 v12, v10;
	v16 =	vmul.f32 v12, v16;
	v4 =	vnsel vm1, $0x0, v12  }
0x229: {  	v22 =	vbroadcast v9, $0xF;
	v12 =	vld [tilespmem:s0+$0xFFFFFEB0];
	[tilespmem:s28+$0xFFFFFF90] =	vst v21;
	v13, _, _ =	vpop (xrf2);
	(xrf2) =	vadd.scan.msk.f32 $0xffff, v3  }
0x22a: {  	v20 =	vld [tilespmem:s26+$0xFFFFFF60];
	[tilespmem:s28+$0xFFFFFFC0] =	vst v10;
	v10 =	vmul.f32 $1.442695020e+00, v13  }
0x22b: {  	v13 =	vld [tilespmem:s26+$0xFFFFFF70];
	[tilespmem:s28+$0xFFFFFFD0] =	vst v16;
	(erf) = vpow2.f32 v22;
	v9 =	vpop (erf)  }
0x22c: {  	v16 =	vld [tilespmem:s0+$0xFFFFFF20];
	v17 =	vmul.f32 v9, v17;
	v3 =	vnsel vm1, $0x0, v9;
	v10 =	vbroadcast v10, $0xF  }
0x22d: {  	v22 =	vmul.f32 v9, v1;
	v21 =	vld [tilespmem:s0+$0xFFFFFF30]  }
0x22e: {  	v9 =	vld [tilespmem:s26+$0xFFFFFFA0];
	[tilespmem:s28+$0x0] =	vst v17;
	(erf) = vpow2.f32 v10  }
0x22f: {  	v10 =	vmul.f32 v20, v18;
	v17 =	vld [tilespmem:s26+$0xFFFFFFB0];
	[tilespmem:s28+$0x10] =	vst v22;
	v1 =	vpop (erf)  }
0x230: {  	v18 =	vld [tilespmem:s0+$0xFFFFFFA0];
	v11 =	vmul.f32 v1, v11;
	v19 =	vmul.f32 v1, v19;
	v1 =	vnsel vm1, $0x0, v1  }
0x231: {  	v22 =	vmul.f32 v13, v12;
	v13 =	vld [tilespmem:s0+$0xFFFFFFB0]  }
0x232: {  	v20 =	vld [tilespmem:s26+$0xFFFFFFE0];
	[tilespmem:s28+$0x40] =	vst v11  }
0x233: {  	v10 =	vadd.f32 v22, v10;
	v9 =	vmul.f32 v9, v16;
	v11 =	vld [tilespmem:s26+$0xFFFFFFF0];
	[tilespmem:s28+$0x50] =	vst v19;
	v12, _, _ =	vpop (xrf2)  }
0x234: {  	v16 =	vmul.f32 v17, v21;
	v17 =	vld [tilespmem:s0+$0x20];
	v12 =	vmul.f32 $1.442695020e+00, v12;
	v19 =	vpop (erf)  }
0x235: {  	v22 =	vmul.f32 v19, v2;
	v21 =	vmul.f32 v19, v5;
	v5 =	vnsel vm1, $0x0, v19;
	v19 =	vld [tilespmem:s0+$0x30];
	(xrf2) =	vadd.scan.msk.f32 $0xffff, v10  }
0x236: {  	v9 =	vadd.f32 v16, v9;
	v10 =	vld [tilespmem:s26+$0x20];
	v12 =	vbroadcast v12, $0xF  }
0x237: {  	[tilespmem:s28+$0xFFFFFF00] =	vst v22;
	v16 =	vmul.f32 v20, v18;
	v18 =	vld [tilespmem:s26+$0x30];
	v2 =	vpop (erf)  }
0x238: {  	[tilespmem:s28+$0xFFFFFF10] =	vst v21;
	v20 =	vld [tilespmem:s0+$0xA0];
	v14 =	vmul.f32 v2, v14;
	(xrf2) =	vadd.scan.msk.f32 $0xffff, v9;
	(erf) = vpow2.f32 v12  }
0x239: {  	v11 =	vmul.f32 v11, v13;
	v12 =	vmul.f32 v2, v15;
	v2 =	vnsel vm1, $0x0, v2;
	v9 =	vld [tilespmem:s0+$0xFFFFFE20]  }
0x23a: {  	v13 =	vld [tilespmem:s0+$0xFFFFFE30];
	[tilespmem:s28+$0x80] =	vst v14  }
0x23b: {  	v11 =	vadd.f32 v11, v16;
	v14 =	vld [tilespmem:s26+$0xFFFFFF20];
	v10 =	vmul.f32 v10, v17;
	[tilespmem:s28+$0x90] =	vst v12  }
0x23c: {  	v12 =	vld [tilespmem:s26+$0xFFFFFF30];
	v15 =	vmul.f32 v18, v19  }
0x23d: {  	v16 =	vld [tilespmem:s0+$0x1E0];
	(xrf2) =	vadd.scan.msk.f32 $0xffff, v11  }
0x23e: {  	v10 =	vadd.f32 v15, v10;
	v11 =	vld [tilespmem:s0+$0x1F0]  }
0x23f: {  	v15 =	vld [tilespmem:s0+$0xB0];
	v17, _, _ =	vpop (xrf2)  }
0x240: {  	v9 =	vmul.f32 v14, v9;
	v14 =	vmul.f32 $1.442695020e+00, v17;
	v17 =	vld [tilespmem:s26+$0x60];
	(xrf2) =	vadd.scan.msk.f32 $0xffff, v10  }
0x241: {  	v10 =	vmul.f32 v12, v13;
	v12 =	vld [tilespmem:s26+$0x70];
	v13 =	vpop (erf)  }
0x242: {  	v14 =	vbroadcast v14, $0xF;
	v18 =	vld [tilespmem:s0+$0x120];
	v16 =	vmul.f32 v13, v16;
	v19, _, _ =	vpop (xrf2)  }
0x243: {  	v9 =	vadd.f32 v10, v9;
	v10 =	vmul.f32 $1.442695020e+00, v19;
	v19 =	vld [tilespmem:s0+$0x130];
	v11 =	vmul.f32 v13, v11  }
0x244: {  	v6 =	vnsel vm1, $0x0, v6;
	v21 =	vld [tilespmem:s26+$0xA0];
	[tilespmem:s28+$0xE0] =	vst v16;
	(erf) = vpow2.f32 v14  }
0x245: {  	s29 =	sadd.s32 $0x80, s29;
	v13 =	vsel vm0, v13, v6;
	v14 =	vmul.f32 v17, v20;
	v16 =	vld [tilespmem:s26+$0xB0];
	[tilespmem:s28+$0xF0] =	vst v11;
	(xrf2) =	vadd.scan.msk.f32 $0xffff, v9  }
0x246: {  	v10 =	vbroadcast v10, $0xF;
	v6 =	vld [tilespmem:s0+$0xFFFFFE60];
	v12 =	vmul.f32 v12, v15;
	[tilespmem:s29+$0x30] =	vst v13  }
0x247: {  	v9 =	vld [tilespmem:s0+$0xFFFFFE70];
	v11, _, _ =	vpop (xrf2)  }
0x248: {  	v17 =	vld [tilespmem:s0+$0xFFFFFEE0];
	v11 =	vmul.f32 $1.442695020e+00, v11;
	v12 =	vadd.f32 v12, v14;
	(erf) = vpow2.f32 v10  }
0x249: {  	v10 =	vld [tilespmem:s0+$0xFFFFFEF0];
	v14 =	vmul.f32 v21, v18  }
0x24a: {  	v18 =	vld [tilespmem:s0+$0xFFFFFF60];
	v11 =	vbroadcast v11, $0xF;
	v15 =	vmul.f32 v16, v19;
	v13, _, _ =	vpop (xrf2);
	(xrf2) =	vadd.scan.msk.f32 $0xffff, v12  }
0x24b: {  	v20 =	vld [tilespmem:s0+$0xFFFFFF70];
	v16 =	vmul.f32 $1.442695020e+00, v13  }
0x24c: {  	v13 =	vld [tilespmem:s0+$0xFFFFFFE0];
	v14 =	vadd.f32 v15, v14;
	(erf) = vpow2.f32 v11  }
0x24d: {  	v15 =	vld [tilespmem:s0+$0xFFFFFFF0];
	v11 =	vbroadcast v16, $0xF;
	v12 =	vpop (erf)  }
0x24e: {  	v16 =	vmul.f32 v12, v17;
	v17 =	vmul.f32 v12, v10;
	v8 =	vsel vm0, v12, v8;
	v12 =	vld [tilespmem:s0+$0x60];
	(xrf2) =	vadd.scan.msk.f32 $0xffff, v14  }
.Ltmp2:
0x24f: {  	v14 =	vld [tilespmem:s0+$0x70];
	v10, _, _ =	vpop (xrf2);
	(pc) =	sbr.rel @p0 .LBB2_7-.Ltmp2, $4  }
0x250: {  	v19 =	vmul.f32 $1.442695020e+00, v10;
	[tilespmem:s28+$0xFFFFFF60] =	vst v16;
	v10 =	vld [tilespmem:s0+$0xE0];
	(erf) = vpow2.f32 v11  }
0x251: {  	[tilespmem:s28+$0xFFFFFF70] =	vst v17;
	v11 =	vld [tilespmem:s0+$0xF0];
	v21 =	vpop (erf)  }
0x252: {  	v17 =	vbroadcast v19, $0xF;
	[tilespmem:s29+$0xFFFFFFD0] =	vst v8;
	v19 =	vmul.f32 v21, v18;
	v16 =	vsel vm0, v21, v7;
	v7 =	vld [tilespmem:s0+$0x160]  }
0x253: {  	v18 =	vmul.f32 v21, v20;
	v8 =	vld [tilespmem:s0+$0x170];
	s0 =	sadd.s32 $0x400, s0  }
0x254: {  	_ = 	snop  }
0x255: {  	v20, _, _ =	vpop (xrf2)  }
0x256: {  	v20 =	vmul.f32 $1.442695020e+00, v20  }
0x257: {  	(erf) = vpow2.f32 v17  }
0x258: {  	v51 =	vbroadcast v20, $0xF;
	v52, _, _ =	vpop (xrf2)  }
0x259: {  	v20 =	vmul.f32 $1.442695020e+00, v52  }
0x25a: {  	[tilespmem:s28+$0xFFFFFFA0] =	vst v19;
	v53 =	vpop (erf);
	(erf) = vpow2.f32 v51  }
0x25b: {  	[tilespmem:s28+$0xFFFFFFB0] =	vst v18;
	v13 =	vmul.f32 v53, v13;
	v54 =	vbroadcast v20, $0xF  }
0x25c: {  	[tilespmem:s29+$0xFFFFFFE0] =	vst v16;
	v15 =	vmul.f32 v53, v15  }
0x25d: {  	[tilespmem:s28+$0xFFFFFFE0] =	vst v13;
	v55 =	vpop (erf);
	(erf) = vpow2.f32 v54  }
0x25e: {  	v4 =	vsel vm0, v53, v4;
	[tilespmem:s28+$0xFFFFFFF0] =	vst v15;
	v12 =	vmul.f32 v55, v12  }
0x25f: {  	[tilespmem:s29+$0xFFFFFFF0] =	vst v4;
	v56 =	vmul.f32 v55, v14  }
0x260: {  	v3 =	vsel vm0, v55, v3;
	[tilespmem:s28+$0x20] =	vst v12;
	v57 =	vpop (erf)  }
0x261: {  	[tilespmem:s28+$0x30] =	vst v56;
	v58 =	vmul.f32 v57, v6  }
0x262: {  	[tilespmem:s29+$0x0] =	vst v3;
	v59 =	vmul.f32 v57, v9  }
0x263: {  	[tilespmem:s28+$0xFFFFFF20] =	vst v58;
	v3 =	vpop (erf)  }
0x264: {  	v60 =	vsel vm0, v57, v5;
	[tilespmem:s28+$0xFFFFFF30] =	vst v59;
	v61 =	vmul.f32 v3, v10  }
0x265: {  	[tilespmem:s29+$0xFFFFFFC0] =	vst v60;
	v62 =	vmul.f32 v3, v11  }
0x266: {  	[tilespmem:s28+$0x60] =	vst v61;
	v63 =	vpop (erf)  }
0x267: {  	v1 =	vsel vm0, v3, v1;
	[tilespmem:s28+$0x70] =	vst v62;
	v3 =	vmul.f32 v63, v7  }
0x268: {  	[tilespmem:s29+$0x10] =	vst v1;
	v1 =	vmul.f32 v63, v8  }
0x269: {  	[tilespmem:s28+$0xA0] =	vst v3  }
0x26a: {  	v2 =	vsel vm0, v63, v2;
	[tilespmem:s28+$0xB0] =	vst v1  }
0x26b: {  	[tilespmem:s29+$0x20] =	vst v2  }
0x26c: {  	[spmem:s2] =	stream.indirect.scatter.add.f32 [tilespmem:s10], [sflag:$0x5], $0x40, s17, s16, $0xb8;
	[tilespmem:$0x15590] =	vst v63  }
0x26d: {  	s25 =	sadd.s32 $0x1, s25;
	_ =	swait.ge [sflag:s13], $0x1400  }
0x26e: {  	p0 =	sne.s32 s25, $0x7D;
	[sflag:s13] =	ssyncset.done $0x0  }
.Ltmp3:
0x26f: {  	[sflag:s13] =	ssyncadd.s32 $0xFFFFEC00;
	(pc) =	sbr.rel @p0 .LBB2_4-.Ltmp3, $4  }
0x270: {  	[spmem:s3] =	stream.indirect.scatter.add.f32 [tilespmem:s14], [sflag:$0x5], $0x10, s17, s16, $0xb8;
	[tilespmem:$0x15590] =	vst v63  }
0x271: {  	_ =	swait.ge [sflag:s13], $0x500  }
0x272: {  	[sflag:s13] =	ssyncset.done $0x0  }
0x273: {  	[sflag:s13] =	ssyncadd.s32 $0xFFFFFB00  }
0x274: {  	s0 =	stileid.u32  }
0x275: {  	[bflag:$0x0] =	sbarrier.arrive $0xFFFF;
	s0 =	sshll.u32 s0, $0x6  }
0x276: {  	s25 =	rddreg [dreg:$0x7];
	s0 =	sor.u32 $0x1C05, s0  }
0x277: {  	[hbm:s25], [sflag:s0] =	dma.local [spmem:s4], $0x1400  }
0x278: {  	_ =	swait.ge [sflag:s13], $0x1400  }
0x279: {  	[sflag:s13] =	ssyncset.done $0x0  }
0x27a: {  	s30 =	rddreg [dreg:$0x8];
	[sflag:s13] =	ssyncadd.s32 $0xFFFFEC00  }
0x27b: {  	[hbm:s30], [sflag:s0] =	dma.local [spmem:s9], $0x500  }
0x27c: {  	_ =	swait.ge [sflag:s13], $0x500  }
0x27d: {  	s24 =	sadd.s32 $0x1, s24;
	s31 =	rddreg [dreg:$0x9]  }
0x27e: {  	p0 =	sne.s32 s24, s31  }
.Ltmp4:
0x27f: {  	_ = 	snop;
	(pc) =	sbr.rel @p0 .LBB2_1-.Ltmp4, $3  }
0x280: {  	_ =	sdelay $0x1  }
0x281: {  	[sflag:s13] =	ssyncset.done $0x0  }
0x282: {  	[sflag:s13] =	ssyncadd.s32 $0xFFFFFB00  }
0x283: {  	_ =	sfence.sel $0x180000  }
0x284: {  	[bflag:$0x0] =	sbarrier.arrive $0xFFFF  }
0x285: {  	_ =	strace $0x9000004A  }
0x286: {  	s0 =	stileid.u32;
	[bflag:$0x2] =	sbarrier.arrive $0xFFFF  }
0x287: {  	p0 =	sne.s32 s0, $0x0;
	s0 =	rddreg [dreg:$0x4]  }
0x288: {  	s0 =	sadd.s32 @!p0 $0x100000, s0  }
0x289: {  	[sflag:s0] =	ssyncadd.tile.s32 @!p0 $0x1;
	_ =	shalt  }
.Lfunc_end2:
_tile_overlayer_lowered:
.L_overlay_start_2:
0x28a: {  	(tag) =	ssettag $0x2  }
0x28b: {  	s0 =	rddreg [dreg:$0x0];
	s2 =	stileid.u32  }
0x28c: {  	s1 =	rddreg [dreg:$0x1];
	p0 =	sne.s32 s2, $0x0  }
0x28d: {  	s3 =	rddreg [dreg:$0x2];
	[bflag:$0x3] =	sbarrier.arrive $0xFFFF;
	s2 =	simm.s32 @!p0 $0x1C05  }
0x28e: {  	[timem:s3], [sflag:s2] =	dma.local @!p0 [hbm:s0], s1  }
0x28f: {  	s0 =	simm.s32 @!p0 $0x5  }
0x290: {  	_ =	swait.ge @!p0 [sflag:s0], s1  }
0x291: {  	s1 =	ssub.s32 @!p0 $0x0, s1;
	[sflag:s0] =	ssyncset.done @!p0 $0x0  }
0x292: {  	[sflag:s0] =	ssyncadd.s32 @!p0 s1  }
0x293: {  	[bflag:$0x3] =	sbarrier.arrive $0xFFFF  }
0x294: {  	_ =	shalt  }

// kernel: kernel.18.cloned.1.call-start
scs
__scs_entry_jumppad:
0x0: {  	(pc) =	sbr.rel $0x88, $3  }
0x1: {  	(tag) =	ssettag $0x0;
	lr =	simm.s32 $0x1  }
0x2: {  	[smem:$0x3F67] =	sst lr;
	_ =	strace $0xD0000000  }
0x3: {  	_ = 	snop  }
0x4: {  	_ = 	snop  }
0x5: {  	_ = 	snop  }
0x6: {  	_ = 	snop  }
0x7: {  	_ = 	snop  }
__scs_overlays_trampoline_lowered:
0x8: {  	[smem:$0x3F76] =	sst s0  }
0x9: {  	[smem:$0x3F77] =	sst s1  }
0xa: {  	[smem:$0x3F78] =	sst s2  }
0xb: {  	[smem:$0x3F79] =	sst s3  }
0xc: {  	[smem:$0x3F7A] =	sst s4  }
0xd: {  	[smem:$0x3F7B] =	sst s5  }
0xe: {  	[smem:$0x3F7C] =	sst s6  }
0xf: {  	[smem:$0x3F7D] =	sst s7  }
0x10: {  	[smem:$0x3F7E] =	sst s8  }
0x11: {  	[smem:$0x3F7F] =	sst s9;
	s0 =	simm.s32 @!p0 $0x0  }
0x12: {  	s1 =	sld [smem:$0x3F65];
	s0 =	simm.s32 @p0 $0x1  }
0x13: {  	[smem:$0x3F80] =	sst s0;
	s0 =	simm.s32 @!p1 $0x0  }
0x14: {  	s2 =	sld [smem:$0x3F64];
	s0 =	simm.s32 @p1 $0x1  }
0x15: {  	[smem:$0x3F81] =	sst s0;
	s0 =	simm.s32 @!p2 $0x0  }
0x16: {  	s3 =	sld [smem:$0x3FDB];
	s0 =	simm.s32 @p2 $0x1  }
0x17: {  	s4 =	simm.s32 $0x1BF5;
	[smem:$0x3F83] =	sst s0  }
0x18: {  	s0 =	sld [smem:$0x3F66];
	_ =	swait.ge [sflag:s4], $0x0  }
0x19: {  	s7 =	sld [smem:$0x3F67]  }
0x1a: {  	s8 =	sadd.s32 $0xFFFFE003, lr  }
0x1b: {  	s9 =	sadd.s32 $0xFFFFFEF7, lr;
	s5 =	simm.s32 $0xFFFFFFFF;
	p2 =	slt.u32 s8, $0xFFFFF086  }
0x1c: {  	p1 =	slt.u32 s9, $0xF7A;
	s5 =	simm.s32 @!p2 $0x0  }
0x1d: {  	s5 =	simm.s32 @p1 $0x1;
	p0 =	seq.s32 s7, s2  }
0x1e: {  	s7 =	smul.u32 @!p0 $0xF7A, s2;
	p2 =	seq.s32 @!p0 s5, $0x0  }
0x1f: {  	s9 =	smul.u32 $0xF7A, s1;
	s8 =	simm.s32 @!p0 $0x1BF5;
	p2 =	por !p2, p0  }
0x20: {  	[sflag:s8] =	ssyncset.s32 @!p0 $0xFFFFF086;
	s6 =	sadd.s32 @!p0 s3, s7;
	s7 =	simm.s32 @!p0 $0x108  }
0x21: {  	s3 =	sadd.s32 s3, s9;
	s6 =	sadd.s32 @!p0 $0x88, s6;
	s7 =	simm.s32 @p2 $0x1082  }
0x22: {  	[simem:s7], [sflag:s8] =	dma.local @!p0 [hbm:s6], $0xF7A  }
0x23: {  	s9 =	sor.u32 $0xD0000000, s2;
	s6 =	simm.s32 $0x108;
	_ =	swait.ge @!p0 [sflag:s8], $0x0  }
0x24: {  	s3 =	sadd.s32 $0x88, s3;
	s6 =	simm.s32 @!p1 $0x1082;
	[sflag:s4] =	ssyncset.s32 $0xFFFFF086  }
0x25: {  	[simem:s6], [sflag:s4] =	dma.local [hbm:s3], $0xF7A  }
0x26: {  	[smem:$0x3F67] =	sst s1;
	(tag) =	ssettag s2;
	_ =	strace s9  }
0x27: {  	s1 =	sld [smem:$0x3F77]  }
0x28: {  	s2 =	sld [smem:$0x3F78]  }
0x29: {  	s4 =	sld [smem:$0x3F7A]  }
0x2a: {  	p0 =	seq.s32 s5, $0x0;
	s5 =	sld [smem:$0x3F7B]  }
0x2b: {  	s6 =	sld [smem:$0x3F7C]  }
0x2c: {  	s7 =	sld [smem:$0x3F7D]  }
0x2d: {  	s3 =	simm.s32 $0x108;
	s8 =	sld [smem:$0x3F7E]  }
0x2e: {  	s3 =	simm.s32 @!p0 $0x1082;
	s9 =	sld [smem:$0x3F7F]  }
0x2f: {  	lr =	sadd.s32 s0, s3;
	s0 =	sld [smem:$0x3F76]  }
0x30: {  	s3 =	sld [smem:$0x3F79]  }
0x31: {  	[smem:$0x3F82] =	sst s10  }
0x32: {  	s10 =	sld [smem:$0x3F80];
	_ =	sdelay $0x3  }
0x33: {  	p0 =	seq.s32 s10, $0x1;
	s10 =	sld [smem:$0x3F82];
	_ =	sdelay $0x3  }
0x34: {  	[smem:$0x3F82] =	sst s10  }
0x35: {  	s10 =	sld [smem:$0x3F81];
	_ =	sdelay $0x3  }
0x36: {  	p1 =	seq.s32 s10, $0x1;
	s10 =	sld [smem:$0x3F82];
	_ =	sdelay $0x3  }
0x37: {  	[smem:$0x3F82] =	sst s10  }
0x38: {  	s10 =	sld [smem:$0x3F83]  }
0x39: {  	_ = 	snop;
	(pc) =	sbr.ind lr, $3  }
0x3a: {  	_ = 	snop  }
0x3b: {  	_ = 	snop  }
0x3c: {  	p2 =	seq.s32 s10, $0x1;
	s10 =	sld [smem:$0x3F82]  }
0x3d: {  	_ =	shalt  }
0x3e: {  	_ =	shalt  }
0x3f: {  	_ =	shalt  }
0x40: {  	_ =	shalt  }
0x41: {  	_ =	shalt  }
0x42: {  	_ =	shalt  }
0x43: {  	_ =	shalt  }
0x44: {  	_ =	shalt  }
0x45: {  	_ =	shalt  }
0x46: {  	_ =	shalt  }
0x47: {  	_ =	shalt  }
0x48: {  	_ =	shalt  }
0x49: {  	_ =	shalt  }
0x4a: {  	_ =	shalt  }
0x4b: {  	_ =	shalt  }
0x4c: {  	_ =	shalt  }
0x4d: {  	_ =	shalt  }
0x4e: {  	_ =	shalt  }
0x4f: {  	_ =	shalt  }
0x50: {  	_ =	shalt  }
0x51: {  	_ =	shalt  }
0x52: {  	_ =	shalt  }
0x53: {  	_ =	shalt  }
0x54: {  	_ =	shalt  }
0x55: {  	_ =	shalt  }
0x56: {  	_ =	shalt  }
0x57: {  	_ =	shalt  }
0x58: {  	_ =	shalt  }
0x59: {  	_ =	shalt  }
0x5a: {  	_ =	shalt  }
0x5b: {  	_ =	shalt  }
0x5c: {  	_ =	shalt  }
0x5d: {  	_ =	shalt  }
0x5e: {  	_ =	shalt  }
0x5f: {  	_ =	shalt  }
0x60: {  	_ =	shalt  }
0x61: {  	_ =	shalt  }
0x62: {  	_ =	shalt  }
0x63: {  	_ =	shalt  }
0x64: {  	_ =	shalt  }
0x65: {  	_ =	shalt  }
0x66: {  	_ =	shalt  }
0x67: {  	_ =	shalt  }
0x68: {  	_ =	shalt  }
0x69: {  	_ =	shalt  }
0x6a: {  	_ =	shalt  }
0x6b: {  	_ =	shalt  }
0x6c: {  	_ =	shalt  }
0x6d: {  	_ =	shalt  }
0x6e: {  	_ =	shalt  }
0x6f: {  	_ =	shalt  }
0x70: {  	_ =	shalt  }
0x71: {  	_ =	shalt  }
0x72: {  	_ =	shalt  }
0x73: {  	_ =	shalt  }
0x74: {  	_ =	shalt  }
0x75: {  	_ =	shalt  }
0x76: {  	_ =	shalt  }
0x77: {  	_ =	shalt  }
0x78: {  	_ =	shalt  }
0x79: {  	_ =	shalt  }
0x7a: {  	_ =	shalt  }
0x7b: {  	_ =	shalt  }
0x7c: {  	_ =	shalt  }
0x7d: {  	_ =	shalt  }
0x7e: {  	_ =	shalt  }
0x7f: {  	_ =	shalt  }
0x80: {  	_ =	shalt  }
0x81: {  	_ =	shalt  }
0x82: {  	_ =	shalt  }
0x83: {  	_ =	shalt  }
0x84: {  	_ =	shalt  }
0x85: {  	_ =	shalt  }
0x86: {  	_ =	shalt  }
0x87: {  	_ =	shalt  }
.Lfunc_end0:
.L_simem_size_0:
called_computation.1_lowered:
.L_overlay_start_0:
0x88: {  	s2 =	sld [smem:$0x3FD9]  }
0x89: {  	s3 =	sld [smem:$0x3FFE];
	_ =	sdelay $0x1  }
0x8a: {  	s1 =	srdreg.scid  }
0x8b: {  	s0 =	sand.u32 $0x1, s1  }
0x8c: {  	s16 =	sshll.u32 s0, $0xA;
	s2 =	sadd.s32 s3, s2  }
0x8d: {  	s2 =	sadd.s32 s2, s16  }
0x8e: {  	[smem:$0x3F8E] =	sst s2  }
0x8f: {  	_ = 	snop  }
0x90: {  	(tm) =	ssettm $0x1  }
0x91: {  	s17 =	sld [smem:$0x3FFB];
	_ =	sdelay $0x3  }
0x92: {  	_ =	strace s17  }
0x93: {  	s2 =	sld [smem:$0x3FFC];
	_ =	sdelay $0x3  }
0x94: {  	_ =	strace s2  }
0x95: {  	s2 =	sld [smem:$0x3FFD];
	_ =	sdelay $0x3  }
0x96: {  	_ =	strace s2  }
0x97: {  	_ =	strace $0x8FFFFFFF  }
0x98: {  	s18 =	sld [smem:$0x3FDB];
	_ =	sdelay $0x1  }
0x99: {  	s19 =	simm.s32 $_scs_section_size  }
0x9a: {  	s4 =	simm.s32 $_size__tile_overlayer_lowered;
	s5 =	simm.s32 $_tile_overlayer_lowered  }
0x9b: {  	s22 =	simm.s32 $0x1BFF;
	s21 =	sshll.u32 s5, $0x1;
	s2 =	sadd.s32 s19, s18  }
0x9c: {  	s6 =	simm.s32 $0x0;
	s20 =	sshll.u32 s4, $0x1;
	s4 =	sadd.s32 s21, s2  }
0x9d: {  	[timem:s6], [sflag:s22] =	dma.local [hbm:s4], s20  }
0x9e: {  	_ =	swait.ge [sflag:s22], s20  }
0x9f: {  	s3 =	ssub.s32 $0x0, s20;
	[sflag:s22] =	ssyncset.done $0x0  }
0xa0: {  	[sflag:s22] =	ssyncadd.s32 s3;
	_ =	sdelay $0x1  }
0xa1: {  	s23 =	simm.s32 $0x1B8B  }
0xa2: {  	_ =	swait.ge [sflag:s23], $0x1  }
0xa3: {  	[sflag:s23] =	ssyncset.done $0x0  }
0xa4: {  	s25 =	simm.s32 $0x1B8E;
	s24 =	sld [smem:$0x3FFE];
	[sflag:s23] =	ssyncadd.s32 $0xFFFFFFFF  }
0xa5: {  	s26 =	simm.s32 $execute0_lowered;
	[smem:$0x3FD2] =	sst s25  }
0xa6: {  	s4 =	sshll.u32 s26, $0x1;
	_ =	strace $0x80000046;
	[dreg:$0x1] =	wrdreg $0xFFFFFFFF  }
0xa7: {  	s28 =	simm.s32 $_size_execute0_lowered;
	s2 =	sadd.s32 s2, s4;
	[dreg:$0x0] =	wrdreg $0x0  }
0xa8: {  	s4 =	sshll.u32 s28, $0x1;
	[dreg:$0x2] =	wrdreg s2  }
0xa9: {  	[dreg:$0x3] =	wrdreg s4  }
0xaa: {  	[dreg:$0x4] =	wrdreg $0xC0  }
0xab: {  	_ =	task [dreg:s6], $0x5FFFF  }
0xac: {  	[dreg:$0x1] =	wrdreg $0xFFFFFFFF  }
0xad: {  	[dreg:$0x0] =	wrdreg $0x60  }
0xae: {  	[dreg:$0x2] =	wrdreg s24  }
0xaf: {  	[dreg:$0x3] =	wrdreg $0x92400  }
0xb0: {  	[dreg:$0x4] =	wrdreg $0x12E800  }
0xb1: {  	[dreg:$0x5] =	wrdreg $0xA  }
0xb2: {  	_ =	task.clear_ibuf [dreg:s6], $0x6FFFF;
	_ =	strace $0x90000046  }
0xb3: {  	s29 =	simm.s32 $0xA;
	_ =	strace $0x80000048  }
0xb4: {  	_ =	swait.ge [sflag:s29], $0x1  }
0xb5: {  	[sflag:s29] =	ssyncadd.s32 $0xFFFFFFFF  }
0xb6: {  	_ =	strace $0x90000048  }
0xb7: {  	_ =	sfence  }
0xb8: {  	s30 =	sld [smem:$0x0];
	_ =	sdelay $0x2  }
0xb9: {  	s31 =	sshll.u32 s1, $0xD;
	s1 =	sshrl.u32 s1, $0x2  }
0xba: {  	s3 =	sand.u32 $0x4000, s31;
	s1 =	sadd.s32 s1, s30  }
0xbb: {  	s0 =	sor.u32 s3, s0;
	s1 =	sshll.u32 s1, $0x11  }
0xbc: {  	s0 =	sor.u32 s1, s0  }
0xbd: {  	s0 =	sadd.s32 $0x8F2B, s0  }
0xbe: {  	[sflag:s0] =	ssyncadd.remote.s32 $0x1  }
0xbf: {  	_ =	sfence.sel $0xFFFF  }
0xc0: {  	[dreg:$0x0] =	wrdreg $0xFFFFFFFF;
	(pc) =	sbr.abs _section_cstart, $3  }
0xc1: {  	[dreg:$0x1] =	wrdreg $0xFFFFFFFF  }
0xc2: {  	_ =	task.clear_ibuf [dreg:s6], $0x2FFFF;
	_ =	strace $0x9FFFFFFF  }
0xc3: {  	(tm) =	ssettm $0x7FFFFFFF  }
tec
execute0_lowered:
.L_overlay_start_1:
0x0: {  	(tag) =	ssettag $0x1  }
0x1: {  	s0 =	rddreg [dreg:$0x0]  }
0x2: {  	s1 =	rddreg [dreg:$0x1]  }
0x3: {  	s2 =	rddreg [dreg:$0x2];
	s21 =	stileid.u32  }
0x4: {  	s4 =	simm.s32 $0x0;
	s3 =	srdreg.scid;
	s10 =	smul.u32 $0x9C00, s21  }
0x5: {  	[smem:$0x7FF] =	sst s4;
	s3 =	sand.u32 $0x1, s3;
	s14 =	smul.u32 $0x2700, s21  }
0x6: {  	s9 =	sadd.s32 $0xE1800, s0;
	s5 =	sadd.s32 $0x108A00, s0;
	s16 =	smul.u32 $0x4E20, s21  }
0x7: {  	s13 =	sadd.s32 $0x93200, s0;
	s6 =	sadd.s32 $0xA6C00, s0;
	s22 =	smul.u32 $0x27000, s21  }
0x8: {  	s8 =	sadd.s32 $0xA000, s0;
	s7 =	smul.u32 $0x9C400, s3;
	_ =	strace $0x80000047  }
0x9: {  	s11 =	smul.u32 $0x27100, s3;
	s15 =	ssub.s32 $0x2, s3;
	p0 =	seq.s32 s3, $0x0  }
0xa: {  	s18 =	sshrl.u32 s15, $0x1;
	s19 =	sshrl.u32 s16, $0x3;
	s25 =	sshrl.u32 s10, $0x2  }
0xb: {  	s5 =	smov.u32 @p0 s9;
	s6 =	smov.u32 @p0 s13;
	s12 =	sadd.s32 s10, s7  }
0xc: {  	s7 =	sadd.s32 $0x13E00, s0;
	s11 =	sadd.s32 s14, s11;
	s15 =	ssub.s32 s15, s18  }
0xd: {  	s18 =	smul.u32 $0x270, s21;
	s12 =	sshrl.u32 s12, $0x3;
	s11 =	sshrl.u32 s11, $0x3  }
0xe: {  	s20 =	sadd.s32 s7, s19;
	s24 =	smax.u32 s15, $0x1;
	s17 =	sadd.s32 s12, s0  }
0xf: {  	s0 =	sadd.s32 s11, s0;
	[dreg:$0x4] =	wrdreg s20;
	s11 =	sadd.s32 s8, s19  }
0x10: {  	s19 =	sshll.u32 s3, $0x1;
	s20 =	sshllo.u32 s3, $0x1;
	s12 =	sadd.s32 $0xA0, s16  }
0x11: {  	[dreg:$0x8] =	wrdreg s24;
	s3 =	sshrl.u32 s22, $0x2;
	s26 =	sadd.s32 $0x50, s18  }
0x12: {  	s30 =	sadd.s32 $0xA0, s18;
	s21 =	sadd.s32 $0x140, s18;
	[dreg:$0x5] =	wrdreg s11  }
0x13: {  	s11 =	sadd.s32 $0x50, s16;
	s23 =	sadd.s32 $0x12FC00, s17;
	s16 =	sadd.s32 s10, s1  }
0x14: {  	s0 =	sadd.s32 $0x156E00, s0;
	s3 =	sadd.s32 s3, s1;
	s28 =	sshll.u32 s26, $0x6  }
0x15: {  	s29 =	sshll.u32 s26, $0x4;
	s9 =	sshll.u32 s30, $0x6;
	s13 =	sshll.u32 s30, $0x4  }
0x16: {  	s22 =	sshll.u32 s21, $0x6;
	s26 =	sadd.s32 $0x1E0, s18;
	[dreg:$0x6] =	wrdreg s23  }
0x17: {  	v1 =	vmov s19;
	v2 =	vmov s20;
	s19 =	simm.s32 $0x6540;
	s20 =	simm.s32 $0x1;
	[dreg:$0x7] =	wrdreg s0  }
0x18: {  	s0 =	sadd.s32 s14, s2;
	[dreg:$0x9] =	wrdreg s3;
	s3 =	sadd.s32 s25, s2  }
0x19: {  	s31 =	sadd.s32 s29, s2;
	s14 =	sadd.s32 $0xF0, s18;
	s23 =	sadd.s32 $0x190, s18  }
0x1a: {  	s29 =	sshll.u32 s26, $0x6;
	[dreg:$0xa] =	wrdreg s3;
	s3 =	sadd.s32 s28, s1  }
0x1b: {  	[dreg:$0xc] =	wrdreg s31;
	s15 =	sshll.u32 s14, $0x6;
	s24 =	sshll.u32 s23, $0x6  }
0x1c: {  	s25 =	sshll.u32 s23, $0x4;
	s28 =	sadd.s32 $0x230, s18;
	s10 =	sadd.s32 s29, s1  }
0x1d: {  	s18 =	simm.s32 $0x2940;
	s23 =	simm.s32 $0x4;
	[dreg:$0xb] =	wrdreg s3  }
0x1e: {  	s3 =	sadd.s32 s9, s1;
	s9 =	sshll.u32 s14, $0x4;
	[dreg:$0x15] =	wrdreg s10  }
0x1f: {  	s30 =	sshll.u32 s28, $0x6;
	[dreg:$0xd] =	wrdreg s3;
	s3 =	sadd.s32 s13, s2  }
0x20: {  	s10 =	simm.s32 $0x7940;
	s17 =	sadd.s32 s9, s2;
	[dreg:$0xe] =	wrdreg s3  }
0x21: {  	s14 =	simm.s32 $0x8D40;
	s9 =	sadd.s32 s22, s1;
	[dreg:$0x10] =	wrdreg s17  }
0x22: {  	s31 =	sadd.s32 s30, s1;
	s13 =	simm.s32 $0x5;
	[dreg:$0x11] =	wrdreg s9  }
0x23: {  	s3 =	sadd.s32 s15, s1;
	s9 =	sshll.u32 s26, $0x4;
	[dreg:$0x17] =	wrdreg s31  }
0x24: {  	[dreg:$0xf] =	wrdreg s3;
	s3 =	sshll.u32 s21, $0x4;
	s9 =	sadd.s32 s9, s2  }
0x25: {  	s22 =	simm.s32 $0x2;
	s3 =	sadd.s32 s3, s2;
	[dreg:$0x16] =	wrdreg s9  }
0x26: {  	s15 =	simm.s32 $0xA0;
	[dreg:$0x12] =	wrdreg s3;
	s3 =	sadd.s32 s24, s1  }
0x27: {  	s17 =	simm.s32 $0xF0;
	[dreg:$0x13] =	wrdreg s3;
	s3 =	sadd.s32 s25, s2  }
0x28: {  	v0 =	vlaneseq.u32;
	s21 =	simm.s32 $0x3;
	[dreg:$0x14] =	wrdreg s3;
	s3 =	sshll.u32 s28, $0x4  }
0x29: {  	v3 =	vshrl.u32 v0, $0x2;
	s9 =	sshrl.u32 s0, $0x3;
	s24 =	simm.s32 $0x0;
	s3 =	sadd.s32 s3, s2  }
0x2a: {  	v0 =	vimm.f32 $0.0e+00;
	vm0 =	veq.s32 v2, v3;
	vm1 =	veq.s32 v1, v3;
	[dreg:$0x18] =	wrdreg s3;
	s3 =	sshrl.u32 s16, $0x3;
	s16 =	simm.s32 $0x50  }
.LBB2_1:
0x2b: {  	s0 =	simm.s32 $0x7960  }
0x2c: {  	[tilespmem:s0+$0x0] =	vst v0  }
0x2d: {  	[tilespmem:s0+$0xFFFFFFE0] =	vst v0  }
0x2e: {  	[tilespmem:s0+$0x10] =	vst v0  }
0x2f: {  	s25 =	simm.s32 $0x40;
	s26 =	simm.s32 $0x0;
	[tilespmem:s0+$0xFFFFFFF0] =	vst v0  }
.LBB2_2:
0x30: {  	p0 =	sne.s32 s25, $0x13C0  }
0x31: {  	[tilespmem:s26+$0x8D40] =	vst v0;
	s0 =	sadd.s32 $0x40, s0;
	s26 =	smov.u32 s25;
	s25 =	sadd.s32 $0x40, s25  }
.Ltmp0:
0x32: {  	[tilespmem:s0+$0x0] =	vst v0;
	(pc) =	sbr.rel @p0 .LBB2_2-.Ltmp0, $4  }
0x33: {  	_ = 	snop  }
0x34: {  	[tilespmem:s0+$0xFFFFFFE0] =	vst v0  }
0x35: {  	[tilespmem:s0+$0x10] =	vst v0  }
0x36: {  	s26 =	sshra.s32 s26, $0x2;
	[tilespmem:s0+$0xFFFFFFF0] =	vst v0  }
0x37: {  	[tilespmem:s26+$0x8D40] =	vst v0;
	s0 =	rddreg [dreg:$0x9]  }
0x38: {  	[spmem:s0] =	stream.linear.scatter [tilespmem:s10], [sflag:$0x5], $0x1400, $0x38;
	[tilespmem:$0x15590] =	vst v63  }
0x39: {  	_ =	swait.ge [sflag:s13], $0x1400  }
0x3a: {  	[sflag:s13] =	ssyncset.done $0x0  }
0x3b: {  	s31 =	rddreg [dreg:$0xa];
	[sflag:s13] =	ssyncadd.s32 $0xFFFFEC00  }
0x3c: {  	[spmem:s31] =	stream.linear.scatter [tilespmem:s14], [sflag:$0x5], $0x500, $0x38;
	[tilespmem:$0x15590] =	vst v63  }
0x3d: {  	_ =	swait.ge [sflag:s13], $0x500  }
0x3e: {  	[sflag:s13] =	ssyncset.done $0x0  }
0x3f: {  	s25 =	rddreg [dreg:$0xb];
	[sflag:s13] =	ssyncadd.s32 $0xFFFFFB00  }
0x40: {  	[spmem:s25] =	stream.linear.scatter [tilespmem:s10], [sflag:$0x5], $0x1400, $0x38;
	[tilespmem:$0x15590] =	vst v63  }
0x41: {  	_ =	swait.ge [sflag:s13], $0x1400  }
0x42: {  	[sflag:s13] =	ssyncset.done $0x0  }
0x43: {  	s26 =	rddreg [dreg:$0xc];
	[sflag:s13] =	ssyncadd.s32 $0xFFFFEC00  }
0x44: {  	[spmem:s26] =	stream.linear.scatter [tilespmem:s14], [sflag:$0x5], $0x500, $0x38;
	[tilespmem:$0x15590] =	vst v63  }
0x45: {  	_ =	swait.ge [sflag:s13], $0x500  }
0x46: {  	[sflag:s13] =	ssyncset.done $0x0  }
0x47: {  	s28 =	rddreg [dreg:$0xd];
	[sflag:s13] =	ssyncadd.s32 $0xFFFFFB00  }
0x48: {  	[spmem:s28] =	stream.linear.scatter [tilespmem:s10], [sflag:$0x5], $0x1400, $0x38;
	[tilespmem:$0x15590] =	vst v63  }
0x49: {  	_ =	swait.ge [sflag:s13], $0x1400  }
0x4a: {  	[sflag:s13] =	ssyncset.done $0x0  }
0x4b: {  	s29 =	rddreg [dreg:$0xe];
	[sflag:s13] =	ssyncadd.s32 $0xFFFFEC00  }
0x4c: {  	[spmem:s29] =	stream.linear.scatter [tilespmem:s14], [sflag:$0x5], $0x500, $0x38;
	[tilespmem:$0x15590] =	vst v63  }
0x4d: {  	_ =	swait.ge [sflag:s13], $0x500  }
0x4e: {  	[sflag:s13] =	ssyncset.done $0x0  }
0x4f: {  	s30 =	rddreg [dreg:$0xf];
	[sflag:s13] =	ssyncadd.s32 $0xFFFFFB00  }
0x50: {  	[spmem:s30] =	stream.linear.scatter [tilespmem:s10], [sflag:$0x5], $0x1400, $0x38;
	[tilespmem:$0x15590] =	vst v63  }
0x51: {  	_ =	swait.ge [sflag:s13], $0x1400  }
0x52: {  	[sflag:s13] =	ssyncset.done $0x0  }
0x53: {  	s31 =	rddreg [dreg:$0x10];
	[sflag:s13] =	ssyncadd.s32 $0xFFFFEC00  }
0x54: {  	[spmem:s31] =	stream.linear.scatter [tilespmem:s14], [sflag:$0x5], $0x500, $0x38;
	[tilespmem:$0x15590] =	vst v63  }
0x55: {  	_ =	swait.ge [sflag:s13], $0x500  }
0x56: {  	[sflag:s13] =	ssyncset.done $0x0  }
0x57: {  	s25 =	rddreg [dreg:$0x11];
	[sflag:s13] =	ssyncadd.s32 $0xFFFFFB00  }
0x58: {  	[spmem:s25] =	stream.linear.scatter [tilespmem:s10], [sflag:$0x5], $0x1400, $0x38;
	[tilespmem:$0x15590] =	vst v63  }
0x59: {  	_ =	swait.ge [sflag:s13], $0x1400  }
0x5a: {  	[sflag:s13] =	ssyncset.done $0x0  }
0x5b: {  	s26 =	rddreg [dreg:$0x12];
	[sflag:s13] =	ssyncadd.s32 $0xFFFFEC00  }
0x5c: {  	[spmem:s26] =	stream.linear.scatter [tilespmem:s14], [sflag:$0x5], $0x500, $0x38;
	[tilespmem:$0x15590] =	vst v63  }
0x5d: {  	_ =	swait.ge [sflag:s13], $0x500  }
0x5e: {  	[sflag:s13] =	ssyncset.done $0x0  }
0x5f: {  	s28 =	rddreg [dreg:$0x13];
	[sflag:s13] =	ssyncadd.s32 $0xFFFFFB00  }
0x60: {  	[spmem:s28] =	stream.linear.scatter [tilespmem:s10], [sflag:$0x5], $0x1400, $0x38;
	[tilespmem:$0x15590] =	vst v63  }
0x61: {  	_ =	swait.ge [sflag:s13], $0x1400  }
0x62: {  	[sflag:s13] =	ssyncset.done $0x0  }
0x63: {  	s29 =	rddreg [dreg:$0x14];
	[sflag:s13] =	ssyncadd.s32 $0xFFFFEC00  }
0x64: {  	[spmem:s29] =	stream.linear.scatter [tilespmem:s14], [sflag:$0x5], $0x500, $0x38;
	[tilespmem:$0x15590] =	vst v63  }
0x65: {  	_ =	swait.ge [sflag:s13], $0x500  }
0x66: {  	[sflag:s13] =	ssyncset.done $0x0  }
0x67: {  	s30 =	rddreg [dreg:$0x15];
	[sflag:s13] =	ssyncadd.s32 $0xFFFFFB00  }
0x68: {  	[spmem:s30] =	stream.linear.scatter [tilespmem:s10], [sflag:$0x5], $0x1400, $0x38;
	[tilespmem:$0x15590] =	vst v63  }
0x69: {  	_ =	swait.ge [sflag:s13], $0x1400  }
0x6a: {  	[sflag:s13] =	ssyncset.done $0x0  }
0x6b: {  	s31 =	rddreg [dreg:$0x16];
	[sflag:s13] =	ssyncadd.s32 $0xFFFFEC00  }
0x6c: {  	[spmem:s31] =	stream.linear.scatter [tilespmem:s14], [sflag:$0x5], $0x500, $0x38;
	[tilespmem:$0x15590] =	vst v63  }
0x6d: {  	_ =	swait.ge [sflag:s13], $0x500  }
0x6e: {  	[sflag:s13] =	ssyncset.done $0x0  }
0x6f: {  	s25 =	rddreg [dreg:$0x17];
	[sflag:s13] =	ssyncadd.s32 $0xFFFFFB00  }
0x70: {  	[spmem:s25] =	stream.linear.scatter [tilespmem:s10], [sflag:$0x5], $0x1400, $0x38;
	[tilespmem:$0x15590] =	vst v63  }
0x71: {  	_ =	swait.ge [sflag:s13], $0x1400  }
0x72: {  	[sflag:s13] =	ssyncset.done $0x0  }
0x73: {  	s26 =	rddreg [dreg:$0x18];
	[sflag:s13] =	ssyncadd.s32 $0xFFFFEC00  }
0x74: {  	[spmem:s26] =	stream.linear.scatter [tilespmem:s14], [sflag:$0x5], $0x500, $0x38;
	[tilespmem:$0x15590] =	vst v63  }
0x75: {  	_ =	swait.ge [sflag:s13], $0x500  }
0x76: {  	[sflag:s13] =	ssyncset.done $0x0  }
0x77: {  	[sflag:s13] =	ssyncadd.s32 $0xFFFFFB00  }
0x78: {  	[bflag:$0x0] =	sbarrier.arrive $0xFFFF  }
0x79: {  	s25 =	simm.s32 $0x0;
	s28 =	rddreg [dreg:$0x4]  }
0x7a: {  	[tilespmem:s25], [sflag:$0x5] =	stream.linear.gather [hbm4b:s28+s25], $0x50, $0x38;
	[tilespmem:$0x15590] =	vst v63  }
0x7b: {  	_ =	swait.ge [sflag:s13], $0x50  }
0x7c: {  	[sflag:s13] =	ssyncset.done $0x0  }
0x7d: {  	s29 =	rddreg [dreg:$0x5];
	[sflag:s13] =	ssyncadd.s32 $0xFFFFFFB0  }
0x7e: {  	[tilespmem:s15], [sflag:$0x5] =	stream.linear.gather [hbm4b:s29+s25], $0x50, $0x38;
	[tilespmem:$0x15590] =	vst v63  }
0x7f: {  	_ =	swait.ge [sflag:s13], $0x50  }
0x80: {  	[sflag:s13] =	ssyncset.done $0x0  }
0x81: {  	s30 =	simm.s32 $0x140;
	[sflag:s13] =	ssyncadd.s32 $0xFFFFFFB0  }
0x82: {  	[tilespmem:s30], [sflag:$0x1] =	stream.indirect.gather [hbm4b:s5+s16], $0x80, s25, s16, $0xb8;
	[tilespmem:$0x15590] =	vst v63  }
0x83: {  	s31 =	simm.s32 $0x5140  }
0x84: {  	[tilespmem:s31], [sflag:$0x3] =	stream.indirect.gather [hbm4b:s6+s16], $0x40, s15, s16, $0xb8;
	[tilespmem:$0x15590] =	vst v63  }
.LBB2_4:
0x85: {  	s26 =	smul.u32 $0xA0, s25;
	_ =	sdelay $0x1  }
0x86: {  	s0 =	sadd.s32 s26, s11  }
0x87: {  	s0 =	sshrl.u32 s0, $0x3  }
0x88: {  	s28 =	sadd.s32 s7, s0  }
0x89: {  	[tilespmem:s16], [sflag:$0x5] =	stream.linear.gather [hbm4b:s28+s4], $0x50, $0x38;
	[tilespmem:$0x15590] =	vst v63  }
0x8a: {  	_ =	swait.ge [sflag:s13], $0x50  }
0x8b: {  	[sflag:s13] =	ssyncset.done $0x0  }
0x8c: {  	s0 =	sadd.s32 s8, s0;
	[sflag:s13] =	ssyncadd.s32 $0xFFFFFFB0  }
0x8d: {  	[tilespmem:s17], [sflag:$0x5] =	stream.linear.gather [hbm4b:s0+s4], $0x50, $0x38;
	[tilespmem:$0x15590] =	vst v63  }
0x8e: {  	_ =	swait.ge [sflag:s13], $0x50  }
0x8f: {  	[sflag:s13] =	ssyncset.done $0x0  }
0x90: {  	[sflag:s13] =	ssyncadd.s32 $0xFFFFFFB0  }
0x91: {  	[tilespmem:s18], [sflag:$0x2] =	stream.indirect.gather [hbm4b:s5+s16], $0x80, s16, s16, $0xb8;
	[tilespmem:$0x15590] =	vst v63  }
0x92: {  	_ = 	snop  }
0x93: {  	[tilespmem:s19], [sflag:$0x4] =	stream.indirect.gather [hbm4b:s6+s16], $0x40, s17, s16, $0xb8;
	[tilespmem:$0x15590] =	vst v63  }
0x94: {  	_ =	swait.ge [sflag:s20], $0x2800  }
0x95: {  	[sflag:s20] =	ssyncset.done $0x0  }
0x96: {  	[sflag:s20] =	ssyncadd.s32 $0xFFFFD800  }
0x97: {  	_ =	swait.ge [sflag:s21], $0x1400  }
0x98: {  	[sflag:s21] =	ssyncset.done $0x0  }
0x99: {  	s0 =	simm.s32 $0x340;
	[sflag:s21] =	ssyncadd.s32 $0xFFFFEC00  }
0x9a: {  	v1 =	vld [tilespmem:s0+$0x180]  }
0x9b: {  	s28 =	simm.s32 $0x5240;
	v2 =	vld [tilespmem:s0+$0x190]  }
0x9c: {  	v3 =	vld [tilespmem:s28+$0xC0]  }
0x9d: {  	v4 =	vld [tilespmem:s28+$0xD0]  }
0x9e: {  	v5 =	vld [tilespmem:s0+$0xFFFFFE10]  }
0x9f: {  	v6 =	vld [tilespmem:s28+$0xFFFFFF00]  }
0xa0: {  	v7 =	vld [tilespmem:s28+$0xFFFFFF10]  }
0xa1: {  	v8 =	vld [tilespmem:s0+$0xFFFFFE80]  }
0xa2: {  	v9 =	vld [tilespmem:s0+$0xFFFFFE90]  }
0xa3: {  	v10 =	vld [tilespmem:s0+$0xFFFFFF10];
	v1 =	vmul.f32 v3, v1;
	v2 =	vmul.f32 v4, v2  }
0xa4: {  	v11 =	vld [tilespmem:s28+$0xFFFFFF90]  }
0xa5: {  	v3 =	vld [tilespmem:s28+$0xFFFFFF40];
	v1 =	vadd.f32 v2, v1  }
0xa6: {  	v4 =	vld [tilespmem:s28+$0xFFFFFF50]  }
0xa7: {  	v12 =	vld [tilespmem:s0+$0xFFFFFF80];
	(xrf2) =	vadd.scan.msk.f32 $0xffff, v1  }
0xa8: {  	v13 =	vld [tilespmem:s0+$0xFFFFFF90]  }
0xa9: {  	v14 =	vld [tilespmem:s0+$0x10]  }
0xaa: {  	v2 =	vld [tilespmem:s0+$0xFFFFFF00]  }
0xab: {  	v1 =	vld [tilespmem:s28+$0xFFFFFF80];
	v3 =	vmul.f32 v3, v8;
	v4 =	vmul.f32 v4, v9  }
0xac: {  	v8 =	vld [tilespmem:s28+$0xFFFFFFC0]  }
0xad: {  	v9 =	vld [tilespmem:s28+$0xFFFFFFD0];
	v3 =	vadd.f32 v4, v3  }
0xae: {  	v4 =	vld [tilespmem:s0+$0x0]  }
0xaf: {  	(xrf2) =	vadd.scan.msk.f32 $0xffff, v3;
	v3 =	vld [tilespmem:s28+$0x0]  }
0xb0: {  	v10 =	vmul.f32 v11, v10;
	v1 =	vmul.f32 v1, v2;
	v2 =	vld [tilespmem:s28+$0x10]  }
0xb1: {  	v16 =	vld [tilespmem:s0+$0x90];
	v8 =	vmul.f32 v8, v12;
	v15, _, _ =	vpop (xrf2)  }
0xb2: {  	v17 =	vld [tilespmem:s0+$0xFFFFFFD0];
	v9 =	vmul.f32 v9, v13;
	v1 =	vadd.f32 v10, v1;
	v15 =	vmul.f32 $1.442695020e+00, v15  }
0xb3: {  	v11 =	vld [tilespmem:s0+$0x80]  }
0xb4: {  	v10 =	vld [tilespmem:s28+$0x40];
	(xrf2) =	vadd.scan.msk.f32 $0xffff, v1;
	v1 =	vadd.f32 v9, v8;
	v15 =	vbroadcast v15, $0xF  }
0xb5: {  	v9 =	vld [tilespmem:s0+$0xFFFFFE00];
	v3 =	vmul.f32 v3, v4;
	v2 =	vmul.f32 v2, v14  }
0xb6: {  	v12 =	vld [tilespmem:s28+$0x50];
	(xrf2) =	vadd.scan.msk.f32 $0xffff, v1;
	(erf) = vpow2.f32 v15  }
0xb7: {  	v19 =	vld [tilespmem:s0+$0x50];
	v2 =	vadd.f32 v2, v3  }
0xb8: {  	v20 =	vld [tilespmem:s0+$0xD0]  }
0xb9: {  	v5 =	vmul.f32 v7, v5;
	v13 =	vld [tilespmem:s0+$0x100];
	v1, _, _ =	vpop (xrf2);
	(xrf2) =	vadd.scan.msk.f32 $0xffff, v2  }
0xba: {  	v8 =	vld [tilespmem:s28+$0x80];
	v10 =	vmul.f32 v10, v11;
	v6 =	vmul.f32 v6, v9  }
0xbb: {  	v3 =	vld [tilespmem:s0+$0x1C0];
	v11 =	vmul.f32 v12, v16;
	v1 =	vmul.f32 $1.442695020e+00, v1  }
0xbc: {  	v4 =	vld [tilespmem:s28+$0x90];
	v5 =	vadd.f32 v5, v6  }
0xbd: {  	v12 =	vld [tilespmem:s0+$0x1D0];
	v10 =	vadd.f32 v11, v10;
	v14 =	vbroadcast v1, $0xF  }
0xbe: {  	v15 =	vld [tilespmem:s0+$0x110];
	v9, _, _ =	vpop (xrf2)  }
0xbf: {  	v21 =	vld [tilespmem:s0+$0x150];
	(xrf2) =	vadd.scan.msk.f32 $0xffff, v10;
	v1 =	vpop (erf);
	(erf) = vpow2.f32 v14  }
0xc0: {  	v7 =	vld [tilespmem:s0+$0xFFFFFEC0];
	(xrf2) =	vadd.scan.msk.f32 $0xffff, v5;
	v9 =	vmul.f32 $1.442695020e+00, v9;
	v5, _, _ =	vpop (xrf2);
	v3 =	vmul.f32 v1, v3  }
0xc1: {  	s29 =	simm.s32 $0x7A40;
	v11 =	vld [tilespmem:s0+$0xFFFFFE50];
	v8 =	vmul.f32 v8, v13;
	v5 =	vmul.f32 $1.442695020e+00, v5  }
0xc2: {  	v2 =	vld [tilespmem:s0+$0xFFFFFE40];
	v12 =	vmul.f32 v1, v12;
	[tilespmem:s29+$0xC0] =	vst v3;
	v3 =	vbroadcast v9, $0xF  }
0xc3: {  	v10 =	vld [tilespmem:s0+$0xFFFFFED0];
	v4 =	vmul.f32 v4, v15;
	v5 =	vbroadcast v5, $0xF;
	v15, _, _ =	vpop (xrf2)  }
0xc4: {  	v6 =	vld [tilespmem:s0+$0xFFFFFF40];
	v15 =	vmul.f32 $1.442695020e+00, v15;
	[tilespmem:s29+$0xD0] =	vst v12;
	(erf) = vpow2.f32 v3  }
0xc5: {  	v12 =	vld [tilespmem:s0+$0x1A0];
	(erf) = vpow2.f32 v5  }
0xc6: {  	v4 =	vadd.f32 v4, v8;
	v13 =	vld [tilespmem:s28+$0xE0];
	v15 =	vbroadcast v15, $0xF  }
0xc7: {  	v16 =	vld [tilespmem:s28+$0xF0]  }
0xc8: {  	(xrf2) =	vadd.scan.msk.f32 $0xffff, v4;
	v3 =	vld [tilespmem:s0+$0x1B0];
	v5 =	vpop (erf)  }
0xc9: {  	v8 =	vld [tilespmem:s0+$0x40];
	v18, _, _ =	vpop (xrf2);
	(erf) = vpow2.f32 v15;
	v10 =	vmul.f32 v5, v10  }
0xca: {  	v14 =	vld [tilespmem:s0+$0xFFFFFF50];
	v15, _, _ =	vpop (xrf2);
	v4 =	vmul.f32 v5, v7;
	v7 =	vmul.f32 $1.442695020e+00, v18  }
0xcb: {  	v9 =	vld [tilespmem:s0+$0xFFFFFFC0];
	v15 =	vmul.f32 $1.442695020e+00, v15  }
0xcc: {  	v12 =	vmul.f32 v13, v12;
	v18 =	vld [tilespmem:s0+$0xC0];
	[tilespmem:s29+$0xFFFFFF40] =	vst v4;
	v4 =	vbroadcast v7, $0xF  }
0xcd: {  	v3 =	vmul.f32 v16, v3;
	v7 =	vld [tilespmem:s0+$0x140];
	[tilespmem:s29+$0xFFFFFF50] =	vst v10;
	v15 =	vbroadcast v15, $0xF;
	v10 =	vpop (erf)  }
0xce: {  	v22 =	vld [tilespmem:s0+$0xFFFFFEB0];
	(erf) = vpow2.f32 v4;
	v6 =	vmul.f32 v10, v6;
	v16 =	vpop (erf)  }
0xcf: {  	v3 =	vadd.f32 v3, v12;
	v13 =	vld [tilespmem:s28+$0xFFFFFF70];
	v14 =	vmul.f32 v10, v14;
	v12 =	vmul.f32 v16, v17  }
0xd0: {  	v4 =	vld [tilespmem:s0+$0xFFFFFEA0];
	(erf) = vpow2.f32 v15;
	[tilespmem:s29+$0xFFFFFF80] =	vst v6  }
0xd1: {  	v6 =	vld [tilespmem:s28+$0xFFFFFF60];
	[tilespmem:s29+$0xFFFFFF90] =	vst v14  }
0xd2: {  	v9 =	vmul.f32 v16, v9;
	v17, _, _ =	vpop (xrf2);
	v14 =	vld [tilespmem:s0+$0xFFFFFF20]  }
0xd3: {  	v15 =	vld [tilespmem:s0+$0xFFFFFF30];
	[tilespmem:s29+$0xFFFFFFD0] =	vst v12;
	v12 =	vpop (erf)  }
0xd4: {  	(xrf2) =	vadd.scan.msk.f32 $0xffff, v3;
	v3 =	vmul.f32 $1.442695020e+00, v17;
	[tilespmem:s29+$0xFFFFFFC0] =	vst v9;
	v9 =	vld [tilespmem:s28+$0xFFFFFFA0];
	v8 =	vmul.f32 v12, v8  }
0xd5: {  	v17 =	vld [tilespmem:s28+$0xFFFFFFB0]  }
0xd6: {  	v23 =	vld [tilespmem:s0+$0xFFFFFFA0];
	v3 =	vbroadcast v3, $0xF;
	v19 =	vmul.f32 v12, v19  }
0xd7: {  	v24 =	vld [tilespmem:s0+$0xFFFFFFB0];
	v4 =	vmul.f32 v6, v4;
	v6 =	vmul.f32 v13, v22;
	[tilespmem:s29+$0x0] =	vst v8  }
0xd8: {  	v13 =	vld [tilespmem:s28+$0xFFFFFFE0];
	[tilespmem:s29+$0x10] =	vst v19;
	v8 =	vpop (erf);
	(erf) = vpow2.f32 v3  }
0xd9: {  	v4 =	vadd.f32 v6, v4;
	v6 =	vld [tilespmem:s0+$0x20];
	v3 =	vmul.f32 v8, v18;
	v19 =	vmul.f32 v8, v20;
	v20 =	vpop (erf)  }
0xda: {  	v18 =	vld [tilespmem:s28+$0xFFFFFFF0];
	v2 =	vmul.f32 v20, v2  }
0xdb: {  	(xrf2) =	vadd.scan.msk.f32 $0xffff, v4;
	v4 =	vld [tilespmem:s28+$0x20];
	v11 =	vmul.f32 v20, v11;
	[tilespmem:s29+$0x40] =	vst v3  }
0xdc: {  	v3 =	vmul.f32 v9, v14;
	v9 =	vld [tilespmem:s0+$0x30];
	v14 =	vmul.f32 v17, v15;
	[tilespmem:s29+$0xFFFFFF00] =	vst v2  }
0xdd: {  	v2 =	vld [tilespmem:s28+$0x30];
	[tilespmem:s29+$0xFFFFFF10] =	vst v11  }
0xde: {  	v3 =	vadd.f32 v14, v3;
	v15 =	vld [tilespmem:s0+$0xFFFFFE20]  }
0xdf: {  	v55 =	vld [tilespmem:s28+$0xFFFFFF30]  }
0xe0: {  	v13 =	vmul.f32 v13, v23;
	v17 =	vmul.f32 v18, v24;
	v18 =	vld [tilespmem:s28+$0xFFFFFF20];
	v14, _, _ =	vpop (xrf2);
	(xrf2) =	vadd.scan.msk.f32 $0xffff, v3  }
0xe1: {  	v3 =	vld [tilespmem:s0+$0xFFFFFE30];
	v14 =	vmul.f32 $1.442695020e+00, v14  }
0xe2: {  	v13 =	vadd.f32 v17, v13  }
0xe3: {  	[tilespmem:s29+$0x50] =	vst v19;
	v4 =	vmul.f32 v4, v6;
	v19 =	vpop (erf);
	v14 =	vbroadcast v14, $0xF  }
0xe4: {  	v2 =	vmul.f32 v2, v9;
	v7 =	vmul.f32 v19, v7;
	(xrf2) =	vadd.scan.msk.f32 $0xffff, v13  }
0xe5: {  	v56 =	vld [tilespmem:s0+$0x1F0];
	v6 =	vmul.f32 v19, v21;
	(erf) = vpow2.f32 v14  }
0xe6: {  	v11 =	vld [tilespmem:s0+$0xA0];
	[tilespmem:s29+$0x80] =	vst v7;
	v7 =	vmul.f32 v18, v15;
	v3 =	vmul.f32 v55, v3  }
0xe7: {  	v17 =	vld [tilespmem:s0+$0x1E0];
	v2 =	vadd.f32 v2, v4  }
0xe8: {  	v13 =	vld [tilespmem:s0+$0xB0];
	v4, _, _ =	vpop (xrf2);
	v3 =	vadd.f32 v3, v7  }
0xe9: {  	v14 =	vld [tilespmem:s28+$0x60];
	v4 =	vmul.f32 $1.442695020e+00, v4;
	(xrf2) =	vadd.scan.msk.f32 $0xffff, v2  }
0xea: {  	[tilespmem:s29+$0x90] =	vst v6;
	v15 =	vld [tilespmem:s28+$0x70];
	v6, _, _ =	vpop (xrf2);
	(xrf2) =	vadd.scan.msk.f32 $0xffff, v3  }
0xeb: {  	v2 =	vld [tilespmem:s0+$0x120];
	v4 =	vbroadcast v4, $0xF;
	v9 =	vmul.f32 $1.442695020e+00, v6  }
0xec: {  	v18 =	vld [tilespmem:s28+$0xA0]  }
0xed: {  	v57 =	vld [tilespmem:s28+$0xB0];
	v3 =	vbroadcast v9, $0xF  }
0xee: {  	v26 =	vnsel vm1, $0x0, v10;
	v7 =	vld [tilespmem:s0+$0x130];
	(erf) = vpow2.f32 v4;
	v10 =	vmul.f32 v14, v11;
	v59, _, _ =	vpop (xrf2)  }
0xef: {  	v4 =	vpop (erf);
	(erf) = vpow2.f32 v3;
	v3 =	vmul.f32 $1.442695020e+00, v59  }
0xf0: {  	v1 =	vnsel vm1, $0x0, v1;
	v58 =	vld [tilespmem:s0+$0xFFFFFEE0];
	v14 =	vmul.f32 v15, v13;
	v17 =	vmul.f32 v4, v17  }
0xf1: {  	v25 =	vld [tilespmem:s0+$0xFFFFFEF0];
	v11 =	vmul.f32 v4, v56;
	v1 =	vsel vm0, v4, v1  }
0xf2: {  	v60 =	vld [tilespmem:s0+$0xFFFFFF60];
	v2 =	vmul.f32 v18, v2;
	v10 =	vadd.f32 v14, v10;
	[tilespmem:s29+$0xE0] =	vst v17  }
0xf3: {  	s30 =	simm.s32 $0x8D80;
	v61 =	vld [tilespmem:s0+$0xFFFFFF70];
	v7 =	vmul.f32 v57, v7;
	v18 =	vbroadcast v3, $0xF;
	[tilespmem:s29+$0xF0] =	vst v11;
	v3, _, _ =	vpop (xrf2)  }
0xf4: {  	v13 =	vld [tilespmem:s0+$0xFFFFFFE0];
	[tilespmem:s30+$0x30] =	vst v1;
	v1, _, _ =	vpop (xrf2);
	(xrf2) =	vadd.scan.msk.f32 $0xffff, v10  }
0xf5: {  	v15 =	vld [tilespmem:s0+$0xFFFFFFF0];
	v7 =	vadd.f32 v7, v2  }
0xf6: {  	v6 =	vld [tilespmem:s0+$0xFFFFFE60];
	v4 =	vnsel vm1, $0x0, v16;
	(erf) = vpow2.f32 v18;
	v16 =	vmul.f32 $1.442695020e+00, v3  }
0xf7: {  	v14 =	vld [tilespmem:s0+$0x70]  }
0xf8: {  	v9 =	vld [tilespmem:s0+$0xFFFFFE70];
	v11 =	vpop (erf);
	(xrf2) =	vadd.scan.msk.f32 $0xffff, v7;
	v16 =	vbroadcast v16, $0xF  }
0xf9: {  	v3 =	vnsel vm1, $0x0, v12;
	v12 =	vld [tilespmem:s0+$0x60];
	v17 =	vmul.f32 v11, v58;
	v18 =	vmul.f32 v11, v25  }
0xfa: {  	v5 =	vnsel vm1, $0x0, v5;
	v10 =	vld [tilespmem:s0+$0xE0];
	v63 =	vmul.f32 $1.442695020e+00, v1;
	(erf) = vpow2.f32 v16  }
0xfb: {  	v62 =	vsel vm0, v11, v5;
	v11 =	vld [tilespmem:s0+$0xF0];
	v1 =	vnsel vm1, $0x0, v8;
	[tilespmem:s29+$0xFFFFFF60] =	vst v17;
	v8 =	vpop (erf)  }
0xfc: {  	v2 =	vnsel vm1, $0x0, v19;
	v7 =	vld [tilespmem:s0+$0x160];
	[tilespmem:s29+$0xFFFFFF70] =	vst v18;
	v17 =	vbroadcast v63, $0xF;
	v19 =	vmul.f32 v8, v60  }
0xfd: {  	s31 =	simm.s32 $0x0;
	v5 =	vnsel vm1, $0x0, v20;
	[tilespmem:s30+$0xFFFFFFD0] =	vst v62;
	v16 =	vsel vm0, v8, v26;
	v18 =	vmul.f32 v8, v61;
	v8 =	vld [tilespmem:s0+$0x170];
	s0 =	simm.s32 $0x740  }
.LBB2_5:
0xfe: {  	v20 =	vld [tilespmem:s0+$0x180];
	[tilespmem:s29+$0xFFFFFFA0] =	vst v19;
	(erf) = vpow2.f32 v17;
	v17, _, _ =	vpop (xrf2)  }
0xff: {  	s28 =	sadd.s32 $0x200, s28;
	v19 =	vld [tilespmem:s0+$0x190];
	[tilespmem:s29+$0xFFFFFFB0] =	vst v18;
	v17 =	vmul.f32 $1.442695020e+00, v17;
	v18 =	vpop (erf)  }
0x100: {  	v21 =	vld [tilespmem:s28+$0xC0];
	[tilespmem:s30+$0xFFFFFFE0] =	vst v16;
	v23 =	vmul.f32 v18, v13;
	v24 =	vmul.f32 v18, v15;
	v16 =	vsel vm0, v18, v4  }
0x101: {  	v18 =	vld [tilespmem:s28+$0xD0];
	v17 =	vbroadcast v17, $0xF  }
0x102: {  	v22 =	vld [tilespmem:s0+$0xFFFFFE10];
	[tilespmem:s29+$0xFFFFFFE0] =	vst v23;
	v13, _, _ =	vpop (xrf2)  }
0x103: {  	v4 =	vld [tilespmem:s28+$0xFFFFFF00];
	[tilespmem:s29+$0xFFFFFFF0] =	vst v24;
	v13 =	vmul.f32 $1.442695020e+00, v13;
	v15 =	vpop (erf);
	(erf) = vpow2.f32 v17  }
0x104: {  	v17 =	vld [tilespmem:s28+$0xFFFFFF10];
	[tilespmem:s30+$0xFFFFFFF0] =	vst v16;
	v12 =	vmul.f32 v15, v12;
	v23 =	vmul.f32 v15, v14;
	v3 =	vsel vm0, v15, v3  }
0x105: {  	v15 =	vld [tilespmem:s0+$0xFFFFFE80];
	v13 =	vbroadcast v13, $0xF  }
0x106: {  	v20 =	vmul.f32 v21, v20;
	v16 =	vld [tilespmem:s0+$0xFFFFFE90];
	v18 =	vmul.f32 v18, v19;
	[tilespmem:s29+$0x20] =	vst v12  }
0x107: {  	s31 =	sadd.s32 $0x8, s31;
	v12 =	vld [tilespmem:s28+$0xFFFFFF40];
	[tilespmem:s29+$0x30] =	vst v23;
	v14 =	vpop (erf);
	(erf) = vpow2.f32 v13  }
0x108: {  	p0 =	slt.u32 s31, $0x48;
	v13 =	vld [tilespmem:s28+$0xFFFFFF50];
	v18 =	vadd.f32 v18, v20;
	v6 =	vmul.f32 v14, v6;
	v9 =	vmul.f32 v14, v9;
	[tilespmem:s30+$0x0] =	vst v3  }
0x109: {  	v5 =	vsel vm0, v14, v5;
	v3 =	vmul.f32 v17, v22;
	v17 =	vld [tilespmem:s0+$0xFFFFFF00]  }
0x10a: {  	v14 =	vld [tilespmem:s0+$0xFFFFFF10];
	(xrf2) =	vadd.scan.msk.f32 $0xffff, v18;
	[tilespmem:s29+$0xFFFFFF20] =	vst v6  }
0x10b: {  	v6 =	vld [tilespmem:s28+$0xFFFFFF80];
	[tilespmem:s29+$0xFFFFFF30] =	vst v9  }
0x10c: {  	v9 =	vmul.f32 v12, v15;
	v12 =	vld [tilespmem:s28+$0xFFFFFF90];
	[tilespmem:s30+$0xFFFFFFC0] =	vst v5;
	v5 =	vpop (erf)  }
0x10d: {  	v13 =	vmul.f32 v13, v16;
	v15 =	vld [tilespmem:s0+$0xFFFFFF80];
	v10 =	vmul.f32 v5, v10;
	v1 =	vsel vm0, v5, v1  }
0x10e: {  	v18 =	vmul.f32 v5, v11;
	v16 =	vld [tilespmem:s0+$0xFFFFFF90]  }
0x10f: {  	v9 =	vadd.f32 v13, v9;
	v11 =	vld [tilespmem:s28+$0xFFFFFFC0];
	[tilespmem:s29+$0x60] =	vst v10  }
0x110: {  	v6 =	vmul.f32 v6, v17;
	v10 =	vld [tilespmem:s28+$0xFFFFFFD0];
	[tilespmem:s29+$0x70] =	vst v18;
	v5 =	vpop (erf)  }
0x111: {  	v12 =	vmul.f32 v12, v14;
	v13 =	vld [tilespmem:s0+$0x0];
	(xrf2) =	vadd.scan.msk.f32 $0xffff, v9;
	v7 =	vmul.f32 v5, v7;
	v2 =	vsel vm0, v5, v2  }
0x112: {  	v9 =	vld [tilespmem:s0+$0x10];
	[tilespmem:s30+$0x10] =	vst v1;
	v1 =	vmul.f32 v5, v8  }
0x113: {  	v5 =	vadd.f32 v12, v6;
	v6 =	vld [tilespmem:s28+$0x0];
	[tilespmem:s29+$0xA0] =	vst v7  }
0x114: {  	v7 =	vmul.f32 v11, v15;
	v8 =	vld [tilespmem:s28+$0x10];
	v11, _, _ =	vpop (xrf2);
	[tilespmem:s29+$0xB0] =	vst v1  }
0x115: {  	v1 =	vmul.f32 v10, v16;
	v10 =	vld [tilespmem:s0+$0x80];
	v11 =	vmul.f32 $1.442695020e+00, v11;
	(xrf2) =	vadd.scan.msk.f32 $0xffff, v5;
	[tilespmem:s30+$0x20] =	vst v2  }
0x116: {  	v2 =	vld [tilespmem:s0+$0x90]  }
0x117: {  	v1 =	vadd.f32 v1, v7;
	v5 =	vld [tilespmem:s28+$0x40];
	v7 =	vbroadcast v11, $0xF  }
0x118: {  	v6 =	vmul.f32 v6, v13;
	v11 =	vld [tilespmem:s28+$0x50]  }
0x119: {  	v12 =	vmul.f32 v8, v9;
	v9 =	vld [tilespmem:s0+$0x100];
	(xrf2) =	vadd.scan.msk.f32 $0xffff, v1;
	(erf) = vpow2.f32 v7  }
0x11a: {  	v1 =	vld [tilespmem:s0+$0x110]  }
0x11b: {  	v6 =	vadd.f32 v12, v6;
	v7 =	vld [tilespmem:s28+$0x80];
	v8, _, _ =	vpop (xrf2)  }
0x11c: {  	v8 =	vmul.f32 $1.442695020e+00, v8;
	v14 =	vmul.f32 v5, v10;
	v10 =	vld [tilespmem:s28+$0x90]  }
0x11d: {  	v12 =	vld [tilespmem:s0+$0xFFFFFE00];
	v2 =	vmul.f32 v11, v2;
	(xrf2) =	vadd.scan.msk.f32 $0xffff, v6  }
0x11e: {  	v6 =	vbroadcast v8, $0xF;
	v8 =	vld [tilespmem:s0+$0x1C0]  }
0x11f: {  	v11 =	vadd.f32 v2, v14;
	v13 =	vld [tilespmem:s0+$0x1D0];
	v5, _, _ =	vpop (xrf2)  }
0x120: {  	v2 =	vld [tilespmem:s0+$0xFFFFFE40];
	v14 =	vmul.f32 $1.442695020e+00, v5;
	v7 =	vmul.f32 v7, v9  }
0x121: {  	v5 =	vld [tilespmem:s0+$0xFFFFFE50];
	v1 =	vmul.f32 v10, v1;
	(erf) = vpow2.f32 v6;
	(xrf2) =	vadd.scan.msk.f32 $0xffff, v11  }
0x122: {  	v4 =	vmul.f32 v4, v12;
	v9 =	vld [tilespmem:s0+$0xFFFFFEC0];
	v10 =	vbroadcast v14, $0xF;
	v6 =	vpop (erf)  }
0x123: {  	v11 =	vld [tilespmem:s0+$0xFFFFFED0];
	v1 =	vadd.f32 v1, v7;
	v7 =	vmul.f32 v6, v8;
	v8, _, _ =	vpop (xrf2)  }
0x124: {  	s29 =	sadd.s32 $0x200, s29;
	v3 =	vadd.f32 v3, v4;
	v4 =	vld [tilespmem:s0+$0xFFFFFF40];
	v14 =	vmul.f32 $1.442695020e+00, v8;
	v12 =	vmul.f32 v6, v13  }
0x125: {  	v13 =	vld [tilespmem:s0+$0xFFFFFF50];
	[tilespmem:s29+$0xC0] =	vst v7;
	(erf) = vpow2.f32 v10  }
0x126: {  	v7 =	vbroadcast v14, $0xF;
	v10 =	vld [tilespmem:s0+$0xFFFFFFC0];
	[tilespmem:s29+$0xD0] =	vst v12;
	(xrf2) =	vadd.scan.msk.f32 $0xffff, v3  }
0x127: {  	v3 =	vld [tilespmem:s0+$0x1A0];
	v8, _, _ =	vpop (xrf2)  }
0x128: {  	v8 =	vmul.f32 $1.442695020e+00, v8;
	v12 =	vld [tilespmem:s0+$0x1B0];
	(erf) = vpow2.f32 v7  }
0x129: {  	v14 =	vld [tilespmem:s28+$0xE0];
	(xrf2) =	vadd.scan.msk.f32 $0xffff, v1  }
0x12a: {  	v1 =	vbroadcast v8, $0xF;
	v15 =	vld [tilespmem:s28+$0xF0];
	v7 =	vpop (erf)  }
0x12b: {  	v9 =	vmul.f32 v7, v9;
	v11 =	vmul.f32 v7, v11;
	v8 =	vnsel vm1, $0x0, v7;
	v16 =	vld [tilespmem:s0+$0xFFFFFFD0];
	v7, _, _ =	vpop (xrf2)  }
0x12c: {  	v17 =	vld [tilespmem:s0+$0x40];
	v7 =	vmul.f32 $1.442695020e+00, v7;
	(erf) = vpow2.f32 v1  }
0x12d: {  	[tilespmem:s29+$0xFFFFFF40] =	vst v9;
	v1 =	vld [tilespmem:s0+$0x50]  }
0x12e: {  	[tilespmem:s29+$0xFFFFFF50] =	vst v11;
	v9 =	vbroadcast v7, $0xF;
	v11 =	vld [tilespmem:s0+$0xC0];
	v18 =	vpop (erf)  }
0x12f: {  	v3 =	vmul.f32 v14, v3;
	v7 =	vnsel vm1, $0x0, v18;
	v19 =	vld [tilespmem:s0+$0xD0];
	v20 =	vmul.f32 v15, v12  }
0x130: {  	v4 =	vmul.f32 v18, v4;
	v14 =	vld [tilespmem:s0+$0x140];
	v15, _, _ =	vpop (xrf2);
	(erf) = vpow2.f32 v9  }
0x131: {  	v21 =	vmul.f32 v18, v13;
	v9 =	vmul.f32 $1.442695020e+00, v15;
	v15 =	vld [tilespmem:s0+$0x150];
	v3 =	vadd.f32 v20, v3;
	v12 =	vpop (erf)  }
0x132: {  	v18 =	vld [tilespmem:s0+$0xFFFFFEA0];
	[tilespmem:s29+$0xFFFFFF80] =	vst v4;
	v10 =	vmul.f32 v12, v10;
	v16 =	vmul.f32 v12, v16;
	v4 =	vnsel vm1, $0x0, v12  }
0x133: {  	v22 =	vbroadcast v9, $0xF;
	v12 =	vld [tilespmem:s0+$0xFFFFFEB0];
	[tilespmem:s29+$0xFFFFFF90] =	vst v21;
	v13, _, _ =	vpop (xrf2);
	(xrf2) =	vadd.scan.msk.f32 $0xffff, v3  }
0x134: {  	v20 =	vld [tilespmem:s28+$0xFFFFFF60];
	[tilespmem:s29+$0xFFFFFFC0] =	vst v10;
	v10 =	vmul.f32 $1.442695020e+00, v13  }
0x135: {  	v13 =	vld [tilespmem:s28+$0xFFFFFF70];
	[tilespmem:s29+$0xFFFFFFD0] =	vst v16;
	(erf) = vpow2.f32 v22;
	v9 =	vpop (erf)  }
0x136: {  	v16 =	vld [tilespmem:s0+$0xFFFFFF20];
	v17 =	vmul.f32 v9, v17;
	v3 =	vnsel vm1, $0x0, v9;
	v10 =	vbroadcast v10, $0xF  }
0x137: {  	v22 =	vmul.f32 v9, v1;
	v21 =	vld [tilespmem:s0+$0xFFFFFF30]  }
0x138: {  	v9 =	vld [tilespmem:s28+$0xFFFFFFA0];
	[tilespmem:s29+$0x0] =	vst v17;
	(erf) = vpow2.f32 v10  }
0x139: {  	v10 =	vmul.f32 v20, v18;
	v17 =	vld [tilespmem:s28+$0xFFFFFFB0];
	[tilespmem:s29+$0x10] =	vst v22;
	v1 =	vpop (erf)  }
0x13a: {  	v18 =	vld [tilespmem:s0+$0xFFFFFFA0];
	v11 =	vmul.f32 v1, v11;
	v19 =	vmul.f32 v1, v19;
	v1 =	vnsel vm1, $0x0, v1  }
0x13b: {  	v22 =	vmul.f32 v13, v12;
	v13 =	vld [tilespmem:s0+$0xFFFFFFB0]  }
0x13c: {  	v20 =	vld [tilespmem:s28+$0xFFFFFFE0];
	[tilespmem:s29+$0x40] =	vst v11  }
0x13d: {  	v10 =	vadd.f32 v22, v10;
	v9 =	vmul.f32 v9, v16;
	v11 =	vld [tilespmem:s28+$0xFFFFFFF0];
	[tilespmem:s29+$0x50] =	vst v19;
	v12, _, _ =	vpop (xrf2)  }
0x13e: {  	v16 =	vmul.f32 v17, v21;
	v17 =	vld [tilespmem:s0+$0x20];
	v12 =	vmul.f32 $1.442695020e+00, v12;
	v19 =	vpop (erf)  }
0x13f: {  	v22 =	vmul.f32 v19, v2;
	v21 =	vmul.f32 v19, v5;
	v5 =	vnsel vm1, $0x0, v19;
	v19 =	vld [tilespmem:s0+$0x30];
	(xrf2) =	vadd.scan.msk.f32 $0xffff, v10  }
0x140: {  	v9 =	vadd.f32 v16, v9;
	v10 =	vld [tilespmem:s28+$0x20];
	v12 =	vbroadcast v12, $0xF  }
0x141: {  	[tilespmem:s29+$0xFFFFFF00] =	vst v22;
	v16 =	vmul.f32 v20, v18;
	v18 =	vld [tilespmem:s28+$0x30];
	v2 =	vpop (erf)  }
0x142: {  	[tilespmem:s29+$0xFFFFFF10] =	vst v21;
	v20 =	vld [tilespmem:s0+$0xA0];
	v14 =	vmul.f32 v2, v14;
	(xrf2) =	vadd.scan.msk.f32 $0xffff, v9;
	(erf) = vpow2.f32 v12  }
0x143: {  	v11 =	vmul.f32 v11, v13;
	v12 =	vmul.f32 v2, v15;
	v2 =	vnsel vm1, $0x0, v2;
	v9 =	vld [tilespmem:s0+$0xFFFFFE20]  }
0x144: {  	v13 =	vld [tilespmem:s0+$0xFFFFFE30];
	[tilespmem:s29+$0x80] =	vst v14  }
0x145: {  	v11 =	vadd.f32 v11, v16;
	v14 =	vld [tilespmem:s28+$0xFFFFFF20];
	v10 =	vmul.f32 v10, v17;
	[tilespmem:s29+$0x90] =	vst v12  }
0x146: {  	v12 =	vld [tilespmem:s28+$0xFFFFFF30];
	v15 =	vmul.f32 v18, v19  }
0x147: {  	v16 =	vld [tilespmem:s0+$0x1E0];
	(xrf2) =	vadd.scan.msk.f32 $0xffff, v11  }
0x148: {  	v10 =	vadd.f32 v15, v10;
	v11 =	vld [tilespmem:s0+$0x1F0]  }
0x149: {  	v15 =	vld [tilespmem:s0+$0xB0];
	v17, _, _ =	vpop (xrf2)  }
0x14a: {  	v9 =	vmul.f32 v14, v9;
	v14 =	vmul.f32 $1.442695020e+00, v17;
	v17 =	vld [tilespmem:s28+$0x60];
	(xrf2) =	vadd.scan.msk.f32 $0xffff, v10  }
0x14b: {  	v10 =	vmul.f32 v12, v13;
	v12 =	vld [tilespmem:s28+$0x70];
	v13 =	vpop (erf)  }
0x14c: {  	v14 =	vbroadcast v14, $0xF;
	v18 =	vld [tilespmem:s0+$0x120];
	v16 =	vmul.f32 v13, v16;
	v19, _, _ =	vpop (xrf2)  }
0x14d: {  	v9 =	vadd.f32 v10, v9;
	v10 =	vmul.f32 $1.442695020e+00, v19;
	v19 =	vld [tilespmem:s0+$0x130];
	v11 =	vmul.f32 v13, v11  }
0x14e: {  	v6 =	vnsel vm1, $0x0, v6;
	v21 =	vld [tilespmem:s28+$0xA0];
	[tilespmem:s29+$0xE0] =	vst v16;
	(erf) = vpow2.f32 v14  }
0x14f: {  	s30 =	sadd.s32 $0x80, s30;
	v13 =	vsel vm0, v13, v6;
	v14 =	vmul.f32 v17, v20;
	v16 =	vld [tilespmem:s28+$0xB0];
	[tilespmem:s29+$0xF0] =	vst v11;
	(xrf2) =	vadd.scan.msk.f32 $0xffff, v9  }
0x150: {  	v10 =	vbroadcast v10, $0xF;
	v6 =	vld [tilespmem:s0+$0xFFFFFE60];
	v12 =	vmul.f32 v12, v15;
	[tilespmem:s30+$0x30] =	vst v13  }
0x151: {  	v9 =	vld [tilespmem:s0+$0xFFFFFE70];
	v11, _, _ =	vpop (xrf2)  }
0x152: {  	v17 =	vld [tilespmem:s0+$0xFFFFFEE0];
	v11 =	vmul.f32 $1.442695020e+00, v11;
	v12 =	vadd.f32 v12, v14;
	(erf) = vpow2.f32 v10  }
0x153: {  	v10 =	vld [tilespmem:s0+$0xFFFFFEF0];
	v14 =	vmul.f32 v21, v18  }
0x154: {  	v18 =	vld [tilespmem:s0+$0xFFFFFF60];
	v11 =	vbroadcast v11, $0xF;
	v15 =	vmul.f32 v16, v19;
	v13, _, _ =	vpop (xrf2);
	(xrf2) =	vadd.scan.msk.f32 $0xffff, v12  }
0x155: {  	v20 =	vld [tilespmem:s0+$0xFFFFFF70];
	v16 =	vmul.f32 $1.442695020e+00, v13  }
0x156: {  	v13 =	vld [tilespmem:s0+$0xFFFFFFE0];
	v14 =	vadd.f32 v15, v14;
	(erf) = vpow2.f32 v11  }
0x157: {  	v15 =	vld [tilespmem:s0+$0xFFFFFFF0];
	v11 =	vbroadcast v16, $0xF;
	v12 =	vpop (erf)  }
0x158: {  	v16 =	vmul.f32 v12, v17;
	v17 =	vmul.f32 v12, v10;
	v8 =	vsel vm0, v12, v8;
	v12 =	vld [tilespmem:s0+$0x60];
	(xrf2) =	vadd.scan.msk.f32 $0xffff, v14  }
.Ltmp1:
0x159: {  	v14 =	vld [tilespmem:s0+$0x70];
	v10, _, _ =	vpop (xrf2);
	(pc) =	sbr.rel @p0 .LBB2_5-.Ltmp1, $4  }
0x15a: {  	v19 =	vmul.f32 $1.442695020e+00, v10;
	[tilespmem:s29+$0xFFFFFF60] =	vst v16;
	v10 =	vld [tilespmem:s0+$0xE0];
	(erf) = vpow2.f32 v11  }
0x15b: {  	[tilespmem:s29+$0xFFFFFF70] =	vst v17;
	v11 =	vld [tilespmem:s0+$0xF0];
	v21 =	vpop (erf)  }
0x15c: {  	v17 =	vbroadcast v19, $0xF;
	[tilespmem:s30+$0xFFFFFFD0] =	vst v8;
	v19 =	vmul.f32 v21, v18;
	v16 =	vsel vm0, v21, v7;
	v7 =	vld [tilespmem:s0+$0x160]  }
0x15d: {  	v18 =	vmul.f32 v21, v20;
	v8 =	vld [tilespmem:s0+$0x170];
	s0 =	sadd.s32 $0x400, s0  }
0x15e: {  	v20, _, _ =	vpop (xrf2)  }
0x15f: {  	v20 =	vmul.f32 $1.442695020e+00, v20  }
0x160: {  	(erf) = vpow2.f32 v17;
	[tilespmem:s29+$0xFFFFFFA0] =	vst v19;
	v19 =	vpop (erf)  }
0x161: {  	v13 =	vmul.f32 v19, v13;
	v17 =	vbroadcast v20, $0xF;
	_ =	sdelay $0x1  }
0x162: {  	v20, _, _ =	vpop (xrf2);
	(erf) = vpow2.f32 v17  }
0x163: {  	v20 =	vmul.f32 $1.442695020e+00, v20  }
0x164: {  	v15 =	vmul.f32 v19, v15;
	[tilespmem:s29+$0xFFFFFFE0] =	vst v13;
	v13 =	vpop (erf)  }
0x165: {  	v12 =	vmul.f32 v13, v12;
	v17 =	vbroadcast v20, $0xF  }
0x166: {  	[tilespmem:s29+$0xFFFFFFB0] =	vst v18  }
0x167: {  	v4 =	vsel vm0, v19, v4;
	[tilespmem:s29+$0xFFFFFFF0] =	vst v15;
	(erf) = vpow2.f32 v17  }
0x168: {  	[tilespmem:s30+$0xFFFFFFF0] =	vst v4;
	v4 =	vmul.f32 v13, v14;
	v3 =	vsel vm0, v13, v3  }
0x169: {  	[tilespmem:s29+$0x20] =	vst v12;
	v12 =	vpop (erf)  }
0x16a: {  	[tilespmem:s29+$0x30] =	vst v4;
	v4 =	vmul.f32 v12, v6  }
0x16b: {  	[tilespmem:s30+$0x0] =	vst v3;
	v3 =	vpop (erf)  }
0x16c: {  	v6 =	vmul.f32 v12, v9;
	[tilespmem:s29+$0xFFFFFF20] =	vst v4;
	v4 =	vsel vm0, v12, v5;
	v5 =	vmul.f32 v3, v10  }
0x16d: {  	[tilespmem:s30+$0xFFFFFFE0] =	vst v16  }
0x16e: {  	[tilespmem:s29+$0xFFFFFF30] =	vst v6  }
0x16f: {  	[tilespmem:s30+$0xFFFFFFC0] =	vst v4;
	v4 =	vmul.f32 v3, v11  }
0x170: {  	[tilespmem:s29+$0x60] =	vst v5;
	v5 =	vpop (erf)  }
0x171: {  	v1 =	vsel vm0, v3, v1;
	[tilespmem:s29+$0x70] =	vst v4;
	v3 =	vmul.f32 v5, v7  }
0x172: {  	[tilespmem:s30+$0x10] =	vst v1;
	v1 =	vmul.f32 v5, v8  }
0x173: {  	[tilespmem:s29+$0xA0] =	vst v3  }
0x174: {  	v2 =	vsel vm0, v5, v2;
	[tilespmem:s29+$0xB0] =	vst v1  }
0x175: {  	[tilespmem:s30+$0x20] =	vst v2  }
0x176: {  	[spmem:s1] =	stream.indirect.scatter.add.f32 [tilespmem:s10], [sflag:$0x5], $0x40, s15, s16, $0xb8;
	[tilespmem:$0x15590] =	vst v63  }
0x177: {  	_ =	swait.ge [sflag:s13], $0x1400  }
0x178: {  	[sflag:s13] =	ssyncset.done $0x0  }
0x179: {  	p0 =	seq.s32 s25, $0x7C;
	[sflag:s13] =	ssyncadd.s32 $0xFFFFEC00  }
0x17a: {  	[spmem:s2] =	stream.indirect.scatter.add.f32 [tilespmem:s14], [sflag:$0x5], $0x10, s15, s16, $0xb8;
	[tilespmem:$0x15590] =	vst v63  }
0x17b: {  	s0 =	sadd.s32 @!p0 s26, s12;
	_ =	swait.ge [sflag:s13], $0x500  }
0x17c: {  	s0 =	sshrl.u32 @!p0 s0, $0x3;
	[sflag:s13] =	ssyncset.done $0x0  }
0x17d: {  	s28 =	simm.s32 @!p0 $0x0;
	s26 =	sadd.s32 @!p0 s7, s0;
	[sflag:s13] =	ssyncadd.s32 $0xFFFFFB00  }
0x17e: {  	[tilespmem:s28], [sflag:$0x5] =	stream.linear.gather @!p0 [hbm4b:s26+s28], $0x50, $0x38;
	[tilespmem:$0x15590] =	vst v63  }
0x17f: {  	s26 =	simm.s32 @!p0 $0x5  }
0x180: {  	_ =	swait.ge @!p0 [sflag:s26], $0x50  }
0x181: {  	[sflag:s26] =	ssyncset.done @!p0 $0x0  }
0x182: {  	s0 =	sadd.s32 @!p0 s8, s0;
	s29 =	simm.s32 @!p0 $0xA0;
	[sflag:s26] =	ssyncadd.s32 @!p0 $0xFFFFFFB0  }
0x183: {  	[tilespmem:s29], [sflag:$0x5] =	stream.linear.gather @!p0 [hbm4b:s0+s28], $0x50, $0x38;
	[tilespmem:$0x15590] =	vst v63  }
0x184: {  	_ =	swait.ge @!p0 [sflag:s26], $0x50  }
0x185: {  	[sflag:s26] =	ssyncset.done @!p0 $0x0  }
0x186: {  	s0 =	simm.s32 @!p0 $0x50;
	[sflag:s26] =	ssyncadd.s32 @!p0 $0xFFFFFFB0;
	s26 =	simm.s32 @!p0 $0x140  }
0x187: {  	[tilespmem:s26], [sflag:$0x1] =	stream.indirect.gather @!p0 [hbm4b:s5+s0], $0x80, s28, s0, $0xb8;
	[tilespmem:$0x15590] =	vst v63  }
0x188: {  	s26 =	simm.s32 @!p0 $0x5140  }
0x189: {  	[tilespmem:s26], [sflag:$0x3] =	stream.indirect.gather @!p0 [hbm4b:s6+s0], $0x40, s29, s0, $0xb8;
	[tilespmem:$0x15590] =	vst v63  }
0x18a: {  	_ =	swait.ge [sflag:s22], $0x2800  }
0x18b: {  	[sflag:s22] =	ssyncset.done $0x0  }
0x18c: {  	[sflag:s22] =	ssyncadd.s32 $0xFFFFD800  }
0x18d: {  	_ =	swait.ge [sflag:s23], $0x1400  }
0x18e: {  	[sflag:s23] =	ssyncset.done $0x0  }
0x18f: {  	s31 =	simm.s32 $0x2B40;
	[sflag:s23] =	ssyncadd.s32 $0xFFFFEC00  }
0x190: {  	v1 =	vld [tilespmem:s31+$0x180]  }
0x191: {  	s26 =	simm.s32 $0x6640;
	v2 =	vld [tilespmem:s31+$0x190]  }
0x192: {  	v3 =	vld [tilespmem:s26+$0xC0]  }
0x193: {  	v4 =	vld [tilespmem:s26+$0xD0]  }
0x194: {  	v5 =	vld [tilespmem:s31+$0xFFFFFE10]  }
0x195: {  	v6 =	vld [tilespmem:s26+$0xFFFFFF00]  }
0x196: {  	v7 =	vld [tilespmem:s26+$0xFFFFFF10]  }
0x197: {  	v8 =	vld [tilespmem:s31+$0xFFFFFE80]  }
0x198: {  	v9 =	vld [tilespmem:s31+$0xFFFFFE90]  }
0x199: {  	v10 =	vld [tilespmem:s31+$0xFFFFFF10];
	v1 =	vmul.f32 v3, v1;
	v2 =	vmul.f32 v4, v2  }
0x19a: {  	v11 =	vld [tilespmem:s26+$0xFFFFFF90]  }
0x19b: {  	v3 =	vld [tilespmem:s26+$0xFFFFFF40];
	v1 =	vadd.f32 v2, v1  }
0x19c: {  	v4 =	vld [tilespmem:s26+$0xFFFFFF50]  }
0x19d: {  	v12 =	vld [tilespmem:s31+$0xFFFFFF80];
	(xrf2) =	vadd.scan.msk.f32 $0xffff, v1  }
0x19e: {  	v13 =	vld [tilespmem:s31+$0xFFFFFF90]  }
0x19f: {  	v14 =	vld [tilespmem:s31+$0x10]  }
0x1a0: {  	v2 =	vld [tilespmem:s31+$0xFFFFFF00]  }
0x1a1: {  	v1 =	vld [tilespmem:s26+$0xFFFFFF80];
	v3 =	vmul.f32 v3, v8;
	v4 =	vmul.f32 v4, v9  }
0x1a2: {  	v8 =	vld [tilespmem:s26+$0xFFFFFFC0]  }
0x1a3: {  	v9 =	vld [tilespmem:s26+$0xFFFFFFD0];
	v3 =	vadd.f32 v4, v3  }
0x1a4: {  	v4 =	vld [tilespmem:s31+$0x0]  }
0x1a5: {  	(xrf2) =	vadd.scan.msk.f32 $0xffff, v3;
	v3 =	vld [tilespmem:s26+$0x0]  }
0x1a6: {  	v10 =	vmul.f32 v11, v10;
	v1 =	vmul.f32 v1, v2;
	v2 =	vld [tilespmem:s26+$0x10]  }
0x1a7: {  	v16 =	vld [tilespmem:s31+$0x90];
	v8 =	vmul.f32 v8, v12;
	v15, _, _ =	vpop (xrf2)  }
0x1a8: {  	v17 =	vld [tilespmem:s31+$0xFFFFFFD0];
	v9 =	vmul.f32 v9, v13;
	v1 =	vadd.f32 v10, v1;
	v15 =	vmul.f32 $1.442695020e+00, v15  }
0x1a9: {  	v11 =	vld [tilespmem:s31+$0x80]  }
0x1aa: {  	v10 =	vld [tilespmem:s26+$0x40];
	(xrf2) =	vadd.scan.msk.f32 $0xffff, v1;
	v1 =	vadd.f32 v9, v8;
	v15 =	vbroadcast v15, $0xF  }
0x1ab: {  	v9 =	vld [tilespmem:s31+$0xFFFFFE00];
	v3 =	vmul.f32 v3, v4;
	v2 =	vmul.f32 v2, v14  }
0x1ac: {  	v12 =	vld [tilespmem:s26+$0x50];
	(xrf2) =	vadd.scan.msk.f32 $0xffff, v1;
	(erf) = vpow2.f32 v15  }
0x1ad: {  	v19 =	vld [tilespmem:s31+$0x50];
	v2 =	vadd.f32 v2, v3  }
0x1ae: {  	v20 =	vld [tilespmem:s31+$0xD0]  }
0x1af: {  	v5 =	vmul.f32 v7, v5;
	v13 =	vld [tilespmem:s31+$0x100];
	v1, _, _ =	vpop (xrf2);
	(xrf2) =	vadd.scan.msk.f32 $0xffff, v2  }
0x1b0: {  	v8 =	vld [tilespmem:s26+$0x80];
	v10 =	vmul.f32 v10, v11;
	v6 =	vmul.f32 v6, v9  }
0x1b1: {  	v3 =	vld [tilespmem:s31+$0x1C0];
	v11 =	vmul.f32 v12, v16;
	v1 =	vmul.f32 $1.442695020e+00, v1  }
0x1b2: {  	v4 =	vld [tilespmem:s26+$0x90];
	v5 =	vadd.f32 v5, v6  }
0x1b3: {  	v12 =	vld [tilespmem:s31+$0x1D0];
	v10 =	vadd.f32 v11, v10;
	v14 =	vbroadcast v1, $0xF  }
0x1b4: {  	v15 =	vld [tilespmem:s31+$0x110];
	v9, _, _ =	vpop (xrf2)  }
0x1b5: {  	v21 =	vld [tilespmem:s31+$0x150];
	(xrf2) =	vadd.scan.msk.f32 $0xffff, v10;
	(erf) = vpow2.f32 v14;
	v1 =	vpop (erf)  }
0x1b6: {  	v7 =	vld [tilespmem:s31+$0xFFFFFEC0];
	(xrf2) =	vadd.scan.msk.f32 $0xffff, v5;
	v9 =	vmul.f32 $1.442695020e+00, v9;
	v5, _, _ =	vpop (xrf2);
	v3 =	vmul.f32 v1, v3  }
0x1b7: {  	s28 =	simm.s32 $0x7A40;
	v11 =	vld [tilespmem:s31+$0xFFFFFE50];
	v8 =	vmul.f32 v8, v13;
	v5 =	vmul.f32 $1.442695020e+00, v5  }
0x1b8: {  	v2 =	vld [tilespmem:s31+$0xFFFFFE40];
	v12 =	vmul.f32 v1, v12;
	[tilespmem:s28+$0xC0] =	vst v3;
	v3 =	vbroadcast v9, $0xF  }
0x1b9: {  	v10 =	vld [tilespmem:s31+$0xFFFFFED0];
	v4 =	vmul.f32 v4, v15;
	v5 =	vbroadcast v5, $0xF;
	v15, _, _ =	vpop (xrf2)  }
0x1ba: {  	v6 =	vld [tilespmem:s31+$0xFFFFFF40];
	v15 =	vmul.f32 $1.442695020e+00, v15;
	[tilespmem:s28+$0xD0] =	vst v12;
	(erf) = vpow2.f32 v3  }
0x1bb: {  	v12 =	vld [tilespmem:s31+$0x1A0];
	(erf) = vpow2.f32 v5  }
0x1bc: {  	v4 =	vadd.f32 v4, v8;
	v13 =	vld [tilespmem:s26+$0xE0];
	v15 =	vbroadcast v15, $0xF  }
0x1bd: {  	v16 =	vld [tilespmem:s26+$0xF0]  }
0x1be: {  	(xrf2) =	vadd.scan.msk.f32 $0xffff, v4;
	v3 =	vld [tilespmem:s31+$0x1B0];
	v5 =	vpop (erf)  }
0x1bf: {  	v14 =	vld [tilespmem:s31+$0xFFFFFF50];
	v18, _, _ =	vpop (xrf2);
	v4 =	vmul.f32 v5, v7;
	v10 =	vmul.f32 v5, v10  }
0x1c0: {  	v8 =	vld [tilespmem:s31+$0x40];
	v7 =	vmul.f32 $1.442695020e+00, v18;
	(erf) = vpow2.f32 v15;
	v15, _, _ =	vpop (xrf2)  }
0x1c1: {  	v9 =	vld [tilespmem:s31+$0xFFFFFFC0];
	v15 =	vmul.f32 $1.442695020e+00, v15  }
0x1c2: {  	v18 =	vld [tilespmem:s31+$0xC0];
	[tilespmem:s28+$0xFFFFFF40] =	vst v4;
	v4 =	vbroadcast v7, $0xF;
	v12 =	vmul.f32 v13, v12  }
0x1c3: {  	v7 =	vld [tilespmem:s31+$0x140];
	[tilespmem:s28+$0xFFFFFF50] =	vst v10;
	v3 =	vmul.f32 v16, v3;
	v15 =	vbroadcast v15, $0xF;
	v10 =	vpop (erf)  }
0x1c4: {  	v22 =	vld [tilespmem:s31+$0xFFFFFEB0];
	(erf) = vpow2.f32 v4;
	v6 =	vmul.f32 v10, v6;
	v16 =	vpop (erf)  }
0x1c5: {  	v13 =	vld [tilespmem:s26+$0xFFFFFF70];
	v3 =	vadd.f32 v3, v12;
	v14 =	vmul.f32 v10, v14;
	v12 =	vmul.f32 v16, v17  }
0x1c6: {  	v4 =	vld [tilespmem:s31+$0xFFFFFEA0];
	(erf) = vpow2.f32 v15;
	[tilespmem:s28+$0xFFFFFF80] =	vst v6  }
0x1c7: {  	v6 =	vld [tilespmem:s26+$0xFFFFFF60];
	[tilespmem:s28+$0xFFFFFF90] =	vst v14  }
0x1c8: {  	v9 =	vmul.f32 v16, v9;
	v17, _, _ =	vpop (xrf2);
	v14 =	vld [tilespmem:s31+$0xFFFFFF20]  }
0x1c9: {  	v15 =	vld [tilespmem:s31+$0xFFFFFF30];
	[tilespmem:s28+$0xFFFFFFD0] =	vst v12;
	v12 =	vpop (erf)  }
0x1ca: {  	(xrf2) =	vadd.scan.msk.f32 $0xffff, v3;
	v3 =	vmul.f32 $1.442695020e+00, v17;
	[tilespmem:s28+$0xFFFFFFC0] =	vst v9;
	v9 =	vld [tilespmem:s26+$0xFFFFFFA0];
	v8 =	vmul.f32 v12, v8  }
0x1cb: {  	v17 =	vld [tilespmem:s26+$0xFFFFFFB0]  }
0x1cc: {  	v23 =	vld [tilespmem:s31+$0xFFFFFFA0];
	v3 =	vbroadcast v3, $0xF;
	v19 =	vmul.f32 v12, v19  }
0x1cd: {  	v24 =	vld [tilespmem:s31+$0xFFFFFFB0];
	v4 =	vmul.f32 v6, v4;
	v6 =	vmul.f32 v13, v22;
	[tilespmem:s28+$0x0] =	vst v8  }
0x1ce: {  	v13 =	vld [tilespmem:s26+$0xFFFFFFE0];
	[tilespmem:s28+$0x10] =	vst v19;
	v8 =	vpop (erf);
	(erf) = vpow2.f32 v3  }
0x1cf: {  	v4 =	vadd.f32 v6, v4;
	v6 =	vld [tilespmem:s31+$0x20];
	v3 =	vmul.f32 v8, v18;
	v19 =	vmul.f32 v8, v20;
	v20 =	vpop (erf)  }
0x1d0: {  	v18 =	vld [tilespmem:s26+$0xFFFFFFF0];
	v2 =	vmul.f32 v20, v2  }
0x1d1: {  	(xrf2) =	vadd.scan.msk.f32 $0xffff, v4;
	v4 =	vld [tilespmem:s26+$0x20];
	v11 =	vmul.f32 v20, v11;
	[tilespmem:s28+$0x40] =	vst v3  }
0x1d2: {  	v3 =	vmul.f32 v9, v14;
	v9 =	vld [tilespmem:s31+$0x30];
	v14 =	vmul.f32 v17, v15;
	[tilespmem:s28+$0xFFFFFF00] =	vst v2  }
0x1d3: {  	v2 =	vld [tilespmem:s26+$0x30];
	[tilespmem:s28+$0xFFFFFF10] =	vst v11  }
0x1d4: {  	v3 =	vadd.f32 v14, v3;
	v15 =	vld [tilespmem:s31+$0xFFFFFE20]  }
0x1d5: {  	v55 =	vld [tilespmem:s26+$0xFFFFFF30]  }
0x1d6: {  	v13 =	vmul.f32 v13, v23;
	v17 =	vmul.f32 v18, v24;
	v18 =	vld [tilespmem:s26+$0xFFFFFF20];
	v14, _, _ =	vpop (xrf2);
	(xrf2) =	vadd.scan.msk.f32 $0xffff, v3  }
0x1d7: {  	v3 =	vld [tilespmem:s31+$0xFFFFFE30];
	v14 =	vmul.f32 $1.442695020e+00, v14  }
0x1d8: {  	v13 =	vadd.f32 v17, v13  }
0x1d9: {  	[tilespmem:s28+$0x50] =	vst v19;
	v4 =	vmul.f32 v4, v6;
	v19 =	vpop (erf);
	v14 =	vbroadcast v14, $0xF  }
0x1da: {  	v2 =	vmul.f32 v2, v9;
	v7 =	vmul.f32 v19, v7;
	(xrf2) =	vadd.scan.msk.f32 $0xffff, v13  }
0x1db: {  	v56 =	vld [tilespmem:s31+$0x1F0];
	v6 =	vmul.f32 v19, v21;
	(erf) = vpow2.f32 v14  }
0x1dc: {  	v11 =	vld [tilespmem:s31+$0xA0];
	[tilespmem:s28+$0x80] =	vst v7;
	v7 =	vmul.f32 v18, v15;
	v3 =	vmul.f32 v55, v3  }
0x1dd: {  	v17 =	vld [tilespmem:s31+$0x1E0];
	v2 =	vadd.f32 v2, v4  }
0x1de: {  	v13 =	vld [tilespmem:s31+$0xB0];
	v4, _, _ =	vpop (xrf2);
	v3 =	vadd.f32 v3, v7  }
0x1df: {  	v14 =	vld [tilespmem:s26+$0x60];
	v4 =	vmul.f32 $1.442695020e+00, v4;
	(xrf2) =	vadd.scan.msk.f32 $0xffff, v2  }
0x1e0: {  	[tilespmem:s28+$0x90] =	vst v6;
	v15 =	vld [tilespmem:s26+$0x70];
	v6, _, _ =	vpop (xrf2);
	(xrf2) =	vadd.scan.msk.f32 $0xffff, v3  }
0x1e1: {  	v2 =	vld [tilespmem:s31+$0x120];
	v4 =	vbroadcast v4, $0xF;
	v9 =	vmul.f32 $1.442695020e+00, v6  }
0x1e2: {  	v18 =	vld [tilespmem:s26+$0xA0]  }
0x1e3: {  	v57 =	vld [tilespmem:s26+$0xB0];
	v3 =	vbroadcast v9, $0xF  }
0x1e4: {  	v26 =	vnsel vm1, $0x0, v10;
	v7 =	vld [tilespmem:s31+$0x130];
	(erf) = vpow2.f32 v4;
	v10 =	vmul.f32 v14, v11;
	v59, _, _ =	vpop (xrf2)  }
0x1e5: {  	v4 =	vpop (erf);
	(erf) = vpow2.f32 v3;
	v3 =	vmul.f32 $1.442695020e+00, v59  }
0x1e6: {  	v1 =	vnsel vm1, $0x0, v1;
	v58 =	vld [tilespmem:s31+$0xFFFFFEE0];
	v14 =	vmul.f32 v15, v13;
	v17 =	vmul.f32 v4, v17  }
0x1e7: {  	v25 =	vld [tilespmem:s31+$0xFFFFFEF0];
	v11 =	vmul.f32 v4, v56;
	v1 =	vsel vm0, v4, v1  }
0x1e8: {  	v60 =	vld [tilespmem:s31+$0xFFFFFF60];
	v2 =	vmul.f32 v18, v2;
	v10 =	vadd.f32 v14, v10;
	[tilespmem:s28+$0xE0] =	vst v17  }
0x1e9: {  	s29 =	simm.s32 $0x8D80;
	v61 =	vld [tilespmem:s31+$0xFFFFFF70];
	v7 =	vmul.f32 v57, v7;
	v18 =	vbroadcast v3, $0xF;
	[tilespmem:s28+$0xF0] =	vst v11;
	v3, _, _ =	vpop (xrf2)  }
0x1ea: {  	v13 =	vld [tilespmem:s31+$0xFFFFFFE0];
	[tilespmem:s29+$0x30] =	vst v1;
	v1, _, _ =	vpop (xrf2);
	(xrf2) =	vadd.scan.msk.f32 $0xffff, v10  }
0x1eb: {  	v15 =	vld [tilespmem:s31+$0xFFFFFFF0];
	v7 =	vadd.f32 v7, v2  }
0x1ec: {  	v6 =	vld [tilespmem:s31+$0xFFFFFE60];
	v4 =	vnsel vm1, $0x0, v16;
	(erf) = vpow2.f32 v18;
	v16 =	vmul.f32 $1.442695020e+00, v3  }
0x1ed: {  	v14 =	vld [tilespmem:s31+$0x70]  }
0x1ee: {  	v9 =	vld [tilespmem:s31+$0xFFFFFE70];
	v11 =	vpop (erf);
	(xrf2) =	vadd.scan.msk.f32 $0xffff, v7;
	v16 =	vbroadcast v16, $0xF  }
0x1ef: {  	v3 =	vnsel vm1, $0x0, v12;
	v12 =	vld [tilespmem:s31+$0x60];
	v17 =	vmul.f32 v11, v58;
	v18 =	vmul.f32 v11, v25  }
0x1f0: {  	v5 =	vnsel vm1, $0x0, v5;
	v10 =	vld [tilespmem:s31+$0xE0];
	v63 =	vmul.f32 $1.442695020e+00, v1;
	(erf) = vpow2.f32 v16  }
0x1f1: {  	v62 =	vsel vm0, v11, v5;
	v11 =	vld [tilespmem:s31+$0xF0];
	v1 =	vnsel vm1, $0x0, v8;
	[tilespmem:s28+$0xFFFFFF60] =	vst v17;
	v8 =	vpop (erf)  }
0x1f2: {  	v2 =	vnsel vm1, $0x0, v19;
	v7 =	vld [tilespmem:s31+$0x160];
	[tilespmem:s28+$0xFFFFFF70] =	vst v18;
	v17 =	vbroadcast v63, $0xF;
	v19 =	vmul.f32 v8, v60  }
0x1f3: {  	s30 =	simm.s32 $0x0;
	s0 =	simm.s32 $0x2F40;
	v5 =	vnsel vm1, $0x0, v20;
	[tilespmem:s29+$0xFFFFFFD0] =	vst v62;
	v16 =	vsel vm0, v8, v26;
	v18 =	vmul.f32 v8, v61;
	v8 =	vld [tilespmem:s31+$0x170]  }
.LBB2_7:
0x1f4: {  	v20 =	vld [tilespmem:s0+$0x180];
	[tilespmem:s28+$0xFFFFFFA0] =	vst v19;
	(erf) = vpow2.f32 v17;
	v17, _, _ =	vpop (xrf2)  }
0x1f5: {  	s26 =	sadd.s32 $0x200, s26;
	v19 =	vld [tilespmem:s0+$0x190];
	[tilespmem:s28+$0xFFFFFFB0] =	vst v18;
	v17 =	vmul.f32 $1.442695020e+00, v17;
	v18 =	vpop (erf)  }
0x1f6: {  	v21 =	vld [tilespmem:s26+$0xC0];
	[tilespmem:s29+$0xFFFFFFE0] =	vst v16;
	v23 =	vmul.f32 v18, v13;
	v24 =	vmul.f32 v18, v15;
	v16 =	vsel vm0, v18, v4  }
0x1f7: {  	v18 =	vld [tilespmem:s26+$0xD0];
	v17 =	vbroadcast v17, $0xF  }
0x1f8: {  	v22 =	vld [tilespmem:s0+$0xFFFFFE10];
	[tilespmem:s28+$0xFFFFFFE0] =	vst v23;
	v13, _, _ =	vpop (xrf2)  }
0x1f9: {  	v4 =	vld [tilespmem:s26+$0xFFFFFF00];
	[tilespmem:s28+$0xFFFFFFF0] =	vst v24;
	v13 =	vmul.f32 $1.442695020e+00, v13;
	v15 =	vpop (erf);
	(erf) = vpow2.f32 v17  }
0x1fa: {  	v17 =	vld [tilespmem:s26+$0xFFFFFF10];
	[tilespmem:s29+$0xFFFFFFF0] =	vst v16;
	v12 =	vmul.f32 v15, v12;
	v23 =	vmul.f32 v15, v14;
	v3 =	vsel vm0, v15, v3  }
0x1fb: {  	v15 =	vld [tilespmem:s0+$0xFFFFFE80];
	v13 =	vbroadcast v13, $0xF  }
0x1fc: {  	v20 =	vmul.f32 v21, v20;
	v16 =	vld [tilespmem:s0+$0xFFFFFE90];
	v18 =	vmul.f32 v18, v19;
	[tilespmem:s28+$0x20] =	vst v12  }
0x1fd: {  	s30 =	sadd.s32 $0x8, s30;
	v12 =	vld [tilespmem:s26+$0xFFFFFF40];
	[tilespmem:s28+$0x30] =	vst v23;
	v14 =	vpop (erf);
	(erf) = vpow2.f32 v13  }
0x1fe: {  	p0 =	slt.u32 s30, $0x48;
	v13 =	vld [tilespmem:s26+$0xFFFFFF50];
	v18 =	vadd.f32 v18, v20;
	v6 =	vmul.f32 v14, v6;
	v9 =	vmul.f32 v14, v9;
	[tilespmem:s29+$0x0] =	vst v3  }
0x1ff: {  	v5 =	vsel vm0, v14, v5;
	v3 =	vmul.f32 v17, v22;
	v17 =	vld [tilespmem:s0+$0xFFFFFF00]  }
0x200: {  	v14 =	vld [tilespmem:s0+$0xFFFFFF10];
	(xrf2) =	vadd.scan.msk.f32 $0xffff, v18;
	[tilespmem:s28+$0xFFFFFF20] =	vst v6  }
0x201: {  	v6 =	vld [tilespmem:s26+$0xFFFFFF80];
	[tilespmem:s28+$0xFFFFFF30] =	vst v9  }
0x202: {  	v9 =	vmul.f32 v12, v15;
	v12 =	vld [tilespmem:s26+$0xFFFFFF90];
	[tilespmem:s29+$0xFFFFFFC0] =	vst v5;
	v5 =	vpop (erf)  }
0x203: {  	v13 =	vmul.f32 v13, v16;
	v15 =	vld [tilespmem:s0+$0xFFFFFF80];
	v10 =	vmul.f32 v5, v10;
	v1 =	vsel vm0, v5, v1  }
0x204: {  	v18 =	vmul.f32 v5, v11;
	v16 =	vld [tilespmem:s0+$0xFFFFFF90]  }
0x205: {  	v9 =	vadd.f32 v13, v9;
	v11 =	vld [tilespmem:s26+$0xFFFFFFC0];
	[tilespmem:s28+$0x60] =	vst v10  }
0x206: {  	v6 =	vmul.f32 v6, v17;
	v10 =	vld [tilespmem:s26+$0xFFFFFFD0];
	[tilespmem:s28+$0x70] =	vst v18;
	v5 =	vpop (erf)  }
0x207: {  	v12 =	vmul.f32 v12, v14;
	v13 =	vld [tilespmem:s0+$0x0];
	(xrf2) =	vadd.scan.msk.f32 $0xffff, v9;
	v7 =	vmul.f32 v5, v7;
	v2 =	vsel vm0, v5, v2  }
0x208: {  	v9 =	vld [tilespmem:s0+$0x10];
	[tilespmem:s29+$0x10] =	vst v1;
	v1 =	vmul.f32 v5, v8  }
0x209: {  	v5 =	vadd.f32 v12, v6;
	v6 =	vld [tilespmem:s26+$0x0];
	[tilespmem:s28+$0xA0] =	vst v7  }
0x20a: {  	v7 =	vmul.f32 v11, v15;
	v8 =	vld [tilespmem:s26+$0x10];
	v11, _, _ =	vpop (xrf2);
	[tilespmem:s28+$0xB0] =	vst v1  }
0x20b: {  	v1 =	vmul.f32 v10, v16;
	v10 =	vld [tilespmem:s0+$0x80];
	v11 =	vmul.f32 $1.442695020e+00, v11;
	(xrf2) =	vadd.scan.msk.f32 $0xffff, v5;
	[tilespmem:s29+$0x20] =	vst v2  }
0x20c: {  	v2 =	vld [tilespmem:s0+$0x90]  }
0x20d: {  	v1 =	vadd.f32 v1, v7;
	v5 =	vld [tilespmem:s26+$0x40];
	v7 =	vbroadcast v11, $0xF  }
0x20e: {  	v6 =	vmul.f32 v6, v13;
	v11 =	vld [tilespmem:s26+$0x50]  }
0x20f: {  	v12 =	vmul.f32 v8, v9;
	v9 =	vld [tilespmem:s0+$0x100];
	(xrf2) =	vadd.scan.msk.f32 $0xffff, v1;
	(erf) = vpow2.f32 v7  }
0x210: {  	v1 =	vld [tilespmem:s0+$0x110]  }
0x211: {  	v6 =	vadd.f32 v12, v6;
	v7 =	vld [tilespmem:s26+$0x80];
	v8, _, _ =	vpop (xrf2)  }
0x212: {  	v8 =	vmul.f32 $1.442695020e+00, v8;
	v14 =	vmul.f32 v5, v10;
	v10 =	vld [tilespmem:s26+$0x90]  }
0x213: {  	v12 =	vld [tilespmem:s0+$0xFFFFFE00];
	v2 =	vmul.f32 v11, v2;
	(xrf2) =	vadd.scan.msk.f32 $0xffff, v6  }
0x214: {  	v6 =	vbroadcast v8, $0xF;
	v8 =	vld [tilespmem:s0+$0x1C0]  }
0x215: {  	v11 =	vadd.f32 v2, v14;
	v13 =	vld [tilespmem:s0+$0x1D0];
	v5, _, _ =	vpop (xrf2)  }
0x216: {  	v2 =	vld [tilespmem:s0+$0xFFFFFE40];
	v14 =	vmul.f32 $1.442695020e+00, v5;
	v7 =	vmul.f32 v7, v9  }
0x217: {  	v5 =	vld [tilespmem:s0+$0xFFFFFE50];
	v1 =	vmul.f32 v10, v1;
	(erf) = vpow2.f32 v6;
	(xrf2) =	vadd.scan.msk.f32 $0xffff, v11  }
0x218: {  	v4 =	vmul.f32 v4, v12;
	v9 =	vld [tilespmem:s0+$0xFFFFFEC0];
	v10 =	vbroadcast v14, $0xF;
	v6 =	vpop (erf)  }
0x219: {  	v11 =	vld [tilespmem:s0+$0xFFFFFED0];
	v1 =	vadd.f32 v1, v7;
	v7 =	vmul.f32 v6, v8;
	v8, _, _ =	vpop (xrf2)  }
0x21a: {  	s28 =	sadd.s32 $0x200, s28;
	v3 =	vadd.f32 v3, v4;
	v4 =	vld [tilespmem:s0+$0xFFFFFF40];
	v14 =	vmul.f32 $1.442695020e+00, v8;
	v12 =	vmul.f32 v6, v13  }
0x21b: {  	v13 =	vld [tilespmem:s0+$0xFFFFFF50];
	[tilespmem:s28+$0xC0] =	vst v7;
	(erf) = vpow2.f32 v10  }
0x21c: {  	v7 =	vbroadcast v14, $0xF;
	v10 =	vld [tilespmem:s0+$0xFFFFFFC0];
	[tilespmem:s28+$0xD0] =	vst v12;
	(xrf2) =	vadd.scan.msk.f32 $0xffff, v3  }
0x21d: {  	v3 =	vld [tilespmem:s0+$0x1A0];
	v8, _, _ =	vpop (xrf2)  }
0x21e: {  	v8 =	vmul.f32 $1.442695020e+00, v8;
	v12 =	vld [tilespmem:s0+$0x1B0];
	(erf) = vpow2.f32 v7  }
0x21f: {  	v14 =	vld [tilespmem:s26+$0xE0];
	(xrf2) =	vadd.scan.msk.f32 $0xffff, v1  }
0x220: {  	v1 =	vbroadcast v8, $0xF;
	v15 =	vld [tilespmem:s26+$0xF0];
	v7 =	vpop (erf)  }
0x221: {  	v9 =	vmul.f32 v7, v9;
	v11 =	vmul.f32 v7, v11;
	v8 =	vnsel vm1, $0x0, v7;
	v16 =	vld [tilespmem:s0+$0xFFFFFFD0];
	v7, _, _ =	vpop (xrf2)  }
0x222: {  	v17 =	vld [tilespmem:s0+$0x40];
	v7 =	vmul.f32 $1.442695020e+00, v7;
	(erf) = vpow2.f32 v1  }
0x223: {  	[tilespmem:s28+$0xFFFFFF40] =	vst v9;
	v1 =	vld [tilespmem:s0+$0x50]  }
0x224: {  	[tilespmem:s28+$0xFFFFFF50] =	vst v11;
	v9 =	vbroadcast v7, $0xF;
	v11 =	vld [tilespmem:s0+$0xC0];
	v18 =	vpop (erf)  }
0x225: {  	v3 =	vmul.f32 v14, v3;
	v7 =	vnsel vm1, $0x0, v18;
	v19 =	vld [tilespmem:s0+$0xD0];
	v20 =	vmul.f32 v15, v12  }
0x226: {  	v4 =	vmul.f32 v18, v4;
	v14 =	vld [tilespmem:s0+$0x140];
	v15, _, _ =	vpop (xrf2);
	(erf) = vpow2.f32 v9  }
0x227: {  	v21 =	vmul.f32 v18, v13;
	v9 =	vmul.f32 $1.442695020e+00, v15;
	v15 =	vld [tilespmem:s0+$0x150];
	v3 =	vadd.f32 v20, v3;
	v12 =	vpop (erf)  }
0x228: {  	v18 =	vld [tilespmem:s0+$0xFFFFFEA0];
	[tilespmem:s28+$0xFFFFFF80] =	vst v4;
	v10 =	vmul.f32 v12, v10;
	v16 =	vmul.f32 v12, v16;
	v4 =	vnsel vm1, $0x0, v12  }
0x229: {  	v22 =	vbroadcast v9, $0xF;
	v12 =	vld [tilespmem:s0+$0xFFFFFEB0];
	[tilespmem:s28+$0xFFFFFF90] =	vst v21;
	v13, _, _ =	vpop (xrf2);
	(xrf2) =	vadd.scan.msk.f32 $0xffff, v3  }
0x22a: {  	v20 =	vld [tilespmem:s26+$0xFFFFFF60];
	[tilespmem:s28+$0xFFFFFFC0] =	vst v10;
	v10 =	vmul.f32 $1.442695020e+00, v13  }
0x22b: {  	v13 =	vld [tilespmem:s26+$0xFFFFFF70];
	[tilespmem:s28+$0xFFFFFFD0] =	vst v16;
	(erf) = vpow2.f32 v22;
	v9 =	vpop (erf)  }
0x22c: {  	v16 =	vld [tilespmem:s0+$0xFFFFFF20];
	v17 =	vmul.f32 v9, v17;
	v3 =	vnsel vm1, $0x0, v9;
	v10 =	vbroadcast v10, $0xF  }
0x22d: {  	v22 =	vmul.f32 v9, v1;
	v21 =	vld [tilespmem:s0+$0xFFFFFF30]  }
0x22e: {  	v9 =	vld [tilespmem:s26+$0xFFFFFFA0];
	[tilespmem:s28+$0x0] =	vst v17;
	(erf) = vpow2.f32 v10  }
0x22f: {  	v10 =	vmul.f32 v20, v18;
	v17 =	vld [tilespmem:s26+$0xFFFFFFB0];
	[tilespmem:s28+$0x10] =	vst v22;
	v1 =	vpop (erf)  }
0x230: {  	v18 =	vld [tilespmem:s0+$0xFFFFFFA0];
	v11 =	vmul.f32 v1, v11;
	v19 =	vmul.f32 v1, v19;
	v1 =	vnsel vm1, $0x0, v1  }
0x231: {  	v22 =	vmul.f32 v13, v12;
	v13 =	vld [tilespmem:s0+$0xFFFFFFB0]  }
0x232: {  	v20 =	vld [tilespmem:s26+$0xFFFFFFE0];
	[tilespmem:s28+$0x40] =	vst v11  }
0x233: {  	v10 =	vadd.f32 v22, v10;
	v9 =	vmul.f32 v9, v16;
	v11 =	vld [tilespmem:s26+$0xFFFFFFF0];
	[tilespmem:s28+$0x50] =	vst v19;
	v12, _, _ =	vpop (xrf2)  }
0x234: {  	v16 =	vmul.f32 v17, v21;
	v17 =	vld [tilespmem:s0+$0x20];
	v12 =	vmul.f32 $1.442695020e+00, v12;
	v19 =	vpop (erf)  }
0x235: {  	v22 =	vmul.f32 v19, v2;
	v21 =	vmul.f32 v19, v5;
	v5 =	vnsel vm1, $0x0, v19;
	v19 =	vld [tilespmem:s0+$0x30];
	(xrf2) =	vadd.scan.msk.f32 $0xffff, v10  }
0x236: {  	v9 =	vadd.f32 v16, v9;
	v10 =	vld [tilespmem:s26+$0x20];
	v12 =	vbroadcast v12, $0xF  }
0x237: {  	[tilespmem:s28+$0xFFFFFF00] =	vst v22;
	v16 =	vmul.f32 v20, v18;
	v18 =	vld [tilespmem:s26+$0x30];
	v2 =	vpop (erf)  }
0x238: {  	[tilespmem:s28+$0xFFFFFF10] =	vst v21;
	v20 =	vld [tilespmem:s0+$0xA0];
	v14 =	vmul.f32 v2, v14;
	(xrf2) =	vadd.scan.msk.f32 $0xffff, v9;
	(erf) = vpow2.f32 v12  }
0x239: {  	v11 =	vmul.f32 v11, v13;
	v12 =	vmul.f32 v2, v15;
	v2 =	vnsel vm1, $0x0, v2;
	v9 =	vld [tilespmem:s0+$0xFFFFFE20]  }
0x23a: {  	v13 =	vld [tilespmem:s0+$0xFFFFFE30];
	[tilespmem:s28+$0x80] =	vst v14  }
0x23b: {  	v11 =	vadd.f32 v11, v16;
	v14 =	vld [tilespmem:s26+$0xFFFFFF20];
	v10 =	vmul.f32 v10, v17;
	[tilespmem:s28+$0x90] =	vst v12  }
0x23c: {  	v12 =	vld [tilespmem:s26+$0xFFFFFF30];
	v15 =	vmul.f32 v18, v19  }
0x23d: {  	v16 =	vld [tilespmem:s0+$0x1E0];
	(xrf2) =	vadd.scan.msk.f32 $0xffff, v11  }
0x23e: {  	v10 =	vadd.f32 v15, v10;
	v11 =	vld [tilespmem:s0+$0x1F0]  }
0x23f: {  	v15 =	vld [tilespmem:s0+$0xB0];
	v17, _, _ =	vpop (xrf2)  }
0x240: {  	v9 =	vmul.f32 v14, v9;
	v14 =	vmul.f32 $1.442695020e+00, v17;
	v17 =	vld [tilespmem:s26+$0x60];
	(xrf2) =	vadd.scan.msk.f32 $0xffff, v10  }
0x241: {  	v10 =	vmul.f32 v12, v13;
	v12 =	vld [tilespmem:s26+$0x70];
	v13 =	vpop (erf)  }
0x242: {  	v14 =	vbroadcast v14, $0xF;
	v18 =	vld [tilespmem:s0+$0x120];
	v16 =	vmul.f32 v13, v16;
	v19, _, _ =	vpop (xrf2)  }
0x243: {  	v9 =	vadd.f32 v10, v9;
	v10 =	vmul.f32 $1.442695020e+00, v19;
	v19 =	vld [tilespmem:s0+$0x130];
	v11 =	vmul.f32 v13, v11  }
0x244: {  	v6 =	vnsel vm1, $0x0, v6;
	v21 =	vld [tilespmem:s26+$0xA0];
	[tilespmem:s28+$0xE0] =	vst v16;
	(erf) = vpow2.f32 v14  }
0x245: {  	s29 =	sadd.s32 $0x80, s29;
	v13 =	vsel vm0, v13, v6;
	v14 =	vmul.f32 v17, v20;
	v16 =	vld [tilespmem:s26+$0xB0];
	[tilespmem:s28+$0xF0] =	vst v11;
	(xrf2) =	vadd.scan.msk.f32 $0xffff, v9  }
0x246: {  	v10 =	vbroadcast v10, $0xF;
	v6 =	vld [tilespmem:s0+$0xFFFFFE60];
	v12 =	vmul.f32 v12, v15;
	[tilespmem:s29+$0x30] =	vst v13  }
0x247: {  	v9 =	vld [tilespmem:s0+$0xFFFFFE70];
	v11, _, _ =	vpop (xrf2)  }
0x248: {  	v17 =	vld [tilespmem:s0+$0xFFFFFEE0];
	v11 =	vmul.f32 $1.442695020e+00, v11;
	v12 =	vadd.f32 v12, v14;
	(erf) = vpow2.f32 v10  }
0x249: {  	v10 =	vld [tilespmem:s0+$0xFFFFFEF0];
	v14 =	vmul.f32 v21, v18  }
0x24a: {  	v18 =	vld [tilespmem:s0+$0xFFFFFF60];
	v11 =	vbroadcast v11, $0xF;
	v15 =	vmul.f32 v16, v19;
	v13, _, _ =	vpop (xrf2);
	(xrf2) =	vadd.scan.msk.f32 $0xffff, v12  }
0x24b: {  	v20 =	vld [tilespmem:s0+$0xFFFFFF70];
	v16 =	vmul.f32 $1.442695020e+00, v13  }
0x24c: {  	v13 =	vld [tilespmem:s0+$0xFFFFFFE0];
	v14 =	vadd.f32 v15, v14;
	(erf) = vpow2.f32 v11  }
0x24d: {  	v15 =	vld [tilespmem:s0+$0xFFFFFFF0];
	v11 =	vbroadcast v16, $0xF;
	v12 =	vpop (erf)  }
0x24e: {  	v16 =	vmul.f32 v12, v17;
	v17 =	vmul.f32 v12, v10;
	v8 =	vsel vm0, v12, v8;
	v12 =	vld [tilespmem:s0+$0x60];
	(xrf2) =	vadd.scan.msk.f32 $0xffff, v14  }
.Ltmp2:
0x24f: {  	v14 =	vld [tilespmem:s0+$0x70];
	v10, _, _ =	vpop (xrf2);
	(pc) =	sbr.rel @p0 .LBB2_7-.Ltmp2, $4  }
0x250: {  	v19 =	vmul.f32 $1.442695020e+00, v10;
	[tilespmem:s28+$0xFFFFFF60] =	vst v16;
	v10 =	vld [tilespmem:s0+$0xE0];
	(erf) = vpow2.f32 v11  }
0x251: {  	[tilespmem:s28+$0xFFFFFF70] =	vst v17;
	v11 =	vld [tilespmem:s0+$0xF0];
	v21 =	vpop (erf)  }
0x252: {  	v17 =	vbroadcast v19, $0xF;
	[tilespmem:s29+$0xFFFFFFD0] =	vst v8;
	v19 =	vmul.f32 v21, v18;
	v16 =	vsel vm0, v21, v7;
	v7 =	vld [tilespmem:s0+$0x160]  }
0x253: {  	v18 =	vmul.f32 v21, v20;
	v8 =	vld [tilespmem:s0+$0x170];
	s0 =	sadd.s32 $0x400, s0  }
0x254: {  	_ = 	snop  }
0x255: {  	v20, _, _ =	vpop (xrf2)  }
0x256: {  	v20 =	vmul.f32 $1.442695020e+00, v20  }
0x257: {  	(erf) = vpow2.f32 v17  }
0x258: {  	v51 =	vbroadcast v20, $0xF;
	v52, _, _ =	vpop (xrf2)  }
0x259: {  	v20 =	vmul.f32 $1.442695020e+00, v52  }
0x25a: {  	[tilespmem:s28+$0xFFFFFFA0] =	vst v19;
	v53 =	vpop (erf);
	(erf) = vpow2.f32 v51  }
0x25b: {  	[tilespmem:s28+$0xFFFFFFB0] =	vst v18;
	v13 =	vmul.f32 v53, v13;
	v54 =	vbroadcast v20, $0xF  }
0x25c: {  	[tilespmem:s29+$0xFFFFFFE0] =	vst v16;
	v15 =	vmul.f32 v53, v15  }
0x25d: {  	[tilespmem:s28+$0xFFFFFFE0] =	vst v13;
	v55 =	vpop (erf);
	(erf) = vpow2.f32 v54  }
0x25e: {  	v4 =	vsel vm0, v53, v4;
	[tilespmem:s28+$0xFFFFFFF0] =	vst v15;
	v12 =	vmul.f32 v55, v12  }
0x25f: {  	[tilespmem:s29+$0xFFFFFFF0] =	vst v4;
	v56 =	vmul.f32 v55, v14  }
0x260: {  	v3 =	vsel vm0, v55, v3;
	[tilespmem:s28+$0x20] =	vst v12;
	v57 =	vpop (erf)  }
0x261: {  	[tilespmem:s28+$0x30] =	vst v56;
	v58 =	vmul.f32 v57, v6  }
0x262: {  	[tilespmem:s29+$0x0] =	vst v3;
	v59 =	vmul.f32 v57, v9  }
0x263: {  	[tilespmem:s28+$0xFFFFFF20] =	vst v58;
	v3 =	vpop (erf)  }
0x264: {  	v60 =	vsel vm0, v57, v5;
	[tilespmem:s28+$0xFFFFFF30] =	vst v59;
	v61 =	vmul.f32 v3, v10  }
0x265: {  	[tilespmem:s29+$0xFFFFFFC0] =	vst v60;
	v62 =	vmul.f32 v3, v11  }
0x266: {  	[tilespmem:s28+$0x60] =	vst v61;
	v63 =	vpop (erf)  }
0x267: {  	v1 =	vsel vm0, v3, v1;
	[tilespmem:s28+$0x70] =	vst v62;
	v3 =	vmul.f32 v63, v7  }
0x268: {  	[tilespmem:s29+$0x10] =	vst v1;
	v1 =	vmul.f32 v63, v8  }
0x269: {  	[tilespmem:s28+$0xA0] =	vst v3  }
0x26a: {  	v2 =	vsel vm0, v63, v2;
	[tilespmem:s28+$0xB0] =	vst v1  }
0x26b: {  	[tilespmem:s29+$0x20] =	vst v2  }
0x26c: {  	[spmem:s1] =	stream.indirect.scatter.add.f32 [tilespmem:s10], [sflag:$0x5], $0x40, s17, s16, $0xb8;
	[tilespmem:$0x15590] =	vst v63  }
0x26d: {  	s25 =	sadd.s32 $0x1, s25;
	_ =	swait.ge [sflag:s13], $0x1400  }
0x26e: {  	p0 =	sne.s32 s25, $0x7D;
	[sflag:s13] =	ssyncset.done $0x0  }
.Ltmp3:
0x26f: {  	[sflag:s13] =	ssyncadd.s32 $0xFFFFEC00;
	(pc) =	sbr.rel @p0 .LBB2_4-.Ltmp3, $4  }
0x270: {  	[spmem:s2] =	stream.indirect.scatter.add.f32 [tilespmem:s14], [sflag:$0x5], $0x10, s17, s16, $0xb8;
	[tilespmem:$0x15590] =	vst v63  }
0x271: {  	_ =	swait.ge [sflag:s13], $0x500  }
0x272: {  	[sflag:s13] =	ssyncset.done $0x0  }
0x273: {  	[sflag:s13] =	ssyncadd.s32 $0xFFFFFB00  }
0x274: {  	s0 =	stileid.u32  }
0x275: {  	[bflag:$0x0] =	sbarrier.arrive $0xFFFF;
	s0 =	sshll.u32 s0, $0x6  }
0x276: {  	s25 =	rddreg [dreg:$0x6];
	s0 =	sor.u32 $0x1C05, s0  }
0x277: {  	[hbm:s25], [sflag:s0] =	dma.local [spmem:s3], $0x1400  }
0x278: {  	_ =	swait.ge [sflag:s13], $0x1400  }
0x279: {  	[sflag:s13] =	ssyncset.done $0x0  }
0x27a: {  	s30 =	rddreg [dreg:$0x7];
	[sflag:s13] =	ssyncadd.s32 $0xFFFFEC00  }
0x27b: {  	[hbm:s30], [sflag:s0] =	dma.local [spmem:s9], $0x500  }
0x27c: {  	_ =	swait.ge [sflag:s13], $0x500  }
0x27d: {  	s24 =	sadd.s32 $0x1, s24;
	s31 =	rddreg [dreg:$0x8]  }
0x27e: {  	p0 =	sne.s32 s24, s31  }
.Ltmp4:
0x27f: {  	_ = 	snop;
	(pc) =	sbr.rel @p0 .LBB2_1-.Ltmp4, $3  }
0x280: {  	_ =	sdelay $0x1  }
0x281: {  	[sflag:s13] =	ssyncset.done $0x0  }
0x282: {  	[sflag:s13] =	ssyncadd.s32 $0xFFFFFB00  }
0x283: {  	_ =	sfence.sel $0x180000  }
0x284: {  	[bflag:$0x0] =	sbarrier.arrive $0xFFFF  }
0x285: {  	_ =	strace $0x90000047  }
0x286: {  	s0 =	stileid.u32;
	[bflag:$0x2] =	sbarrier.arrive $0xFFFF  }
0x287: {  	p0 =	sne.s32 s0, $0x0;
	s0 =	rddreg [dreg:$0x3]  }
0x288: {  	s0 =	sadd.s32 @!p0 $0x100000, s0  }
0x289: {  	[sflag:s0] =	ssyncadd.tile.s32 @!p0 $0x1;
	_ =	shalt  }
.Lfunc_end2:
_tile_overlayer_lowered:
.L_overlay_start_2:
0x28a: {  	(tag) =	ssettag $0x2  }
0x28b: {  	s0 =	rddreg [dreg:$0x0];
	s2 =	stileid.u32  }
0x28c: {  	s1 =	rddreg [dreg:$0x1];
	p0 =	sne.s32 s2, $0x0  }
0x28d: {  	s3 =	rddreg [dreg:$0x2];
	[bflag:$0x3] =	sbarrier.arrive $0xFFFF;
	s2 =	simm.s32 @!p0 $0x1C05  }
0x28e: {  	[timem:s3], [sflag:s2] =	dma.local @!p0 [hbm:s0], s1  }
0x28f: {  	s0 =	simm.s32 @!p0 $0x5  }
0x290: {  	_ =	swait.ge @!p0 [sflag:s0], s1  }
0x291: {  	s1 =	ssub.s32 @!p0 $0x0, s1;
	[sflag:s0] =	ssyncset.done @!p0 $0x0  }
0x292: {  	[sflag:s0] =	ssyncadd.s32 @!p0 s1  }
0x293: {  	[bflag:$0x3] =	sbarrier.arrive $0xFFFF  }
0x294: {  	_ =	shalt  }

// kernel: kernel.21.cloned.1.call-start
scs
__scs_entry_jumppad:
0x0: {  	(pc) =	sbr.rel $0x88, $3  }
0x1: {  	(tag) =	ssettag $0x0;
	lr =	simm.s32 $0x1  }
0x2: {  	[smem:$0x3F67] =	sst lr;
	_ =	strace $0xD0000000  }
0x3: {  	_ = 	snop  }
0x4: {  	_ = 	snop  }
0x5: {  	_ = 	snop  }
0x6: {  	_ = 	snop  }
0x7: {  	_ = 	snop  }
__scs_overlays_trampoline_lowered:
0x8: {  	[smem:$0x3F76] =	sst s0  }
0x9: {  	[smem:$0x3F77] =	sst s1  }
0xa: {  	[smem:$0x3F78] =	sst s2  }
0xb: {  	[smem:$0x3F79] =	sst s3  }
0xc: {  	[smem:$0x3F7A] =	sst s4  }
0xd: {  	[smem:$0x3F7B] =	sst s5  }
0xe: {  	[smem:$0x3F7C] =	sst s6  }
0xf: {  	[smem:$0x3F7D] =	sst s7  }
0x10: {  	[smem:$0x3F7E] =	sst s8  }
0x11: {  	[smem:$0x3F7F] =	sst s9;
	s0 =	simm.s32 @!p0 $0x0  }
0x12: {  	s1 =	sld [smem:$0x3F65];
	s0 =	simm.s32 @p0 $0x1  }
0x13: {  	[smem:$0x3F80] =	sst s0;
	s0 =	simm.s32 @!p1 $0x0  }
0x14: {  	s2 =	sld [smem:$0x3F64];
	s0 =	simm.s32 @p1 $0x1  }
0x15: {  	[smem:$0x3F81] =	sst s0;
	s0 =	simm.s32 @!p2 $0x0  }
0x16: {  	s3 =	sld [smem:$0x3FDB];
	s0 =	simm.s32 @p2 $0x1  }
0x17: {  	s4 =	simm.s32 $0x1BF5;
	[smem:$0x3F83] =	sst s0  }
0x18: {  	s0 =	sld [smem:$0x3F66];
	_ =	swait.ge [sflag:s4], $0x0  }
0x19: {  	s7 =	sld [smem:$0x3F67]  }
0x1a: {  	s8 =	sadd.s32 $0xFFFFE003, lr  }
0x1b: {  	s9 =	sadd.s32 $0xFFFFFEF7, lr;
	s5 =	simm.s32 $0xFFFFFFFF;
	p2 =	slt.u32 s8, $0xFFFFF086  }
0x1c: {  	p1 =	slt.u32 s9, $0xF7A;
	s5 =	simm.s32 @!p2 $0x0  }
0x1d: {  	s5 =	simm.s32 @p1 $0x1;
	p0 =	seq.s32 s7, s2  }
0x1e: {  	s7 =	smul.u32 @!p0 $0xF7A, s2;
	p2 =	seq.s32 @!p0 s5, $0x0  }
0x1f: {  	s9 =	smul.u32 $0xF7A, s1;
	s8 =	simm.s32 @!p0 $0x1BF5;
	p2 =	por !p2, p0  }
0x20: {  	[sflag:s8] =	ssyncset.s32 @!p0 $0xFFFFF086;
	s6 =	sadd.s32 @!p0 s3, s7;
	s7 =	simm.s32 @!p0 $0x108  }
0x21: {  	s3 =	sadd.s32 s3, s9;
	s6 =	sadd.s32 @!p0 $0x88, s6;
	s7 =	simm.s32 @p2 $0x1082  }
0x22: {  	[simem:s7], [sflag:s8] =	dma.local @!p0 [hbm:s6], $0xF7A  }
0x23: {  	s9 =	sor.u32 $0xD0000000, s2;
	s6 =	simm.s32 $0x108;
	_ =	swait.ge @!p0 [sflag:s8], $0x0  }
0x24: {  	s3 =	sadd.s32 $0x88, s3;
	s6 =	simm.s32 @!p1 $0x1082;
	[sflag:s4] =	ssyncset.s32 $0xFFFFF086  }
0x25: {  	[simem:s6], [sflag:s4] =	dma.local [hbm:s3], $0xF7A  }
0x26: {  	[smem:$0x3F67] =	sst s1;
	(tag) =	ssettag s2;
	_ =	strace s9  }
0x27: {  	s1 =	sld [smem:$0x3F77]  }
0x28: {  	s2 =	sld [smem:$0x3F78]  }
0x29: {  	s4 =	sld [smem:$0x3F7A]  }
0x2a: {  	p0 =	seq.s32 s5, $0x0;
	s5 =	sld [smem:$0x3F7B]  }
0x2b: {  	s6 =	sld [smem:$0x3F7C]  }
0x2c: {  	s7 =	sld [smem:$0x3F7D]  }
0x2d: {  	s3 =	simm.s32 $0x108;
	s8 =	sld [smem:$0x3F7E]  }
0x2e: {  	s3 =	simm.s32 @!p0 $0x1082;
	s9 =	sld [smem:$0x3F7F]  }
0x2f: {  	lr =	sadd.s32 s0, s3;
	s0 =	sld [smem:$0x3F76]  }
0x30: {  	s3 =	sld [smem:$0x3F79]  }
0x31: {  	[smem:$0x3F82] =	sst s10  }
0x32: {  	s10 =	sld [smem:$0x3F80];
	_ =	sdelay $0x3  }
0x33: {  	p0 =	seq.s32 s10, $0x1;
	s10 =	sld [smem:$0x3F82];
	_ =	sdelay $0x3  }
0x34: {  	[smem:$0x3F82] =	sst s10  }
0x35: {  	s10 =	sld [smem:$0x3F81];
	_ =	sdelay $0x3  }
0x36: {  	p1 =	seq.s32 s10, $0x1;
	s10 =	sld [smem:$0x3F82];
	_ =	sdelay $0x3  }
0x37: {  	[smem:$0x3F82] =	sst s10  }
0x38: {  	s10 =	sld [smem:$0x3F83]  }
0x39: {  	_ = 	snop;
	(pc) =	sbr.ind lr, $3  }
0x3a: {  	_ = 	snop  }
0x3b: {  	_ = 	snop  }
0x3c: {  	p2 =	seq.s32 s10, $0x1;
	s10 =	sld [smem:$0x3F82]  }
0x3d: {  	_ =	shalt  }
0x3e: {  	_ =	shalt  }
0x3f: {  	_ =	shalt  }
0x40: {  	_ =	shalt  }
0x41: {  	_ =	shalt  }
0x42: {  	_ =	shalt  }
0x43: {  	_ =	shalt  }
0x44: {  	_ =	shalt  }
0x45: {  	_ =	shalt  }
0x46: {  	_ =	shalt  }
0x47: {  	_ =	shalt  }
0x48: {  	_ =	shalt  }
0x49: {  	_ =	shalt  }
0x4a: {  	_ =	shalt  }
0x4b: {  	_ =	shalt  }
0x4c: {  	_ =	shalt  }
0x4d: {  	_ =	shalt  }
0x4e: {  	_ =	shalt  }
0x4f: {  	_ =	shalt  }
0x50: {  	_ =	shalt  }
0x51: {  	_ =	shalt  }
0x52: {  	_ =	shalt  }
0x53: {  	_ =	shalt  }
0x54: {  	_ =	shalt  }
0x55: {  	_ =	shalt  }
0x56: {  	_ =	shalt  }
0x57: {  	_ =	shalt  }
0x58: {  	_ =	shalt  }
0x59: {  	_ =	shalt  }
0x5a: {  	_ =	shalt  }
0x5b: {  	_ =	shalt  }
0x5c: {  	_ =	shalt  }
0x5d: {  	_ =	shalt  }
0x5e: {  	_ =	shalt  }
0x5f: {  	_ =	shalt  }
0x60: {  	_ =	shalt  }
0x61: {  	_ =	shalt  }
0x62: {  	_ =	shalt  }
0x63: {  	_ =	shalt  }
0x64: {  	_ =	shalt  }
0x65: {  	_ =	shalt  }
0x66: {  	_ =	shalt  }
0x67: {  	_ =	shalt  }
0x68: {  	_ =	shalt  }
0x69: {  	_ =	shalt  }
0x6a: {  	_ =	shalt  }
0x6b: {  	_ =	shalt  }
0x6c: {  	_ =	shalt  }
0x6d: {  	_ =	shalt  }
0x6e: {  	_ =	shalt  }
0x6f: {  	_ =	shalt  }
0x70: {  	_ =	shalt  }
0x71: {  	_ =	shalt  }
0x72: {  	_ =	shalt  }
0x73: {  	_ =	shalt  }
0x74: {  	_ =	shalt  }
0x75: {  	_ =	shalt  }
0x76: {  	_ =	shalt  }
0x77: {  	_ =	shalt  }
0x78: {  	_ =	shalt  }
0x79: {  	_ =	shalt  }
0x7a: {  	_ =	shalt  }
0x7b: {  	_ =	shalt  }
0x7c: {  	_ =	shalt  }
0x7d: {  	_ =	shalt  }
0x7e: {  	_ =	shalt  }
0x7f: {  	_ =	shalt  }
0x80: {  	_ =	shalt  }
0x81: {  	_ =	shalt  }
0x82: {  	_ =	shalt  }
0x83: {  	_ =	shalt  }
0x84: {  	_ =	shalt  }
0x85: {  	_ =	shalt  }
0x86: {  	_ =	shalt  }
0x87: {  	_ =	shalt  }
.Lfunc_end0:
.L_simem_size_0:
called_computation.2_lowered:
.L_overlay_start_0:
0x88: {  	s2 =	sld [smem:$0x3FD9]  }
0x89: {  	s3 =	sld [smem:$0x3FFE];
	_ =	sdelay $0x1  }
0x8a: {  	s1 =	srdreg.scid  }
0x8b: {  	s0 =	sand.u32 $0x1, s1  }
0x8c: {  	s17 =	sshll.u32 s0, $0xA;
	s2 =	sadd.s32 s3, s2  }
0x8d: {  	s2 =	sadd.s32 s2, s17  }
0x8e: {  	[smem:$0x3F8E] =	sst s2  }
0x8f: {  	_ = 	snop  }
0x90: {  	s2 =	sld [smem:$0x3FD0];
	(tm) =	ssettm $0x1  }
0x91: {  	s18 =	sld [smem:$0x3FFB];
	_ =	sdelay $0x3  }
0x92: {  	_ =	strace s18  }
0x93: {  	s3 =	sld [smem:$0x3FFC];
	_ =	sdelay $0x3  }
0x94: {  	_ =	strace s3  }
0x95: {  	s3 =	sld [smem:$0x3FFD];
	_ =	sdelay $0x3  }
0x96: {  	_ =	strace s3  }
0x97: {  	_ =	strace $0x8FFFFFFF  }
0x98: {  	s19 =	sld [smem:$0x3FDB];
	_ =	sdelay $0x1  }
0x99: {  	s4 =	simm.s32 $_scs_section_size  }
0x9a: {  	s5 =	simm.s32 $_size__tile_overlayer_lowered;
	s6 =	simm.s32 $_tile_overlayer_lowered  }
0x9b: {  	s22 =	simm.s32 $0x1BFF;
	s21 =	sshll.u32 s6, $0x1;
	s3 =	sadd.s32 s4, s19  }
0x9c: {  	s7 =	simm.s32 $0x0;
	s20 =	sshll.u32 s5, $0x1;
	s5 =	sadd.s32 s21, s3  }
0x9d: {  	[timem:s7], [sflag:s22] =	dma.local [hbm:s5], s20  }
0x9e: {  	_ =	swait.ge [sflag:s22], s20  }
0x9f: {  	s4 =	ssub.s32 $0x0, s20;
	[sflag:s22] =	ssyncset.done $0x0  }
0xa0: {  	[sflag:s22] =	ssyncadd.s32 s4;
	_ =	sdelay $0x1  }
0xa1: {  	s23 =	simm.s32 $0x1B8B  }
0xa2: {  	_ =	swait.ge [sflag:s23], $0x1  }
0xa3: {  	[sflag:s23] =	ssyncset.done $0x0  }
0xa4: {  	s25 =	simm.s32 $0x1B8E;
	s24 =	sld [smem:$0x3FFE];
	[sflag:s23] =	ssyncadd.s32 $0xFFFFFFFF  }
0xa5: {  	s26 =	simm.s32 $execute0_lowered;
	[smem:$0x3FD2] =	sst s25  }
0xa6: {  	s5 =	sshll.u32 s26, $0x1;
	_ =	strace $0x8000004C;
	[dreg:$0x1] =	wrdreg $0xFFFFFFFF  }
0xa7: {  	s28 =	simm.s32 $_size_execute0_lowered;
	s3 =	sadd.s32 s3, s5;
	[dreg:$0x0] =	wrdreg $0x0  }
0xa8: {  	s5 =	sshll.u32 s28, $0x1;
	[dreg:$0x2] =	wrdreg s3  }
0xa9: {  	[dreg:$0x3] =	wrdreg s5  }
0xaa: {  	[dreg:$0x4] =	wrdreg $0xC0  }
0xab: {  	_ =	task [dreg:s7], $0x5FFFF  }
0xac: {  	[dreg:$0x1] =	wrdreg $0xFFFFFFFF  }
0xad: {  	[dreg:$0x0] =	wrdreg $0x60  }
0xae: {  	[dreg:$0x2] =	wrdreg s24  }
0xaf: {  	[dreg:$0x3] =	wrdreg s2  }
0xb0: {  	[dreg:$0x4] =	wrdreg $0x92400  }
0xb1: {  	[dreg:$0x5] =	wrdreg $0x12E800  }
0xb2: {  	[dreg:$0x6] =	wrdreg $0x9  }
0xb3: {  	_ =	task.clear_ibuf [dreg:s7], $0x7FFFF;
	_ =	strace $0x9000004C  }
0xb4: {  	s29 =	simm.s32 $0x9;
	_ =	strace $0x8000004E  }
0xb5: {  	_ =	swait.ge [sflag:s29], $0x1  }
0xb6: {  	[sflag:s29] =	ssyncadd.s32 $0xFFFFFFFF  }
0xb7: {  	_ =	strace $0x9000004E  }
0xb8: {  	_ =	sfence  }
0xb9: {  	s30 =	sld [smem:$0x0];
	_ =	sdelay $0x2  }
0xba: {  	s31 =	sshll.u32 s1, $0xD;
	s1 =	sshrl.u32 s1, $0x2  }
0xbb: {  	s3 =	sand.u32 $0x4000, s31;
	s1 =	sadd.s32 s1, s30  }
0xbc: {  	s0 =	sor.u32 s3, s0;
	s1 =	sshll.u32 s1, $0x11  }
0xbd: {  	s0 =	sor.u32 s1, s0  }
0xbe: {  	s0 =	sadd.s32 $0x8F2B, s0  }
0xbf: {  	[sflag:s0] =	ssyncadd.remote.s32 $0x1  }
0xc0: {  	_ =	sfence.sel $0xFFFF  }
0xc1: {  	[dreg:$0x0] =	wrdreg $0xFFFFFFFF;
	(pc) =	sbr.abs _section_cstart, $3  }
0xc2: {  	[dreg:$0x1] =	wrdreg $0xFFFFFFFF  }
0xc3: {  	_ =	task.clear_ibuf [dreg:s7], $0x2FFFF;
	_ =	strace $0x9FFFFFFF  }
0xc4: {  	(tm) =	ssettm $0x7FFFFFFF  }
0xc5: {  	_ =	shalt  }
tec
execute0_lowered:
.L_overlay_start_1:
0x0: {  	(tag) =	ssettag $0x1  }
0x1: {  	s0 =	rddreg [dreg:$0x0]  }
0x2: {  	s4 =	rddreg [dreg:$0x1]  }
0x3: {  	s1 =	rddreg [dreg:$0x2];
	s22 =	stileid.u32  }
0x4: {  	s2 =	rddreg [dreg:$0x3];
	s3 =	simm.s32 $0x0;
	s13 =	smul.u32 $0x9C00, s22  }
0x5: {  	s5 =	srdreg.scid;
	s10 =	sadd.s32 $0x11C400, s0;
	s12 =	smul.u32 $0x4E20, s22  }
0x6: {  	s9 =	sand.u32 $0x1, s5;
	s5 =	sadd.s32 $0x143600, s0;
	s16 =	smul.u32 $0x270, s22  }
0x7: {  	[smem:$0x7FF] =	sst s3;
	s14 =	sadd.s32 $0x108A00, s0;
	s21 =	smul.u32 $0x2700, s22  }
0x8: {  	s6 =	sadd.s32 $0x1AEE00, s0;
	s7 =	sadd.s32 $0x13E00, s0;
	s22 =	smul.u32 $0x27000, s22  }
0x9: {  	_ =	strace $0x8000004D;
	s8 =	smul.u32 $0x9C400, s9;
	s30 =	ssub.s32 $0x2, s9  }
0xa: {  	s18 =	smul.u32 $0x27100, s9;
	p0 =	seq.s32 s9, $0x0;
	s19 =	sshllo.u32 s9, $0x1  }
0xb: {  	s31 =	sshrl.u32 s30, $0x1;
	s17 =	sshrl.u32 s12, $0x3;
	s24 =	sshrl.u32 s22, $0x2  }
0xc: {  	s25 =	sshrl.u32 s13, $0x2;
	s26 =	sadd.s32 $0x50, s16;
	s5 =	smov.u32 @p0 s10  }
0xd: {  	s6 =	smov.u32 @p0 s14;
	v2 =	vmov s19;
	s19 =	simm.s32 $0x6540;
	s11 =	sadd.s32 s13, s8  }
0xe: {  	s8 =	sadd.s32 $0xA000, s0;
	s20 =	ssub.s32 s30, s31;
	s18 =	sadd.s32 s21, s18  }
0xf: {  	s28 =	sshll.u32 s26, $0x6;
	s29 =	sshll.u32 s26, $0x4;
	s30 =	sadd.s32 $0xA0, s16  }
0x10: {  	s26 =	sadd.s32 $0x1E0, s16;
	s11 =	sshrl.u32 s11, $0x3;
	s23 =	smax.u32 s20, $0x1  }
0x11: {  	s31 =	sadd.s32 s29, s2;
	s10 =	sshll.u32 s30, $0x6;
	s14 =	sshll.u32 s30, $0x4  }
0x12: {  	s29 =	sshll.u32 s26, $0x6;
	s15 =	sadd.s32 s11, s0;
	[dreg:$0x9] =	wrdreg s23  }
0x13: {  	s11 =	sadd.s32 s7, s17;
	s17 =	sadd.s32 s8, s17;
	[dreg:$0xd] =	wrdreg s31  }
0x14: {  	s0 =	sshll.u32 s9, $0x1;
	s9 =	sshrl.u32 s18, $0x3;
	[dreg:$0x5] =	wrdreg s11  }
0x15: {  	s23 =	sadd.s32 $0x190, s16;
	[dreg:$0x6] =	wrdreg s17;
	s11 =	sadd.s32 $0x50, s12  }
0x16: {  	s12 =	sadd.s32 $0xA0, s12;
	s15 =	sadd.s32 $0x16A800, s15;
	s4 =	sadd.s32 s4, s9  }
0x17: {  	s9 =	sadd.s32 s21, s2;
	s17 =	sadd.s32 $0xF0, s16;
	[dreg:$0x7] =	wrdreg s15  }
0x18: {  	s21 =	sadd.s32 $0x140, s16;
	s15 =	sadd.s32 s13, s1;
	[dreg:$0x8] =	wrdreg s4  }
0x19: {  	s4 =	sadd.s32 s24, s1;
	s18 =	sshll.u32 s17, $0x6;
	s22 =	sshll.u32 s21, $0x6  }
0x1a: {  	s24 =	sshll.u32 s23, $0x6;
	s13 =	sadd.s32 s29, s1;
	s9 =	sshrl.u32 s9, $0x3  }
0x1b: {  	[dreg:$0xa] =	wrdreg s4;
	s4 =	sadd.s32 s25, s2;
	s25 =	sshll.u32 s23, $0x4  }
0x1c: {  	[dreg:$0x16] =	wrdreg s13;
	s13 =	simm.s32 $0x5;
	s23 =	simm.s32 $0x4  }
0x1d: {  	[dreg:$0xb] =	wrdreg s4;
	s4 =	sadd.s32 s28, s1;
	s28 =	sadd.s32 $0x230, s16  }
0x1e: {  	s16 =	simm.s32 $0x50;
	[dreg:$0xc] =	wrdreg s4;
	s4 =	sadd.s32 s10, s1  }
0x1f: {  	s10 =	sshll.u32 s17, $0x4;
	[dreg:$0xe] =	wrdreg s4;
	s4 =	sadd.s32 s14, s2  }
0x20: {  	s30 =	sshll.u32 s28, $0x6;
	s20 =	sadd.s32 s10, s2;
	[dreg:$0xf] =	wrdreg s4  }
0x21: {  	s17 =	simm.s32 $0xF0;
	s10 =	sadd.s32 s22, s1;
	[dreg:$0x11] =	wrdreg s20  }
0x22: {  	s31 =	sadd.s32 s30, s1;
	s14 =	simm.s32 $0x8D40;
	[dreg:$0x12] =	wrdreg s10  }
0x23: {  	s4 =	sadd.s32 s18, s1;
	s10 =	sshll.u32 s26, $0x4;
	[dreg:$0x18] =	wrdreg s31  }
0x24: {  	[dreg:$0x10] =	wrdreg s4;
	s4 =	sshll.u32 s21, $0x4;
	s10 =	sadd.s32 s10, s2  }
0x25: {  	s22 =	simm.s32 $0x2;
	s4 =	sadd.s32 s4, s2;
	[dreg:$0x17] =	wrdreg s10  }
0x26: {  	s18 =	simm.s32 $0x2940;
	[dreg:$0x13] =	wrdreg s4;
	s4 =	sadd.s32 s24, s1  }
0x27: {  	s20 =	simm.s32 $0x1;
	[dreg:$0x14] =	wrdreg s4;
	s4 =	sadd.s32 s25, s2  }
0x28: {  	v0 =	vlaneseq.u32;
	s21 =	simm.s32 $0x3;
	[dreg:$0x15] =	wrdreg s4;
	s4 =	sshll.u32 s28, $0x4  }
0x29: {  	v3 =	vshrl.u32 v0, $0x2;
	v1 =	vmov s0;
	s10 =	simm.s32 $0x7940;
	s24 =	simm.s32 $0x0;
	s4 =	sadd.s32 s4, s2  }
0x2a: {  	v0 =	vimm.f32 $0.0e+00;
	vm0 =	veq.s32 v2, v3;
	vm1 =	veq.s32 v1, v3;
	[dreg:$0x19] =	wrdreg s4;
	s4 =	sshrl.u32 s15, $0x3;
	s15 =	simm.s32 $0xA0  }
.LBB2_1:
0x2b: {  	s0 =	simm.s32 $0x7960  }
0x2c: {  	[tilespmem:s0+$0x0] =	vst v0  }
0x2d: {  	[tilespmem:s0+$0xFFFFFFE0] =	vst v0  }
0x2e: {  	[tilespmem:s0+$0x10] =	vst v0  }
0x2f: {  	s25 =	simm.s32 $0x40;
	s26 =	simm.s32 $0x0;
	[tilespmem:s0+$0xFFFFFFF0] =	vst v0  }
.LBB2_2:
0x30: {  	p0 =	sne.s32 s25, $0x13C0  }
0x31: {  	[tilespmem:s26+$0x8D40] =	vst v0;
	s0 =	sadd.s32 $0x40, s0;
	s26 =	smov.u32 s25;
	s25 =	sadd.s32 $0x40, s25  }
.Ltmp0:
0x32: {  	[tilespmem:s0+$0x0] =	vst v0;
	(pc) =	sbr.rel @p0 .LBB2_2-.Ltmp0, $4  }
0x33: {  	_ = 	snop  }
0x34: {  	[tilespmem:s0+$0xFFFFFFE0] =	vst v0  }
0x35: {  	[tilespmem:s0+$0x10] =	vst v0  }
0x36: {  	s26 =	sshra.s32 s26, $0x2;
	[tilespmem:s0+$0xFFFFFFF0] =	vst v0  }
0x37: {  	[tilespmem:s26+$0x8D40] =	vst v0;
	s0 =	rddreg [dreg:$0xa]  }
0x38: {  	[spmem:s0] =	stream.linear.scatter [tilespmem:s10], [sflag:$0x5], $0x1400, $0x38;
	[tilespmem:$0x15590] =	vst v63  }
0x39: {  	_ =	swait.ge [sflag:s13], $0x1400  }
0x3a: {  	[sflag:s13] =	ssyncset.done $0x0  }
0x3b: {  	s31 =	rddreg [dreg:$0xb];
	[sflag:s13] =	ssyncadd.s32 $0xFFFFEC00  }
0x3c: {  	[spmem:s31] =	stream.linear.scatter [tilespmem:s14], [sflag:$0x5], $0x500, $0x38;
	[tilespmem:$0x15590] =	vst v63  }
0x3d: {  	_ =	swait.ge [sflag:s13], $0x500  }
0x3e: {  	[sflag:s13] =	ssyncset.done $0x0  }
0x3f: {  	s25 =	rddreg [dreg:$0xc];
	[sflag:s13] =	ssyncadd.s32 $0xFFFFFB00  }
0x40: {  	[spmem:s25] =	stream.linear.scatter [tilespmem:s10], [sflag:$0x5], $0x1400, $0x38;
	[tilespmem:$0x15590] =	vst v63  }
0x41: {  	_ =	swait.ge [sflag:s13], $0x1400  }
0x42: {  	[sflag:s13] =	ssyncset.done $0x0  }
0x43: {  	s26 =	rddreg [dreg:$0xd];
	[sflag:s13] =	ssyncadd.s32 $0xFFFFEC00  }
0x44: {  	[spmem:s26] =	stream.linear.scatter [tilespmem:s14], [sflag:$0x5], $0x500, $0x38;
	[tilespmem:$0x15590] =	vst v63  }
0x45: {  	_ =	swait.ge [sflag:s13], $0x500  }
0x46: {  	[sflag:s13] =	ssyncset.done $0x0  }
0x47: {  	s28 =	rddreg [dreg:$0xe];
	[sflag:s13] =	ssyncadd.s32 $0xFFFFFB00  }
0x48: {  	[spmem:s28] =	stream.linear.scatter [tilespmem:s10], [sflag:$0x5], $0x1400, $0x38;
	[tilespmem:$0x15590] =	vst v63  }
0x49: {  	_ =	swait.ge [sflag:s13], $0x1400  }
0x4a: {  	[sflag:s13] =	ssyncset.done $0x0  }
0x4b: {  	s29 =	rddreg [dreg:$0xf];
	[sflag:s13] =	ssyncadd.s32 $0xFFFFEC00  }
0x4c: {  	[spmem:s29] =	stream.linear.scatter [tilespmem:s14], [sflag:$0x5], $0x500, $0x38;
	[tilespmem:$0x15590] =	vst v63  }
0x4d: {  	_ =	swait.ge [sflag:s13], $0x500  }
0x4e: {  	[sflag:s13] =	ssyncset.done $0x0  }
0x4f: {  	s30 =	rddreg [dreg:$0x10];
	[sflag:s13] =	ssyncadd.s32 $0xFFFFFB00  }
0x50: {  	[spmem:s30] =	stream.linear.scatter [tilespmem:s10], [sflag:$0x5], $0x1400, $0x38;
	[tilespmem:$0x15590] =	vst v63  }
0x51: {  	_ =	swait.ge [sflag:s13], $0x1400  }
0x52: {  	[sflag:s13] =	ssyncset.done $0x0  }
0x53: {  	s31 =	rddreg [dreg:$0x11];
	[sflag:s13] =	ssyncadd.s32 $0xFFFFEC00  }
0x54: {  	[spmem:s31] =	stream.linear.scatter [tilespmem:s14], [sflag:$0x5], $0x500, $0x38;
	[tilespmem:$0x15590] =	vst v63  }
0x55: {  	_ =	swait.ge [sflag:s13], $0x500  }
0x56: {  	[sflag:s13] =	ssyncset.done $0x0  }
0x57: {  	s25 =	rddreg [dreg:$0x12];
	[sflag:s13] =	ssyncadd.s32 $0xFFFFFB00  }
0x58: {  	[spmem:s25] =	stream.linear.scatter [tilespmem:s10], [sflag:$0x5], $0x1400, $0x38;
	[tilespmem:$0x15590] =	vst v63  }
0x59: {  	_ =	swait.ge [sflag:s13], $0x1400  }
0x5a: {  	[sflag:s13] =	ssyncset.done $0x0  }
0x5b: {  	s26 =	rddreg [dreg:$0x13];
	[sflag:s13] =	ssyncadd.s32 $0xFFFFEC00  }
0x5c: {  	[spmem:s26] =	stream.linear.scatter [tilespmem:s14], [sflag:$0x5], $0x500, $0x38;
	[tilespmem:$0x15590] =	vst v63  }
0x5d: {  	_ =	swait.ge [sflag:s13], $0x500  }
0x5e: {  	[sflag:s13] =	ssyncset.done $0x0  }
0x5f: {  	s28 =	rddreg [dreg:$0x14];
	[sflag:s13] =	ssyncadd.s32 $0xFFFFFB00  }
0x60: {  	[spmem:s28] =	stream.linear.scatter [tilespmem:s10], [sflag:$0x5], $0x1400, $0x38;
	[tilespmem:$0x15590] =	vst v63  }
0x61: {  	_ =	swait.ge [sflag:s13], $0x1400  }
0x62: {  	[sflag:s13] =	ssyncset.done $0x0  }
0x63: {  	s29 =	rddreg [dreg:$0x15];
	[sflag:s13] =	ssyncadd.s32 $0xFFFFEC00  }
0x64: {  	[spmem:s29] =	stream.linear.scatter [tilespmem:s14], [sflag:$0x5], $0x500, $0x38;
	[tilespmem:$0x15590] =	vst v63  }
0x65: {  	_ =	swait.ge [sflag:s13], $0x500  }
0x66: {  	[sflag:s13] =	ssyncset.done $0x0  }
0x67: {  	s30 =	rddreg [dreg:$0x16];
	[sflag:s13] =	ssyncadd.s32 $0xFFFFFB00  }
0x68: {  	[spmem:s30] =	stream.linear.scatter [tilespmem:s10], [sflag:$0x5], $0x1400, $0x38;
	[tilespmem:$0x15590] =	vst v63  }
0x69: {  	_ =	swait.ge [sflag:s13], $0x1400  }
0x6a: {  	[sflag:s13] =	ssyncset.done $0x0  }
0x6b: {  	s31 =	rddreg [dreg:$0x17];
	[sflag:s13] =	ssyncadd.s32 $0xFFFFEC00  }
0x6c: {  	[spmem:s31] =	stream.linear.scatter [tilespmem:s14], [sflag:$0x5], $0x500, $0x38;
	[tilespmem:$0x15590] =	vst v63  }
0x6d: {  	_ =	swait.ge [sflag:s13], $0x500  }
0x6e: {  	[sflag:s13] =	ssyncset.done $0x0  }
0x6f: {  	s25 =	rddreg [dreg:$0x18];
	[sflag:s13] =	ssyncadd.s32 $0xFFFFFB00  }
0x70: {  	[spmem:s25] =	stream.linear.scatter [tilespmem:s10], [sflag:$0x5], $0x1400, $0x38;
	[tilespmem:$0x15590] =	vst v63  }
0x71: {  	_ =	swait.ge [sflag:s13], $0x1400  }
0x72: {  	[sflag:s13] =	ssyncset.done $0x0  }
0x73: {  	s26 =	rddreg [dreg:$0x19];
	[sflag:s13] =	ssyncadd.s32 $0xFFFFEC00  }
0x74: {  	[spmem:s26] =	stream.linear.scatter [tilespmem:s14], [sflag:$0x5], $0x500, $0x38;
	[tilespmem:$0x15590] =	vst v63  }
0x75: {  	_ =	swait.ge [sflag:s13], $0x500  }
0x76: {  	[sflag:s13] =	ssyncset.done $0x0  }
0x77: {  	[sflag:s13] =	ssyncadd.s32 $0xFFFFFB00  }
0x78: {  	[bflag:$0x0] =	sbarrier.arrive $0xFFFF  }
0x79: {  	s25 =	simm.s32 $0x0;
	s28 =	rddreg [dreg:$0x5]  }
0x7a: {  	[tilespmem:s25], [sflag:$0x5] =	stream.linear.gather [hbm4b:s28+s25], $0x50, $0x38;
	[tilespmem:$0x15590] =	vst v63  }
0x7b: {  	_ =	swait.ge [sflag:s13], $0x50  }
0x7c: {  	[sflag:s13] =	ssyncset.done $0x0  }
0x7d: {  	s29 =	rddreg [dreg:$0x6];
	[sflag:s13] =	ssyncadd.s32 $0xFFFFFFB0  }
0x7e: {  	[tilespmem:s15], [sflag:$0x5] =	stream.linear.gather [hbm4b:s29+s25], $0x50, $0x38;
	[tilespmem:$0x15590] =	vst v63  }
0x7f: {  	_ =	swait.ge [sflag:s13], $0x50  }
0x80: {  	[sflag:s13] =	ssyncset.done $0x0  }
0x81: {  	s30 =	simm.s32 $0x140;
	[sflag:s13] =	ssyncadd.s32 $0xFFFFFFB0  }
0x82: {  	[tilespmem:s30], [sflag:$0x1] =	stream.indirect.gather [hbm4b:s5+s16], $0x80, s25, s16, $0xb8;
	[tilespmem:$0x15590] =	vst v63  }
0x83: {  	s31 =	simm.s32 $0x5140  }
0x84: {  	[tilespmem:s31], [sflag:$0x3] =	stream.indirect.gather [hbm4b:s6+s16], $0x40, s15, s16, $0xb8;
	[tilespmem:$0x15590] =	vst v63  }
.LBB2_4:
0x85: {  	s26 =	smul.u32 $0xA0, s25;
	_ =	sdelay $0x1  }
0x86: {  	s0 =	sadd.s32 s26, s11  }
0x87: {  	s0 =	sshrl.u32 s0, $0x3  }
0x88: {  	s28 =	sadd.s32 s7, s0  }
0x89: {  	[tilespmem:s16], [sflag:$0x5] =	stream.linear.gather [hbm4b:s28+s3], $0x50, $0x38;
	[tilespmem:$0x15590] =	vst v63  }
0x8a: {  	_ =	swait.ge [sflag:s13], $0x50  }
0x8b: {  	[sflag:s13] =	ssyncset.done $0x0  }
0x8c: {  	s0 =	sadd.s32 s8, s0;
	[sflag:s13] =	ssyncadd.s32 $0xFFFFFFB0  }
0x8d: {  	[tilespmem:s17], [sflag:$0x5] =	stream.linear.gather [hbm4b:s0+s3], $0x50, $0x38;
	[tilespmem:$0x15590] =	vst v63  }
0x8e: {  	_ =	swait.ge [sflag:s13], $0x50  }
0x8f: {  	[sflag:s13] =	ssyncset.done $0x0  }
0x90: {  	[sflag:s13] =	ssyncadd.s32 $0xFFFFFFB0  }
0x91: {  	[tilespmem:s18], [sflag:$0x2] =	stream.indirect.gather [hbm4b:s5+s16], $0x80, s16, s16, $0xb8;
	[tilespmem:$0x15590] =	vst v63  }
0x92: {  	_ = 	snop  }
0x93: {  	[tilespmem:s19], [sflag:$0x4] =	stream.indirect.gather [hbm4b:s6+s16], $0x40, s17, s16, $0xb8;
	[tilespmem:$0x15590] =	vst v63  }
0x94: {  	_ =	swait.ge [sflag:s20], $0x2800  }
0x95: {  	[sflag:s20] =	ssyncset.done $0x0  }
0x96: {  	[sflag:s20] =	ssyncadd.s32 $0xFFFFD800  }
0x97: {  	_ =	swait.ge [sflag:s21], $0x1400  }
0x98: {  	[sflag:s21] =	ssyncset.done $0x0  }
0x99: {  	s0 =	simm.s32 $0x340;
	[sflag:s21] =	ssyncadd.s32 $0xFFFFEC00  }
0x9a: {  	v1 =	vld [tilespmem:s0+$0x180]  }
0x9b: {  	s28 =	simm.s32 $0x5240;
	v2 =	vld [tilespmem:s0+$0x190]  }
0x9c: {  	v3 =	vld [tilespmem:s28+$0xC0]  }
0x9d: {  	v4 =	vld [tilespmem:s28+$0xD0]  }
0x9e: {  	v5 =	vld [tilespmem:s0+$0xFFFFFE10]  }
0x9f: {  	v6 =	vld [tilespmem:s28+$0xFFFFFF00]  }
0xa0: {  	v7 =	vld [tilespmem:s28+$0xFFFFFF10]  }
0xa1: {  	v8 =	vld [tilespmem:s0+$0xFFFFFE80]  }
0xa2: {  	v9 =	vld [tilespmem:s0+$0xFFFFFE90]  }
0xa3: {  	v10 =	vld [tilespmem:s0+$0xFFFFFF10];
	v1 =	vmul.f32 v3, v1;
	v2 =	vmul.f32 v4, v2  }
0xa4: {  	v11 =	vld [tilespmem:s28+$0xFFFFFF90]  }
0xa5: {  	v3 =	vld [tilespmem:s28+$0xFFFFFF40];
	v1 =	vadd.f32 v2, v1  }
0xa6: {  	v4 =	vld [tilespmem:s28+$0xFFFFFF50]  }
0xa7: {  	v12 =	vld [tilespmem:s0+$0xFFFFFF80];
	(xrf2) =	vadd.scan.msk.f32 $0xffff, v1  }
0xa8: {  	v13 =	vld [tilespmem:s0+$0xFFFFFF90]  }
0xa9: {  	v14 =	vld [tilespmem:s0+$0x10]  }
0xaa: {  	v2 =	vld [tilespmem:s0+$0xFFFFFF00]  }
0xab: {  	v1 =	vld [tilespmem:s28+$0xFFFFFF80];
	v3 =	vmul.f32 v3, v8;
	v4 =	vmul.f32 v4, v9  }
0xac: {  	v8 =	vld [tilespmem:s28+$0xFFFFFFC0]  }
0xad: {  	v9 =	vld [tilespmem:s28+$0xFFFFFFD0];
	v3 =	vadd.f32 v4, v3  }
0xae: {  	v4 =	vld [tilespmem:s0+$0x0]  }
0xaf: {  	(xrf2) =	vadd.scan.msk.f32 $0xffff, v3;
	v3 =	vld [tilespmem:s28+$0x0]  }
0xb0: {  	v10 =	vmul.f32 v11, v10;
	v1 =	vmul.f32 v1, v2;
	v2 =	vld [tilespmem:s28+$0x10]  }
0xb1: {  	v16 =	vld [tilespmem:s0+$0x90];
	v8 =	vmul.f32 v8, v12;
	v15, _, _ =	vpop (xrf2)  }
0xb2: {  	v17 =	vld [tilespmem:s0+$0xFFFFFFD0];
	v9 =	vmul.f32 v9, v13;
	v1 =	vadd.f32 v10, v1;
	v15 =	vmul.f32 $1.442695020e+00, v15  }
0xb3: {  	v11 =	vld [tilespmem:s0+$0x80]  }
0xb4: {  	v10 =	vld [tilespmem:s28+$0x40];
	(xrf2) =	vadd.scan.msk.f32 $0xffff, v1;
	v1 =	vadd.f32 v9, v8;
	v15 =	vbroadcast v15, $0xF  }
0xb5: {  	v9 =	vld [tilespmem:s0+$0xFFFFFE00];
	v3 =	vmul.f32 v3, v4;
	v2 =	vmul.f32 v2, v14  }
0xb6: {  	v12 =	vld [tilespmem:s28+$0x50];
	(xrf2) =	vadd.scan.msk.f32 $0xffff, v1;
	(erf) = vpow2.f32 v15  }
0xb7: {  	v19 =	vld [tilespmem:s0+$0x50];
	v2 =	vadd.f32 v2, v3  }
0xb8: {  	v20 =	vld [tilespmem:s0+$0xD0]  }
0xb9: {  	v5 =	vmul.f32 v7, v5;
	v13 =	vld [tilespmem:s0+$0x100];
	v1, _, _ =	vpop (xrf2);
	(xrf2) =	vadd.scan.msk.f32 $0xffff, v2  }
0xba: {  	v8 =	vld [tilespmem:s28+$0x80];
	v10 =	vmul.f32 v10, v11;
	v6 =	vmul.f32 v6, v9  }
0xbb: {  	v3 =	vld [tilespmem:s0+$0x1C0];
	v11 =	vmul.f32 v12, v16;
	v1 =	vmul.f32 $1.442695020e+00, v1  }
0xbc: {  	v4 =	vld [tilespmem:s28+$0x90];
	v5 =	vadd.f32 v5, v6  }
0xbd: {  	v12 =	vld [tilespmem:s0+$0x1D0];
	v10 =	vadd.f32 v11, v10;
	v14 =	vbroadcast v1, $0xF  }
0xbe: {  	v15 =	vld [tilespmem:s0+$0x110];
	v9, _, _ =	vpop (xrf2)  }
0xbf: {  	v21 =	vld [tilespmem:s0+$0x150];
	(xrf2) =	vadd.scan.msk.f32 $0xffff, v10;
	v1 =	vpop (erf);
	(erf) = vpow2.f32 v14  }
0xc0: {  	v7 =	vld [tilespmem:s0+$0xFFFFFEC0];
	(xrf2) =	vadd.scan.msk.f32 $0xffff, v5;
	v9 =	vmul.f32 $1.442695020e+00, v9;
	v5, _, _ =	vpop (xrf2);
	v3 =	vmul.f32 v1, v3  }
0xc1: {  	s29 =	simm.s32 $0x7A40;
	v11 =	vld [tilespmem:s0+$0xFFFFFE50];
	v8 =	vmul.f32 v8, v13;
	v5 =	vmul.f32 $1.442695020e+00, v5  }
0xc2: {  	v2 =	vld [tilespmem:s0+$0xFFFFFE40];
	v12 =	vmul.f32 v1, v12;
	[tilespmem:s29+$0xC0] =	vst v3;
	v3 =	vbroadcast v9, $0xF  }
0xc3: {  	v10 =	vld [tilespmem:s0+$0xFFFFFED0];
	v4 =	vmul.f32 v4, v15;
	v5 =	vbroadcast v5, $0xF;
	v15, _, _ =	vpop (xrf2)  }
0xc4: {  	v6 =	vld [tilespmem:s0+$0xFFFFFF40];
	v15 =	vmul.f32 $1.442695020e+00, v15;
	[tilespmem:s29+$0xD0] =	vst v12;
	(erf) = vpow2.f32 v3  }
0xc5: {  	v12 =	vld [tilespmem:s0+$0x1A0];
	(erf) = vpow2.f32 v5  }
0xc6: {  	v4 =	vadd.f32 v4, v8;
	v13 =	vld [tilespmem:s28+$0xE0];
	v15 =	vbroadcast v15, $0xF  }
0xc7: {  	v16 =	vld [tilespmem:s28+$0xF0]  }
0xc8: {  	(xrf2) =	vadd.scan.msk.f32 $0xffff, v4;
	v3 =	vld [tilespmem:s0+$0x1B0];
	v5 =	vpop (erf)  }
0xc9: {  	v8 =	vld [tilespmem:s0+$0x40];
	v18, _, _ =	vpop (xrf2);
	(erf) = vpow2.f32 v15;
	v10 =	vmul.f32 v5, v10  }
0xca: {  	v14 =	vld [tilespmem:s0+$0xFFFFFF50];
	v15, _, _ =	vpop (xrf2);
	v4 =	vmul.f32 v5, v7;
	v7 =	vmul.f32 $1.442695020e+00, v18  }
0xcb: {  	v9 =	vld [tilespmem:s0+$0xFFFFFFC0];
	v15 =	vmul.f32 $1.442695020e+00, v15  }
0xcc: {  	v12 =	vmul.f32 v13, v12;
	v18 =	vld [tilespmem:s0+$0xC0];
	[tilespmem:s29+$0xFFFFFF40] =	vst v4;
	v4 =	vbroadcast v7, $0xF  }
0xcd: {  	v3 =	vmul.f32 v16, v3;
	v7 =	vld [tilespmem:s0+$0x140];
	[tilespmem:s29+$0xFFFFFF50] =	vst v10;
	v15 =	vbroadcast v15, $0xF;
	v10 =	vpop (erf)  }
0xce: {  	v22 =	vld [tilespmem:s0+$0xFFFFFEB0];
	(erf) = vpow2.f32 v4;
	v6 =	vmul.f32 v10, v6;
	v16 =	vpop (erf)  }
0xcf: {  	v3 =	vadd.f32 v3, v12;
	v13 =	vld [tilespmem:s28+$0xFFFFFF70];
	v14 =	vmul.f32 v10, v14;
	v12 =	vmul.f32 v16, v17  }
0xd0: {  	v4 =	vld [tilespmem:s0+$0xFFFFFEA0];
	(erf) = vpow2.f32 v15;
	[tilespmem:s29+$0xFFFFFF80] =	vst v6  }
0xd1: {  	v6 =	vld [tilespmem:s28+$0xFFFFFF60];
	[tilespmem:s29+$0xFFFFFF90] =	vst v14  }
0xd2: {  	v9 =	vmul.f32 v16, v9;
	v17, _, _ =	vpop (xrf2);
	v14 =	vld [tilespmem:s0+$0xFFFFFF20]  }
0xd3: {  	v15 =	vld [tilespmem:s0+$0xFFFFFF30];
	[tilespmem:s29+$0xFFFFFFD0] =	vst v12;
	v12 =	vpop (erf)  }
0xd4: {  	(xrf2) =	vadd.scan.msk.f32 $0xffff, v3;
	v3 =	vmul.f32 $1.442695020e+00, v17;
	[tilespmem:s29+$0xFFFFFFC0] =	vst v9;
	v9 =	vld [tilespmem:s28+$0xFFFFFFA0];
	v8 =	vmul.f32 v12, v8  }
0xd5: {  	v17 =	vld [tilespmem:s28+$0xFFFFFFB0]  }
0xd6: {  	v23 =	vld [tilespmem:s0+$0xFFFFFFA0];
	v3 =	vbroadcast v3, $0xF;
	v19 =	vmul.f32 v12, v19  }
0xd7: {  	v24 =	vld [tilespmem:s0+$0xFFFFFFB0];
	v4 =	vmul.f32 v6, v4;
	v6 =	vmul.f32 v13, v22;
	[tilespmem:s29+$0x0] =	vst v8  }
0xd8: {  	v13 =	vld [tilespmem:s28+$0xFFFFFFE0];
	[tilespmem:s29+$0x10] =	vst v19;
	v8 =	vpop (erf);
	(erf) = vpow2.f32 v3  }
0xd9: {  	v4 =	vadd.f32 v6, v4;
	v6 =	vld [tilespmem:s0+$0x20];
	v3 =	vmul.f32 v8, v18;
	v19 =	vmul.f32 v8, v20;
	v20 =	vpop (erf)  }
0xda: {  	v18 =	vld [tilespmem:s28+$0xFFFFFFF0];
	v2 =	vmul.f32 v20, v2  }
0xdb: {  	(xrf2) =	vadd.scan.msk.f32 $0xffff, v4;
	v4 =	vld [tilespmem:s28+$0x20];
	v11 =	vmul.f32 v20, v11;
	[tilespmem:s29+$0x40] =	vst v3  }
0xdc: {  	v3 =	vmul.f32 v9, v14;
	v9 =	vld [tilespmem:s0+$0x30];
	v14 =	vmul.f32 v17, v15;
	[tilespmem:s29+$0xFFFFFF00] =	vst v2  }
0xdd: {  	v2 =	vld [tilespmem:s28+$0x30];
	[tilespmem:s29+$0xFFFFFF10] =	vst v11  }
0xde: {  	v3 =	vadd.f32 v14, v3;
	v15 =	vld [tilespmem:s0+$0xFFFFFE20]  }
0xdf: {  	v55 =	vld [tilespmem:s28+$0xFFFFFF30]  }
0xe0: {  	v13 =	vmul.f32 v13, v23;
	v17 =	vmul.f32 v18, v24;
	v18 =	vld [tilespmem:s28+$0xFFFFFF20];
	v14, _, _ =	vpop (xrf2);
	(xrf2) =	vadd.scan.msk.f32 $0xffff, v3  }
0xe1: {  	v3 =	vld [tilespmem:s0+$0xFFFFFE30];
	v14 =	vmul.f32 $1.442695020e+00, v14  }
0xe2: {  	v13 =	vadd.f32 v17, v13  }
0xe3: {  	[tilespmem:s29+$0x50] =	vst v19;
	v4 =	vmul.f32 v4, v6;
	v19 =	vpop (erf);
	v14 =	vbroadcast v14, $0xF  }
0xe4: {  	v2 =	vmul.f32 v2, v9;
	v7 =	vmul.f32 v19, v7;
	(xrf2) =	vadd.scan.msk.f32 $0xffff, v13  }
0xe5: {  	v56 =	vld [tilespmem:s0+$0x1F0];
	v6 =	vmul.f32 v19, v21;
	(erf) = vpow2.f32 v14  }
0xe6: {  	v11 =	vld [tilespmem:s0+$0xA0];
	[tilespmem:s29+$0x80] =	vst v7;
	v7 =	vmul.f32 v18, v15;
	v3 =	vmul.f32 v55, v3  }
0xe7: {  	v17 =	vld [tilespmem:s0+$0x1E0];
	v2 =	vadd.f32 v2, v4  }
0xe8: {  	v13 =	vld [tilespmem:s0+$0xB0];
	v4, _, _ =	vpop (xrf2);
	v3 =	vadd.f32 v3, v7  }
0xe9: {  	v14 =	vld [tilespmem:s28+$0x60];
	v4 =	vmul.f32 $1.442695020e+00, v4;
	(xrf2) =	vadd.scan.msk.f32 $0xffff, v2  }
0xea: {  	[tilespmem:s29+$0x90] =	vst v6;
	v15 =	vld [tilespmem:s28+$0x70];
	v6, _, _ =	vpop (xrf2);
	(xrf2) =	vadd.scan.msk.f32 $0xffff, v3  }
0xeb: {  	v2 =	vld [tilespmem:s0+$0x120];
	v4 =	vbroadcast v4, $0xF;
	v9 =	vmul.f32 $1.442695020e+00, v6  }
0xec: {  	v18 =	vld [tilespmem:s28+$0xA0]  }
0xed: {  	v57 =	vld [tilespmem:s28+$0xB0];
	v3 =	vbroadcast v9, $0xF  }
0xee: {  	v26 =	vnsel vm1, $0x0, v10;
	v7 =	vld [tilespmem:s0+$0x130];
	(erf) = vpow2.f32 v4;
	v10 =	vmul.f32 v14, v11;
	v59, _, _ =	vpop (xrf2)  }
0xef: {  	v4 =	vpop (erf);
	(erf) = vpow2.f32 v3;
	v3 =	vmul.f32 $1.442695020e+00, v59  }
0xf0: {  	v1 =	vnsel vm1, $0x0, v1;
	v58 =	vld [tilespmem:s0+$0xFFFFFEE0];
	v14 =	vmul.f32 v15, v13;
	v17 =	vmul.f32 v4, v17  }
0xf1: {  	v25 =	vld [tilespmem:s0+$0xFFFFFEF0];
	v11 =	vmul.f32 v4, v56;
	v1 =	vsel vm0, v4, v1  }
0xf2: {  	v60 =	vld [tilespmem:s0+$0xFFFFFF60];
	v2 =	vmul.f32 v18, v2;
	v10 =	vadd.f32 v14, v10;
	[tilespmem:s29+$0xE0] =	vst v17  }
0xf3: {  	s30 =	simm.s32 $0x8D80;
	v61 =	vld [tilespmem:s0+$0xFFFFFF70];
	v7 =	vmul.f32 v57, v7;
	v18 =	vbroadcast v3, $0xF;
	[tilespmem:s29+$0xF0] =	vst v11;
	v3, _, _ =	vpop (xrf2)  }
0xf4: {  	v13 =	vld [tilespmem:s0+$0xFFFFFFE0];
	[tilespmem:s30+$0x30] =	vst v1;
	v1, _, _ =	vpop (xrf2);
	(xrf2) =	vadd.scan.msk.f32 $0xffff, v10  }
0xf5: {  	v15 =	vld [tilespmem:s0+$0xFFFFFFF0];
	v7 =	vadd.f32 v7, v2  }
0xf6: {  	v6 =	vld [tilespmem:s0+$0xFFFFFE60];
	v4 =	vnsel vm1, $0x0, v16;
	(erf) = vpow2.f32 v18;
	v16 =	vmul.f32 $1.442695020e+00, v3  }
0xf7: {  	v14 =	vld [tilespmem:s0+$0x70]  }
0xf8: {  	v9 =	vld [tilespmem:s0+$0xFFFFFE70];
	v11 =	vpop (erf);
	(xrf2) =	vadd.scan.msk.f32 $0xffff, v7;
	v16 =	vbroadcast v16, $0xF  }
0xf9: {  	v3 =	vnsel vm1, $0x0, v12;
	v12 =	vld [tilespmem:s0+$0x60];
	v17 =	vmul.f32 v11, v58;
	v18 =	vmul.f32 v11, v25  }
0xfa: {  	v5 =	vnsel vm1, $0x0, v5;
	v10 =	vld [tilespmem:s0+$0xE0];
	v63 =	vmul.f32 $1.442695020e+00, v1;
	(erf) = vpow2.f32 v16  }
0xfb: {  	v62 =	vsel vm0, v11, v5;
	v11 =	vld [tilespmem:s0+$0xF0];
	v1 =	vnsel vm1, $0x0, v8;
	[tilespmem:s29+$0xFFFFFF60] =	vst v17;
	v8 =	vpop (erf)  }
0xfc: {  	v2 =	vnsel vm1, $0x0, v19;
	v7 =	vld [tilespmem:s0+$0x160];
	[tilespmem:s29+$0xFFFFFF70] =	vst v18;
	v17 =	vbroadcast v63, $0xF;
	v19 =	vmul.f32 v8, v60  }
0xfd: {  	s31 =	simm.s32 $0x0;
	v5 =	vnsel vm1, $0x0, v20;
	[tilespmem:s30+$0xFFFFFFD0] =	vst v62;
	v16 =	vsel vm0, v8, v26;
	v18 =	vmul.f32 v8, v61;
	v8 =	vld [tilespmem:s0+$0x170];
	s0 =	simm.s32 $0x740  }
.LBB2_5:
0xfe: {  	v20 =	vld [tilespmem:s0+$0x180];
	[tilespmem:s29+$0xFFFFFFA0] =	vst v19;
	(erf) = vpow2.f32 v17;
	v17, _, _ =	vpop (xrf2)  }
0xff: {  	s28 =	sadd.s32 $0x200, s28;
	v19 =	vld [tilespmem:s0+$0x190];
	[tilespmem:s29+$0xFFFFFFB0] =	vst v18;
	v17 =	vmul.f32 $1.442695020e+00, v17;
	v18 =	vpop (erf)  }
0x100: {  	v21 =	vld [tilespmem:s28+$0xC0];
	[tilespmem:s30+$0xFFFFFFE0] =	vst v16;
	v23 =	vmul.f32 v18, v13;
	v24 =	vmul.f32 v18, v15;
	v16 =	vsel vm0, v18, v4  }
0x101: {  	v18 =	vld [tilespmem:s28+$0xD0];
	v17 =	vbroadcast v17, $0xF  }
0x102: {  	v22 =	vld [tilespmem:s0+$0xFFFFFE10];
	[tilespmem:s29+$0xFFFFFFE0] =	vst v23;
	v13, _, _ =	vpop (xrf2)  }
0x103: {  	v4 =	vld [tilespmem:s28+$0xFFFFFF00];
	[tilespmem:s29+$0xFFFFFFF0] =	vst v24;
	v13 =	vmul.f32 $1.442695020e+00, v13;
	v15 =	vpop (erf);
	(erf) = vpow2.f32 v17  }
0x104: {  	v17 =	vld [tilespmem:s28+$0xFFFFFF10];
	[tilespmem:s30+$0xFFFFFFF0] =	vst v16;
	v12 =	vmul.f32 v15, v12;
	v23 =	vmul.f32 v15, v14;
	v3 =	vsel vm0, v15, v3  }
0x105: {  	v15 =	vld [tilespmem:s0+$0xFFFFFE80];
	v13 =	vbroadcast v13, $0xF  }
0x106: {  	v20 =	vmul.f32 v21, v20;
	v16 =	vld [tilespmem:s0+$0xFFFFFE90];
	v18 =	vmul.f32 v18, v19;
	[tilespmem:s29+$0x20] =	vst v12  }
0x107: {  	s31 =	sadd.s32 $0x8, s31;
	v12 =	vld [tilespmem:s28+$0xFFFFFF40];
	[tilespmem:s29+$0x30] =	vst v23;
	v14 =	vpop (erf);
	(erf) = vpow2.f32 v13  }
0x108: {  	p0 =	slt.u32 s31, $0x48;
	v13 =	vld [tilespmem:s28+$0xFFFFFF50];
	v18 =	vadd.f32 v18, v20;
	v6 =	vmul.f32 v14, v6;
	v9 =	vmul.f32 v14, v9;
	[tilespmem:s30+$0x0] =	vst v3  }
0x109: {  	v5 =	vsel vm0, v14, v5;
	v3 =	vmul.f32 v17, v22;
	v17 =	vld [tilespmem:s0+$0xFFFFFF00]  }
0x10a: {  	v14 =	vld [tilespmem:s0+$0xFFFFFF10];
	(xrf2) =	vadd.scan.msk.f32 $0xffff, v18;
	[tilespmem:s29+$0xFFFFFF20] =	vst v6  }
0x10b: {  	v6 =	vld [tilespmem:s28+$0xFFFFFF80];
	[tilespmem:s29+$0xFFFFFF30] =	vst v9  }
0x10c: {  	v9 =	vmul.f32 v12, v15;
	v12 =	vld [tilespmem:s28+$0xFFFFFF90];
	[tilespmem:s30+$0xFFFFFFC0] =	vst v5;
	v5 =	vpop (erf)  }
0x10d: {  	v13 =	vmul.f32 v13, v16;
	v15 =	vld [tilespmem:s0+$0xFFFFFF80];
	v10 =	vmul.f32 v5, v10;
	v1 =	vsel vm0, v5, v1  }
0x10e: {  	v18 =	vmul.f32 v5, v11;
	v16 =	vld [tilespmem:s0+$0xFFFFFF90]  }
0x10f: {  	v9 =	vadd.f32 v13, v9;
	v11 =	vld [tilespmem:s28+$0xFFFFFFC0];
	[tilespmem:s29+$0x60] =	vst v10  }
0x110: {  	v6 =	vmul.f32 v6, v17;
	v10 =	vld [tilespmem:s28+$0xFFFFFFD0];
	[tilespmem:s29+$0x70] =	vst v18;
	v5 =	vpop (erf)  }
0x111: {  	v12 =	vmul.f32 v12, v14;
	v13 =	vld [tilespmem:s0+$0x0];
	(xrf2) =	vadd.scan.msk.f32 $0xffff, v9;
	v7 =	vmul.f32 v5, v7;
	v2 =	vsel vm0, v5, v2  }
0x112: {  	v9 =	vld [tilespmem:s0+$0x10];
	[tilespmem:s30+$0x10] =	vst v1;
	v1 =	vmul.f32 v5, v8  }
0x113: {  	v5 =	vadd.f32 v12, v6;
	v6 =	vld [tilespmem:s28+$0x0];
	[tilespmem:s29+$0xA0] =	vst v7  }
0x114: {  	v7 =	vmul.f32 v11, v15;
	v8 =	vld [tilespmem:s28+$0x10];
	v11, _, _ =	vpop (xrf2);
	[tilespmem:s29+$0xB0] =	vst v1  }
0x115: {  	v1 =	vmul.f32 v10, v16;
	v10 =	vld [tilespmem:s0+$0x80];
	v11 =	vmul.f32 $1.442695020e+00, v11;
	(xrf2) =	vadd.scan.msk.f32 $0xffff, v5;
	[tilespmem:s30+$0x20] =	vst v2  }
0x116: {  	v2 =	vld [tilespmem:s0+$0x90]  }
0x117: {  	v1 =	vadd.f32 v1, v7;
	v5 =	vld [tilespmem:s28+$0x40];
	v7 =	vbroadcast v11, $0xF  }
0x118: {  	v6 =	vmul.f32 v6, v13;
	v11 =	vld [tilespmem:s28+$0x50]  }
0x119: {  	v12 =	vmul.f32 v8, v9;
	v9 =	vld [tilespmem:s0+$0x100];
	(xrf2) =	vadd.scan.msk.f32 $0xffff, v1;
	(erf) = vpow2.f32 v7  }
0x11a: {  	v1 =	vld [tilespmem:s0+$0x110]  }
0x11b: {  	v6 =	vadd.f32 v12, v6;
	v7 =	vld [tilespmem:s28+$0x80];
	v8, _, _ =	vpop (xrf2)  }
0x11c: {  	v8 =	vmul.f32 $1.442695020e+00, v8;
	v14 =	vmul.f32 v5, v10;
	v10 =	vld [tilespmem:s28+$0x90]  }
0x11d: {  	v12 =	vld [tilespmem:s0+$0xFFFFFE00];
	v2 =	vmul.f32 v11, v2;
	(xrf2) =	vadd.scan.msk.f32 $0xffff, v6  }
0x11e: {  	v6 =	vbroadcast v8, $0xF;
	v8 =	vld [tilespmem:s0+$0x1C0]  }
0x11f: {  	v11 =	vadd.f32 v2, v14;
	v13 =	vld [tilespmem:s0+$0x1D0];
	v5, _, _ =	vpop (xrf2)  }
0x120: {  	v2 =	vld [tilespmem:s0+$0xFFFFFE40];
	v14 =	vmul.f32 $1.442695020e+00, v5;
	v7 =	vmul.f32 v7, v9  }
0x121: {  	v5 =	vld [tilespmem:s0+$0xFFFFFE50];
	v1 =	vmul.f32 v10, v1;
	(erf) = vpow2.f32 v6;
	(xrf2) =	vadd.scan.msk.f32 $0xffff, v11  }
0x122: {  	v4 =	vmul.f32 v4, v12;
	v9 =	vld [tilespmem:s0+$0xFFFFFEC0];
	v10 =	vbroadcast v14, $0xF;
	v6 =	vpop (erf)  }
0x123: {  	v11 =	vld [tilespmem:s0+$0xFFFFFED0];
	v1 =	vadd.f32 v1, v7;
	v7 =	vmul.f32 v6, v8;
	v8, _, _ =	vpop (xrf2)  }
0x124: {  	s29 =	sadd.s32 $0x200, s29;
	v3 =	vadd.f32 v3, v4;
	v4 =	vld [tilespmem:s0+$0xFFFFFF40];
	v14 =	vmul.f32 $1.442695020e+00, v8;
	v12 =	vmul.f32 v6, v13  }
0x125: {  	v13 =	vld [tilespmem:s0+$0xFFFFFF50];
	[tilespmem:s29+$0xC0] =	vst v7;
	(erf) = vpow2.f32 v10  }
0x126: {  	v7 =	vbroadcast v14, $0xF;
	v10 =	vld [tilespmem:s0+$0xFFFFFFC0];
	[tilespmem:s29+$0xD0] =	vst v12;
	(xrf2) =	vadd.scan.msk.f32 $0xffff, v3  }
0x127: {  	v3 =	vld [tilespmem:s0+$0x1A0];
	v8, _, _ =	vpop (xrf2)  }
0x128: {  	v8 =	vmul.f32 $1.442695020e+00, v8;
	v12 =	vld [tilespmem:s0+$0x1B0];
	(erf) = vpow2.f32 v7  }
0x129: {  	v14 =	vld [tilespmem:s28+$0xE0];
	(xrf2) =	vadd.scan.msk.f32 $0xffff, v1  }
0x12a: {  	v1 =	vbroadcast v8, $0xF;
	v15 =	vld [tilespmem:s28+$0xF0];
	v7 =	vpop (erf)  }
0x12b: {  	v9 =	vmul.f32 v7, v9;
	v11 =	vmul.f32 v7, v11;
	v8 =	vnsel vm1, $0x0, v7;
	v16 =	vld [tilespmem:s0+$0xFFFFFFD0];
	v7, _, _ =	vpop (xrf2)  }
0x12c: {  	v17 =	vld [tilespmem:s0+$0x40];
	v7 =	vmul.f32 $1.442695020e+00, v7;
	(erf) = vpow2.f32 v1  }
0x12d: {  	[tilespmem:s29+$0xFFFFFF40] =	vst v9;
	v1 =	vld [tilespmem:s0+$0x50]  }
0x12e: {  	[tilespmem:s29+$0xFFFFFF50] =	vst v11;
	v9 =	vbroadcast v7, $0xF;
	v11 =	vld [tilespmem:s0+$0xC0];
	v18 =	vpop (erf)  }
0x12f: {  	v3 =	vmul.f32 v14, v3;
	v7 =	vnsel vm1, $0x0, v18;
	v19 =	vld [tilespmem:s0+$0xD0];
	v20 =	vmul.f32 v15, v12  }
0x130: {  	v4 =	vmul.f32 v18, v4;
	v14 =	vld [tilespmem:s0+$0x140];
	v15, _, _ =	vpop (xrf2);
	(erf) = vpow2.f32 v9  }
0x131: {  	v21 =	vmul.f32 v18, v13;
	v9 =	vmul.f32 $1.442695020e+00, v15;
	v15 =	vld [tilespmem:s0+$0x150];
	v3 =	vadd.f32 v20, v3;
	v12 =	vpop (erf)  }
0x132: {  	v18 =	vld [tilespmem:s0+$0xFFFFFEA0];
	[tilespmem:s29+$0xFFFFFF80] =	vst v4;
	v10 =	vmul.f32 v12, v10;
	v16 =	vmul.f32 v12, v16;
	v4 =	vnsel vm1, $0x0, v12  }
0x133: {  	v22 =	vbroadcast v9, $0xF;
	v12 =	vld [tilespmem:s0+$0xFFFFFEB0];
	[tilespmem:s29+$0xFFFFFF90] =	vst v21;
	v13, _, _ =	vpop (xrf2);
	(xrf2) =	vadd.scan.msk.f32 $0xffff, v3  }
0x134: {  	v20 =	vld [tilespmem:s28+$0xFFFFFF60];
	[tilespmem:s29+$0xFFFFFFC0] =	vst v10;
	v10 =	vmul.f32 $1.442695020e+00, v13  }
0x135: {  	v13 =	vld [tilespmem:s28+$0xFFFFFF70];
	[tilespmem:s29+$0xFFFFFFD0] =	vst v16;
	(erf) = vpow2.f32 v22;
	v9 =	vpop (erf)  }
0x136: {  	v16 =	vld [tilespmem:s0+$0xFFFFFF20];
	v17 =	vmul.f32 v9, v17;
	v3 =	vnsel vm1, $0x0, v9;
	v10 =	vbroadcast v10, $0xF  }
0x137: {  	v22 =	vmul.f32 v9, v1;
	v21 =	vld [tilespmem:s0+$0xFFFFFF30]  }
0x138: {  	v9 =	vld [tilespmem:s28+$0xFFFFFFA0];
	[tilespmem:s29+$0x0] =	vst v17;
	(erf) = vpow2.f32 v10  }
0x139: {  	v10 =	vmul.f32 v20, v18;
	v17 =	vld [tilespmem:s28+$0xFFFFFFB0];
	[tilespmem:s29+$0x10] =	vst v22;
	v1 =	vpop (erf)  }
0x13a: {  	v18 =	vld [tilespmem:s0+$0xFFFFFFA0];
	v11 =	vmul.f32 v1, v11;
	v19 =	vmul.f32 v1, v19;
	v1 =	vnsel vm1, $0x0, v1  }
0x13b: {  	v22 =	vmul.f32 v13, v12;
	v13 =	vld [tilespmem:s0+$0xFFFFFFB0]  }
0x13c: {  	v20 =	vld [tilespmem:s28+$0xFFFFFFE0];
	[tilespmem:s29+$0x40] =	vst v11  }
0x13d: {  	v10 =	vadd.f32 v22, v10;
	v9 =	vmul.f32 v9, v16;
	v11 =	vld [tilespmem:s28+$0xFFFFFFF0];
	[tilespmem:s29+$0x50] =	vst v19;
	v12, _, _ =	vpop (xrf2)  }
0x13e: {  	v16 =	vmul.f32 v17, v21;
	v17 =	vld [tilespmem:s0+$0x20];
	v12 =	vmul.f32 $1.442695020e+00, v12;
	v19 =	vpop (erf)  }
0x13f: {  	v22 =	vmul.f32 v19, v2;
	v21 =	vmul.f32 v19, v5;
	v5 =	vnsel vm1, $0x0, v19;
	v19 =	vld [tilespmem:s0+$0x30];
	(xrf2) =	vadd.scan.msk.f32 $0xffff, v10  }
0x140: {  	v9 =	vadd.f32 v16, v9;
	v10 =	vld [tilespmem:s28+$0x20];
	v12 =	vbroadcast v12, $0xF  }
0x141: {  	[tilespmem:s29+$0xFFFFFF00] =	vst v22;
	v16 =	vmul.f32 v20, v18;
	v18 =	vld [tilespmem:s28+$0x30];
	v2 =	vpop (erf)  }
0x142: {  	[tilespmem:s29+$0xFFFFFF10] =	vst v21;
	v20 =	vld [tilespmem:s0+$0xA0];
	v14 =	vmul.f32 v2, v14;
	(xrf2) =	vadd.scan.msk.f32 $0xffff, v9;
	(erf) = vpow2.f32 v12  }
0x143: {  	v11 =	vmul.f32 v11, v13;
	v12 =	vmul.f32 v2, v15;
	v2 =	vnsel vm1, $0x0, v2;
	v9 =	vld [tilespmem:s0+$0xFFFFFE20]  }
0x144: {  	v13 =	vld [tilespmem:s0+$0xFFFFFE30];
	[tilespmem:s29+$0x80] =	vst v14  }
0x145: {  	v11 =	vadd.f32 v11, v16;
	v14 =	vld [tilespmem:s28+$0xFFFFFF20];
	v10 =	vmul.f32 v10, v17;
	[tilespmem:s29+$0x90] =	vst v12  }
0x146: {  	v12 =	vld [tilespmem:s28+$0xFFFFFF30];
	v15 =	vmul.f32 v18, v19  }
0x147: {  	v16 =	vld [tilespmem:s0+$0x1E0];
	(xrf2) =	vadd.scan.msk.f32 $0xffff, v11  }
0x148: {  	v10 =	vadd.f32 v15, v10;
	v11 =	vld [tilespmem:s0+$0x1F0]  }
0x149: {  	v15 =	vld [tilespmem:s0+$0xB0];
	v17, _, _ =	vpop (xrf2)  }
0x14a: {  	v9 =	vmul.f32 v14, v9;
	v14 =	vmul.f32 $1.442695020e+00, v17;
	v17 =	vld [tilespmem:s28+$0x60];
	(xrf2) =	vadd.scan.msk.f32 $0xffff, v10  }
0x14b: {  	v10 =	vmul.f32 v12, v13;
	v12 =	vld [tilespmem:s28+$0x70];
	v13 =	vpop (erf)  }
0x14c: {  	v14 =	vbroadcast v14, $0xF;
	v18 =	vld [tilespmem:s0+$0x120];
	v16 =	vmul.f32 v13, v16;
	v19, _, _ =	vpop (xrf2)  }
0x14d: {  	v9 =	vadd.f32 v10, v9;
	v10 =	vmul.f32 $1.442695020e+00, v19;
	v19 =	vld [tilespmem:s0+$0x130];
	v11 =	vmul.f32 v13, v11  }
0x14e: {  	v6 =	vnsel vm1, $0x0, v6;
	v21 =	vld [tilespmem:s28+$0xA0];
	[tilespmem:s29+$0xE0] =	vst v16;
	(erf) = vpow2.f32 v14  }
0x14f: {  	s30 =	sadd.s32 $0x80, s30;
	v13 =	vsel vm0, v13, v6;
	v14 =	vmul.f32 v17, v20;
	v16 =	vld [tilespmem:s28+$0xB0];
	[tilespmem:s29+$0xF0] =	vst v11;
	(xrf2) =	vadd.scan.msk.f32 $0xffff, v9  }
0x150: {  	v10 =	vbroadcast v10, $0xF;
	v6 =	vld [tilespmem:s0+$0xFFFFFE60];
	v12 =	vmul.f32 v12, v15;
	[tilespmem:s30+$0x30] =	vst v13  }
0x151: {  	v9 =	vld [tilespmem:s0+$0xFFFFFE70];
	v11, _, _ =	vpop (xrf2)  }
0x152: {  	v17 =	vld [tilespmem:s0+$0xFFFFFEE0];
	v11 =	vmul.f32 $1.442695020e+00, v11;
	v12 =	vadd.f32 v12, v14;
	(erf) = vpow2.f32 v10  }
0x153: {  	v10 =	vld [tilespmem:s0+$0xFFFFFEF0];
	v14 =	vmul.f32 v21, v18  }
0x154: {  	v18 =	vld [tilespmem:s0+$0xFFFFFF60];
	v11 =	vbroadcast v11, $0xF;
	v15 =	vmul.f32 v16, v19;
	v13, _, _ =	vpop (xrf2);
	(xrf2) =	vadd.scan.msk.f32 $0xffff, v12  }
0x155: {  	v20 =	vld [tilespmem:s0+$0xFFFFFF70];
	v16 =	vmul.f32 $1.442695020e+00, v13  }
0x156: {  	v13 =	vld [tilespmem:s0+$0xFFFFFFE0];
	v14 =	vadd.f32 v15, v14;
	(erf) = vpow2.f32 v11  }
0x157: {  	v15 =	vld [tilespmem:s0+$0xFFFFFFF0];
	v11 =	vbroadcast v16, $0xF;
	v12 =	vpop (erf)  }
0x158: {  	v16 =	vmul.f32 v12, v17;
	v17 =	vmul.f32 v12, v10;
	v8 =	vsel vm0, v12, v8;
	v12 =	vld [tilespmem:s0+$0x60];
	(xrf2) =	vadd.scan.msk.f32 $0xffff, v14  }
.Ltmp1:
0x159: {  	v14 =	vld [tilespmem:s0+$0x70];
	v10, _, _ =	vpop (xrf2);
	(pc) =	sbr.rel @p0 .LBB2_5-.Ltmp1, $4  }
0x15a: {  	v19 =	vmul.f32 $1.442695020e+00, v10;
	[tilespmem:s29+$0xFFFFFF60] =	vst v16;
	v10 =	vld [tilespmem:s0+$0xE0];
	(erf) = vpow2.f32 v11  }
0x15b: {  	[tilespmem:s29+$0xFFFFFF70] =	vst v17;
	v11 =	vld [tilespmem:s0+$0xF0];
	v21 =	vpop (erf)  }
0x15c: {  	v17 =	vbroadcast v19, $0xF;
	[tilespmem:s30+$0xFFFFFFD0] =	vst v8;
	v19 =	vmul.f32 v21, v18;
	v16 =	vsel vm0, v21, v7;
	v7 =	vld [tilespmem:s0+$0x160]  }
0x15d: {  	v18 =	vmul.f32 v21, v20;
	v8 =	vld [tilespmem:s0+$0x170];
	s0 =	sadd.s32 $0x400, s0  }
0x15e: {  	v20, _, _ =	vpop (xrf2)  }
0x15f: {  	v20 =	vmul.f32 $1.442695020e+00, v20  }
0x160: {  	(erf) = vpow2.f32 v17;
	[tilespmem:s29+$0xFFFFFFA0] =	vst v19;
	v19 =	vpop (erf)  }
0x161: {  	v13 =	vmul.f32 v19, v13;
	v17 =	vbroadcast v20, $0xF;
	_ =	sdelay $0x1  }
0x162: {  	v20, _, _ =	vpop (xrf2);
	(erf) = vpow2.f32 v17  }
0x163: {  	v20 =	vmul.f32 $1.442695020e+00, v20  }
0x164: {  	v15 =	vmul.f32 v19, v15;
	[tilespmem:s29+$0xFFFFFFE0] =	vst v13;
	v13 =	vpop (erf)  }
0x165: {  	v12 =	vmul.f32 v13, v12;
	v17 =	vbroadcast v20, $0xF  }
0x166: {  	[tilespmem:s29+$0xFFFFFFB0] =	vst v18  }
0x167: {  	v4 =	vsel vm0, v19, v4;
	[tilespmem:s29+$0xFFFFFFF0] =	vst v15;
	(erf) = vpow2.f32 v17  }
0x168: {  	[tilespmem:s30+$0xFFFFFFF0] =	vst v4;
	v4 =	vmul.f32 v13, v14;
	v3 =	vsel vm0, v13, v3  }
0x169: {  	[tilespmem:s29+$0x20] =	vst v12;
	v12 =	vpop (erf)  }
0x16a: {  	[tilespmem:s29+$0x30] =	vst v4;
	v4 =	vmul.f32 v12, v6  }
0x16b: {  	[tilespmem:s30+$0x0] =	vst v3;
	v3 =	vpop (erf)  }
0x16c: {  	v6 =	vmul.f32 v12, v9;
	[tilespmem:s29+$0xFFFFFF20] =	vst v4;
	v4 =	vsel vm0, v12, v5;
	v5 =	vmul.f32 v3, v10  }
0x16d: {  	[tilespmem:s30+$0xFFFFFFE0] =	vst v16  }
0x16e: {  	[tilespmem:s29+$0xFFFFFF30] =	vst v6  }
0x16f: {  	[tilespmem:s30+$0xFFFFFFC0] =	vst v4;
	v4 =	vmul.f32 v3, v11  }
0x170: {  	[tilespmem:s29+$0x60] =	vst v5;
	v5 =	vpop (erf)  }
0x171: {  	v1 =	vsel vm0, v3, v1;
	[tilespmem:s29+$0x70] =	vst v4;
	v3 =	vmul.f32 v5, v7  }
0x172: {  	[tilespmem:s30+$0x10] =	vst v1;
	v1 =	vmul.f32 v5, v8  }
0x173: {  	[tilespmem:s29+$0xA0] =	vst v3  }
0x174: {  	v2 =	vsel vm0, v5, v2;
	[tilespmem:s29+$0xB0] =	vst v1  }
0x175: {  	[tilespmem:s30+$0x20] =	vst v2  }
0x176: {  	[spmem:s1] =	stream.indirect.scatter.add.f32 [tilespmem:s10], [sflag:$0x5], $0x40, s15, s16, $0xb8;
	[tilespmem:$0x15590] =	vst v63  }
0x177: {  	_ =	swait.ge [sflag:s13], $0x1400  }
0x178: {  	[sflag:s13] =	ssyncset.done $0x0  }
0x179: {  	p0 =	seq.s32 s25, $0x7C;
	[sflag:s13] =	ssyncadd.s32 $0xFFFFEC00  }
0x17a: {  	[spmem:s2] =	stream.indirect.scatter.add.f32 [tilespmem:s14], [sflag:$0x5], $0x10, s15, s16, $0xb8;
	[tilespmem:$0x15590] =	vst v63  }
0x17b: {  	s0 =	sadd.s32 @!p0 s26, s12;
	_ =	swait.ge [sflag:s13], $0x500  }
0x17c: {  	s0 =	sshrl.u32 @!p0 s0, $0x3;
	[sflag:s13] =	ssyncset.done $0x0  }
0x17d: {  	s28 =	simm.s32 @!p0 $0x0;
	s26 =	sadd.s32 @!p0 s7, s0;
	[sflag:s13] =	ssyncadd.s32 $0xFFFFFB00  }
0x17e: {  	[tilespmem:s28], [sflag:$0x5] =	stream.linear.gather @!p0 [hbm4b:s26+s28], $0x50, $0x38;
	[tilespmem:$0x15590] =	vst v63  }
0x17f: {  	s26 =	simm.s32 @!p0 $0x5  }
0x180: {  	_ =	swait.ge @!p0 [sflag:s26], $0x50  }
0x181: {  	[sflag:s26] =	ssyncset.done @!p0 $0x0  }
0x182: {  	s0 =	sadd.s32 @!p0 s8, s0;
	s29 =	simm.s32 @!p0 $0xA0;
	[sflag:s26] =	ssyncadd.s32 @!p0 $0xFFFFFFB0  }
0x183: {  	[tilespmem:s29], [sflag:$0x5] =	stream.linear.gather @!p0 [hbm4b:s0+s28], $0x50, $0x38;
	[tilespmem:$0x15590] =	vst v63  }
0x184: {  	_ =	swait.ge @!p0 [sflag:s26], $0x50  }
0x185: {  	[sflag:s26] =	ssyncset.done @!p0 $0x0  }
0x186: {  	s0 =	simm.s32 @!p0 $0x50;
	[sflag:s26] =	ssyncadd.s32 @!p0 $0xFFFFFFB0;
	s26 =	simm.s32 @!p0 $0x140  }
0x187: {  	[tilespmem:s26], [sflag:$0x1] =	stream.indirect.gather @!p0 [hbm4b:s5+s0], $0x80, s28, s0, $0xb8;
	[tilespmem:$0x15590] =	vst v63  }
0x188: {  	s26 =	simm.s32 @!p0 $0x5140  }
0x189: {  	[tilespmem:s26], [sflag:$0x3] =	stream.indirect.gather @!p0 [hbm4b:s6+s0], $0x40, s29, s0, $0xb8;
	[tilespmem:$0x15590] =	vst v63  }
0x18a: {  	_ =	swait.ge [sflag:s22], $0x2800  }
0x18b: {  	[sflag:s22] =	ssyncset.done $0x0  }
0x18c: {  	[sflag:s22] =	ssyncadd.s32 $0xFFFFD800  }
0x18d: {  	_ =	swait.ge [sflag:s23], $0x1400  }
0x18e: {  	[sflag:s23] =	ssyncset.done $0x0  }
0x18f: {  	s31 =	simm.s32 $0x2B40;
	[sflag:s23] =	ssyncadd.s32 $0xFFFFEC00  }
0x190: {  	v1 =	vld [tilespmem:s31+$0x180]  }
0x191: {  	s26 =	simm.s32 $0x6640;
	v2 =	vld [tilespmem:s31+$0x190]  }
0x192: {  	v3 =	vld [tilespmem:s26+$0xC0]  }
0x193: {  	v4 =	vld [tilespmem:s26+$0xD0]  }
0x194: {  	v5 =	vld [tilespmem:s31+$0xFFFFFE10]  }
0x195: {  	v6 =	vld [tilespmem:s26+$0xFFFFFF00]  }
0x196: {  	v7 =	vld [tilespmem:s26+$0xFFFFFF10]  }
0x197: {  	v8 =	vld [tilespmem:s31+$0xFFFFFE80]  }
0x198: {  	v9 =	vld [tilespmem:s31+$0xFFFFFE90]  }
0x199: {  	v10 =	vld [tilespmem:s31+$0xFFFFFF10];
	v1 =	vmul.f32 v3, v1;
	v2 =	vmul.f32 v4, v2  }
0x19a: {  	v11 =	vld [tilespmem:s26+$0xFFFFFF90]  }
0x19b: {  	v3 =	vld [tilespmem:s26+$0xFFFFFF40];
	v1 =	vadd.f32 v2, v1  }
0x19c: {  	v4 =	vld [tilespmem:s26+$0xFFFFFF50]  }
0x19d: {  	v12 =	vld [tilespmem:s31+$0xFFFFFF80];
	(xrf2) =	vadd.scan.msk.f32 $0xffff, v1  }
0x19e: {  	v13 =	vld [tilespmem:s31+$0xFFFFFF90]  }
0x19f: {  	v14 =	vld [tilespmem:s31+$0x10]  }
0x1a0: {  	v2 =	vld [tilespmem:s31+$0xFFFFFF00]  }
0x1a1: {  	v1 =	vld [tilespmem:s26+$0xFFFFFF80];
	v3 =	vmul.f32 v3, v8;
	v4 =	vmul.f32 v4, v9  }
0x1a2: {  	v8 =	vld [tilespmem:s26+$0xFFFFFFC0]  }
0x1a3: {  	v9 =	vld [tilespmem:s26+$0xFFFFFFD0];
	v3 =	vadd.f32 v4, v3  }
0x1a4: {  	v4 =	vld [tilespmem:s31+$0x0]  }
0x1a5: {  	(xrf2) =	vadd.scan.msk.f32 $0xffff, v3;
	v3 =	vld [tilespmem:s26+$0x0]  }
0x1a6: {  	v10 =	vmul.f32 v11, v10;
	v1 =	vmul.f32 v1, v2;
	v2 =	vld [tilespmem:s26+$0x10]  }
0x1a7: {  	v16 =	vld [tilespmem:s31+$0x90];
	v8 =	vmul.f32 v8, v12;
	v15, _, _ =	vpop (xrf2)  }
0x1a8: {  	v17 =	vld [tilespmem:s31+$0xFFFFFFD0];
	v9 =	vmul.f32 v9, v13;
	v1 =	vadd.f32 v10, v1;
	v15 =	vmul.f32 $1.442695020e+00, v15  }
0x1a9: {  	v11 =	vld [tilespmem:s31+$0x80]  }
0x1aa: {  	v10 =	vld [tilespmem:s26+$0x40];
	(xrf2) =	vadd.scan.msk.f32 $0xffff, v1;
	v1 =	vadd.f32 v9, v8;
	v15 =	vbroadcast v15, $0xF  }
0x1ab: {  	v9 =	vld [tilespmem:s31+$0xFFFFFE00];
	v3 =	vmul.f32 v3, v4;
	v2 =	vmul.f32 v2, v14  }
0x1ac: {  	v12 =	vld [tilespmem:s26+$0x50];
	(xrf2) =	vadd.scan.msk.f32 $0xffff, v1;
	(erf) = vpow2.f32 v15  }
0x1ad: {  	v19 =	vld [tilespmem:s31+$0x50];
	v2 =	vadd.f32 v2, v3  }
0x1ae: {  	v20 =	vld [tilespmem:s31+$0xD0]  }
0x1af: {  	v5 =	vmul.f32 v7, v5;
	v13 =	vld [tilespmem:s31+$0x100];
	v1, _, _ =	vpop (xrf2);
	(xrf2) =	vadd.scan.msk.f32 $0xffff, v2  }
0x1b0: {  	v8 =	vld [tilespmem:s26+$0x80];
	v10 =	vmul.f32 v10, v11;
	v6 =	vmul.f32 v6, v9  }
0x1b1: {  	v3 =	vld [tilespmem:s31+$0x1C0];
	v11 =	vmul.f32 v12, v16;
	v1 =	vmul.f32 $1.442695020e+00, v1  }
0x1b2: {  	v4 =	vld [tilespmem:s26+$0x90];
	v5 =	vadd.f32 v5, v6  }
0x1b3: {  	v12 =	vld [tilespmem:s31+$0x1D0];
	v10 =	vadd.f32 v11, v10;
	v14 =	vbroadcast v1, $0xF  }
0x1b4: {  	v15 =	vld [tilespmem:s31+$0x110];
	v9, _, _ =	vpop (xrf2)  }
0x1b5: {  	v21 =	vld [tilespmem:s31+$0x150];
	(xrf2) =	vadd.scan.msk.f32 $0xffff, v10;
	(erf) = vpow2.f32 v14;
	v1 =	vpop (erf)  }
0x1b6: {  	v7 =	vld [tilespmem:s31+$0xFFFFFEC0];
	(xrf2) =	vadd.scan.msk.f32 $0xffff, v5;
	v9 =	vmul.f32 $1.442695020e+00, v9;
	v5, _, _ =	vpop (xrf2);
	v3 =	vmul.f32 v1, v3  }
0x1b7: {  	s28 =	simm.s32 $0x7A40;
	v11 =	vld [tilespmem:s31+$0xFFFFFE50];
	v8 =	vmul.f32 v8, v13;
	v5 =	vmul.f32 $1.442695020e+00, v5  }
0x1b8: {  	v2 =	vld [tilespmem:s31+$0xFFFFFE40];
	v12 =	vmul.f32 v1, v12;
	[tilespmem:s28+$0xC0] =	vst v3;
	v3 =	vbroadcast v9, $0xF  }
0x1b9: {  	v10 =	vld [tilespmem:s31+$0xFFFFFED0];
	v4 =	vmul.f32 v4, v15;
	v5 =	vbroadcast v5, $0xF;
	v15, _, _ =	vpop (xrf2)  }
0x1ba: {  	v6 =	vld [tilespmem:s31+$0xFFFFFF40];
	v15 =	vmul.f32 $1.442695020e+00, v15;
	[tilespmem:s28+$0xD0] =	vst v12;
	(erf) = vpow2.f32 v3  }
0x1bb: {  	v12 =	vld [tilespmem:s31+$0x1A0];
	(erf) = vpow2.f32 v5  }
0x1bc: {  	v4 =	vadd.f32 v4, v8;
	v13 =	vld [tilespmem:s26+$0xE0];
	v15 =	vbroadcast v15, $0xF  }
0x1bd: {  	v16 =	vld [tilespmem:s26+$0xF0]  }
0x1be: {  	(xrf2) =	vadd.scan.msk.f32 $0xffff, v4;
	v3 =	vld [tilespmem:s31+$0x1B0];
	v5 =	vpop (erf)  }
0x1bf: {  	v14 =	vld [tilespmem:s31+$0xFFFFFF50];
	v18, _, _ =	vpop (xrf2);
	v4 =	vmul.f32 v5, v7;
	v10 =	vmul.f32 v5, v10  }
0x1c0: {  	v8 =	vld [tilespmem:s31+$0x40];
	v7 =	vmul.f32 $1.442695020e+00, v18;
	(erf) = vpow2.f32 v15;
	v15, _, _ =	vpop (xrf2)  }
0x1c1: {  	v9 =	vld [tilespmem:s31+$0xFFFFFFC0];
	v15 =	vmul.f32 $1.442695020e+00, v15  }
0x1c2: {  	v18 =	vld [tilespmem:s31+$0xC0];
	[tilespmem:s28+$0xFFFFFF40] =	vst v4;
	v4 =	vbroadcast v7, $0xF;
	v12 =	vmul.f32 v13, v12  }
0x1c3: {  	v7 =	vld [tilespmem:s31+$0x140];
	[tilespmem:s28+$0xFFFFFF50] =	vst v10;
	v3 =	vmul.f32 v16, v3;
	v15 =	vbroadcast v15, $0xF;
	v10 =	vpop (erf)  }
0x1c4: {  	v22 =	vld [tilespmem:s31+$0xFFFFFEB0];
	(erf) = vpow2.f32 v4;
	v6 =	vmul.f32 v10, v6;
	v16 =	vpop (erf)  }
0x1c5: {  	v13 =	vld [tilespmem:s26+$0xFFFFFF70];
	v3 =	vadd.f32 v3, v12;
	v14 =	vmul.f32 v10, v14;
	v12 =	vmul.f32 v16, v17  }
0x1c6: {  	v4 =	vld [tilespmem:s31+$0xFFFFFEA0];
	(erf) = vpow2.f32 v15;
	[tilespmem:s28+$0xFFFFFF80] =	vst v6  }
0x1c7: {  	v6 =	vld [tilespmem:s26+$0xFFFFFF60];
	[tilespmem:s28+$0xFFFFFF90] =	vst v14  }
0x1c8: {  	v9 =	vmul.f32 v16, v9;
	v17, _, _ =	vpop (xrf2);
	v14 =	vld [tilespmem:s31+$0xFFFFFF20]  }
0x1c9: {  	v15 =	vld [tilespmem:s31+$0xFFFFFF30];
	[tilespmem:s28+$0xFFFFFFD0] =	vst v12;
	v12 =	vpop (erf)  }
0x1ca: {  	(xrf2) =	vadd.scan.msk.f32 $0xffff, v3;
	v3 =	vmul.f32 $1.442695020e+00, v17;
	[tilespmem:s28+$0xFFFFFFC0] =	vst v9;
	v9 =	vld [tilespmem:s26+$0xFFFFFFA0];
	v8 =	vmul.f32 v12, v8  }
0x1cb: {  	v17 =	vld [tilespmem:s26+$0xFFFFFFB0]  }
0x1cc: {  	v23 =	vld [tilespmem:s31+$0xFFFFFFA0];
	v3 =	vbroadcast v3, $0xF;
	v19 =	vmul.f32 v12, v19  }
0x1cd: {  	v24 =	vld [tilespmem:s31+$0xFFFFFFB0];
	v4 =	vmul.f32 v6, v4;
	v6 =	vmul.f32 v13, v22;
	[tilespmem:s28+$0x0] =	vst v8  }
0x1ce: {  	v13 =	vld [tilespmem:s26+$0xFFFFFFE0];
	[tilespmem:s28+$0x10] =	vst v19;
	v8 =	vpop (erf);
	(erf) = vpow2.f32 v3  }
0x1cf: {  	v4 =	vadd.f32 v6, v4;
	v6 =	vld [tilespmem:s31+$0x20];
	v3 =	vmul.f32 v8, v18;
	v19 =	vmul.f32 v8, v20;
	v20 =	vpop (erf)  }
0x1d0: {  	v18 =	vld [tilespmem:s26+$0xFFFFFFF0];
	v2 =	vmul.f32 v20, v2  }
0x1d1: {  	(xrf2) =	vadd.scan.msk.f32 $0xffff, v4;
	v4 =	vld [tilespmem:s26+$0x20];
	v11 =	vmul.f32 v20, v11;
	[tilespmem:s28+$0x40] =	vst v3  }
0x1d2: {  	v3 =	vmul.f32 v9, v14;
	v9 =	vld [tilespmem:s31+$0x30];
	v14 =	vmul.f32 v17, v15;
	[tilespmem:s28+$0xFFFFFF00] =	vst v2  }
0x1d3: {  	v2 =	vld [tilespmem:s26+$0x30];
	[tilespmem:s28+$0xFFFFFF10] =	vst v11  }
0x1d4: {  	v3 =	vadd.f32 v14, v3;
	v15 =	vld [tilespmem:s31+$0xFFFFFE20]  }
0x1d5: {  	v55 =	vld [tilespmem:s26+$0xFFFFFF30]  }
0x1d6: {  	v13 =	vmul.f32 v13, v23;
	v17 =	vmul.f32 v18, v24;
	v18 =	vld [tilespmem:s26+$0xFFFFFF20];
	v14, _, _ =	vpop (xrf2);
	(xrf2) =	vadd.scan.msk.f32 $0xffff, v3  }
0x1d7: {  	v3 =	vld [tilespmem:s31+$0xFFFFFE30];
	v14 =	vmul.f32 $1.442695020e+00, v14  }
0x1d8: {  	v13 =	vadd.f32 v17, v13  }
0x1d9: {  	[tilespmem:s28+$0x50] =	vst v19;
	v4 =	vmul.f32 v4, v6;
	v19 =	vpop (erf);
	v14 =	vbroadcast v14, $0xF  }
0x1da: {  	v2 =	vmul.f32 v2, v9;
	v7 =	vmul.f32 v19, v7;
	(xrf2) =	vadd.scan.msk.f32 $0xffff, v13  }
0x1db: {  	v56 =	vld [tilespmem:s31+$0x1F0];
	v6 =	vmul.f32 v19, v21;
	(erf) = vpow2.f32 v14  }
0x1dc: {  	v11 =	vld [tilespmem:s31+$0xA0];
	[tilespmem:s28+$0x80] =	vst v7;
	v7 =	vmul.f32 v18, v15;
	v3 =	vmul.f32 v55, v3  }
0x1dd: {  	v17 =	vld [tilespmem:s31+$0x1E0];
	v2 =	vadd.f32 v2, v4  }
0x1de: {  	v13 =	vld [tilespmem:s31+$0xB0];
	v4, _, _ =	vpop (xrf2);
	v3 =	vadd.f32 v3, v7  }
0x1df: {  	v14 =	vld [tilespmem:s26+$0x60];
	v4 =	vmul.f32 $1.442695020e+00, v4;
	(xrf2) =	vadd.scan.msk.f32 $0xffff, v2  }
0x1e0: {  	[tilespmem:s28+$0x90] =	vst v6;
	v15 =	vld [tilespmem:s26+$0x70];
	v6, _, _ =	vpop (xrf2);
	(xrf2) =	vadd.scan.msk.f32 $0xffff, v3  }
0x1e1: {  	v2 =	vld [tilespmem:s31+$0x120];
	v4 =	vbroadcast v4, $0xF;
	v9 =	vmul.f32 $1.442695020e+00, v6  }
0x1e2: {  	v18 =	vld [tilespmem:s26+$0xA0]  }
0x1e3: {  	v57 =	vld [tilespmem:s26+$0xB0];
	v3 =	vbroadcast v9, $0xF  }
0x1e4: {  	v26 =	vnsel vm1, $0x0, v10;
	v7 =	vld [tilespmem:s31+$0x130];
	(erf) = vpow2.f32 v4;
	v10 =	vmul.f32 v14, v11;
	v59, _, _ =	vpop (xrf2)  }
0x1e5: {  	v4 =	vpop (erf);
	(erf) = vpow2.f32 v3;
	v3 =	vmul.f32 $1.442695020e+00, v59  }
0x1e6: {  	v1 =	vnsel vm1, $0x0, v1;
	v58 =	vld [tilespmem:s31+$0xFFFFFEE0];
	v14 =	vmul.f32 v15, v13;
	v17 =	vmul.f32 v4, v17  }
0x1e7: {  	v25 =	vld [tilespmem:s31+$0xFFFFFEF0];
	v11 =	vmul.f32 v4, v56;
	v1 =	vsel vm0, v4, v1  }
0x1e8: {  	v60 =	vld [tilespmem:s31+$0xFFFFFF60];
	v2 =	vmul.f32 v18, v2;
	v10 =	vadd.f32 v14, v10;
	[tilespmem:s28+$0xE0] =	vst v17  }
0x1e9: {  	s29 =	simm.s32 $0x8D80;
	v61 =	vld [tilespmem:s31+$0xFFFFFF70];
	v7 =	vmul.f32 v57, v7;
	v18 =	vbroadcast v3, $0xF;
	[tilespmem:s28+$0xF0] =	vst v11;
	v3, _, _ =	vpop (xrf2)  }
0x1ea: {  	v13 =	vld [tilespmem:s31+$0xFFFFFFE0];
	[tilespmem:s29+$0x30] =	vst v1;
	v1, _, _ =	vpop (xrf2);
	(xrf2) =	vadd.scan.msk.f32 $0xffff, v10  }
0x1eb: {  	v15 =	vld [tilespmem:s31+$0xFFFFFFF0];
	v7 =	vadd.f32 v7, v2  }
0x1ec: {  	v6 =	vld [tilespmem:s31+$0xFFFFFE60];
	v4 =	vnsel vm1, $0x0, v16;
	(erf) = vpow2.f32 v18;
	v16 =	vmul.f32 $1.442695020e+00, v3  }
0x1ed: {  	v14 =	vld [tilespmem:s31+$0x70]  }
0x1ee: {  	v9 =	vld [tilespmem:s31+$0xFFFFFE70];
	v11 =	vpop (erf);
	(xrf2) =	vadd.scan.msk.f32 $0xffff, v7;
	v16 =	vbroadcast v16, $0xF  }
0x1ef: {  	v3 =	vnsel vm1, $0x0, v12;
	v12 =	vld [tilespmem:s31+$0x60];
	v17 =	vmul.f32 v11, v58;
	v18 =	vmul.f32 v11, v25  }
0x1f0: {  	v5 =	vnsel vm1, $0x0, v5;
	v10 =	vld [tilespmem:s31+$0xE0];
	v63 =	vmul.f32 $1.442695020e+00, v1;
	(erf) = vpow2.f32 v16  }
0x1f1: {  	v62 =	vsel vm0, v11, v5;
	v11 =	vld [tilespmem:s31+$0xF0];
	v1 =	vnsel vm1, $0x0, v8;
	[tilespmem:s28+$0xFFFFFF60] =	vst v17;
	v8 =	vpop (erf)  }
0x1f2: {  	v2 =	vnsel vm1, $0x0, v19;
	v7 =	vld [tilespmem:s31+$0x160];
	[tilespmem:s28+$0xFFFFFF70] =	vst v18;
	v17 =	vbroadcast v63, $0xF;
	v19 =	vmul.f32 v8, v60  }
0x1f3: {  	s30 =	simm.s32 $0x0;
	s0 =	simm.s32 $0x2F40;
	v5 =	vnsel vm1, $0x0, v20;
	[tilespmem:s29+$0xFFFFFFD0] =	vst v62;
	v16 =	vsel vm0, v8, v26;
	v18 =	vmul.f32 v8, v61;
	v8 =	vld [tilespmem:s31+$0x170]  }
.LBB2_7:
0x1f4: {  	v20 =	vld [tilespmem:s0+$0x180];
	[tilespmem:s28+$0xFFFFFFA0] =	vst v19;
	(erf) = vpow2.f32 v17;
	v17, _, _ =	vpop (xrf2)  }
0x1f5: {  	s26 =	sadd.s32 $0x200, s26;
	v19 =	vld [tilespmem:s0+$0x190];
	[tilespmem:s28+$0xFFFFFFB0] =	vst v18;
	v17 =	vmul.f32 $1.442695020e+00, v17;
	v18 =	vpop (erf)  }
0x1f6: {  	v21 =	vld [tilespmem:s26+$0xC0];
	[tilespmem:s29+$0xFFFFFFE0] =	vst v16;
	v23 =	vmul.f32 v18, v13;
	v24 =	vmul.f32 v18, v15;
	v16 =	vsel vm0, v18, v4  }
0x1f7: {  	v18 =	vld [tilespmem:s26+$0xD0];
	v17 =	vbroadcast v17, $0xF  }
0x1f8: {  	v22 =	vld [tilespmem:s0+$0xFFFFFE10];
	[tilespmem:s28+$0xFFFFFFE0] =	vst v23;
	v13, _, _ =	vpop (xrf2)  }
0x1f9: {  	v4 =	vld [tilespmem:s26+$0xFFFFFF00];
	[tilespmem:s28+$0xFFFFFFF0] =	vst v24;
	v13 =	vmul.f32 $1.442695020e+00, v13;
	v15 =	vpop (erf);
	(erf) = vpow2.f32 v17  }
0x1fa: {  	v17 =	vld [tilespmem:s26+$0xFFFFFF10];
	[tilespmem:s29+$0xFFFFFFF0] =	vst v16;
	v12 =	vmul.f32 v15, v12;
	v23 =	vmul.f32 v15, v14;
	v3 =	vsel vm0, v15, v3  }
0x1fb: {  	v15 =	vld [tilespmem:s0+$0xFFFFFE80];
	v13 =	vbroadcast v13, $0xF  }
0x1fc: {  	v20 =	vmul.f32 v21, v20;
	v16 =	vld [tilespmem:s0+$0xFFFFFE90];
	v18 =	vmul.f32 v18, v19;
	[tilespmem:s28+$0x20] =	vst v12  }
0x1fd: {  	s30 =	sadd.s32 $0x8, s30;
	v12 =	vld [tilespmem:s26+$0xFFFFFF40];
	[tilespmem:s28+$0x30] =	vst v23;
	v14 =	vpop (erf);
	(erf) = vpow2.f32 v13  }
0x1fe: {  	p0 =	slt.u32 s30, $0x48;
	v13 =	vld [tilespmem:s26+$0xFFFFFF50];
	v18 =	vadd.f32 v18, v20;
	v6 =	vmul.f32 v14, v6;
	v9 =	vmul.f32 v14, v9;
	[tilespmem:s29+$0x0] =	vst v3  }
0x1ff: {  	v5 =	vsel vm0, v14, v5;
	v3 =	vmul.f32 v17, v22;
	v17 =	vld [tilespmem:s0+$0xFFFFFF00]  }
0x200: {  	v14 =	vld [tilespmem:s0+$0xFFFFFF10];
	(xrf2) =	vadd.scan.msk.f32 $0xffff, v18;
	[tilespmem:s28+$0xFFFFFF20] =	vst v6  }
0x201: {  	v6 =	vld [tilespmem:s26+$0xFFFFFF80];
	[tilespmem:s28+$0xFFFFFF30] =	vst v9  }
0x202: {  	v9 =	vmul.f32 v12, v15;
	v12 =	vld [tilespmem:s26+$0xFFFFFF90];
	[tilespmem:s29+$0xFFFFFFC0] =	vst v5;
	v5 =	vpop (erf)  }
0x203: {  	v13 =	vmul.f32 v13, v16;
	v15 =	vld [tilespmem:s0+$0xFFFFFF80];
	v10 =	vmul.f32 v5, v10;
	v1 =	vsel vm0, v5, v1  }
0x204: {  	v18 =	vmul.f32 v5, v11;
	v16 =	vld [tilespmem:s0+$0xFFFFFF90]  }
0x205: {  	v9 =	vadd.f32 v13, v9;
	v11 =	vld [tilespmem:s26+$0xFFFFFFC0];
	[tilespmem:s28+$0x60] =	vst v10  }
0x206: {  	v6 =	vmul.f32 v6, v17;
	v10 =	vld [tilespmem:s26+$0xFFFFFFD0];
	[tilespmem:s28+$0x70] =	vst v18;
	v5 =	vpop (erf)  }
0x207: {  	v12 =	vmul.f32 v12, v14;
	v13 =	vld [tilespmem:s0+$0x0];
	(xrf2) =	vadd.scan.msk.f32 $0xffff, v9;
	v7 =	vmul.f32 v5, v7;
	v2 =	vsel vm0, v5, v2  }
0x208: {  	v9 =	vld [tilespmem:s0+$0x10];
	[tilespmem:s29+$0x10] =	vst v1;
	v1 =	vmul.f32 v5, v8  }
0x209: {  	v5 =	vadd.f32 v12, v6;
	v6 =	vld [tilespmem:s26+$0x0];
	[tilespmem:s28+$0xA0] =	vst v7  }
0x20a: {  	v7 =	vmul.f32 v11, v15;
	v8 =	vld [tilespmem:s26+$0x10];
	v11, _, _ =	vpop (xrf2);
	[tilespmem:s28+$0xB0] =	vst v1  }
0x20b: {  	v1 =	vmul.f32 v10, v16;
	v10 =	vld [tilespmem:s0+$0x80];
	v11 =	vmul.f32 $1.442695020e+00, v11;
	(xrf2) =	vadd.scan.msk.f32 $0xffff, v5;
	[tilespmem:s29+$0x20] =	vst v2  }
0x20c: {  	v2 =	vld [tilespmem:s0+$0x90]  }
0x20d: {  	v1 =	vadd.f32 v1, v7;
	v5 =	vld [tilespmem:s26+$0x40];
	v7 =	vbroadcast v11, $0xF  }
0x20e: {  	v6 =	vmul.f32 v6, v13;
	v11 =	vld [tilespmem:s26+$0x50]  }
0x20f: {  	v12 =	vmul.f32 v8, v9;
	v9 =	vld [tilespmem:s0+$0x100];
	(xrf2) =	vadd.scan.msk.f32 $0xffff, v1;
	(erf) = vpow2.f32 v7  }
0x210: {  	v1 =	vld [tilespmem:s0+$0x110]  }
0x211: {  	v6 =	vadd.f32 v12, v6;
	v7 =	vld [tilespmem:s26+$0x80];
	v8, _, _ =	vpop (xrf2)  }
0x212: {  	v8 =	vmul.f32 $1.442695020e+00, v8;
	v14 =	vmul.f32 v5, v10;
	v10 =	vld [tilespmem:s26+$0x90]  }
0x213: {  	v12 =	vld [tilespmem:s0+$0xFFFFFE00];
	v2 =	vmul.f32 v11, v2;
	(xrf2) =	vadd.scan.msk.f32 $0xffff, v6  }
0x214: {  	v6 =	vbroadcast v8, $0xF;
	v8 =	vld [tilespmem:s0+$0x1C0]  }
0x215: {  	v11 =	vadd.f32 v2, v14;
	v13 =	vld [tilespmem:s0+$0x1D0];
	v5, _, _ =	vpop (xrf2)  }
0x216: {  	v2 =	vld [tilespmem:s0+$0xFFFFFE40];
	v14 =	vmul.f32 $1.442695020e+00, v5;
	v7 =	vmul.f32 v7, v9  }
0x217: {  	v5 =	vld [tilespmem:s0+$0xFFFFFE50];
	v1 =	vmul.f32 v10, v1;
	(erf) = vpow2.f32 v6;
	(xrf2) =	vadd.scan.msk.f32 $0xffff, v11  }
0x218: {  	v4 =	vmul.f32 v4, v12;
	v9 =	vld [tilespmem:s0+$0xFFFFFEC0];
	v10 =	vbroadcast v14, $0xF;
	v6 =	vpop (erf)  }
0x219: {  	v11 =	vld [tilespmem:s0+$0xFFFFFED0];
	v1 =	vadd.f32 v1, v7;
	v7 =	vmul.f32 v6, v8;
	v8, _, _ =	vpop (xrf2)  }
0x21a: {  	s28 =	sadd.s32 $0x200, s28;
	v3 =	vadd.f32 v3, v4;
	v4 =	vld [tilespmem:s0+$0xFFFFFF40];
	v14 =	vmul.f32 $1.442695020e+00, v8;
	v12 =	vmul.f32 v6, v13  }
0x21b: {  	v13 =	vld [tilespmem:s0+$0xFFFFFF50];
	[tilespmem:s28+$0xC0] =	vst v7;
	(erf) = vpow2.f32 v10  }
0x21c: {  	v7 =	vbroadcast v14, $0xF;
	v10 =	vld [tilespmem:s0+$0xFFFFFFC0];
	[tilespmem:s28+$0xD0] =	vst v12;
	(xrf2) =	vadd.scan.msk.f32 $0xffff, v3  }
0x21d: {  	v3 =	vld [tilespmem:s0+$0x1A0];
	v8, _, _ =	vpop (xrf2)  }
0x21e: {  	v8 =	vmul.f32 $1.442695020e+00, v8;
	v12 =	vld [tilespmem:s0+$0x1B0];
	(erf) = vpow2.f32 v7  }
0x21f: {  	v14 =	vld [tilespmem:s26+$0xE0];
	(xrf2) =	vadd.scan.msk.f32 $0xffff, v1  }
0x220: {  	v1 =	vbroadcast v8, $0xF;
	v15 =	vld [tilespmem:s26+$0xF0];
	v7 =	vpop (erf)  }
0x221: {  	v9 =	vmul.f32 v7, v9;
	v11 =	vmul.f32 v7, v11;
	v8 =	vnsel vm1, $0x0, v7;
	v16 =	vld [tilespmem:s0+$0xFFFFFFD0];
	v7, _, _ =	vpop (xrf2)  }
0x222: {  	v17 =	vld [tilespmem:s0+$0x40];
	v7 =	vmul.f32 $1.442695020e+00, v7;
	(erf) = vpow2.f32 v1  }
0x223: {  	[tilespmem:s28+$0xFFFFFF40] =	vst v9;
	v1 =	vld [tilespmem:s0+$0x50]  }
0x224: {  	[tilespmem:s28+$0xFFFFFF50] =	vst v11;
	v9 =	vbroadcast v7, $0xF;
	v11 =	vld [tilespmem:s0+$0xC0];
	v18 =	vpop (erf)  }
0x225: {  	v3 =	vmul.f32 v14, v3;
	v7 =	vnsel vm1, $0x0, v18;
	v19 =	vld [tilespmem:s0+$0xD0];
	v20 =	vmul.f32 v15, v12  }
0x226: {  	v4 =	vmul.f32 v18, v4;
	v14 =	vld [tilespmem:s0+$0x140];
	v15, _, _ =	vpop (xrf2);
	(erf) = vpow2.f32 v9  }
0x227: {  	v21 =	vmul.f32 v18, v13;
	v9 =	vmul.f32 $1.442695020e+00, v15;
	v15 =	vld [tilespmem:s0+$0x150];
	v3 =	vadd.f32 v20, v3;
	v12 =	vpop (erf)  }
0x228: {  	v18 =	vld [tilespmem:s0+$0xFFFFFEA0];
	[tilespmem:s28+$0xFFFFFF80] =	vst v4;
	v10 =	vmul.f32 v12, v10;
	v16 =	vmul.f32 v12, v16;
	v4 =	vnsel vm1, $0x0, v12  }
0x229: {  	v22 =	vbroadcast v9, $0xF;
	v12 =	vld [tilespmem:s0+$0xFFFFFEB0];
	[tilespmem:s28+$0xFFFFFF90] =	vst v21;
	v13, _, _ =	vpop (xrf2);
	(xrf2) =	vadd.scan.msk.f32 $0xffff, v3  }
0x22a: {  	v20 =	vld [tilespmem:s26+$0xFFFFFF60];
	[tilespmem:s28+$0xFFFFFFC0] =	vst v10;
	v10 =	vmul.f32 $1.442695020e+00, v13  }
0x22b: {  	v13 =	vld [tilespmem:s26+$0xFFFFFF70];
	[tilespmem:s28+$0xFFFFFFD0] =	vst v16;
	(erf) = vpow2.f32 v22;
	v9 =	vpop (erf)  }
0x22c: {  	v16 =	vld [tilespmem:s0+$0xFFFFFF20];
	v17 =	vmul.f32 v9, v17;
	v3 =	vnsel vm1, $0x0, v9;
	v10 =	vbroadcast v10, $0xF  }
0x22d: {  	v22 =	vmul.f32 v9, v1;
	v21 =	vld [tilespmem:s0+$0xFFFFFF30]  }
0x22e: {  	v9 =	vld [tilespmem:s26+$0xFFFFFFA0];
	[tilespmem:s28+$0x0] =	vst v17;
	(erf) = vpow2.f32 v10  }
0x22f: {  	v10 =	vmul.f32 v20, v18;
	v17 =	vld [tilespmem:s26+$0xFFFFFFB0];
	[tilespmem:s28+$0x10] =	vst v22;
	v1 =	vpop (erf)  }
0x230: {  	v18 =	vld [tilespmem:s0+$0xFFFFFFA0];
	v11 =	vmul.f32 v1, v11;
	v19 =	vmul.f32 v1, v19;
	v1 =	vnsel vm1, $0x0, v1  }
0x231: {  	v22 =	vmul.f32 v13, v12;
	v13 =	vld [tilespmem:s0+$0xFFFFFFB0]  }
0x232: {  	v20 =	vld [tilespmem:s26+$0xFFFFFFE0];
	[tilespmem:s28+$0x40] =	vst v11  }
0x233: {  	v10 =	vadd.f32 v22, v10;
	v9 =	vmul.f32 v9, v16;
	v11 =	vld [tilespmem:s26+$0xFFFFFFF0];
	[tilespmem:s28+$0x50] =	vst v19;
	v12, _, _ =	vpop (xrf2)  }
0x234: {  	v16 =	vmul.f32 v17, v21;
	v17 =	vld [tilespmem:s0+$0x20];
	v12 =	vmul.f32 $1.442695020e+00, v12;
	v19 =	vpop (erf)  }
0x235: {  	v22 =	vmul.f32 v19, v2;
	v21 =	vmul.f32 v19, v5;
	v5 =	vnsel vm1, $0x0, v19;
	v19 =	vld [tilespmem:s0+$0x30];
	(xrf2) =	vadd.scan.msk.f32 $0xffff, v10  }
0x236: {  	v9 =	vadd.f32 v16, v9;
	v10 =	vld [tilespmem:s26+$0x20];
	v12 =	vbroadcast v12, $0xF  }
0x237: {  	[tilespmem:s28+$0xFFFFFF00] =	vst v22;
	v16 =	vmul.f32 v20, v18;
	v18 =	vld [tilespmem:s26+$0x30];
	v2 =	vpop (erf)  }
0x238: {  	[tilespmem:s28+$0xFFFFFF10] =	vst v21;
	v20 =	vld [tilespmem:s0+$0xA0];
	v14 =	vmul.f32 v2, v14;
	(xrf2) =	vadd.scan.msk.f32 $0xffff, v9;
	(erf) = vpow2.f32 v12  }
0x239: {  	v11 =	vmul.f32 v11, v13;
	v12 =	vmul.f32 v2, v15;
	v2 =	vnsel vm1, $0x0, v2;
	v9 =	vld [tilespmem:s0+$0xFFFFFE20]  }
0x23a: {  	v13 =	vld [tilespmem:s0+$0xFFFFFE30];
	[tilespmem:s28+$0x80] =	vst v14  }
0x23b: {  	v11 =	vadd.f32 v11, v16;
	v14 =	vld [tilespmem:s26+$0xFFFFFF20];
	v10 =	vmul.f32 v10, v17;
	[tilespmem:s28+$0x90] =	vst v12  }
0x23c: {  	v12 =	vld [tilespmem:s26+$0xFFFFFF30];
	v15 =	vmul.f32 v18, v19  }
0x23d: {  	v16 =	vld [tilespmem:s0+$0x1E0];
	(xrf2) =	vadd.scan.msk.f32 $0xffff, v11  }
0x23e: {  	v10 =	vadd.f32 v15, v10;
	v11 =	vld [tilespmem:s0+$0x1F0]  }
0x23f: {  	v15 =	vld [tilespmem:s0+$0xB0];
	v17, _, _ =	vpop (xrf2)  }
0x240: {  	v9 =	vmul.f32 v14, v9;
	v14 =	vmul.f32 $1.442695020e+00, v17;
	v17 =	vld [tilespmem:s26+$0x60];
	(xrf2) =	vadd.scan.msk.f32 $0xffff, v10  }
0x241: {  	v10 =	vmul.f32 v12, v13;
	v12 =	vld [tilespmem:s26+$0x70];
	v13 =	vpop (erf)  }
0x242: {  	v14 =	vbroadcast v14, $0xF;
	v18 =	vld [tilespmem:s0+$0x120];
	v16 =	vmul.f32 v13, v16;
	v19, _, _ =	vpop (xrf2)  }
0x243: {  	v9 =	vadd.f32 v10, v9;
	v10 =	vmul.f32 $1.442695020e+00, v19;
	v19 =	vld [tilespmem:s0+$0x130];
	v11 =	vmul.f32 v13, v11  }
0x244: {  	v6 =	vnsel vm1, $0x0, v6;
	v21 =	vld [tilespmem:s26+$0xA0];
	[tilespmem:s28+$0xE0] =	vst v16;
	(erf) = vpow2.f32 v14  }
0x245: {  	s29 =	sadd.s32 $0x80, s29;
	v13 =	vsel vm0, v13, v6;
	v14 =	vmul.f32 v17, v20;
	v16 =	vld [tilespmem:s26+$0xB0];
	[tilespmem:s28+$0xF0] =	vst v11;
	(xrf2) =	vadd.scan.msk.f32 $0xffff, v9  }
0x246: {  	v10 =	vbroadcast v10, $0xF;
	v6 =	vld [tilespmem:s0+$0xFFFFFE60];
	v12 =	vmul.f32 v12, v15;
	[tilespmem:s29+$0x30] =	vst v13  }
0x247: {  	v9 =	vld [tilespmem:s0+$0xFFFFFE70];
	v11, _, _ =	vpop (xrf2)  }
0x248: {  	v17 =	vld [tilespmem:s0+$0xFFFFFEE0];
	v11 =	vmul.f32 $1.442695020e+00, v11;
	v12 =	vadd.f32 v12, v14;
	(erf) = vpow2.f32 v10  }
0x249: {  	v10 =	vld [tilespmem:s0+$0xFFFFFEF0];
	v14 =	vmul.f32 v21, v18  }
0x24a: {  	v18 =	vld [tilespmem:s0+$0xFFFFFF60];
	v11 =	vbroadcast v11, $0xF;
	v15 =	vmul.f32 v16, v19;
	v13, _, _ =	vpop (xrf2);
	(xrf2) =	vadd.scan.msk.f32 $0xffff, v12  }
0x24b: {  	v20 =	vld [tilespmem:s0+$0xFFFFFF70];
	v16 =	vmul.f32 $1.442695020e+00, v13  }
0x24c: {  	v13 =	vld [tilespmem:s0+$0xFFFFFFE0];
	v14 =	vadd.f32 v15, v14;
	(erf) = vpow2.f32 v11  }
0x24d: {  	v15 =	vld [tilespmem:s0+$0xFFFFFFF0];
	v11 =	vbroadcast v16, $0xF;
	v12 =	vpop (erf)  }
0x24e: {  	v16 =	vmul.f32 v12, v17;
	v17 =	vmul.f32 v12, v10;
	v8 =	vsel vm0, v12, v8;
	v12 =	vld [tilespmem:s0+$0x60];
	(xrf2) =	vadd.scan.msk.f32 $0xffff, v14  }
.Ltmp2:
0x24f: {  	v14 =	vld [tilespmem:s0+$0x70];
	v10, _, _ =	vpop (xrf2);
	(pc) =	sbr.rel @p0 .LBB2_7-.Ltmp2, $4  }
0x250: {  	v19 =	vmul.f32 $1.442695020e+00, v10;
	[tilespmem:s28+$0xFFFFFF60] =	vst v16;
	v10 =	vld [tilespmem:s0+$0xE0];
	(erf) = vpow2.f32 v11  }
0x251: {  	[tilespmem:s28+$0xFFFFFF70] =	vst v17;
	v11 =	vld [tilespmem:s0+$0xF0];
	v21 =	vpop (erf)  }
0x252: {  	v17 =	vbroadcast v19, $0xF;
	[tilespmem:s29+$0xFFFFFFD0] =	vst v8;
	v19 =	vmul.f32 v21, v18;
	v16 =	vsel vm0, v21, v7;
	v7 =	vld [tilespmem:s0+$0x160]  }
0x253: {  	v18 =	vmul.f32 v21, v20;
	v8 =	vld [tilespmem:s0+$0x170];
	s0 =	sadd.s32 $0x400, s0  }
0x254: {  	_ = 	snop  }
0x255: {  	v20, _, _ =	vpop (xrf2)  }
0x256: {  	v20 =	vmul.f32 $1.442695020e+00, v20  }
0x257: {  	(erf) = vpow2.f32 v17  }
0x258: {  	v51 =	vbroadcast v20, $0xF;
	v52, _, _ =	vpop (xrf2)  }
0x259: {  	v20 =	vmul.f32 $1.442695020e+00, v52  }
0x25a: {  	[tilespmem:s28+$0xFFFFFFA0] =	vst v19;
	v53 =	vpop (erf);
	(erf) = vpow2.f32 v51  }
0x25b: {  	[tilespmem:s28+$0xFFFFFFB0] =	vst v18;
	v13 =	vmul.f32 v53, v13;
	v54 =	vbroadcast v20, $0xF  }
0x25c: {  	[tilespmem:s29+$0xFFFFFFE0] =	vst v16;
	v15 =	vmul.f32 v53, v15  }
0x25d: {  	[tilespmem:s28+$0xFFFFFFE0] =	vst v13;
	v55 =	vpop (erf);
	(erf) = vpow2.f32 v54  }
0x25e: {  	v4 =	vsel vm0, v53, v4;
	[tilespmem:s28+$0xFFFFFFF0] =	vst v15;
	v12 =	vmul.f32 v55, v12  }
0x25f: {  	[tilespmem:s29+$0xFFFFFFF0] =	vst v4;
	v56 =	vmul.f32 v55, v14  }
0x260: {  	v3 =	vsel vm0, v55, v3;
	[tilespmem:s28+$0x20] =	vst v12;
	v57 =	vpop (erf)  }
0x261: {  	[tilespmem:s28+$0x30] =	vst v56;
	v58 =	vmul.f32 v57, v6  }
0x262: {  	[tilespmem:s29+$0x0] =	vst v3;
	v59 =	vmul.f32 v57, v9  }
0x263: {  	[tilespmem:s28+$0xFFFFFF20] =	vst v58;
	v3 =	vpop (erf)  }
0x264: {  	v60 =	vsel vm0, v57, v5;
	[tilespmem:s28+$0xFFFFFF30] =	vst v59;
	v61 =	vmul.f32 v3, v10  }
0x265: {  	[tilespmem:s29+$0xFFFFFFC0] =	vst v60;
	v62 =	vmul.f32 v3, v11  }
0x266: {  	[tilespmem:s28+$0x60] =	vst v61;
	v63 =	vpop (erf)  }
0x267: {  	v1 =	vsel vm0, v3, v1;
	[tilespmem:s28+$0x70] =	vst v62;
	v3 =	vmul.f32 v63, v7  }
0x268: {  	[tilespmem:s29+$0x10] =	vst v1;
	v1 =	vmul.f32 v63, v8  }
0x269: {  	[tilespmem:s28+$0xA0] =	vst v3  }
0x26a: {  	v2 =	vsel vm0, v63, v2;
	[tilespmem:s28+$0xB0] =	vst v1  }
0x26b: {  	[tilespmem:s29+$0x20] =	vst v2  }
0x26c: {  	[spmem:s1] =	stream.indirect.scatter.add.f32 [tilespmem:s10], [sflag:$0x5], $0x40, s17, s16, $0xb8;
	[tilespmem:$0x15590] =	vst v63  }
0x26d: {  	s25 =	sadd.s32 $0x1, s25;
	_ =	swait.ge [sflag:s13], $0x1400  }
0x26e: {  	p0 =	sne.s32 s25, $0x7D;
	[sflag:s13] =	ssyncset.done $0x0  }
.Ltmp3:
0x26f: {  	[sflag:s13] =	ssyncadd.s32 $0xFFFFEC00;
	(pc) =	sbr.rel @p0 .LBB2_4-.Ltmp3, $4  }
0x270: {  	[spmem:s2] =	stream.indirect.scatter.add.f32 [tilespmem:s14], [sflag:$0x5], $0x10, s17, s16, $0xb8;
	[tilespmem:$0x15590] =	vst v63  }
0x271: {  	_ =	swait.ge [sflag:s13], $0x500  }
0x272: {  	[sflag:s13] =	ssyncset.done $0x0  }
0x273: {  	[sflag:s13] =	ssyncadd.s32 $0xFFFFFB00  }
0x274: {  	s0 =	stileid.u32  }
0x275: {  	[bflag:$0x0] =	sbarrier.arrive $0xFFFF;
	s0 =	sshll.u32 s0, $0x6  }
0x276: {  	s25 =	rddreg [dreg:$0x7];
	s0 =	sor.u32 $0x1C05, s0  }
0x277: {  	[hbm:s25], [sflag:s0] =	dma.local [spmem:s4], $0x1400  }
0x278: {  	_ =	swait.ge [sflag:s13], $0x1400  }
0x279: {  	[sflag:s13] =	ssyncset.done $0x0  }
0x27a: {  	s30 =	rddreg [dreg:$0x8];
	[sflag:s13] =	ssyncadd.s32 $0xFFFFEC00  }
0x27b: {  	[hbm:s30], [sflag:s0] =	dma.local [spmem:s9], $0x500  }
0x27c: {  	_ =	swait.ge [sflag:s13], $0x500  }
0x27d: {  	s24 =	sadd.s32 $0x1, s24;
	s31 =	rddreg [dreg:$0x9]  }
0x27e: {  	p0 =	sne.s32 s24, s31  }
.Ltmp4:
0x27f: {  	_ = 	snop;
	(pc) =	sbr.rel @p0 .LBB2_1-.Ltmp4, $3  }
0x280: {  	_ =	sdelay $0x1  }
0x281: {  	[sflag:s13] =	ssyncset.done $0x0  }
0x282: {  	[sflag:s13] =	ssyncadd.s32 $0xFFFFFB00  }
0x283: {  	_ =	sfence.sel $0x180000  }
0x284: {  	[bflag:$0x0] =	sbarrier.arrive $0xFFFF  }
0x285: {  	_ =	strace $0x9000004D  }
0x286: {  	s0 =	stileid.u32;
	[bflag:$0x2] =	sbarrier.arrive $0xFFFF  }
0x287: {  	p0 =	sne.s32 s0, $0x0;
	s0 =	rddreg [dreg:$0x4]  }
0x288: {  	s0 =	sadd.s32 @!p0 $0x100000, s0  }
0x289: {  	[sflag:s0] =	ssyncadd.tile.s32 @!p0 $0x1;
	_ =	shalt  }
.Lfunc_end2:
_tile_overlayer_lowered:
.L_overlay_start_2:
0x28a: {  	(tag) =	ssettag $0x2  }
0x28b: {  	s0 =	rddreg [dreg:$0x0];
	s2 =	stileid.u32  }
0x28c: {  	s1 =	rddreg [dreg:$0x1];
	p0 =	sne.s32 s2, $0x0  }
0x28d: {  	s3 =	rddreg [dreg:$0x2];
	[bflag:$0x3] =	sbarrier.arrive $0xFFFF;
	s2 =	simm.s32 @!p0 $0x1C05  }
0x28e: {  	[timem:s3], [sflag:s2] =	dma.local @!p0 [hbm:s0], s1  }
0x28f: {  	s0 =	simm.s32 @!p0 $0x5  }
0x290: {  	_ =	swait.ge @!p0 [sflag:s0], s1  }
0x291: {  	s1 =	ssub.s32 @!p0 $0x0, s1;
	[sflag:s0] =	ssyncset.done @!p0 $0x0  }
0x292: {  	[sflag:s0] =	ssyncadd.s32 @!p0 s1  }
0x293: {  	[bflag:$0x3] =	sbarrier.arrive $0xFFFF  }
0x294: {  	_ =	shalt  }

</sc_bundles>
